<compile_context>
chip_gen: v7x
topology: tpu7x:2x2x1
jax: 0.10.2.dev20260603
libtpu: 0.0.44.dev20260713+nightly
codegen_flags: <defaults>
</compile_context>

<pallas_src>
import functools

import jax
import jax.numpy as jnp
from jax import lax
from jax.experimental import pallas as pl
from jax.experimental.pallas import tpu as pltpu
from jax.experimental.pallas import tpu_sc as plsc

N = 10000
E = 320000
PD = 128
TD = 128
VD = 64
AD = 64
HC = 64
HEADS = 8
NC = 10
NG = 64

NPAD = 10240
EP = 331776
NCORES = 2
NSUB = 16
NW = NCORES * NSUB
BPW = EP // NW
RC = 128
NCHUNK = BPW // RC


def _mesh():
    return plsc.VectorSubcoreMesh(core_axis_name="c", subcore_axis_name="s",
                                  num_cores=NCORES, num_subcores=NSUB)


def _sc_gather(table, idx, width):

    @functools.partial(
        pl.kernel, mesh=_mesh(),
        out_type=jax.ShapeDtypeStruct((EP, width), jnp.float32),
        scratch_types=[
            pltpu.VMEM((RC,), jnp.int32),
            pltpu.VMEM((RC, width), jnp.float32),
            pltpu.SemaphoreType.DMA,
        ],
    )
    def k(table_hbm, idx_hbm, out_hbm, idx_v, rows_v, sem):
        wid = lax.axis_index("s") * NCORES + lax.axis_index("c")
        base = wid * BPW

        @pl.loop(0, NCHUNK)
        def _(c):
            off = base + c * RC
            pltpu.sync_copy(idx_hbm.at[pl.ds(off, RC)], idx_v)
            pltpu.async_copy(table_hbm.at[idx_v], rows_v, sem).wait()
            pltpu.sync_copy(rows_v, out_hbm.at[pl.ds(off, RC)])

    return k(table, idx)


def _sc_scatter_add(msgs, idx, width, ngrp):
    zeros = jnp.zeros((NPAD, width), jnp.float32)

    @functools.partial(
        pl.kernel, mesh=_mesh(),
        out_type=jax.ShapeDtypeStruct((2, ngrp, NPAD, width), jnp.float32),
        scratch_types=[
            pltpu.VMEM((RC,), jnp.int32),
            pltpu.VMEM((RC, width), jnp.float32),
            pltpu.VMEM_SHARED((NPAD, width), jnp.float32),
        ],
    )
    def k(msgs_hbm, idx_hbm, zeros_hbm, out_hbm, idx_v, rows_v, acc):
        cid = lax.axis_index("c")
        sid = lax.axis_index("s")
        wid = sid * NCORES + cid
        base = wid * BPW
        for g in range(ngrp):
            @pl.when(sid == 0)
            def _():
                pltpu.sync_copy(zeros_hbm, acc)

            plsc.subcore_barrier()

            @pl.loop(0, NCHUNK)
            def _(c):
                off = base + c * RC
                pltpu.sync_copy(idx_hbm.at[pl.ds(off, RC)], idx_v)
                pltpu.sync_copy(msgs_hbm.at[g].at[pl.ds(off, RC)], rows_v)
                pltpu.sync_copy(rows_v, acc.at[idx_v], add=True)

            plsc.subcore_barrier()

            @pl.when(sid == 0)
            def _():
                pltpu.sync_copy(acc, out_hbm.at[cid].at[g])

            plsc.subcore_barrier()

    return k(msgs, idx, zeros)


def _dense1_kernel(x_ref, tid_ref, wt_ref, bt_ref, wv_ref, bv_ref, wa_ref,
                   ba_ref, w1_ref, as1_ref, ad1_ref, stab_out, dtab_out):
    xb = x_ref[...]
    tid = tid_ref[...]
    xt = jnp.dot(xb, wt_ref[...], preferred_element_type=jnp.float32) + bt_ref[...]
    xv = jnp.dot(xb[:, :VD], wv_ref[...], preferred_element_type=jnp.float32) + bv_ref[...]
    xa = jnp.dot(xb[:, :AD], wa_ref[...], preferred_element_type=jnp.float32) + ba_ref[...]
    h = jnp.where(tid == 0, xt, jnp.where(tid == 1, xv, xa))
    hp = jnp.dot(h, w1_ref[...], preferred_element_type=jnp.float32)
    a_s = as1_ref[...]
    a_d = ad1_ref[...]
    as_cols = []
    ad_cols = []
    for hd in range(HEADS):
        hph = hp[:, hd * HC:(hd + 1) * HC]
        as_cols.append((hph * a_s[hd][None, :]).sum(-1, keepdims=True))
        ad_cols.append((hph * a_d[hd][None, :]).sum(-1, keepdims=True))
    bn = hp.shape[0]
    z = jnp.zeros((bn, 120), jnp.float32)
    stab_out[...] = jnp.concatenate([hp] + as_cols + [z], axis=1)
    dtab_out[...] = jnp.concatenate(ad_cols + [z], axis=1)


def _exp_leaky_kernel(es_off, es_ref, ed_ref, out_ref):
    e = es_ref[...][:, es_off:es_off + HEADS] + ed_ref[...][:, :HEADS]
    e = jnp.where(e > 0, e, 0.2 * e)
    bn = e.shape[0]
    out_ref[...] = jnp.concatenate(
        [jnp.exp(e), jnp.zeros((bn, 128 - HEADS), jnp.float32)], axis=1)


def _pack2_kernel(p_ref, out_ref):
    p = p_ref[...]
    bn = p.shape[2]
    out_ref[...] = jnp.concatenate(
        [p[0, 0][:, :HEADS], p[1, 0][:, :HEADS],
         jnp.zeros((bn, 128 - 2 * HEADS), jnp.float32)], axis=1)


def _msg1_kernel(ex_ref, dd_ref, hps_ref, out_ref):
    dd = dd_ref[...]
    alpha = ex_ref[...][:, :HEADS] / (dd[:, :HEADS] + dd[:, HEADS:2 * HEADS]
                                      + 1e-16)
    hps = hps_ref[...]
    pairs = []
    for pr in range(HEADS // 2):
        a0 = alpha[:, 2 * pr:2 * pr + 1]
        a1 = alpha[:, 2 * pr + 1:2 * pr + 2]
        pairs.append(jnp.concatenate(
            [a0 * hps[:, 128 * pr:128 * pr + 64],
             a1 * hps[:, 128 * pr + 64:128 * pr + 128]], axis=1))
    out_ref[...] = jnp.stack(pairs, axis=0)


def _dense2_kernel(p_ref, b1_ref, w2_ref, as2_ref, ad2_ref,
                   stab_out, dtab_out):
    p = p_ref[...]
    p01 = p[0] + p[1]
    b1r = b1_ref[...]
    hp2 = None
    w2 = w2_ref[...]
    for hd in range(HEADS):
        pr, col = divmod(hd, 2)
        h1h = p01[pr][:, col * HC:(col + 1) * HC] + b1r[hd][None, :]
        h1h = jnp.where(h1h > 0, h1h, jnp.exp(jnp.minimum(h1h, 0.0)) - 1.0)
        d = jnp.dot(h1h, w2[hd], preferred_element_type=jnp.float32)
        hp2 = d if hp2 is None else hp2 + d
    bn = hp2.shape[0]
    as2 = jnp.broadcast_to((hp2 * as2_ref[...]).sum(-1, keepdims=True),
                           (bn, HEADS))
    ad2 = jnp.broadcast_to((hp2 * ad2_ref[...]).sum(-1, keepdims=True),
                           (bn, HEADS))
    stab_out[...] = jnp.concatenate(
        [hp2, as2, jnp.zeros((bn, 128 - HC - HEADS), jnp.float32)], axis=1)
    dtab_out[...] = jnp.concatenate(
        [ad2, jnp.zeros((bn, 128 - HEADS), jnp.float32)], axis=1)


def _msg2_kernel(ex_ref, dd_ref, hps_ref, out_ref):
    dd = dd_ref[...]
    alpha = ex_ref[...][:, :1] / (dd[:, :1] + dd[:, HEADS:HEADS + 1] + 1e-16)
    hps = hps_ref[...]
    bn = hps.shape[0]
    out_ref[...] = jnp.concatenate(
        [alpha * hps[:, :HC], jnp.zeros((bn, 128 - HC), jnp.float32)],
        axis=1)[None]


def _final_kernel(p_ref, b2_ref, batch_ref, wl_ref, bl_ref, out_ref):
    p = p_ref[...]
    h2 = p[0, 0][:, :HC] + p[1, 0][:, :HC] + b2_ref[...]
    grp = jax.lax.broadcasted_iota(jnp.int32, (NPAD, NG), 1)
    oh = (batch_ref[...] == grp).astype(jnp.float32)
    sums = jax.lax.dot_general(oh, h2, (((0,), (0,)), ((), ())),
                               preferred_element_type=jnp.float32)
    counts = jax.lax.dot_general(oh, jnp.ones((NPAD, 1), jnp.float32),
                                 (((0,), (0,)), ((), ())),
                                 preferred_element_type=jnp.float32)
    gemb = sums / jnp.maximum(counts, 1.0)
    out_ref[...] = jnp.dot(gemb, wl_ref[...],
                           preferred_element_type=jnp.float32) + bl_ref[...]


def kernel(x, edge_index, batch, node_type_ids, Wt, bt, Wv, bv, Wa, ba,
           W1, att_src1, att_dst1, b1, W2, att_src2, att_dst2, b2, Wl, bl):
    f32 = jnp.float32
    xp = jnp.pad(x, ((0, NPAD - N), (0, 0)))
    tidp = jnp.pad(node_type_ids.astype(jnp.int32), (0, NPAD - N),
                   constant_values=2).reshape(NPAD, 1)
    loops = jnp.arange(N, dtype=jnp.int32)
    srcp = jnp.concatenate([edge_index[0].astype(jnp.int32), loops,
                            jnp.full((EP - E - N,), NPAD - 1, jnp.int32)])
    dstp = jnp.concatenate([edge_index[1].astype(jnp.int32), loops,
                            jnp.full((EP - E - N,), NPAD - 1, jnp.int32)])
    batchp = jnp.pad(batch.astype(jnp.int32), (0, NPAD - N),
                     constant_values=NG).reshape(NPAD, 1)
    a_s1 = att_src1.reshape(HEADS, HC)
    a_d1 = att_dst1.reshape(HEADS, HC)
    a_s2 = att_src2.reshape(1, HC)
    a_d2 = att_dst2.reshape(1, HC)
    b1r = b1.reshape(HEADS, HC)
    W2r = W2.reshape(HEADS, HC, HC)
    Wlp = jnp.pad(Wl, ((0, 0), (0, 128 - NC)))
    blp = jnp.pad(bl, (0, 128 - NC)).reshape(1, 128)

    BN = 512
    gn = NPAD // BN
    BE = 2048
    ge = EP // BE
    full = lambda s: pl.BlockSpec(s, lambda i: tuple(0 for _ in s))

    stab1, dtab1 = pl.pallas_call(
        _dense1_kernel,
        grid=(gn,),
        in_specs=[
            pl.BlockSpec((BN, PD), lambda i: (i, 0)),
            pl.BlockSpec((BN, 1), lambda i: (i, 0)),
            full((TD, HC)), full((1, HC)), full((VD, HC)), full((1, HC)),
            full((AD, HC)), full((1, HC)), full((HC, HEADS * HC)),
            full((HEADS, HC)), full((HEADS, HC)),
        ],
        out_specs=[
            pl.BlockSpec((BN, 640), lambda i: (i, 0)),
            pl.BlockSpec((BN, 128), lambda i: (i, 0)),
        ],
        out_shape=[
            jax.ShapeDtypeStruct((NPAD, 640), f32),
            jax.ShapeDtypeStruct((NPAD, 128), f32),
        ],
    )(xp, tidp, Wt, bt.reshape(1, HC), Wv, bv.reshape(1, HC), Wa,
      ba.reshape(1, HC), W1, a_s1, a_d1)

    def edge_softmax(stab, dtab, es_col, es_off):
        srcs = _sc_gather(stab, srcp, stab.shape[1])
        edv = _sc_gather(dtab, dstp, 128)
        ex = pl.pallas_call(
            functools.partial(_exp_leaky_kernel, es_off),
            grid=(ge,),
            in_specs=[
                pl.BlockSpec((BE, 128), lambda i, c=es_col: (i, c)),
                pl.BlockSpec((BE, 128), lambda i: (i, 0)),
            ],
            out_specs=pl.BlockSpec((BE, 128), lambda i: (i, 0)),
            out_shape=jax.ShapeDtypeStruct((EP, 128), f32),
        )(srcs, edv)
        dparts = _sc_scatter_add(ex[None], dstp, 128, 1)
        dd = pl.pallas_call(
            _pack2_kernel,
            grid=(gn,),
            in_specs=[pl.BlockSpec((2, 1, BN, 128), lambda i: (0, 0, i, 0))],
            out_specs=pl.BlockSpec((BN, 128), lambda i: (i, 0)),
            out_shape=jax.ShapeDtypeStruct((NPAD, 128), f32),
        )(dparts)
        dde = _sc_gather(dd, dstp, 128)
        return srcs, ex, dde

    srcs1, ex1, dde1 = edge_softmax(stab1, dtab1, 4, 0)
    m1 = pl.pallas_call(
        _msg1_kernel,
        grid=(ge,),
        in_specs=[
            pl.BlockSpec((BE, 128), lambda i: (i, 0)),
            pl.BlockSpec((BE, 128), lambda i: (i, 0)),
            pl.BlockSpec((BE, 512), lambda i: (i, 0)),
        ],
        out_specs=pl.BlockSpec((4, BE, 128), lambda i: (0, i, 0)),
        out_shape=jax.ShapeDtypeStruct((4, EP, 128), f32),
    )(ex1, dde1, srcs1)
    out1p = _sc_scatter_add(m1, dstp, 128, 4)

    stab2, dtab2 = pl.pallas_call(
        _dense2_kernel,
        grid=(gn,),
        in_specs=[
            pl.BlockSpec((2, 4, BN, 128), lambda i: (0, 0, i, 0)),
            full((HEADS, HC)), full((HEADS, HC, HC)),
            full((1, HC)), full((1, HC)),
        ],
        out_specs=[
            pl.BlockSpec((BN, 128), lambda i: (i, 0)),
            pl.BlockSpec((BN, 128), lambda i: (i, 0)),
        ],
        out_shape=[
            jax.ShapeDtypeStruct((NPAD, 128), f32),
            jax.ShapeDtypeStruct((NPAD, 128), f32),
        ],
    )(out1p, b1r, W2r, a_s2, a_d2)

    srcs2, ex2, dde2 = edge_softmax(stab2, dtab2, 0, HC)
    m2 = pl.pallas_call(
        _msg2_kernel,
        grid=(ge,),
        in_specs=[
            pl.BlockSpec((BE, 128), lambda i: (i, 0)),
            pl.BlockSpec((BE, 128), lambda i: (i, 0)),
            pl.BlockSpec((BE, 128), lambda i: (i, 0)),
        ],
        out_specs=pl.BlockSpec((1, BE, 128), lambda i: (0, i, 0)),
        out_shape=jax.ShapeDtypeStruct((1, EP, 128), f32),
    )(ex2, dde2, srcs2)
    out2p = _sc_scatter_add(m2, dstp, 128, 1)

    logits = pl.pallas_call(
        _final_kernel,
        in_specs=[
            pl.BlockSpec((2, 1, NPAD, 128), lambda: (0, 0, 0, 0)),
            pl.BlockSpec((1, HC), lambda: (0, 0)),
            pl.BlockSpec((NPAD, 1), lambda: (0, 0)),
            pl.BlockSpec((HC, 128), lambda: (0, 0)),
            pl.BlockSpec((1, 128), lambda: (0, 0)),
        ],
        out_specs=pl.BlockSpec((NG, 128), lambda: (0, 0)),
        out_shape=jax.ShapeDtypeStruct((NG, 128), f32),
    )(out2p, b2.reshape(1, HC), batchp, Wlp, blp)
    return logits[:, :NC]

# --- scband reference (transcript-rebuilt; emitter-appended) ---
"""Pipeline reference for scband-gatclassifier-17154099380448 (READ-ONLY COPY).

The authoritative reference and input builder live on the scoring server;
editing this copy changes nothing except your own understanding.
"""

import jax, jax.numpy as jnp
import numpy as np

N = 10000
E = 320000
PD = 128
TD = 128
VD = 64
AD = 64
HC = 64
HEADS = 8
NC = 10
NG = 64


def setup_inputs(seed: int = 0):
    key = jax.random.key(seed)
    ks = jax.random.split(key, 24)
    x = jax.random.normal(ks[0], (N, PD), dtype=jnp.float32)
    edge_index = jax.random.randint(ks[1], (2, E), 0, N)
    batch = jnp.sort(jax.random.randint(ks[2], (N,), 0, NG))
    node_type_ids = jax.random.randint(ks[3], (N,), 0, 3)

    def lin(k, fi, fo):
        return jax.random.normal(k, (fi, fo), dtype=jnp.float32) / np.sqrt(fi)

    Wt = lin(ks[4], TD, HC); bt = jnp.zeros((HC,), jnp.float32)
    Wv = lin(ks[5], VD, HC); bv = jnp.zeros((HC,), jnp.float32)
    Wa = lin(ks[6], AD, HC); ba = jnp.zeros((HC,), jnp.float32)
    W1 = lin(ks[7], HC, HEADS * HC)
    att_src1 = jax.random.normal(ks[8], (1, HEADS, HC), dtype=jnp.float32) / np.sqrt(HC)
    att_dst1 = jax.random.normal(ks[9], (1, HEADS, HC), dtype=jnp.float32) / np.sqrt(HC)
    b1 = jnp.zeros((HEADS * HC,), jnp.float32)
    W2 = lin(ks[10], HEADS * HC, HC)
    att_src2 = jax.random.normal(ks[11], (1, 1, HC), dtype=jnp.float32) / np.sqrt(HC)
    att_dst2 = jax.random.normal(ks[12], (1, 1, HC), dtype=jnp.float32) / np.sqrt(HC)
    b2 = jnp.zeros((HC,), jnp.float32)
    Wl = lin(ks[13], HC, NC); bl = jnp.zeros((NC,), jnp.float32)
    return {"x": x, "edge_index": edge_index, "batch": batch, "node_type_ids": node_type_ids,
            "Wt": Wt, "bt": bt, "Wv": Wv, "bv": bv, "Wa": Wa, "ba": ba,
            "W1": W1, "att_src1": att_src1, "att_dst1": att_dst1, "b1": b1,
            "W2": W2, "att_src2": att_src2, "att_dst2": att_dst2, "b2": b2,
            "Wl": Wl, "bl": bl}


def _gat_conv(h, src, dst, W, a_s, a_d, bias, heads, out_ch, concat):
    n = h.shape[0]
    hp = (h @ W).reshape(n, heads, out_ch)
    alpha_src = (hp * a_s).sum(-1)
    alpha_dst = (hp * a_d).sum(-1)
    e = alpha_src[src] + alpha_dst[dst]
    e = jnp.where(e > 0, e, 0.2 * e)
    e_max = jax.ops.segment_max(e, dst, num_segments=n)
    ex = jnp.exp(e - e_max[dst])
    denom = jax.ops.segment_sum(ex, dst, num_segments=n)
    alpha = ex / (denom[dst] + 1e-16)
    out = jax.ops.segment_sum(alpha[:, :, None] * hp[src], dst, num_segments=n)
    if concat:
        out = out.reshape(n, heads * out_ch)
    else:
        out = out.mean(axis=1)
    return out + bias


def reference(x, edge_index, batch, node_type_ids, Wt, bt, Wv, bv, Wa, ba, W1, att_src1, att_dst1, b1, W2, att_src2, att_dst2, b2, Wl, bl):
    xt = x[:, :TD] @ Wt + bt
    xv = x[:, :VD] @ Wv + bv
    xa = x[:, :AD] @ Wa + ba
    is_t = (node_type_ids == 0)[:, None]
    is_v = (node_type_ids == 1)[:, None]
    h = jnp.where(is_t, xt, jnp.where(is_v, xv, xa))
    loops = jnp.arange(N, dtype=edge_index.dtype)
    src = jnp.concatenate([edge_index[0], loops])
    dst = jnp.concatenate([edge_index[1], loops])
    h1 = _gat_conv(h, src, dst, W1, att_src1, att_dst1, b1, HEADS, HC, True)
    h1 = jax.nn.elu(h1)
    h2 = _gat_conv(h1, src, dst, W2, att_src2, att_dst2, b2, 1, HC, False)
    sums = jax.ops.segment_sum(h2, batch, num_segments=NG)
    counts = jax.ops.segment_sum(jnp.ones((N,), jnp.float32), batch, num_segments=NG)
    gemb = sums / jnp.maximum(counts, 1.0)[:, None]
    return gemb @ Wl + bl

if __name__ == "__main__":
    import jax
    _d = setup_inputs()
    print(jax.jit(kernel)(*tuple(_d.values())))

</pallas_src>

<mosaic_0001>
#map = affine_map<(d0, d1) -> (0, 0)>
#map1 = affine_map<(d0, d1) -> (0)>
module attributes {stable_mosaic.version = 14 : i64} {
  func.func @k(%arg0: i32, %arg1: i32, %arg2: memref<10240x128xf32, #tpu.memory_space<hbm>>, %arg3: memref<331776xi32, #tpu.memory_space<hbm>>, %arg4: memref<331776x128xf32, #tpu.memory_space<hbm>>, %arg5: memref<128xi32, #tpu.memory_space<vmem>>, %arg6: memref<128x128xf32, #tpu.memory_space<vmem>>, %arg7: memref<!tpu.dma_semaphore, #tpu.memory_space<semaphore_mem>>) attributes {dimension_semantics = [#tpu.dimension_semantics<core_parallel>, #tpu.dimension_semantics<subcore_parallel>], iteration_bounds = array<i64: 2, 16>, scalar_prefetch = 0 : i64, scratch_operands = 3 : i64, tpu.core_type = #tpu.core_type<sc_vector_subcore>, window_params = [{transform_indices = #map}, {transform_indices = #map1}, {transform_indices = #map}]} {
    %mul3A = arith.constant 2 : i32
    %mul3A_0 = arith.muli %arg1, %mul3A : i32
    %add3A = arith.addi %mul3A_0, %arg0 : i32
    %mul3A_1 = arith.constant 10368 : i32
    %mul3A_2 = arith.muli %add3A, %mul3A_1 : i32
    %scan3A = arith.constant 0 : i32
    %scan3A_3 = arith.constant 81 : i32
    %scan3A_4 = arith.addi %scan3A, %scan3A_3 : i32
    %scan3A_5 = arith.constant 1 : i32
    scf.for %scan3A_7 = %scan3A to %scan3A_4 step %scan3A_5  : i32 {
      %mul3A_8 = arith.constant 1 : i32
      %mul3A_9 = arith.muli %scan3A_7, %mul3A_8 : i32
      %add3A_10 = arith.constant 0 : i32
      %add3A_11 = arith.addi %add3A_10, %mul3A_9 : i32
      %mul3A_12 = arith.constant 128 : i32
      %mul3A_13 = arith.muli %add3A_11, %mul3A_12 : i32
      %add3A_14 = arith.addi %mul3A_2, %mul3A_13 : i32
      "tpu.region"() ({
        %run_scoped3A = tpu.sem_alloc : memref<!tpu.dma_semaphore, #tpu.memory_space<semaphore_mem>>
        %dma_start3A_19 = tpu.memref_slice %arg3[%add3A_14] : memref<331776xi32, #tpu.memory_space<hbm>> -> memref<128xi32, #tpu.memory_space<hbm>>
        %dma_start3A_20 = tpu.memref_slice %arg3[%add3A_14] : memref<331776xi32, #tpu.memory_space<hbm>> -> memref<128xi32, #tpu.memory_space<hbm>>
        tpu.enqueue_dma source(%dma_start3A_20 : memref<128xi32, #tpu.memory_space<hbm>>) target(%arg5 : memref<128xi32, #tpu.memory_space<vmem>>) target_semaphore(%run_scoped3A : memref<!tpu.dma_semaphore, #tpu.memory_space<semaphore_mem>>)
        %dma_wait3A_21 = tpu.memref_slice %arg3[%add3A_14] : memref<331776xi32, #tpu.memory_space<hbm>> -> memref<128xi32, #tpu.memory_space<hbm>>
        %dma_wait3A_22 = tpu.memref_slice %arg3[%add3A_14] : memref<331776xi32, #tpu.memory_space<hbm>> -> memref<128xi32, #tpu.memory_space<hbm>>
        tpu.wait_dma2 semaphore(%run_scoped3A : memref<!tpu.dma_semaphore, #tpu.memory_space<semaphore_mem>>) src(%dma_wait3A_22 : memref<128xi32, #tpu.memory_space<hbm>>) dst(%arg5 : memref<128xi32, #tpu.memory_space<vmem>>)
        tpu.yield
      }) : () -> ()
      %dma_start3A = arith.constant 0 : i32
      %dma_start3A_15 = arith.constant 0 : i32
      %dma_start3A_16 = tpu.memref_slice %arg2[%dma_start3A, %dma_start3A_15] : memref<10240x128xf32, #tpu.memory_space<hbm>> -> memref<10240x128xf32, #tpu.memory_space<hbm>>
      tpu.enqueue_indirect_dma source(%dma_start3A_16 : memref<10240x128xf32, #tpu.memory_space<hbm>>) target(%arg6 : memref<128x128xf32, #tpu.memory_space<vmem>>) offsets(%arg5 : memref<128xi32, #tpu.memory_space<vmem>>) semaphore(%arg7 : memref<!tpu.dma_semaphore, #tpu.memory_space<semaphore_mem>>)
      %dma_wait3A = arith.constant 0 : i32
      %dma_wait3A_17 = arith.constant 0 : i32
      %dma_wait3A_18 = tpu.memref_slice %arg2[%dma_wait3A, %dma_wait3A_17] : memref<10240x128xf32, #tpu.memory_space<hbm>> -> memref<10240x128xf32, #tpu.memory_space<hbm>>
      tpu.wait_indirect_dma semaphore(%arg7 : memref<!tpu.dma_semaphore, #tpu.memory_space<semaphore_mem>>) src(%dma_wait3A_18 : memref<10240x128xf32, #tpu.memory_space<hbm>>) dst(%arg6 : memref<128x128xf32, #tpu.memory_space<vmem>>)
      "tpu.region"() ({
        %run_scoped3A = tpu.sem_alloc : memref<!tpu.dma_semaphore, #tpu.memory_space<semaphore_mem>>
        %dma_start3A_19 = arith.constant 0 : i32
        %dma_start3A_20 = tpu.memref_slice %arg4[%add3A_14, %dma_start3A_19] : memref<331776x128xf32, #tpu.memory_space<hbm>> -> memref<128x128xf32, #tpu.memory_space<hbm>>
        %dma_start3A_21 = arith.constant 0 : i32
        %dma_start3A_22 = tpu.memref_slice %arg4[%add3A_14, %dma_start3A_21] : memref<331776x128xf32, #tpu.memory_space<hbm>> -> memref<128x128xf32, #tpu.memory_space<hbm>>
        tpu.enqueue_dma source(%arg6 : memref<128x128xf32, #tpu.memory_space<vmem>>) target(%dma_start3A_22 : memref<128x128xf32, #tpu.memory_space<hbm>>) target_semaphore(%run_scoped3A : memref<!tpu.dma_semaphore, #tpu.memory_space<semaphore_mem>>)
        %dma_wait3A_23 = arith.constant 0 : i32
        %dma_wait3A_24 = tpu.memref_slice %arg4[%add3A_14, %dma_wait3A_23] : memref<331776x128xf32, #tpu.memory_space<hbm>> -> memref<128x128xf32, #tpu.memory_space<hbm>>
        %dma_wait3A_25 = arith.constant 0 : i32
        %dma_wait3A_26 = tpu.memref_slice %arg4[%add3A_14, %dma_wait3A_25] : memref<331776x128xf32, #tpu.memory_space<hbm>> -> memref<128x128xf32, #tpu.memory_space<hbm>>
        tpu.wait_dma2 semaphore(%run_scoped3A : memref<!tpu.dma_semaphore, #tpu.memory_space<semaphore_mem>>) src(%arg6 : memref<128x128xf32, #tpu.memory_space<vmem>>) dst(%dma_wait3A_26 : memref<128x128xf32, #tpu.memory_space<hbm>>)
        tpu.yield
      }) : () -> ()
    }
    %scan3A_6 = arith.constant 81 : i32
    return
  }
}

#map = affine_map<(d0, d1) -> (0, 0, 0)>
#map1 = affine_map<(d0, d1) -> (0)>
#map2 = affine_map<(d0, d1) -> (0, 0)>
#map3 = affine_map<(d0, d1) -> (0, 0, 0, 0)>
module attributes {stable_mosaic.version = 14 : i64} {
  func.func @k(%arg0: i32, %arg1: i32, %arg2: memref<1x331776x128xf32, #tpu.memory_space<hbm>>, %arg3: memref<331776xi32, #tpu.memory_space<hbm>>, %arg4: memref<10240x128xf32, #tpu.memory_space<hbm>>, %arg5: memref<2x1x10240x128xf32, #tpu.memory_space<hbm>>, %arg6: memref<128xi32, #tpu.memory_space<vmem>>, %arg7: memref<128x128xf32, #tpu.memory_space<vmem>>, %arg8: memref<10240x128xf32, #tpu.memory_space<vmem_shared>>) attributes {dimension_semantics = [#tpu.dimension_semantics<core_parallel>, #tpu.dimension_semantics<subcore_parallel>], iteration_bounds = array<i64: 2, 16>, scalar_prefetch = 0 : i64, scratch_operands = 3 : i64, tpu.core_type = #tpu.core_type<sc_vector_subcore>, window_params = [{transform_indices = #map}, {transform_indices = #map1}, {transform_indices = #map2}, {transform_indices = #map3}]} {
    %mul3A = arith.constant 2 : i32
    %mul3A_0 = arith.muli %arg1, %mul3A : i32
    %add3A = arith.addi %mul3A_0, %arg0 : i32
    %mul3A_1 = arith.constant 10368 : i32
    %mul3A_2 = arith.muli %add3A, %mul3A_1 : i32
    %eq3A = arith.constant 0 : i32
    %eq3A_3 = arith.cmpi eq, %arg1, %eq3A : i32
    %convert_element_type3A = arith.extui %eq3A_3 : i1 to i32
    %cond3A = arith.constant 0 : i32
    %cond3A_4 = arith.cmpi ne, %convert_element_type3A, %cond3A : i32
    scf.if %cond3A_4 {
      "tpu.region"() ({
        %run_scoped3A = tpu.sem_alloc : memref<!tpu.dma_semaphore, #tpu.memory_space<semaphore_mem>>
        tpu.enqueue_dma source(%arg4 : memref<10240x128xf32, #tpu.memory_space<hbm>>) target(%arg8 : memref<10240x128xf32, #tpu.memory_space<vmem_shared>>) target_semaphore(%run_scoped3A : memref<!tpu.dma_semaphore, #tpu.memory_space<semaphore_mem>>)
        tpu.wait_dma2 semaphore(%run_scoped3A : memref<!tpu.dma_semaphore, #tpu.memory_space<semaphore_mem>>) src(%arg4 : memref<10240x128xf32, #tpu.memory_space<hbm>>) dst(%arg8 : memref<10240x128xf32, #tpu.memory_space<vmem_shared>>)
        tpu.yield
      }) : () -> ()
    } else {
    }
    %barrier3A = arith.constant 0 : index
    tpu.barrier barrier_id(%barrier3A)
    %scan3A = arith.constant 0 : i32
    %scan3A_5 = arith.constant 81 : i32
    %scan3A_6 = arith.addi %scan3A, %scan3A_5 : i32
    %scan3A_7 = arith.constant 1 : i32
    scf.for %scan3A_16 = %scan3A to %scan3A_6 step %scan3A_7  : i32 {
      %mul3A_17 = arith.constant 1 : i32
      %mul3A_18 = arith.muli %scan3A_16, %mul3A_17 : i32
      %add3A_19 = arith.constant 0 : i32
      %add3A_20 = arith.addi %add3A_19, %mul3A_18 : i32
      %mul3A_21 = arith.constant 128 : i32
      %mul3A_22 = arith.muli %add3A_20, %mul3A_21 : i32
      %add3A_23 = arith.addi %mul3A_2, %mul3A_22 : i32
      "tpu.region"() ({
        %run_scoped3A_24 = tpu.sem_alloc : memref<!tpu.dma_semaphore, #tpu.memory_space<semaphore_mem>>
        %dma_start3A = tpu.memref_slice %arg3[%add3A_23] : memref<331776xi32, #tpu.memory_space<hbm>> -> memref<128xi32, #tpu.memory_space<hbm>>
        %dma_start3A_25 = tpu.memref_slice %arg3[%add3A_23] : memref<331776xi32, #tpu.memory_space<hbm>> -> memref<128xi32, #tpu.memory_space<hbm>>
        tpu.enqueue_dma source(%dma_start3A_25 : memref<128xi32, #tpu.memory_space<hbm>>) target(%arg6 : memref<128xi32, #tpu.memory_space<vmem>>) target_semaphore(%run_scoped3A_24 : memref<!tpu.dma_semaphore, #tpu.memory_space<semaphore_mem>>)
        %dma_wait3A = tpu.memref_slice %arg3[%add3A_23] : memref<331776xi32, #tpu.memory_space<hbm>> -> memref<128xi32, #tpu.memory_space<hbm>>
        %dma_wait3A_26 = tpu.memref_slice %arg3[%add3A_23] : memref<331776xi32, #tpu.memory_space<hbm>> -> memref<128xi32, #tpu.memory_space<hbm>>
        tpu.wait_dma2 semaphore(%run_scoped3A_24 : memref<!tpu.dma_semaphore, #tpu.memory_space<semaphore_mem>>) src(%dma_wait3A_26 : memref<128xi32, #tpu.memory_space<hbm>>) dst(%arg6 : memref<128xi32, #tpu.memory_space<vmem>>)
        tpu.yield
      }) : () -> ()
      %run_scoped3A = arith.constant 0 : i32
      "tpu.region"() ({
        %run_scoped3A_24 = tpu.sem_alloc : memref<!tpu.dma_semaphore, #tpu.memory_space<semaphore_mem>>
        %dma_start3A = arith.constant 0 : i32
        %dma_start3A_25 = arith.constant 0 : i32
        %dma_start3A_26 = tpu.memref_slice %arg2[%run_scoped3A, %dma_start3A, %dma_start3A_25] : memref<1x331776x128xf32, #tpu.memory_space<hbm>> -> memref<1x331776x128xf32, #tpu.memory_space<hbm>>
        %dma_start3A_27 = tpu.memref_squeeze %dma_start3A_26 : memref<1x331776x128xf32, #tpu.memory_space<hbm>> -> memref<331776x128xf32, #tpu.memory_space<hbm>>
        %dma_start3A_28 = arith.constant 0 : i32
        %dma_start3A_29 = tpu.memref_slice %dma_start3A_27[%add3A_23, %dma_start3A_28] : memref<331776x128xf32, #tpu.memory_space<hbm>> -> memref<128x128xf32, #tpu.memory_space<hbm>>
        %dma_start3A_30 = arith.constant 0 : i32
        %dma_start3A_31 = arith.constant 0 : i32
        %dma_start3A_32 = tpu.memref_slice %arg2[%run_scoped3A, %dma_start3A_30, %dma_start3A_31] : memref<1x331776x128xf32, #tpu.memory_space<hbm>> -> memref<1x331776x128xf32, #tpu.memory_space<hbm>>
        %dma_start3A_33 = tpu.memref_squeeze %dma_start3A_32 : memref<1x331776x128xf32, #tpu.memory_space<hbm>> -> memref<331776x128xf32, #tpu.memory_space<hbm>>
        %dma_start3A_34 = arith.constant 0 : i32
        %dma_start3A_35 = tpu.memref_slice %dma_start3A_33[%add3A_23, %dma_start3A_34] : memref<331776x128xf32, #tpu.memory_space<hbm>> -> memref<128x128xf32, #tpu.memory_space<hbm>>
        tpu.enqueue_dma source(%dma_start3A_35 : memref<128x128xf32, #tpu.memory_space<hbm>>) target(%arg7 : memref<128x128xf32, #tpu.memory_space<vmem>>) target_semaphore(%run_scoped3A_24 : memref<!tpu.dma_semaphore, #tpu.memory_space<semaphore_mem>>)
        %dma_wait3A = arith.constant 0 : i32
        %dma_wait3A_36 = arith.constant 0 : i32
        %dma_wait3A_37 = tpu.memref_slice %arg2[%run_scoped3A, %dma_wait3A, %dma_wait3A_36] : memref<1x331776x128xf32, #tpu.memory_space<hbm>> -> memref<1x331776x128xf32, #tpu.memory_space<hbm>>
        %dma_wait3A_38 = tpu.memref_squeeze %dma_wait3A_37 : memref<1x331776x128xf32, #tpu.memory_space<hbm>> -> memref<331776x128xf32, #tpu.memory_space<hbm>>
        %dma_wait3A_39 = arith.constant 0 : i32
        %dma_wait3A_40 = tpu.memref_slice %dma_wait3A_38[%add3A_23, %dma_wait3A_39] : memref<331776x128xf32, #tpu.memory_space<hbm>> -> memref<128x128xf32, #tpu.memory_space<hbm>>
        %dma_wait3A_41 = arith.constant 0 : i32
        %dma_wait3A_42 = arith.constant 0 : i32
        %dma_wait3A_43 = tpu.memref_slice %arg2[%run_scoped3A, %dma_wait3A_41, %dma_wait3A_42] : memref<1x331776x128xf32, #tpu.memory_space<hbm>> -> memref<1x331776x128xf32, #tpu.memory_space<hbm>>
        %dma_wait3A_44 = tpu.memref_squeeze %dma_wait3A_43 : memref<1x331776x128xf32, #tpu.memory_space<hbm>> -> memref<331776x128xf32, #tpu.memory_space<hbm>>
        %dma_wait3A_45 = arith.constant 0 : i32
        %dma_wait3A_46 = tpu.memref_slice %dma_wait3A_44[%add3A_23, %dma_wait3A_45] : memref<331776x128xf32, #tpu.memory_space<hbm>> -> memref<128x128xf32, #tpu.memory_space<hbm>>
        tpu.wait_dma2 semaphore(%run_scoped3A_24 : memref<!tpu.dma_semaphore, #tpu.memory_space<semaphore_mem>>) src(%dma_wait3A_46 : memref<128x128xf32, #tpu.memory_space<hbm>>) dst(%arg7 : memref<128x128xf32, #tpu.memory_space<vmem>>)
        tpu.yield
      }) : () -> ()
      "tpu.region"() ({
        %run_scoped3A_24 = tpu.sem_alloc : memref<!tpu.dma_semaphore, #tpu.memory_space<semaphore_mem>>
        %dma_start3A = arith.constant 0 : i32
        %dma_start3A_25 = arith.constant 0 : i32
        %dma_start3A_26 = tpu.memref_slice %arg8[%dma_start3A, %dma_start3A_25] : memref<10240x128xf32, #tpu.memory_space<vmem_shared>> -> memref<10240x128xf32, #tpu.memory_space<vmem_shared>>
        tpu.enqueue_indirect_dma source(%arg7 : memref<128x128xf32, #tpu.memory_space<vmem>>) target(%dma_start3A_26 : memref<10240x128xf32, #tpu.memory_space<vmem_shared>>) offsets(%arg6 : memref<128xi32, #tpu.memory_space<vmem>>) semaphore(%run_scoped3A_24 : memref<!tpu.dma_semaphore, #tpu.memory_space<semaphore_mem>>) {add = true}
        %dma_wait3A = arith.constant 0 : i32
        %dma_wait3A_27 = arith.constant 0 : i32
        %dma_wait3A_28 = tpu.memref_slice %arg8[%dma_wait3A, %dma_wait3A_27] : memref<10240x128xf32, #tpu.memory_space<vmem_shared>> -> memref<10240x128xf32, #tpu.memory_space<vmem_shared>>
        tpu.wait_indirect_dma semaphore(%run_scoped3A_24 : memref<!tpu.dma_semaphore, #tpu.memory_space<semaphore_mem>>) src(%arg7 : memref<128x128xf32, #tpu.memory_space<vmem>>) dst(%dma_wait3A_28 : memref<10240x128xf32, #tpu.memory_space<vmem_shared>>)
        tpu.yield
      }) : () -> ()
    }
    %scan3A_8 = arith.constant 81 : i32
    %barrier3A_9 = arith.constant 0 : index
    tpu.barrier barrier_id(%barrier3A_9)
    %eq3A_10 = arith.constant 0 : i32
    %eq3A_11 = arith.cmpi eq, %arg1, %eq3A_10 : i32
    %convert_element_type3A_12 = arith.extui %eq3A_11 : i1 to i32
    %cond3A_13 = arith.constant 0 : i32
    %cond3A_14 = arith.cmpi ne, %convert_element_type3A_12, %cond3A_13 : i32
    scf.if %cond3A_14 {
      %run_scoped3A = arith.constant 0 : i32
      "tpu.region"() ({
        %run_scoped3A_16 = tpu.sem_alloc : memref<!tpu.dma_semaphore, #tpu.memory_space<semaphore_mem>>
        %dma_start3A = arith.constant 0 : i32
        %dma_start3A_17 = arith.constant 0 : i32
        %dma_start3A_18 = arith.constant 0 : i32
        %dma_start3A_19 = tpu.memref_slice %arg5[%arg0, %dma_start3A, %dma_start3A_17, %dma_start3A_18] : memref<2x1x10240x128xf32, #tpu.memory_space<hbm>> -> memref<1x1x10240x128xf32, #tpu.memory_space<hbm>>
        %dma_start3A_20 = tpu.memref_squeeze %dma_start3A_19 : memref<1x1x10240x128xf32, #tpu.memory_space<hbm>> -> memref<1x10240x128xf32, #tpu.memory_space<hbm>>
        %dma_start3A_21 = arith.constant 0 : i32
        %dma_start3A_22 = arith.constant 0 : i32
        %dma_start3A_23 = tpu.memref_slice %dma_start3A_20[%run_scoped3A, %dma_start3A_21, %dma_start3A_22] : memref<1x10240x128xf32, #tpu.memory_space<hbm>> -> memref<1x10240x128xf32, #tpu.memory_space<hbm>>
        %dma_start3A_24 = tpu.memref_squeeze %dma_start3A_23 : memref<1x10240x128xf32, #tpu.memory_space<hbm>> -> memref<10240x128xf32, #tpu.memory_space<hbm>>
        tpu.enqueue_dma source(%arg8 : memref<10240x128xf32, #tpu.memory_space<vmem_shared>>) target(%dma_start3A_24 : memref<10240x128xf32, #tpu.memory_space<hbm>>) target_semaphore(%run_scoped3A_16 : memref<!tpu.dma_semaphore, #tpu.memory_space<semaphore_mem>>)
        %dma_wait3A = arith.constant 0 : i32
        %dma_wait3A_25 = arith.constant 0 : i32
        %dma_wait3A_26 = arith.constant 0 : i32
        %dma_wait3A_27 = tpu.memref_slice %arg5[%arg0, %dma_wait3A, %dma_wait3A_25, %dma_wait3A_26] : memref<2x1x10240x128xf32, #tpu.memory_space<hbm>> -> memref<1x1x10240x128xf32, #tpu.memory_space<hbm>>
        %dma_wait3A_28 = tpu.memref_squeeze %dma_wait3A_27 : memref<1x1x10240x128xf32, #tpu.memory_space<hbm>> -> memref<1x10240x128xf32, #tpu.memory_space<hbm>>
        %dma_wait3A_29 = arith.constant 0 : i32
        %dma_wait3A_30 = arith.constant 0 : i32
        %dma_wait3A_31 = tpu.memref_slice %dma_wait3A_28[%run_scoped3A, %dma_wait3A_29, %dma_wait3A_30] : memref<1x10240x128xf32, #tpu.memory_space<hbm>> -> memref<1x10240x128xf32, #tpu.memory_space<hbm>>
        %dma_wait3A_32 = tpu.memref_squeeze %dma_wait3A_31 : memref<1x10240x128xf32, #tpu.memory_space<hbm>> -> memref<10240x128xf32, #tpu.memory_space<hbm>>
        tpu.wait_dma2 semaphore(%run_scoped3A_16 : memref<!tpu.dma_semaphore, #tpu.memory_space<semaphore_mem>>) src(%arg8 : memref<10240x128xf32, #tpu.memory_space<vmem_shared>>) dst(%dma_wait3A_32 : memref<10240x128xf32, #tpu.memory_space<hbm>>)
        tpu.yield
      }) : () -> ()
    } else {
    }
    %barrier3A_15 = arith.constant 0 : index
    tpu.barrier barrier_id(%barrier3A_15)
    return
  }
}

#map = affine_map<(d0, d1) -> (0, 0)>
#map1 = affine_map<(d0, d1) -> (0)>
module attributes {stable_mosaic.version = 14 : i64} {
  func.func @k(%arg0: i32, %arg1: i32, %arg2: memref<10240x128xf32, #tpu.memory_space<hbm>>, %arg3: memref<331776xi32, #tpu.memory_space<hbm>>, %arg4: memref<331776x128xf32, #tpu.memory_space<hbm>>, %arg5: memref<128xi32, #tpu.memory_space<vmem>>, %arg6: memref<128x128xf32, #tpu.memory_space<vmem>>, %arg7: memref<!tpu.dma_semaphore, #tpu.memory_space<semaphore_mem>>) attributes {dimension_semantics = [#tpu.dimension_semantics<core_parallel>, #tpu.dimension_semantics<subcore_parallel>], iteration_bounds = array<i64: 2, 16>, scalar_prefetch = 0 : i64, scratch_operands = 3 : i64, tpu.core_type = #tpu.core_type<sc_vector_subcore>, window_params = [{transform_indices = #map}, {transform_indices = #map1}, {transform_indices = #map}]} {
    %mul3A = arith.constant 2 : i32
    %mul3A_0 = arith.muli %arg1, %mul3A : i32
    %add3A = arith.addi %mul3A_0, %arg0 : i32
    %mul3A_1 = arith.constant 10368 : i32
    %mul3A_2 = arith.muli %add3A, %mul3A_1 : i32
    %scan3A = arith.constant 0 : i32
    %scan3A_3 = arith.constant 81 : i32
    %scan3A_4 = arith.addi %scan3A, %scan3A_3 : i32
    %scan3A_5 = arith.constant 1 : i32
    scf.for %scan3A_7 = %scan3A to %scan3A_4 step %scan3A_5  : i32 {
      %mul3A_8 = arith.constant 1 : i32
      %mul3A_9 = arith.muli %scan3A_7, %mul3A_8 : i32
      %add3A_10 = arith.constant 0 : i32
      %add3A_11 = arith.addi %add3A_10, %mul3A_9 : i32
      %mul3A_12 = arith.constant 128 : i32
      %mul3A_13 = arith.muli %add3A_11, %mul3A_12 : i32
      %add3A_14 = arith.addi %mul3A_2, %mul3A_13 : i32
      "tpu.region"() ({
        %run_scoped3A = tpu.sem_alloc : memref<!tpu.dma_semaphore, #tpu.memory_space<semaphore_mem>>
        %dma_start3A_19 = tpu.memref_slice %arg3[%add3A_14] : memref<331776xi32, #tpu.memory_space<hbm>> -> memref<128xi32, #tpu.memory_space<hbm>>
        %dma_start3A_20 = tpu.memref_slice %arg3[%add3A_14] : memref<331776xi32, #tpu.memory_space<hbm>> -> memref<128xi32, #tpu.memory_space<hbm>>
        tpu.enqueue_dma source(%dma_start3A_20 : memref<128xi32, #tpu.memory_space<hbm>>) target(%arg5 : memref<128xi32, #tpu.memory_space<vmem>>) target_semaphore(%run_scoped3A : memref<!tpu.dma_semaphore, #tpu.memory_space<semaphore_mem>>)
        %dma_wait3A_21 = tpu.memref_slice %arg3[%add3A_14] : memref<331776xi32, #tpu.memory_space<hbm>> -> memref<128xi32, #tpu.memory_space<hbm>>
        %dma_wait3A_22 = tpu.memref_slice %arg3[%add3A_14] : memref<331776xi32, #tpu.memory_space<hbm>> -> memref<128xi32, #tpu.memory_space<hbm>>
        tpu.wait_dma2 semaphore(%run_scoped3A : memref<!tpu.dma_semaphore, #tpu.memory_space<semaphore_mem>>) src(%dma_wait3A_22 : memref<128xi32, #tpu.memory_space<hbm>>) dst(%arg5 : memref<128xi32, #tpu.memory_space<vmem>>)
        tpu.yield
      }) : () -> ()
      %dma_start3A = arith.constant 0 : i32
      %dma_start3A_15 = arith.constant 0 : i32
      %dma_start3A_16 = tpu.memref_slice %arg2[%dma_start3A, %dma_start3A_15] : memref<10240x128xf32, #tpu.memory_space<hbm>> -> memref<10240x128xf32, #tpu.memory_space<hbm>>
      tpu.enqueue_indirect_dma source(%dma_start3A_16 : memref<10240x128xf32, #tpu.memory_space<hbm>>) target(%arg6 : memref<128x128xf32, #tpu.memory_space<vmem>>) offsets(%arg5 : memref<128xi32, #tpu.memory_space<vmem>>) semaphore(%arg7 : memref<!tpu.dma_semaphore, #tpu.memory_space<semaphore_mem>>)
      %dma_wait3A = arith.constant 0 : i32
      %dma_wait3A_17 = arith.constant 0 : i32
      %dma_wait3A_18 = tpu.memref_slice %arg2[%dma_wait3A, %dma_wait3A_17] : memref<10240x128xf32, #tpu.memory_space<hbm>> -> memref<10240x128xf32, #tpu.memory_space<hbm>>
      tpu.wait_indirect_dma semaphore(%arg7 : memref<!tpu.dma_semaphore, #tpu.memory_space<semaphore_mem>>) src(%dma_wait3A_18 : memref<10240x128xf32, #tpu.memory_space<hbm>>) dst(%arg6 : memref<128x128xf32, #tpu.memory_space<vmem>>)
      "tpu.region"() ({
        %run_scoped3A = tpu.sem_alloc : memref<!tpu.dma_semaphore, #tpu.memory_space<semaphore_mem>>
        %dma_start3A_19 = arith.constant 0 : i32
        %dma_start3A_20 = tpu.memref_slice %arg4[%add3A_14, %dma_start3A_19] : memref<331776x128xf32, #tpu.memory_space<hbm>> -> memref<128x128xf32, #tpu.memory_space<hbm>>
        %dma_start3A_21 = arith.constant 0 : i32
        %dma_start3A_22 = tpu.memref_slice %arg4[%add3A_14, %dma_start3A_21] : memref<331776x128xf32, #tpu.memory_space<hbm>> -> memref<128x128xf32, #tpu.memory_space<hbm>>
        tpu.enqueue_dma source(%arg6 : memref<128x128xf32, #tpu.memory_space<vmem>>) target(%dma_start3A_22 : memref<128x128xf32, #tpu.memory_space<hbm>>) target_semaphore(%run_scoped3A : memref<!tpu.dma_semaphore, #tpu.memory_space<semaphore_mem>>)
        %dma_wait3A_23 = arith.constant 0 : i32
        %dma_wait3A_24 = tpu.memref_slice %arg4[%add3A_14, %dma_wait3A_23] : memref<331776x128xf32, #tpu.memory_space<hbm>> -> memref<128x128xf32, #tpu.memory_space<hbm>>
        %dma_wait3A_25 = arith.constant 0 : i32
        %dma_wait3A_26 = tpu.memref_slice %arg4[%add3A_14, %dma_wait3A_25] : memref<331776x128xf32, #tpu.memory_space<hbm>> -> memref<128x128xf32, #tpu.memory_space<hbm>>
        tpu.wait_dma2 semaphore(%run_scoped3A : memref<!tpu.dma_semaphore, #tpu.memory_space<semaphore_mem>>) src(%arg6 : memref<128x128xf32, #tpu.memory_space<vmem>>) dst(%dma_wait3A_26 : memref<128x128xf32, #tpu.memory_space<hbm>>)
        tpu.yield
      }) : () -> ()
    }
    %scan3A_6 = arith.constant 81 : i32
    return
  }
}

#map = affine_map<(d0, d1) -> (0, 0)>
#map1 = affine_map<(d0, d1) -> (0)>
module attributes {stable_mosaic.version = 14 : i64} {
  func.func @k(%arg0: i32, %arg1: i32, %arg2: memref<10240x640xf32, #tpu.memory_space<hbm>>, %arg3: memref<331776xi32, #tpu.memory_space<hbm>>, %arg4: memref<331776x640xf32, #tpu.memory_space<hbm>>, %arg5: memref<128xi32, #tpu.memory_space<vmem>>, %arg6: memref<128x640xf32, #tpu.memory_space<vmem>>, %arg7: memref<!tpu.dma_semaphore, #tpu.memory_space<semaphore_mem>>) attributes {dimension_semantics = [#tpu.dimension_semantics<core_parallel>, #tpu.dimension_semantics<subcore_parallel>], iteration_bounds = array<i64: 2, 16>, scalar_prefetch = 0 : i64, scratch_operands = 3 : i64, tpu.core_type = #tpu.core_type<sc_vector_subcore>, window_params = [{transform_indices = #map}, {transform_indices = #map1}, {transform_indices = #map}]} {
    %mul3A = arith.constant 2 : i32
    %mul3A_0 = arith.muli %arg1, %mul3A : i32
    %add3A = arith.addi %mul3A_0, %arg0 : i32
    %mul3A_1 = arith.constant 10368 : i32
    %mul3A_2 = arith.muli %add3A, %mul3A_1 : i32
    %scan3A = arith.constant 0 : i32
    %scan3A_3 = arith.constant 81 : i32
    %scan3A_4 = arith.addi %scan3A, %scan3A_3 : i32
    %scan3A_5 = arith.constant 1 : i32
    scf.for %scan3A_7 = %scan3A to %scan3A_4 step %scan3A_5  : i32 {
      %mul3A_8 = arith.constant 1 : i32
      %mul3A_9 = arith.muli %scan3A_7, %mul3A_8 : i32
      %add3A_10 = arith.constant 0 : i32
      %add3A_11 = arith.addi %add3A_10, %mul3A_9 : i32
      %mul3A_12 = arith.constant 128 : i32
      %mul3A_13 = arith.muli %add3A_11, %mul3A_12 : i32
      %add3A_14 = arith.addi %mul3A_2, %mul3A_13 : i32
      "tpu.region"() ({
        %run_scoped3A = tpu.sem_alloc : memref<!tpu.dma_semaphore, #tpu.memory_space<semaphore_mem>>
        %dma_start3A_19 = tpu.memref_slice %arg3[%add3A_14] : memref<331776xi32, #tpu.memory_space<hbm>> -> memref<128xi32, #tpu.memory_space<hbm>>
        %dma_start3A_20 = tpu.memref_slice %arg3[%add3A_14] : memref<331776xi32, #tpu.memory_space<hbm>> -> memref<128xi32, #tpu.memory_space<hbm>>
        tpu.enqueue_dma source(%dma_start3A_20 : memref<128xi32, #tpu.memory_space<hbm>>) target(%arg5 : memref<128xi32, #tpu.memory_space<vmem>>) target_semaphore(%run_scoped3A : memref<!tpu.dma_semaphore, #tpu.memory_space<semaphore_mem>>)
        %dma_wait3A_21 = tpu.memref_slice %arg3[%add3A_14] : memref<331776xi32, #tpu.memory_space<hbm>> -> memref<128xi32, #tpu.memory_space<hbm>>
        %dma_wait3A_22 = tpu.memref_slice %arg3[%add3A_14] : memref<331776xi32, #tpu.memory_space<hbm>> -> memref<128xi32, #tpu.memory_space<hbm>>
        tpu.wait_dma2 semaphore(%run_scoped3A : memref<!tpu.dma_semaphore, #tpu.memory_space<semaphore_mem>>) src(%dma_wait3A_22 : memref<128xi32, #tpu.memory_space<hbm>>) dst(%arg5 : memref<128xi32, #tpu.memory_space<vmem>>)
        tpu.yield
      }) : () -> ()
      %dma_start3A = arith.constant 0 : i32
      %dma_start3A_15 = arith.constant 0 : i32
      %dma_start3A_16 = tpu.memref_slice %arg2[%dma_start3A, %dma_start3A_15] : memref<10240x640xf32, #tpu.memory_space<hbm>> -> memref<10240x640xf32, #tpu.memory_space<hbm>>
      tpu.enqueue_indirect_dma source(%dma_start3A_16 : memref<10240x640xf32, #tpu.memory_space<hbm>>) target(%arg6 : memref<128x640xf32, #tpu.memory_space<vmem>>) offsets(%arg5 : memref<128xi32, #tpu.memory_space<vmem>>) semaphore(%arg7 : memref<!tpu.dma_semaphore, #tpu.memory_space<semaphore_mem>>)
      %dma_wait3A = arith.constant 0 : i32
      %dma_wait3A_17 = arith.constant 0 : i32
      %dma_wait3A_18 = tpu.memref_slice %arg2[%dma_wait3A, %dma_wait3A_17] : memref<10240x640xf32, #tpu.memory_space<hbm>> -> memref<10240x640xf32, #tpu.memory_space<hbm>>
      tpu.wait_indirect_dma semaphore(%arg7 : memref<!tpu.dma_semaphore, #tpu.memory_space<semaphore_mem>>) src(%dma_wait3A_18 : memref<10240x640xf32, #tpu.memory_space<hbm>>) dst(%arg6 : memref<128x640xf32, #tpu.memory_space<vmem>>)
      "tpu.region"() ({
        %run_scoped3A = tpu.sem_alloc : memref<!tpu.dma_semaphore, #tpu.memory_space<semaphore_mem>>
        %dma_start3A_19 = arith.constant 0 : i32
        %dma_start3A_20 = tpu.memref_slice %arg4[%add3A_14, %dma_start3A_19] : memref<331776x640xf32, #tpu.memory_space<hbm>> -> memref<128x640xf32, #tpu.memory_space<hbm>>
        %dma_start3A_21 = arith.constant 0 : i32
        %dma_start3A_22 = tpu.memref_slice %arg4[%add3A_14, %dma_start3A_21] : memref<331776x640xf32, #tpu.memory_space<hbm>> -> memref<128x640xf32, #tpu.memory_space<hbm>>
        tpu.enqueue_dma source(%arg6 : memref<128x640xf32, #tpu.memory_space<vmem>>) target(%dma_start3A_22 : memref<128x640xf32, #tpu.memory_space<hbm>>) target_semaphore(%run_scoped3A : memref<!tpu.dma_semaphore, #tpu.memory_space<semaphore_mem>>)
        %dma_wait3A_23 = arith.constant 0 : i32
        %dma_wait3A_24 = tpu.memref_slice %arg4[%add3A_14, %dma_wait3A_23] : memref<331776x640xf32, #tpu.memory_space<hbm>> -> memref<128x640xf32, #tpu.memory_space<hbm>>
        %dma_wait3A_25 = arith.constant 0 : i32
        %dma_wait3A_26 = tpu.memref_slice %arg4[%add3A_14, %dma_wait3A_25] : memref<331776x640xf32, #tpu.memory_space<hbm>> -> memref<128x640xf32, #tpu.memory_space<hbm>>
        tpu.wait_dma2 semaphore(%run_scoped3A : memref<!tpu.dma_semaphore, #tpu.memory_space<semaphore_mem>>) src(%arg6 : memref<128x640xf32, #tpu.memory_space<vmem>>) dst(%dma_wait3A_26 : memref<128x640xf32, #tpu.memory_space<hbm>>)
        tpu.yield
      }) : () -> ()
    }
    %scan3A_6 = arith.constant 81 : i32
    return
  }
}

#map = affine_map<(d0, d1) -> (0, 0)>
#map1 = affine_map<(d0, d1) -> (0)>
module attributes {stable_mosaic.version = 14 : i64} {
  func.func @k(%arg0: i32, %arg1: i32, %arg2: memref<10240x128xf32, #tpu.memory_space<hbm>>, %arg3: memref<331776xi32, #tpu.memory_space<hbm>>, %arg4: memref<331776x128xf32, #tpu.memory_space<hbm>>, %arg5: memref<128xi32, #tpu.memory_space<vmem>>, %arg6: memref<128x128xf32, #tpu.memory_space<vmem>>, %arg7: memref<!tpu.dma_semaphore, #tpu.memory_space<semaphore_mem>>) attributes {dimension_semantics = [#tpu.dimension_semantics<core_parallel>, #tpu.dimension_semantics<subcore_parallel>], iteration_bounds = array<i64: 2, 16>, scalar_prefetch = 0 : i64, scratch_operands = 3 : i64, tpu.core_type = #tpu.core_type<sc_vector_subcore>, window_params = [{transform_indices = #map}, {transform_indices = #map1}, {transform_indices = #map}]} {
    %mul3A = arith.constant 2 : i32
    %mul3A_0 = arith.muli %arg1, %mul3A : i32
    %add3A = arith.addi %mul3A_0, %arg0 : i32
    %mul3A_1 = arith.constant 10368 : i32
    %mul3A_2 = arith.muli %add3A, %mul3A_1 : i32
    %scan3A = arith.constant 0 : i32
    %scan3A_3 = arith.constant 81 : i32
    %scan3A_4 = arith.addi %scan3A, %scan3A_3 : i32
    %scan3A_5 = arith.constant 1 : i32
    scf.for %scan3A_7 = %scan3A to %scan3A_4 step %scan3A_5  : i32 {
      %mul3A_8 = arith.constant 1 : i32
      %mul3A_9 = arith.muli %scan3A_7, %mul3A_8 : i32
      %add3A_10 = arith.constant 0 : i32
      %add3A_11 = arith.addi %add3A_10, %mul3A_9 : i32
      %mul3A_12 = arith.constant 128 : i32
      %mul3A_13 = arith.muli %add3A_11, %mul3A_12 : i32
      %add3A_14 = arith.addi %mul3A_2, %mul3A_13 : i32
      "tpu.region"() ({
        %run_scoped3A = tpu.sem_alloc : memref<!tpu.dma_semaphore, #tpu.memory_space<semaphore_mem>>
        %dma_start3A_19 = tpu.memref_slice %arg3[%add3A_14] : memref<331776xi32, #tpu.memory_space<hbm>> -> memref<128xi32, #tpu.memory_space<hbm>>
        %dma_start3A_20 = tpu.memref_slice %arg3[%add3A_14] : memref<331776xi32, #tpu.memory_space<hbm>> -> memref<128xi32, #tpu.memory_space<hbm>>
        tpu.enqueue_dma source(%dma_start3A_20 : memref<128xi32, #tpu.memory_space<hbm>>) target(%arg5 : memref<128xi32, #tpu.memory_space<vmem>>) target_semaphore(%run_scoped3A : memref<!tpu.dma_semaphore, #tpu.memory_space<semaphore_mem>>)
        %dma_wait3A_21 = tpu.memref_slice %arg3[%add3A_14] : memref<331776xi32, #tpu.memory_space<hbm>> -> memref<128xi32, #tpu.memory_space<hbm>>
        %dma_wait3A_22 = tpu.memref_slice %arg3[%add3A_14] : memref<331776xi32, #tpu.memory_space<hbm>> -> memref<128xi32, #tpu.memory_space<hbm>>
        tpu.wait_dma2 semaphore(%run_scoped3A : memref<!tpu.dma_semaphore, #tpu.memory_space<semaphore_mem>>) src(%dma_wait3A_22 : memref<128xi32, #tpu.memory_space<hbm>>) dst(%arg5 : memref<128xi32, #tpu.memory_space<vmem>>)
        tpu.yield
      }) : () -> ()
      %dma_start3A = arith.constant 0 : i32
      %dma_start3A_15 = arith.constant 0 : i32
      %dma_start3A_16 = tpu.memref_slice %arg2[%dma_start3A, %dma_start3A_15] : memref<10240x128xf32, #tpu.memory_space<hbm>> -> memref<10240x128xf32, #tpu.memory_space<hbm>>
      tpu.enqueue_indirect_dma source(%dma_start3A_16 : memref<10240x128xf32, #tpu.memory_space<hbm>>) target(%arg6 : memref<128x128xf32, #tpu.memory_space<vmem>>) offsets(%arg5 : memref<128xi32, #tpu.memory_space<vmem>>) semaphore(%arg7 : memref<!tpu.dma_semaphore, #tpu.memory_space<semaphore_mem>>)
      %dma_wait3A = arith.constant 0 : i32
      %dma_wait3A_17 = arith.constant 0 : i32
      %dma_wait3A_18 = tpu.memref_slice %arg2[%dma_wait3A, %dma_wait3A_17] : memref<10240x128xf32, #tpu.memory_space<hbm>> -> memref<10240x128xf32, #tpu.memory_space<hbm>>
      tpu.wait_indirect_dma semaphore(%arg7 : memref<!tpu.dma_semaphore, #tpu.memory_space<semaphore_mem>>) src(%dma_wait3A_18 : memref<10240x128xf32, #tpu.memory_space<hbm>>) dst(%arg6 : memref<128x128xf32, #tpu.memory_space<vmem>>)
      "tpu.region"() ({
        %run_scoped3A = tpu.sem_alloc : memref<!tpu.dma_semaphore, #tpu.memory_space<semaphore_mem>>
        %dma_start3A_19 = arith.constant 0 : i32
        %dma_start3A_20 = tpu.memref_slice %arg4[%add3A_14, %dma_start3A_19] : memref<331776x128xf32, #tpu.memory_space<hbm>> -> memref<128x128xf32, #tpu.memory_space<hbm>>
        %dma_start3A_21 = arith.constant 0 : i32
        %dma_start3A_22 = tpu.memref_slice %arg4[%add3A_14, %dma_start3A_21] : memref<331776x128xf32, #tpu.memory_space<hbm>> -> memref<128x128xf32, #tpu.memory_space<hbm>>
        tpu.enqueue_dma source(%arg6 : memref<128x128xf32, #tpu.memory_space<vmem>>) target(%dma_start3A_22 : memref<128x128xf32, #tpu.memory_space<hbm>>) target_semaphore(%run_scoped3A : memref<!tpu.dma_semaphore, #tpu.memory_space<semaphore_mem>>)
        %dma_wait3A_23 = arith.constant 0 : i32
        %dma_wait3A_24 = tpu.memref_slice %arg4[%add3A_14, %dma_wait3A_23] : memref<331776x128xf32, #tpu.memory_space<hbm>> -> memref<128x128xf32, #tpu.memory_space<hbm>>
        %dma_wait3A_25 = arith.constant 0 : i32
        %dma_wait3A_26 = tpu.memref_slice %arg4[%add3A_14, %dma_wait3A_25] : memref<331776x128xf32, #tpu.memory_space<hbm>> -> memref<128x128xf32, #tpu.memory_space<hbm>>
        tpu.wait_dma2 semaphore(%run_scoped3A : memref<!tpu.dma_semaphore, #tpu.memory_space<semaphore_mem>>) src(%arg6 : memref<128x128xf32, #tpu.memory_space<vmem>>) dst(%dma_wait3A_26 : memref<128x128xf32, #tpu.memory_space<hbm>>)
        tpu.yield
      }) : () -> ()
    }
    %scan3A_6 = arith.constant 81 : i32
    return
  }
}

#map = affine_map<(d0, d1) -> (0, 0, 0)>
#map1 = affine_map<(d0, d1) -> (0)>
#map2 = affine_map<(d0, d1) -> (0, 0)>
#map3 = affine_map<(d0, d1) -> (0, 0, 0, 0)>
module attributes {stable_mosaic.version = 14 : i64} {
  func.func @k(%arg0: i32, %arg1: i32, %arg2: memref<4x331776x128xf32, #tpu.memory_space<hbm>>, %arg3: memref<331776xi32, #tpu.memory_space<hbm>>, %arg4: memref<10240x128xf32, #tpu.memory_space<hbm>>, %arg5: memref<2x4x10240x128xf32, #tpu.memory_space<hbm>>, %arg6: memref<128xi32, #tpu.memory_space<vmem>>, %arg7: memref<128x128xf32, #tpu.memory_space<vmem>>, %arg8: memref<10240x128xf32, #tpu.memory_space<vmem_shared>>) attributes {dimension_semantics = [#tpu.dimension_semantics<core_parallel>, #tpu.dimension_semantics<subcore_parallel>], iteration_bounds = array<i64: 2, 16>, scalar_prefetch = 0 : i64, scratch_operands = 3 : i64, tpu.core_type = #tpu.core_type<sc_vector_subcore>, window_params = [{transform_indices = #map}, {transform_indices = #map1}, {transform_indices = #map2}, {transform_indices = #map3}]} {
    %mul3A = arith.constant 2 : i32
    %mul3A_0 = arith.muli %arg1, %mul3A : i32
    %add3A = arith.addi %mul3A_0, %arg0 : i32
    %mul3A_1 = arith.constant 10368 : i32
    %mul3A_2 = arith.muli %add3A, %mul3A_1 : i32
    %eq3A = arith.constant 0 : i32
    %eq3A_3 = arith.cmpi eq, %arg1, %eq3A : i32
    %convert_element_type3A = arith.extui %eq3A_3 : i1 to i32
    %cond3A = arith.constant 0 : i32
    %cond3A_4 = arith.cmpi ne, %convert_element_type3A, %cond3A : i32
    scf.if %cond3A_4 {
      "tpu.region"() ({
        %run_scoped3A = tpu.sem_alloc : memref<!tpu.dma_semaphore, #tpu.memory_space<semaphore_mem>>
        tpu.enqueue_dma source(%arg4 : memref<10240x128xf32, #tpu.memory_space<hbm>>) target(%arg8 : memref<10240x128xf32, #tpu.memory_space<vmem_shared>>) target_semaphore(%run_scoped3A : memref<!tpu.dma_semaphore, #tpu.memory_space<semaphore_mem>>)
        tpu.wait_dma2 semaphore(%run_scoped3A : memref<!tpu.dma_semaphore, #tpu.memory_space<semaphore_mem>>) src(%arg4 : memref<10240x128xf32, #tpu.memory_space<hbm>>) dst(%arg8 : memref<10240x128xf32, #tpu.memory_space<vmem_shared>>)
        tpu.yield
      }) : () -> ()
    } else {
    }
    %barrier3A = arith.constant 0 : index
    tpu.barrier barrier_id(%barrier3A)
    %scan3A = arith.constant 0 : i32
    %scan3A_5 = arith.constant 81 : i32
    %scan3A_6 = arith.addi %scan3A, %scan3A_5 : i32
    %scan3A_7 = arith.constant 1 : i32
    scf.for %scan3A_70 = %scan3A to %scan3A_6 step %scan3A_7  : i32 {
      %mul3A_71 = arith.constant 1 : i32
      %mul3A_72 = arith.muli %scan3A_70, %mul3A_71 : i32
      %add3A_73 = arith.constant 0 : i32
      %add3A_74 = arith.addi %add3A_73, %mul3A_72 : i32
      %mul3A_75 = arith.constant 128 : i32
      %mul3A_76 = arith.muli %add3A_74, %mul3A_75 : i32
      %add3A_77 = arith.addi %mul3A_2, %mul3A_76 : i32
      "tpu.region"() ({
        %run_scoped3A_78 = tpu.sem_alloc : memref<!tpu.dma_semaphore, #tpu.memory_space<semaphore_mem>>
        %dma_start3A = tpu.memref_slice %arg3[%add3A_77] : memref<331776xi32, #tpu.memory_space<hbm>> -> memref<128xi32, #tpu.memory_space<hbm>>
        %dma_start3A_79 = tpu.memref_slice %arg3[%add3A_77] : memref<331776xi32, #tpu.memory_space<hbm>> -> memref<128xi32, #tpu.memory_space<hbm>>
        tpu.enqueue_dma source(%dma_start3A_79 : memref<128xi32, #tpu.memory_space<hbm>>) target(%arg6 : memref<128xi32, #tpu.memory_space<vmem>>) target_semaphore(%run_scoped3A_78 : memref<!tpu.dma_semaphore, #tpu.memory_space<semaphore_mem>>)
        %dma_wait3A = tpu.memref_slice %arg3[%add3A_77] : memref<331776xi32, #tpu.memory_space<hbm>> -> memref<128xi32, #tpu.memory_space<hbm>>
        %dma_wait3A_80 = tpu.memref_slice %arg3[%add3A_77] : memref<331776xi32, #tpu.memory_space<hbm>> -> memref<128xi32, #tpu.memory_space<hbm>>
        tpu.wait_dma2 semaphore(%run_scoped3A_78 : memref<!tpu.dma_semaphore, #tpu.memory_space<semaphore_mem>>) src(%dma_wait3A_80 : memref<128xi32, #tpu.memory_space<hbm>>) dst(%arg6 : memref<128xi32, #tpu.memory_space<vmem>>)
        tpu.yield
      }) : () -> ()
      %run_scoped3A = arith.constant 0 : i32
      "tpu.region"() ({
        %run_scoped3A_78 = tpu.sem_alloc : memref<!tpu.dma_semaphore, #tpu.memory_space<semaphore_mem>>
        %dma_start3A = arith.constant 0 : i32
        %dma_start3A_79 = arith.constant 0 : i32
        %dma_start3A_80 = tpu.memref_slice %arg2[%run_scoped3A, %dma_start3A, %dma_start3A_79] : memref<4x331776x128xf32, #tpu.memory_space<hbm>> -> memref<1x331776x128xf32, #tpu.memory_space<hbm>>
        %dma_start3A_81 = tpu.memref_squeeze %dma_start3A_80 : memref<1x331776x128xf32, #tpu.memory_space<hbm>> -> memref<331776x128xf32, #tpu.memory_space<hbm>>
        %dma_start3A_82 = arith.constant 0 : i32
        %dma_start3A_83 = tpu.memref_slice %dma_start3A_81[%add3A_77, %dma_start3A_82] : memref<331776x128xf32, #tpu.memory_space<hbm>> -> memref<128x128xf32, #tpu.memory_space<hbm>>
        %dma_start3A_84 = arith.constant 0 : i32
        %dma_start3A_85 = arith.constant 0 : i32
        %dma_start3A_86 = tpu.memref_slice %arg2[%run_scoped3A, %dma_start3A_84, %dma_start3A_85] : memref<4x331776x128xf32, #tpu.memory_space<hbm>> -> memref<1x331776x128xf32, #tpu.memory_space<hbm>>
        %dma_start3A_87 = tpu.memref_squeeze %dma_start3A_86 : memref<1x331776x128xf32, #tpu.memory_space<hbm>> -> memref<331776x128xf32, #tpu.memory_space<hbm>>
        %dma_start3A_88 = arith.constant 0 : i32
        %dma_start3A_89 = tpu.memref_slice %dma_start3A_87[%add3A_77, %dma_start3A_88] : memref<331776x128xf32, #tpu.memory_space<hbm>> -> memref<128x128xf32, #tpu.memory_space<hbm>>
        tpu.enqueue_dma source(%dma_start3A_89 : memref<128x128xf32, #tpu.memory_space<hbm>>) target(%arg7 : memref<128x128xf32, #tpu.memory_space<vmem>>) target_semaphore(%run_scoped3A_78 : memref<!tpu.dma_semaphore, #tpu.memory_space<semaphore_mem>>)
        %dma_wait3A = arith.constant 0 : i32
        %dma_wait3A_90 = arith.constant 0 : i32
        %dma_wait3A_91 = tpu.memref_slice %arg2[%run_scoped3A, %dma_wait3A, %dma_wait3A_90] : memref<4x331776x128xf32, #tpu.memory_space<hbm>> -> memref<1x331776x128xf32, #tpu.memory_space<hbm>>
        %dma_wait3A_92 = tpu.memref_squeeze %dma_wait3A_91 : memref<1x331776x128xf32, #tpu.memory_space<hbm>> -> memref<331776x128xf32, #tpu.memory_space<hbm>>
        %dma_wait3A_93 = arith.constant 0 : i32
        %dma_wait3A_94 = tpu.memref_slice %dma_wait3A_92[%add3A_77, %dma_wait3A_93] : memref<331776x128xf32, #tpu.memory_space<hbm>> -> memref<128x128xf32, #tpu.memory_space<hbm>>
        %dma_wait3A_95 = arith.constant 0 : i32
        %dma_wait3A_96 = arith.constant 0 : i32
        %dma_wait3A_97 = tpu.memref_slice %arg2[%run_scoped3A, %dma_wait3A_95, %dma_wait3A_96] : memref<4x331776x128xf32, #tpu.memory_space<hbm>> -> memref<1x331776x128xf32, #tpu.memory_space<hbm>>
        %dma_wait3A_98 = tpu.memref_squeeze %dma_wait3A_97 : memref<1x331776x128xf32, #tpu.memory_space<hbm>> -> memref<331776x128xf32, #tpu.memory_space<hbm>>
        %dma_wait3A_99 = arith.constant 0 : i32
        %dma_wait3A_100 = tpu.memref_slice %dma_wait3A_98[%add3A_77, %dma_wait3A_99] : memref<331776x128xf32, #tpu.memory_space<hbm>> -> memref<128x128xf32, #tpu.memory_space<hbm>>
        tpu.wait_dma2 semaphore(%run_scoped3A_78 : memref<!tpu.dma_semaphore, #tpu.memory_space<semaphore_mem>>) src(%dma_wait3A_100 : memref<128x128xf32, #tpu.memory_space<hbm>>) dst(%arg7 : memref<128x128xf32, #tpu.memory_space<vmem>>)
        tpu.yield
      }) : () -> ()
      "tpu.region"() ({
        %run_scoped3A_78 = tpu.sem_alloc : memref<!tpu.dma_semaphore, #tpu.memory_space<semaphore_mem>>
        %dma_start3A = arith.constant 0 : i32
        %dma_start3A_79 = arith.constant 0 : i32
        %dma_start3A_80 = tpu.memref_slice %arg8[%dma_start3A, %dma_start3A_79] : memref<10240x128xf32, #tpu.memory_space<vmem_shared>> -> memref<10240x128xf32, #tpu.memory_space<vmem_shared>>
        tpu.enqueue_indirect_dma source(%arg7 : memref<128x128xf32, #tpu.memory_space<vmem>>) target(%dma_start3A_80 : memref<10240x128xf32, #tpu.memory_space<vmem_shared>>) offsets(%arg6 : memref<128xi32, #tpu.memory_space<vmem>>) semaphore(%run_scoped3A_78 : memref<!tpu.dma_semaphore, #tpu.memory_space<semaphore_mem>>) {add = true}
        %dma_wait3A = arith.constant 0 : i32
        %dma_wait3A_81 = arith.constant 0 : i32
        %dma_wait3A_82 = tpu.memref_slice %arg8[%dma_wait3A, %dma_wait3A_81] : memref<10240x128xf32, #tpu.memory_space<vmem_shared>> -> memref<10240x128xf32, #tpu.memory_space<vmem_shared>>
        tpu.wait_indirect_dma semaphore(%run_scoped3A_78 : memref<!tpu.dma_semaphore, #tpu.memory_space<semaphore_mem>>) src(%arg7 : memref<128x128xf32, #tpu.memory_space<vmem>>) dst(%dma_wait3A_82 : memref<10240x128xf32, #tpu.memory_space<vmem_shared>>)
        tpu.yield
      }) : () -> ()
    }
    %scan3A_8 = arith.constant 81 : i32
    %barrier3A_9 = arith.constant 0 : index
    tpu.barrier barrier_id(%barrier3A_9)
    %eq3A_10 = arith.constant 0 : i32
    %eq3A_11 = arith.cmpi eq, %arg1, %eq3A_10 : i32
    %convert_element_type3A_12 = arith.extui %eq3A_11 : i1 to i32
    %cond3A_13 = arith.constant 0 : i32
    %cond3A_14 = arith.cmpi ne, %convert_element_type3A_12, %cond3A_13 : i32
    scf.if %cond3A_14 {
      %run_scoped3A = arith.constant 0 : i32
      "tpu.region"() ({
        %run_scoped3A_70 = tpu.sem_alloc : memref<!tpu.dma_semaphore, #tpu.memory_space<semaphore_mem>>
        %dma_start3A = arith.constant 0 : i32
        %dma_start3A_71 = arith.constant 0 : i32
        %dma_start3A_72 = arith.constant 0 : i32
        %dma_start3A_73 = tpu.memref_slice %arg5[%arg0, %dma_start3A, %dma_start3A_71, %dma_start3A_72] : memref<2x4x10240x128xf32, #tpu.memory_space<hbm>> -> memref<1x4x10240x128xf32, #tpu.memory_space<hbm>>
        %dma_start3A_74 = tpu.memref_squeeze %dma_start3A_73 : memref<1x4x10240x128xf32, #tpu.memory_space<hbm>> -> memref<4x10240x128xf32, #tpu.memory_space<hbm>>
        %dma_start3A_75 = arith.constant 0 : i32
        %dma_start3A_76 = arith.constant 0 : i32
        %dma_start3A_77 = tpu.memref_slice %dma_start3A_74[%run_scoped3A, %dma_start3A_75, %dma_start3A_76] : memref<4x10240x128xf32, #tpu.memory_space<hbm>> -> memref<1x10240x128xf32, #tpu.memory_space<hbm>>
        %dma_start3A_78 = tpu.memref_squeeze %dma_start3A_77 : memref<1x10240x128xf32, #tpu.memory_space<hbm>> -> memref<10240x128xf32, #tpu.memory_space<hbm>>
        tpu.enqueue_dma source(%arg8 : memref<10240x128xf32, #tpu.memory_space<vmem_shared>>) target(%dma_start3A_78 : memref<10240x128xf32, #tpu.memory_space<hbm>>) target_semaphore(%run_scoped3A_70 : memref<!tpu.dma_semaphore, #tpu.memory_space<semaphore_mem>>)
        %dma_wait3A = arith.constant 0 : i32
        %dma_wait3A_79 = arith.constant 0 : i32
        %dma_wait3A_80 = arith.constant 0 : i32
        %dma_wait3A_81 = tpu.memref_slice %arg5[%arg0, %dma_wait3A, %dma_wait3A_79, %dma_wait3A_80] : memref<2x4x10240x128xf32, #tpu.memory_space<hbm>> -> memref<1x4x10240x128xf32, #tpu.memory_space<hbm>>
        %dma_wait3A_82 = tpu.memref_squeeze %dma_wait3A_81 : memref<1x4x10240x128xf32, #tpu.memory_space<hbm>> -> memref<4x10240x128xf32, #tpu.memory_space<hbm>>
        %dma_wait3A_83 = arith.constant 0 : i32
        %dma_wait3A_84 = arith.constant 0 : i32
        %dma_wait3A_85 = tpu.memref_slice %dma_wait3A_82[%run_scoped3A, %dma_wait3A_83, %dma_wait3A_84] : memref<4x10240x128xf32, #tpu.memory_space<hbm>> -> memref<1x10240x128xf32, #tpu.memory_space<hbm>>
        %dma_wait3A_86 = tpu.memref_squeeze %dma_wait3A_85 : memref<1x10240x128xf32, #tpu.memory_space<hbm>> -> memref<10240x128xf32, #tpu.memory_space<hbm>>
        tpu.wait_dma2 semaphore(%run_scoped3A_70 : memref<!tpu.dma_semaphore, #tpu.memory_space<semaphore_mem>>) src(%arg8 : memref<10240x128xf32, #tpu.memory_space<vmem_shared>>) dst(%dma_wait3A_86 : memref<10240x128xf32, #tpu.memory_space<hbm>>)
        tpu.yield
      }) : () -> ()
    } else {
    }
    %barrier3A_15 = arith.constant 0 : index
    tpu.barrier barrier_id(%barrier3A_15)
    %eq3A_16 = arith.constant 0 : i32
    %eq3A_17 = arith.cmpi eq, %arg1, %eq3A_16 : i32
    %convert_element_type3A_18 = arith.extui %eq3A_17 : i1 to i32
    %cond3A_19 = arith.constant 0 : i32
    %cond3A_20 = arith.cmpi ne, %convert_element_type3A_18, %cond3A_19 : i32
    scf.if %cond3A_20 {
      "tpu.region"() ({
        %run_scoped3A = tpu.sem_alloc : memref<!tpu.dma_semaphore, #tpu.memory_space<semaphore_mem>>
        tpu.enqueue_dma source(%arg4 : memref<10240x128xf32, #tpu.memory_space<hbm>>) target(%arg8 : memref<10240x128xf32, #tpu.memory_space<vmem_shared>>) target_semaphore(%run_scoped3A : memref<!tpu.dma_semaphore, #tpu.memory_space<semaphore_mem>>)
        tpu.wait_dma2 semaphore(%run_scoped3A : memref<!tpu.dma_semaphore, #tpu.memory_space<semaphore_mem>>) src(%arg4 : memref<10240x128xf32, #tpu.memory_space<hbm>>) dst(%arg8 : memref<10240x128xf32, #tpu.memory_space<vmem_shared>>)
        tpu.yield
      }) : () -> ()
    } else {
    }
    %barrier3A_21 = arith.constant 0 : index
    tpu.barrier barrier_id(%barrier3A_21)
    %scan3A_22 = arith.constant 0 : i32
    %scan3A_23 = arith.constant 81 : i32
    %scan3A_24 = arith.addi %scan3A_22, %scan3A_23 : i32
    %scan3A_25 = arith.constant 1 : i32
    scf.for %scan3A_70 = %scan3A_22 to %scan3A_24 step %scan3A_25  : i32 {
      %mul3A_71 = arith.constant 1 : i32
      %mul3A_72 = arith.muli %scan3A_70, %mul3A_71 : i32
      %add3A_73 = arith.constant 0 : i32
      %add3A_74 = arith.addi %add3A_73, %mul3A_72 : i32
      %mul3A_75 = arith.constant 128 : i32
      %mul3A_76 = arith.muli %add3A_74, %mul3A_75 : i32
      %add3A_77 = arith.addi %mul3A_2, %mul3A_76 : i32
      "tpu.region"() ({
        %run_scoped3A_78 = tpu.sem_alloc : memref<!tpu.dma_semaphore, #tpu.memory_space<semaphore_mem>>
        %dma_start3A = tpu.memref_slice %arg3[%add3A_77] : memref<331776xi32, #tpu.memory_space<hbm>> -> memref<128xi32, #tpu.memory_space<hbm>>
        %dma_start3A_79 = tpu.memref_slice %arg3[%add3A_77] : memref<331776xi32, #tpu.memory_space<hbm>> -> memref<128xi32, #tpu.memory_space<hbm>>
        tpu.enqueue_dma source(%dma_start3A_79 : memref<128xi32, #tpu.memory_space<hbm>>) target(%arg6 : memref<128xi32, #tpu.memory_space<vmem>>) target_semaphore(%run_scoped3A_78 : memref<!tpu.dma_semaphore, #tpu.memory_space<semaphore_mem>>)
        %dma_wait3A = tpu.memref_slice %arg3[%add3A_77] : memref<331776xi32, #tpu.memory_space<hbm>> -> memref<128xi32, #tpu.memory_space<hbm>>
        %dma_wait3A_80 = tpu.memref_slice %arg3[%add3A_77] : memref<331776xi32, #tpu.memory_space<hbm>> -> memref<128xi32, #tpu.memory_space<hbm>>
        tpu.wait_dma2 semaphore(%run_scoped3A_78 : memref<!tpu.dma_semaphore, #tpu.memory_space<semaphore_mem>>) src(%dma_wait3A_80 : memref<128xi32, #tpu.memory_space<hbm>>) dst(%arg6 : memref<128xi32, #tpu.memory_space<vmem>>)
        tpu.yield
      }) : () -> ()
      %run_scoped3A = arith.constant 1 : i32
      "tpu.region"() ({
        %run_scoped3A_78 = tpu.sem_alloc : memref<!tpu.dma_semaphore, #tpu.memory_space<semaphore_mem>>
        %dma_start3A = arith.constant 0 : i32
        %dma_start3A_79 = arith.constant 0 : i32
        %dma_start3A_80 = tpu.memref_slice %arg2[%run_scoped3A, %dma_start3A, %dma_start3A_79] : memref<4x331776x128xf32, #tpu.memory_space<hbm>> -> memref<1x331776x128xf32, #tpu.memory_space<hbm>>
        %dma_start3A_81 = tpu.memref_squeeze %dma_start3A_80 : memref<1x331776x128xf32, #tpu.memory_space<hbm>> -> memref<331776x128xf32, #tpu.memory_space<hbm>>
        %dma_start3A_82 = arith.constant 0 : i32
        %dma_start3A_83 = tpu.memref_slice %dma_start3A_81[%add3A_77, %dma_start3A_82] : memref<331776x128xf32, #tpu.memory_space<hbm>> -> memref<128x128xf32, #tpu.memory_space<hbm>>
        %dma_start3A_84 = arith.constant 0 : i32
        %dma_start3A_85 = arith.constant 0 : i32
        %dma_start3A_86 = tpu.memref_slice %arg2[%run_scoped3A, %dma_start3A_84, %dma_start3A_85] : memref<4x331776x128xf32, #tpu.memory_space<hbm>> -> memref<1x331776x128xf32, #tpu.memory_space<hbm>>
        %dma_start3A_87 = tpu.memref_squeeze %dma_start3A_86 : memref<1x331776x128xf32, #tpu.memory_space<hbm>> -> memref<331776x128xf32, #tpu.memory_space<hbm>>
        %dma_start3A_88 = arith.constant 0 : i32
        %dma_start3A_89 = tpu.memref_slice %dma_start3A_87[%add3A_77, %dma_start3A_88] : memref<331776x128xf32, #tpu.memory_space<hbm>> -> memref<128x128xf32, #tpu.memory_space<hbm>>
        tpu.enqueue_dma source(%dma_start3A_89 : memref<128x128xf32, #tpu.memory_space<hbm>>) target(%arg7 : memref<128x128xf32, #tpu.memory_space<vmem>>) target_semaphore(%run_scoped3A_78 : memref<!tpu.dma_semaphore, #tpu.memory_space<semaphore_mem>>)
        %dma_wait3A = arith.constant 0 : i32
        %dma_wait3A_90 = arith.constant 0 : i32
        %dma_wait3A_91 = tpu.memref_slice %arg2[%run_scoped3A, %dma_wait3A, %dma_wait3A_90] : memref<4x331776x128xf32, #tpu.memory_space<hbm>> -> memref<1x331776x128xf32, #tpu.memory_space<hbm>>
        %dma_wait3A_92 = tpu.memref_squeeze %dma_wait3A_91 : memref<1x331776x128xf32, #tpu.memory_space<hbm>> -> memref<331776x128xf32, #tpu.memory_space<hbm>>
        %dma_wait3A_93 = arith.constant 0 : i32
        %dma_wait3A_94 = tpu.memref_slice %dma_wait3A_92[%add3A_77, %dma_wait3A_93] : memref<331776x128xf32, #tpu.memory_space<hbm>> -> memref<128x128xf32, #tpu.memory_space<hbm>>
        %dma_wait3A_95 = arith.constant 0 : i32
        %dma_wait3A_96 = arith.constant 0 : i32
        %dma_wait3A_97 = tpu.memref_slice %arg2[%run_scoped3A, %dma_wait3A_95, %dma_wait3A_96] : memref<4x331776x128xf32, #tpu.memory_space<hbm>> -> memref<1x331776x128xf32, #tpu.memory_space<hbm>>
        %dma_wait3A_98 = tpu.memref_squeeze %dma_wait3A_97 : memref<1x331776x128xf32, #tpu.memory_space<hbm>> -> memref<331776x128xf32, #tpu.memory_space<hbm>>
        %dma_wait3A_99 = arith.constant 0 : i32
        %dma_wait3A_100 = tpu.memref_slice %dma_wait3A_98[%add3A_77, %dma_wait3A_99] : memref<331776x128xf32, #tpu.memory_space<hbm>> -> memref<128x128xf32, #tpu.memory_space<hbm>>
        tpu.wait_dma2 semaphore(%run_scoped3A_78 : memref<!tpu.dma_semaphore, #tpu.memory_space<semaphore_mem>>) src(%dma_wait3A_100 : memref<128x128xf32, #tpu.memory_space<hbm>>) dst(%arg7 : memref<128x128xf32, #tpu.memory_space<vmem>>)
        tpu.yield
      }) : () -> ()
      "tpu.region"() ({
        %run_scoped3A_78 = tpu.sem_alloc : memref<!tpu.dma_semaphore, #tpu.memory_space<semaphore_mem>>
        %dma_start3A = arith.constant 0 : i32
        %dma_start3A_79 = arith.constant 0 : i32
        %dma_start3A_80 = tpu.memref_slice %arg8[%dma_start3A, %dma_start3A_79] : memref<10240x128xf32, #tpu.memory_space<vmem_shared>> -> memref<10240x128xf32, #tpu.memory_space<vmem_shared>>
        tpu.enqueue_indirect_dma source(%arg7 : memref<128x128xf32, #tpu.memory_space<vmem>>) target(%dma_start3A_80 : memref<10240x128xf32, #tpu.memory_space<vmem_shared>>) offsets(%arg6 : memref<128xi32, #tpu.memory_space<vmem>>) semaphore(%run_scoped3A_78 : memref<!tpu.dma_semaphore, #tpu.memory_space<semaphore_mem>>) {add = true}
        %dma_wait3A = arith.constant 0 : i32
        %dma_wait3A_81 = arith.constant 0 : i32
        %dma_wait3A_82 = tpu.memref_slice %arg8[%dma_wait3A, %dma_wait3A_81] : memref<10240x128xf32, #tpu.memory_space<vmem_shared>> -> memref<10240x128xf32, #tpu.memory_space<vmem_shared>>
        tpu.wait_indirect_dma semaphore(%run_scoped3A_78 : memref<!tpu.dma_semaphore, #tpu.memory_space<semaphore_mem>>) src(%arg7 : memref<128x128xf32, #tpu.memory_space<vmem>>) dst(%dma_wait3A_82 : memref<10240x128xf32, #tpu.memory_space<vmem_shared>>)
        tpu.yield
      }) : () -> ()
    }
    %scan3A_26 = arith.constant 81 : i32
    %barrier3A_27 = arith.constant 0 : index
    tpu.barrier barrier_id(%barrier3A_27)
    %eq3A_28 = arith.constant 0 : i32
    %eq3A_29 = arith.cmpi eq, %arg1, %eq3A_28 : i32
    %convert_element_type3A_30 = arith.extui %eq3A_29 : i1 to i32
    %cond3A_31 = arith.constant 0 : i32
    %cond3A_32 = arith.cmpi ne, %convert_element_type3A_30, %cond3A_31 : i32
    scf.if %cond3A_32 {
      %run_scoped3A = arith.constant 1 : i32
      "tpu.region"() ({
        %run_scoped3A_70 = tpu.sem_alloc : memref<!tpu.dma_semaphore, #tpu.memory_space<semaphore_mem>>
        %dma_start3A = arith.constant 0 : i32
        %dma_start3A_71 = arith.constant 0 : i32
        %dma_start3A_72 = arith.constant 0 : i32
        %dma_start3A_73 = tpu.memref_slice %arg5[%arg0, %dma_start3A, %dma_start3A_71, %dma_start3A_72] : memref<2x4x10240x128xf32, #tpu.memory_space<hbm>> -> memref<1x4x10240x128xf32, #tpu.memory_space<hbm>>
        %dma_start3A_74 = tpu.memref_squeeze %dma_start3A_73 : memref<1x4x10240x128xf32, #tpu.memory_space<hbm>> -> memref<4x10240x128xf32, #tpu.memory_space<hbm>>
        %dma_start3A_75 = arith.constant 0 : i32
        %dma_start3A_76 = arith.constant 0 : i32
        %dma_start3A_77 = tpu.memref_slice %dma_start3A_74[%run_scoped3A, %dma_start3A_75, %dma_start3A_76] : memref<4x10240x128xf32, #tpu.memory_space<hbm>> -> memref<1x10240x128xf32, #tpu.memory_space<hbm>>
        %dma_start3A_78 = tpu.memref_squeeze %dma_start3A_77 : memref<1x10240x128xf32, #tpu.memory_space<hbm>> -> memref<10240x128xf32, #tpu.memory_space<hbm>>
        tpu.enqueue_dma source(%arg8 : memref<10240x128xf32, #tpu.memory_space<vmem_shared>>) target(%dma_start3A_78 : memref<10240x128xf32, #tpu.memory_space<hbm>>) target_semaphore(%run_scoped3A_70 : memref<!tpu.dma_semaphore, #tpu.memory_space<semaphore_mem>>)
        %dma_wait3A = arith.constant 0 : i32
        %dma_wait3A_79 = arith.constant 0 : i32
        %dma_wait3A_80 = arith.constant 0 : i32
        %dma_wait3A_81 = tpu.memref_slice %arg5[%arg0, %dma_wait3A, %dma_wait3A_79, %dma_wait3A_80] : memref<2x4x10240x128xf32, #tpu.memory_space<hbm>> -> memref<1x4x10240x128xf32, #tpu.memory_space<hbm>>
        %dma_wait3A_82 = tpu.memref_squeeze %dma_wait3A_81 : memref<1x4x10240x128xf32, #tpu.memory_space<hbm>> -> memref<4x10240x128xf32, #tpu.memory_space<hbm>>
        %dma_wait3A_83 = arith.constant 0 : i32
        %dma_wait3A_84 = arith.constant 0 : i32
        %dma_wait3A_85 = tpu.memref_slice %dma_wait3A_82[%run_scoped3A, %dma_wait3A_83, %dma_wait3A_84] : memref<4x10240x128xf32, #tpu.memory_space<hbm>> -> memref<1x10240x128xf32, #tpu.memory_space<hbm>>
        %dma_wait3A_86 = tpu.memref_squeeze %dma_wait3A_85 : memref<1x10240x128xf32, #tpu.memory_space<hbm>> -> memref<10240x128xf32, #tpu.memory_space<hbm>>
        tpu.wait_dma2 semaphore(%run_scoped3A_70 : memref<!tpu.dma_semaphore, #tpu.memory_space<semaphore_mem>>) src(%arg8 : memref<10240x128xf32, #tpu.memory_space<vmem_shared>>) dst(%dma_wait3A_86 : memref<10240x128xf32, #tpu.memory_space<hbm>>)
        tpu.yield
      }) : () -> ()
    } else {
    }
    %barrier3A_33 = arith.constant 0 : index
    tpu.barrier barrier_id(%barrier3A_33)
    %eq3A_34 = arith.constant 0 : i32
    %eq3A_35 = arith.cmpi eq, %arg1, %eq3A_34 : i32
    %convert_element_type3A_36 = arith.extui %eq3A_35 : i1 to i32
    %cond3A_37 = arith.constant 0 : i32
    %cond3A_38 = arith.cmpi ne, %convert_element_type3A_36, %cond3A_37 : i32
    scf.if %cond3A_38 {
      "tpu.region"() ({
        %run_scoped3A = tpu.sem_alloc : memref<!tpu.dma_semaphore, #tpu.memory_space<semaphore_mem>>
        tpu.enqueue_dma source(%arg4 : memref<10240x128xf32, #tpu.memory_space<hbm>>) target(%arg8 : memref<10240x128xf32, #tpu.memory_space<vmem_shared>>) target_semaphore(%run_scoped3A : memref<!tpu.dma_semaphore, #tpu.memory_space<semaphore_mem>>)
        tpu.wait_dma2 semaphore(%run_scoped3A : memref<!tpu.dma_semaphore, #tpu.memory_space<semaphore_mem>>) src(%arg4 : memref<10240x128xf32, #tpu.memory_space<hbm>>) dst(%arg8 : memref<10240x128xf32, #tpu.memory_space<vmem_shared>>)
        tpu.yield
      }) : () -> ()
    } else {
    }
    %barrier3A_39 = arith.constant 0 : index
    tpu.barrier barrier_id(%barrier3A_39)
    %scan3A_40 = arith.constant 0 : i32
    %scan3A_41 = arith.constant 81 : i32
    %scan3A_42 = arith.addi %scan3A_40, %scan3A_41 : i32
    %scan3A_43 = arith.constant 1 : i32
    scf.for %scan3A_70 = %scan3A_40 to %scan3A_42 step %scan3A_43  : i32 {
      %mul3A_71 = arith.constant 1 : i32
      %mul3A_72 = arith.muli %scan3A_70, %mul3A_71 : i32
      %add3A_73 = arith.constant 0 : i32
      %add3A_74 = arith.addi %add3A_73, %mul3A_72 : i32
      %mul3A_75 = arith.constant 128 : i32
      %mul3A_76 = arith.muli %add3A_74, %mul3A_75 : i32
      %add3A_77 = arith.addi %mul3A_2, %mul3A_76 : i32
      "tpu.region"() ({
        %run_scoped3A_78 = tpu.sem_alloc : memref<!tpu.dma_semaphore, #tpu.memory_space<semaphore_mem>>
        %dma_start3A = tpu.memref_slice %arg3[%add3A_77] : memref<331776xi32, #tpu.memory_space<hbm>> -> memref<128xi32, #tpu.memory_space<hbm>>
        %dma_start3A_79 = tpu.memref_slice %arg3[%add3A_77] : memref<331776xi32, #tpu.memory_space<hbm>> -> memref<128xi32, #tpu.memory_space<hbm>>
        tpu.enqueue_dma source(%dma_start3A_79 : memref<128xi32, #tpu.memory_space<hbm>>) target(%arg6 : memref<128xi32, #tpu.memory_space<vmem>>) target_semaphore(%run_scoped3A_78 : memref<!tpu.dma_semaphore, #tpu.memory_space<semaphore_mem>>)
        %dma_wait3A = tpu.memref_slice %arg3[%add3A_77] : memref<331776xi32, #tpu.memory_space<hbm>> -> memref<128xi32, #tpu.memory_space<hbm>>
        %dma_wait3A_80 = tpu.memref_slice %arg3[%add3A_77] : memref<331776xi32, #tpu.memory_space<hbm>> -> memref<128xi32, #tpu.memory_space<hbm>>
        tpu.wait_dma2 semaphore(%run_scoped3A_78 : memref<!tpu.dma_semaphore, #tpu.memory_space<semaphore_mem>>) src(%dma_wait3A_80 : memref<128xi32, #tpu.memory_space<hbm>>) dst(%arg6 : memref<128xi32, #tpu.memory_space<vmem>>)
        tpu.yield
      }) : () -> ()
      %run_scoped3A = arith.constant 2 : i32
      "tpu.region"() ({
        %run_scoped3A_78 = tpu.sem_alloc : memref<!tpu.dma_semaphore, #tpu.memory_space<semaphore_mem>>
        %dma_start3A = arith.constant 0 : i32
        %dma_start3A_79 = arith.constant 0 : i32
        %dma_start3A_80 = tpu.memref_slice %arg2[%run_scoped3A, %dma_start3A, %dma_start3A_79] : memref<4x331776x128xf32, #tpu.memory_space<hbm>> -> memref<1x331776x128xf32, #tpu.memory_space<hbm>>
        %dma_start3A_81 = tpu.memref_squeeze %dma_start3A_80 : memref<1x331776x128xf32, #tpu.memory_space<hbm>> -> memref<331776x128xf32, #tpu.memory_space<hbm>>
        %dma_start3A_82 = arith.constant 0 : i32
        %dma_start3A_83 = tpu.memref_slice %dma_start3A_81[%add3A_77, %dma_start3A_82] : memref<331776x128xf32, #tpu.memory_space<hbm>> -> memref<128x128xf32, #tpu.memory_space<hbm>>
        %dma_start3A_84 = arith.constant 0 : i32
        %dma_start3A_85 = arith.constant 0 : i32
        %dma_start3A_86 = tpu.memref_slice %arg2[%run_scoped3A, %dma_start3A_84, %dma_start3A_85] : memref<4x331776x128xf32, #tpu.memory_space<hbm>> -> memref<1x331776x128xf32, #tpu.memory_space<hbm>>
        %dma_start3A_87 = tpu.memref_squeeze %dma_start3A_86 : memref<1x331776x128xf32, #tpu.memory_space<hbm>> -> memref<331776x128xf32, #tpu.memory_space<hbm>>
        %dma_start3A_88 = arith.constant 0 : i32
        %dma_start3A_89 = tpu.memref_slice %dma_start3A_87[%add3A_77, %dma_start3A_88] : memref<331776x128xf32, #tpu.memory_space<hbm>> -> memref<128x128xf32, #tpu.memory_space<hbm>>
        tpu.enqueue_dma source(%dma_start3A_89 : memref<128x128xf32, #tpu.memory_space<hbm>>) target(%arg7 : memref<128x128xf32, #tpu.memory_space<vmem>>) target_semaphore(%run_scoped3A_78 : memref<!tpu.dma_semaphore, #tpu.memory_space<semaphore_mem>>)
        %dma_wait3A = arith.constant 0 : i32
        %dma_wait3A_90 = arith.constant 0 : i32
        %dma_wait3A_91 = tpu.memref_slice %arg2[%run_scoped3A, %dma_wait3A, %dma_wait3A_90] : memref<4x331776x128xf32, #tpu.memory_space<hbm>> -> memref<1x331776x128xf32, #tpu.memory_space<hbm>>
        %dma_wait3A_92 = tpu.memref_squeeze %dma_wait3A_91 : memref<1x331776x128xf32, #tpu.memory_space<hbm>> -> memref<331776x128xf32, #tpu.memory_space<hbm>>
        %dma_wait3A_93 = arith.constant 0 : i32
        %dma_wait3A_94 = tpu.memref_slice %dma_wait3A_92[%add3A_77, %dma_wait3A_93] : memref<331776x128xf32, #tpu.memory_space<hbm>> -> memref<128x128xf32, #tpu.memory_space<hbm>>
        %dma_wait3A_95 = arith.constant 0 : i32
        %dma_wait3A_96 = arith.constant 0 : i32
        %dma_wait3A_97 = tpu.memref_slice %arg2[%run_scoped3A, %dma_wait3A_95, %dma_wait3A_96] : memref<4x331776x128xf32, #tpu.memory_space<hbm>> -> memref<1x331776x128xf32, #tpu.memory_space<hbm>>
        %dma_wait3A_98 = tpu.memref_squeeze %dma_wait3A_97 : memref<1x331776x128xf32, #tpu.memory_space<hbm>> -> memref<331776x128xf32, #tpu.memory_space<hbm>>
        %dma_wait3A_99 = arith.constant 0 : i32
        %dma_wait3A_100 = tpu.memref_slice %dma_wait3A_98[%add3A_77, %dma_wait3A_99] : memref<331776x128xf32, #tpu.memory_space<hbm>> -> memref<128x128xf32, #tpu.memory_space<hbm>>
        tpu.wait_dma2 semaphore(%run_scoped3A_78 : memref<!tpu.dma_semaphore, #tpu.memory_space<semaphore_mem>>) src(%dma_wait3A_100 : memref<128x128xf32, #tpu.memory_space<hbm>>) dst(%arg7 : memref<128x128xf32, #tpu.memory_space<vmem>>)
        tpu.yield
      }) : () -> ()
      "tpu.region"() ({
        %run_scoped3A_78 = tpu.sem_alloc : memref<!tpu.dma_semaphore, #tpu.memory_space<semaphore_mem>>
        %dma_start3A = arith.constant 0 : i32
        %dma_start3A_79 = arith.constant 0 : i32
        %dma_start3A_80 = tpu.memref_slice %arg8[%dma_start3A, %dma_start3A_79] : memref<10240x128xf32, #tpu.memory_space<vmem_shared>> -> memref<10240x128xf32, #tpu.memory_space<vmem_shared>>
        tpu.enqueue_indirect_dma source(%arg7 : memref<128x128xf32, #tpu.memory_space<vmem>>) target(%dma_start3A_80 : memref<10240x128xf32, #tpu.memory_space<vmem_shared>>) offsets(%arg6 : memref<128xi32, #tpu.memory_space<vmem>>) semaphore(%run_scoped3A_78 : memref<!tpu.dma_semaphore, #tpu.memory_space<semaphore_mem>>) {add = true}
        %dma_wait3A = arith.constant 0 : i32
        %dma_wait3A_81 = arith.constant 0 : i32
        %dma_wait3A_82 = tpu.memref_slice %arg8[%dma_wait3A, %dma_wait3A_81] : memref<10240x128xf32, #tpu.memory_space<vmem_shared>> -> memref<10240x128xf32, #tpu.memory_space<vmem_shared>>
        tpu.wait_indirect_dma semaphore(%run_scoped3A_78 : memref<!tpu.dma_semaphore, #tpu.memory_space<semaphore_mem>>) src(%arg7 : memref<128x128xf32, #tpu.memory_space<vmem>>) dst(%dma_wait3A_82 : memref<10240x128xf32, #tpu.memory_space<vmem_shared>>)
        tpu.yield
      }) : () -> ()
    }
    %scan3A_44 = arith.constant 81 : i32
    %barrier3A_45 = arith.constant 0 : index
    tpu.barrier barrier_id(%barrier3A_45)
    %eq3A_46 = arith.constant 0 : i32
    %eq3A_47 = arith.cmpi eq, %arg1, %eq3A_46 : i32
    %convert_element_type3A_48 = arith.extui %eq3A_47 : i1 to i32
    %cond3A_49 = arith.constant 0 : i32
    %cond3A_50 = arith.cmpi ne, %convert_element_type3A_48, %cond3A_49 : i32
    scf.if %cond3A_50 {
      %run_scoped3A = arith.constant 2 : i32
      "tpu.region"() ({
        %run_scoped3A_70 = tpu.sem_alloc : memref<!tpu.dma_semaphore, #tpu.memory_space<semaphore_mem>>
        %dma_start3A = arith.constant 0 : i32
        %dma_start3A_71 = arith.constant 0 : i32
        %dma_start3A_72 = arith.constant 0 : i32
        %dma_start3A_73 = tpu.memref_slice %arg5[%arg0, %dma_start3A, %dma_start3A_71, %dma_start3A_72] : memref<2x4x10240x128xf32, #tpu.memory_space<hbm>> -> memref<1x4x10240x128xf32, #tpu.memory_space<hbm>>
        %dma_start3A_74 = tpu.memref_squeeze %dma_start3A_73 : memref<1x4x10240x128xf32, #tpu.memory_space<hbm>> -> memref<4x10240x128xf32, #tpu.memory_space<hbm>>
        %dma_start3A_75 = arith.constant 0 : i32
        %dma_start3A_76 = arith.constant 0 : i32
        %dma_start3A_77 = tpu.memref_slice %dma_start3A_74[%run_scoped3A, %dma_start3A_75, %dma_start3A_76] : memref<4x10240x128xf32, #tpu.memory_space<hbm>> -> memref<1x10240x128xf32, #tpu.memory_space<hbm>>
        %dma_start3A_78 = tpu.memref_squeeze %dma_start3A_77 : memref<1x10240x128xf32, #tpu.memory_space<hbm>> -> memref<10240x128xf32, #tpu.memory_space<hbm>>
        tpu.enqueue_dma source(%arg8 : memref<10240x128xf32, #tpu.memory_space<vmem_shared>>) target(%dma_start3A_78 : memref<10240x128xf32, #tpu.memory_space<hbm>>) target_semaphore(%run_scoped3A_70 : memref<!tpu.dma_semaphore, #tpu.memory_space<semaphore_mem>>)
        %dma_wait3A = arith.constant 0 : i32
        %dma_wait3A_79 = arith.constant 0 : i32
        %dma_wait3A_80 = arith.constant 0 : i32
        %dma_wait3A_81 = tpu.memref_slice %arg5[%arg0, %dma_wait3A, %dma_wait3A_79, %dma_wait3A_80] : memref<2x4x10240x128xf32, #tpu.memory_space<hbm>> -> memref<1x4x10240x128xf32, #tpu.memory_space<hbm>>
        %dma_wait3A_82 = tpu.memref_squeeze %dma_wait3A_81 : memref<1x4x10240x128xf32, #tpu.memory_space<hbm>> -> memref<4x10240x128xf32, #tpu.memory_space<hbm>>
        %dma_wait3A_83 = arith.constant 0 : i32
        %dma_wait3A_84 = arith.constant 0 : i32
        %dma_wait3A_85 = tpu.memref_slice %dma_wait3A_82[%run_scoped3A, %dma_wait3A_83, %dma_wait3A_84] : memref<4x10240x128xf32, #tpu.memory_space<hbm>> -> memref<1x10240x128xf32, #tpu.memory_space<hbm>>
        %dma_wait3A_86 = tpu.memref_squeeze %dma_wait3A_85 : memref<1x10240x128xf32, #tpu.memory_space<hbm>> -> memref<10240x128xf32, #tpu.memory_space<hbm>>
        tpu.wait_dma2 semaphore(%run_scoped3A_70 : memref<!tpu.dma_semaphore, #tpu.memory_space<semaphore_mem>>) src(%arg8 : memref<10240x128xf32, #tpu.memory_space<vmem_shared>>) dst(%dma_wait3A_86 : memref<10240x128xf32, #tpu.memory_space<hbm>>)
        tpu.yield
      }) : () -> ()
    } else {
    }
    %barrier3A_51 = arith.constant 0 : index
    tpu.barrier barrier_id(%barrier3A_51)
    %eq3A_52 = arith.constant 0 : i32
    %eq3A_53 = arith.cmpi eq, %arg1, %eq3A_52 : i32
    %convert_element_type3A_54 = arith.extui %eq3A_53 : i1 to i32
    %cond3A_55 = arith.constant 0 : i32
    %cond3A_56 = arith.cmpi ne, %convert_element_type3A_54, %cond3A_55 : i32
    scf.if %cond3A_56 {
      "tpu.region"() ({
        %run_scoped3A = tpu.sem_alloc : memref<!tpu.dma_semaphore, #tpu.memory_space<semaphore_mem>>
        tpu.enqueue_dma source(%arg4 : memref<10240x128xf32, #tpu.memory_space<hbm>>) target(%arg8 : memref<10240x128xf32, #tpu.memory_space<vmem_shared>>) target_semaphore(%run_scoped3A : memref<!tpu.dma_semaphore, #tpu.memory_space<semaphore_mem>>)
        tpu.wait_dma2 semaphore(%run_scoped3A : memref<!tpu.dma_semaphore, #tpu.memory_space<semaphore_mem>>) src(%arg4 : memref<10240x128xf32, #tpu.memory_space<hbm>>) dst(%arg8 : memref<10240x128xf32, #tpu.memory_space<vmem_shared>>)
        tpu.yield
      }) : () -> ()
    } else {
    }
    %barrier3A_57 = arith.constant 0 : index
    tpu.barrier barrier_id(%barrier3A_57)
    %scan3A_58 = arith.constant 0 : i32
    %scan3A_59 = arith.constant 81 : i32
    %scan3A_60 = arith.addi %scan3A_58, %scan3A_59 : i32
    %scan3A_61 = arith.constant 1 : i32
    scf.for %scan3A_70 = %scan3A_58 to %scan3A_60 step %scan3A_61  : i32 {
      %mul3A_71 = arith.constant 1 : i32
      %mul3A_72 = arith.muli %scan3A_70, %mul3A_71 : i32
      %add3A_73 = arith.constant 0 : i32
      %add3A_74 = arith.addi %add3A_73, %mul3A_72 : i32
      %mul3A_75 = arith.constant 128 : i32
      %mul3A_76 = arith.muli %add3A_74, %mul3A_75 : i32
      %add3A_77 = arith.addi %mul3A_2, %mul3A_76 : i32
      "tpu.region"() ({
        %run_scoped3A_78 = tpu.sem_alloc : memref<!tpu.dma_semaphore, #tpu.memory_space<semaphore_mem>>
        %dma_start3A = tpu.memref_slice %arg3[%add3A_77] : memref<331776xi32, #tpu.memory_space<hbm>> -> memref<128xi32, #tpu.memory_space<hbm>>
        %dma_start3A_79 = tpu.memref_slice %arg3[%add3A_77] : memref<331776xi32, #tpu.memory_space<hbm>> -> memref<128xi32, #tpu.memory_space<hbm>>
        tpu.enqueue_dma source(%dma_start3A_79 : memref<128xi32, #tpu.memory_space<hbm>>) target(%arg6 : memref<128xi32, #tpu.memory_space<vmem>>) target_semaphore(%run_scoped3A_78 : memref<!tpu.dma_semaphore, #tpu.memory_space<semaphore_mem>>)
        %dma_wait3A = tpu.memref_slice %arg3[%add3A_77] : memref<331776xi32, #tpu.memory_space<hbm>> -> memref<128xi32, #tpu.memory_space<hbm>>
        %dma_wait3A_80 = tpu.memref_slice %arg3[%add3A_77] : memref<331776xi32, #tpu.memory_space<hbm>> -> memref<128xi32, #tpu.memory_space<hbm>>
        tpu.wait_dma2 semaphore(%run_scoped3A_78 : memref<!tpu.dma_semaphore, #tpu.memory_space<semaphore_mem>>) src(%dma_wait3A_80 : memref<128xi32, #tpu.memory_space<hbm>>) dst(%arg6 : memref<128xi32, #tpu.memory_space<vmem>>)
        tpu.yield
      }) : () -> ()
      %run_scoped3A = arith.constant 3 : i32
      "tpu.region"() ({
        %run_scoped3A_78 = tpu.sem_alloc : memref<!tpu.dma_semaphore, #tpu.memory_space<semaphore_mem>>
        %dma_start3A = arith.constant 0 : i32
        %dma_start3A_79 = arith.constant 0 : i32
        %dma_start3A_80 = tpu.memref_slice %arg2[%run_scoped3A, %dma_start3A, %dma_start3A_79] : memref<4x331776x128xf32, #tpu.memory_space<hbm>> -> memref<1x331776x128xf32, #tpu.memory_space<hbm>>
        %dma_start3A_81 = tpu.memref_squeeze %dma_start3A_80 : memref<1x331776x128xf32, #tpu.memory_space<hbm>> -> memref<331776x128xf32, #tpu.memory_space<hbm>>
        %dma_start3A_82 = arith.constant 0 : i32
        %dma_start3A_83 = tpu.memref_slice %dma_start3A_81[%add3A_77, %dma_start3A_82] : memref<331776x128xf32, #tpu.memory_space<hbm>> -> memref<128x128xf32, #tpu.memory_space<hbm>>
        %dma_start3A_84 = arith.constant 0 : i32
        %dma_start3A_85 = arith.constant 0 : i32
        %dma_start3A_86 = tpu.memref_slice %arg2[%run_scoped3A, %dma_start3A_84, %dma_start3A_85] : memref<4x331776x128xf32, #tpu.memory_space<hbm>> -> memref<1x331776x128xf32, #tpu.memory_space<hbm>>
        %dma_start3A_87 = tpu.memref_squeeze %dma_start3A_86 : memref<1x331776x128xf32, #tpu.memory_space<hbm>> -> memref<331776x128xf32, #tpu.memory_space<hbm>>
        %dma_start3A_88 = arith.constant 0 : i32
        %dma_start3A_89 = tpu.memref_slice %dma_start3A_87[%add3A_77, %dma_start3A_88] : memref<331776x128xf32, #tpu.memory_space<hbm>> -> memref<128x128xf32, #tpu.memory_space<hbm>>
        tpu.enqueue_dma source(%dma_start3A_89 : memref<128x128xf32, #tpu.memory_space<hbm>>) target(%arg7 : memref<128x128xf32, #tpu.memory_space<vmem>>) target_semaphore(%run_scoped3A_78 : memref<!tpu.dma_semaphore, #tpu.memory_space<semaphore_mem>>)
        %dma_wait3A = arith.constant 0 : i32
        %dma_wait3A_90 = arith.constant 0 : i32
        %dma_wait3A_91 = tpu.memref_slice %arg2[%run_scoped3A, %dma_wait3A, %dma_wait3A_90] : memref<4x331776x128xf32, #tpu.memory_space<hbm>> -> memref<1x331776x128xf32, #tpu.memory_space<hbm>>
        %dma_wait3A_92 = tpu.memref_squeeze %dma_wait3A_91 : memref<1x331776x128xf32, #tpu.memory_space<hbm>> -> memref<331776x128xf32, #tpu.memory_space<hbm>>
        %dma_wait3A_93 = arith.constant 0 : i32
        %dma_wait3A_94 = tpu.memref_slice %dma_wait3A_92[%add3A_77, %dma_wait3A_93] : memref<331776x128xf32, #tpu.memory_space<hbm>> -> memref<128x128xf32, #tpu.memory_space<hbm>>
        %dma_wait3A_95 = arith.constant 0 : i32
        %dma_wait3A_96 = arith.constant 0 : i32
        %dma_wait3A_97 = tpu.memref_slice %arg2[%run_scoped3A, %dma_wait3A_95, %dma_wait3A_96] : memref<4x331776x128xf32, #tpu.memory_space<hbm>> -> memref<1x331776x128xf32, #tpu.memory_space<hbm>>
        %dma_wait3A_98 = tpu.memref_squeeze %dma_wait3A_97 : memref<1x331776x128xf32, #tpu.memory_space<hbm>> -> memref<331776x128xf32, #tpu.memory_space<hbm>>
        %dma_wait3A_99 = arith.constant 0 : i32
        %dma_wait3A_100 = tpu.memref_slice %dma_wait3A_98[%add3A_77, %dma_wait3A_99] : memref<331776x128xf32, #tpu.memory_space<hbm>> -> memref<128x128xf32, #tpu.memory_space<hbm>>
        tpu.wait_dma2 semaphore(%run_scoped3A_78 : memref<!tpu.dma_semaphore, #tpu.memory_space<semaphore_mem>>) src(%dma_wait3A_100 : memref<128x128xf32, #tpu.memory_space<hbm>>) dst(%arg7 : memref<128x128xf32, #tpu.memory_space<vmem>>)
        tpu.yield
      }) : () -> ()
      "tpu.region"() ({
        %run_scoped3A_78 = tpu.sem_alloc : memref<!tpu.dma_semaphore, #tpu.memory_space<semaphore_mem>>
        %dma_start3A = arith.constant 0 : i32
        %dma_start3A_79 = arith.constant 0 : i32
        %dma_start3A_80 = tpu.memref_slice %arg8[%dma_start3A, %dma_start3A_79] : memref<10240x128xf32, #tpu.memory_space<vmem_shared>> -> memref<10240x128xf32, #tpu.memory_space<vmem_shared>>
        tpu.enqueue_indirect_dma source(%arg7 : memref<128x128xf32, #tpu.memory_space<vmem>>) target(%dma_start3A_80 : memref<10240x128xf32, #tpu.memory_space<vmem_shared>>) offsets(%arg6 : memref<128xi32, #tpu.memory_space<vmem>>) semaphore(%run_scoped3A_78 : memref<!tpu.dma_semaphore, #tpu.memory_space<semaphore_mem>>) {add = true}
        %dma_wait3A = arith.constant 0 : i32
        %dma_wait3A_81 = arith.constant 0 : i32
        %dma_wait3A_82 = tpu.memref_slice %arg8[%dma_wait3A, %dma_wait3A_81] : memref<10240x128xf32, #tpu.memory_space<vmem_shared>> -> memref<10240x128xf32, #tpu.memory_space<vmem_shared>>
        tpu.wait_indirect_dma semaphore(%run_scoped3A_78 : memref<!tpu.dma_semaphore, #tpu.memory_space<semaphore_mem>>) src(%arg7 : memref<128x128xf32, #tpu.memory_space<vmem>>) dst(%dma_wait3A_82 : memref<10240x128xf32, #tpu.memory_space<vmem_shared>>)
        tpu.yield
      }) : () -> ()
    }
    %scan3A_62 = arith.constant 81 : i32
    %barrier3A_63 = arith.constant 0 : index
    tpu.barrier barrier_id(%barrier3A_63)
    %eq3A_64 = arith.constant 0 : i32
    %eq3A_65 = arith.cmpi eq, %arg1, %eq3A_64 : i32
    %convert_element_type3A_66 = arith.extui %eq3A_65 : i1 to i32
    %cond3A_67 = arith.constant 0 : i32
    %cond3A_68 = arith.cmpi ne, %convert_element_type3A_66, %cond3A_67 : i32
    scf.if %cond3A_68 {
      %run_scoped3A = arith.constant 3 : i32
      "tpu.region"() ({
        %run_scoped3A_70 = tpu.sem_alloc : memref<!tpu.dma_semaphore, #tpu.memory_space<semaphore_mem>>
        %dma_start3A = arith.constant 0 : i32
        %dma_start3A_71 = arith.constant 0 : i32
        %dma_start3A_72 = arith.constant 0 : i32
        %dma_start3A_73 = tpu.memref_slice %arg5[%arg0, %dma_start3A, %dma_start3A_71, %dma_start3A_72] : memref<2x4x10240x128xf32, #tpu.memory_space<hbm>> -> memref<1x4x10240x128xf32, #tpu.memory_space<hbm>>
        %dma_start3A_74 = tpu.memref_squeeze %dma_start3A_73 : memref<1x4x10240x128xf32, #tpu.memory_space<hbm>> -> memref<4x10240x128xf32, #tpu.memory_space<hbm>>
        %dma_start3A_75 = arith.constant 0 : i32
        %dma_start3A_76 = arith.constant 0 : i32
        %dma_start3A_77 = tpu.memref_slice %dma_start3A_74[%run_scoped3A, %dma_start3A_75, %dma_start3A_76] : memref<4x10240x128xf32, #tpu.memory_space<hbm>> -> memref<1x10240x128xf32, #tpu.memory_space<hbm>>
        %dma_start3A_78 = tpu.memref_squeeze %dma_start3A_77 : memref<1x10240x128xf32, #tpu.memory_space<hbm>> -> memref<10240x128xf32, #tpu.memory_space<hbm>>
        tpu.enqueue_dma source(%arg8 : memref<10240x128xf32, #tpu.memory_space<vmem_shared>>) target(%dma_start3A_78 : memref<10240x128xf32, #tpu.memory_space<hbm>>) target_semaphore(%run_scoped3A_70 : memref<!tpu.dma_semaphore, #tpu.memory_space<semaphore_mem>>)
        %dma_wait3A = arith.constant 0 : i32
        %dma_wait3A_79 = arith.constant 0 : i32
        %dma_wait3A_80 = arith.constant 0 : i32
        %dma_wait3A_81 = tpu.memref_slice %arg5[%arg0, %dma_wait3A, %dma_wait3A_79, %dma_wait3A_80] : memref<2x4x10240x128xf32, #tpu.memory_space<hbm>> -> memref<1x4x10240x128xf32, #tpu.memory_space<hbm>>
        %dma_wait3A_82 = tpu.memref_squeeze %dma_wait3A_81 : memref<1x4x10240x128xf32, #tpu.memory_space<hbm>> -> memref<4x10240x128xf32, #tpu.memory_space<hbm>>
        %dma_wait3A_83 = arith.constant 0 : i32
        %dma_wait3A_84 = arith.constant 0 : i32
        %dma_wait3A_85 = tpu.memref_slice %dma_wait3A_82[%run_scoped3A, %dma_wait3A_83, %dma_wait3A_84] : memref<4x10240x128xf32, #tpu.memory_space<hbm>> -> memref<1x10240x128xf32, #tpu.memory_space<hbm>>
        %dma_wait3A_86 = tpu.memref_squeeze %dma_wait3A_85 : memref<1x10240x128xf32, #tpu.memory_space<hbm>> -> memref<10240x128xf32, #tpu.memory_space<hbm>>
        tpu.wait_dma2 semaphore(%run_scoped3A_70 : memref<!tpu.dma_semaphore, #tpu.memory_space<semaphore_mem>>) src(%arg8 : memref<10240x128xf32, #tpu.memory_space<vmem_shared>>) dst(%dma_wait3A_86 : memref<10240x128xf32, #tpu.memory_space<hbm>>)
        tpu.yield
      }) : () -> ()
    } else {
    }
    %barrier3A_69 = arith.constant 0 : index
    tpu.barrier barrier_id(%barrier3A_69)
    return
  }
}

#map = affine_map<(d0, d1) -> (0, 0)>
#map1 = affine_map<(d0, d1) -> (0)>
module attributes {stable_mosaic.version = 14 : i64} {
  func.func @k(%arg0: i32, %arg1: i32, %arg2: memref<10240x128xf32, #tpu.memory_space<hbm>>, %arg3: memref<331776xi32, #tpu.memory_space<hbm>>, %arg4: memref<331776x128xf32, #tpu.memory_space<hbm>>, %arg5: memref<128xi32, #tpu.memory_space<vmem>>, %arg6: memref<128x128xf32, #tpu.memory_space<vmem>>, %arg7: memref<!tpu.dma_semaphore, #tpu.memory_space<semaphore_mem>>) attributes {dimension_semantics = [#tpu.dimension_semantics<core_parallel>, #tpu.dimension_semantics<subcore_parallel>], iteration_bounds = array<i64: 2, 16>, scalar_prefetch = 0 : i64, scratch_operands = 3 : i64, tpu.core_type = #tpu.core_type<sc_vector_subcore>, window_params = [{transform_indices = #map}, {transform_indices = #map1}, {transform_indices = #map}]} {
    %mul3A = arith.constant 2 : i32
    %mul3A_0 = arith.muli %arg1, %mul3A : i32
    %add3A = arith.addi %mul3A_0, %arg0 : i32
    %mul3A_1 = arith.constant 10368 : i32
    %mul3A_2 = arith.muli %add3A, %mul3A_1 : i32
    %scan3A = arith.constant 0 : i32
    %scan3A_3 = arith.constant 81 : i32
    %scan3A_4 = arith.addi %scan3A, %scan3A_3 : i32
    %scan3A_5 = arith.constant 1 : i32
    scf.for %scan3A_7 = %scan3A to %scan3A_4 step %scan3A_5  : i32 {
      %mul3A_8 = arith.constant 1 : i32
      %mul3A_9 = arith.muli %scan3A_7, %mul3A_8 : i32
      %add3A_10 = arith.constant 0 : i32
      %add3A_11 = arith.addi %add3A_10, %mul3A_9 : i32
      %mul3A_12 = arith.constant 128 : i32
      %mul3A_13 = arith.muli %add3A_11, %mul3A_12 : i32
      %add3A_14 = arith.addi %mul3A_2, %mul3A_13 : i32
      "tpu.region"() ({
        %run_scoped3A = tpu.sem_alloc : memref<!tpu.dma_semaphore, #tpu.memory_space<semaphore_mem>>
        %dma_start3A_19 = tpu.memref_slice %arg3[%add3A_14] : memref<331776xi32, #tpu.memory_space<hbm>> -> memref<128xi32, #tpu.memory_space<hbm>>
        %dma_start3A_20 = tpu.memref_slice %arg3[%add3A_14] : memref<331776xi32, #tpu.memory_space<hbm>> -> memref<128xi32, #tpu.memory_space<hbm>>
        tpu.enqueue_dma source(%dma_start3A_20 : memref<128xi32, #tpu.memory_space<hbm>>) target(%arg5 : memref<128xi32, #tpu.memory_space<vmem>>) target_semaphore(%run_scoped3A : memref<!tpu.dma_semaphore, #tpu.memory_space<semaphore_mem>>)
        %dma_wait3A_21 = tpu.memref_slice %arg3[%add3A_14] : memref<331776xi32, #tpu.memory_space<hbm>> -> memref<128xi32, #tpu.memory_space<hbm>>
        %dma_wait3A_22 = tpu.memref_slice %arg3[%add3A_14] : memref<331776xi32, #tpu.memory_space<hbm>> -> memref<128xi32, #tpu.memory_space<hbm>>
        tpu.wait_dma2 semaphore(%run_scoped3A : memref<!tpu.dma_semaphore, #tpu.memory_space<semaphore_mem>>) src(%dma_wait3A_22 : memref<128xi32, #tpu.memory_space<hbm>>) dst(%arg5 : memref<128xi32, #tpu.memory_space<vmem>>)
        tpu.yield
      }) : () -> ()
      %dma_start3A = arith.constant 0 : i32
      %dma_start3A_15 = arith.constant 0 : i32
      %dma_start3A_16 = tpu.memref_slice %arg2[%dma_start3A, %dma_start3A_15] : memref<10240x128xf32, #tpu.memory_space<hbm>> -> memref<10240x128xf32, #tpu.memory_space<hbm>>
      tpu.enqueue_indirect_dma source(%dma_start3A_16 : memref<10240x128xf32, #tpu.memory_space<hbm>>) target(%arg6 : memref<128x128xf32, #tpu.memory_space<vmem>>) offsets(%arg5 : memref<128xi32, #tpu.memory_space<vmem>>) semaphore(%arg7 : memref<!tpu.dma_semaphore, #tpu.memory_space<semaphore_mem>>)
      %dma_wait3A = arith.constant 0 : i32
      %dma_wait3A_17 = arith.constant 0 : i32
      %dma_wait3A_18 = tpu.memref_slice %arg2[%dma_wait3A, %dma_wait3A_17] : memref<10240x128xf32, #tpu.memory_space<hbm>> -> memref<10240x128xf32, #tpu.memory_space<hbm>>
      tpu.wait_indirect_dma semaphore(%arg7 : memref<!tpu.dma_semaphore, #tpu.memory_space<semaphore_mem>>) src(%dma_wait3A_18 : memref<10240x128xf32, #tpu.memory_space<hbm>>) dst(%arg6 : memref<128x128xf32, #tpu.memory_space<vmem>>)
      "tpu.region"() ({
        %run_scoped3A = tpu.sem_alloc : memref<!tpu.dma_semaphore, #tpu.memory_space<semaphore_mem>>
        %dma_start3A_19 = arith.constant 0 : i32
        %dma_start3A_20 = tpu.memref_slice %arg4[%add3A_14, %dma_start3A_19] : memref<331776x128xf32, #tpu.memory_space<hbm>> -> memref<128x128xf32, #tpu.memory_space<hbm>>
        %dma_start3A_21 = arith.constant 0 : i32
        %dma_start3A_22 = tpu.memref_slice %arg4[%add3A_14, %dma_start3A_21] : memref<331776x128xf32, #tpu.memory_space<hbm>> -> memref<128x128xf32, #tpu.memory_space<hbm>>
        tpu.enqueue_dma source(%arg6 : memref<128x128xf32, #tpu.memory_space<vmem>>) target(%dma_start3A_22 : memref<128x128xf32, #tpu.memory_space<hbm>>) target_semaphore(%run_scoped3A : memref<!tpu.dma_semaphore, #tpu.memory_space<semaphore_mem>>)
        %dma_wait3A_23 = arith.constant 0 : i32
        %dma_wait3A_24 = tpu.memref_slice %arg4[%add3A_14, %dma_wait3A_23] : memref<331776x128xf32, #tpu.memory_space<hbm>> -> memref<128x128xf32, #tpu.memory_space<hbm>>
        %dma_wait3A_25 = arith.constant 0 : i32
        %dma_wait3A_26 = tpu.memref_slice %arg4[%add3A_14, %dma_wait3A_25] : memref<331776x128xf32, #tpu.memory_space<hbm>> -> memref<128x128xf32, #tpu.memory_space<hbm>>
        tpu.wait_dma2 semaphore(%run_scoped3A : memref<!tpu.dma_semaphore, #tpu.memory_space<semaphore_mem>>) src(%arg6 : memref<128x128xf32, #tpu.memory_space<vmem>>) dst(%dma_wait3A_26 : memref<128x128xf32, #tpu.memory_space<hbm>>)
        tpu.yield
      }) : () -> ()
    }
    %scan3A_6 = arith.constant 81 : i32
    return
  }
}

#map = affine_map<(d0, d1) -> (0, 0, 0)>
#map1 = affine_map<(d0, d1) -> (0)>
#map2 = affine_map<(d0, d1) -> (0, 0)>
#map3 = affine_map<(d0, d1) -> (0, 0, 0, 0)>
module attributes {stable_mosaic.version = 14 : i64} {
  func.func @k(%arg0: i32, %arg1: i32, %arg2: memref<1x331776x128xf32, #tpu.memory_space<hbm>>, %arg3: memref<331776xi32, #tpu.memory_space<hbm>>, %arg4: memref<10240x128xf32, #tpu.memory_space<hbm>>, %arg5: memref<2x1x10240x128xf32, #tpu.memory_space<hbm>>, %arg6: memref<128xi32, #tpu.memory_space<vmem>>, %arg7: memref<128x128xf32, #tpu.memory_space<vmem>>, %arg8: memref<10240x128xf32, #tpu.memory_space<vmem_shared>>) attributes {dimension_semantics = [#tpu.dimension_semantics<core_parallel>, #tpu.dimension_semantics<subcore_parallel>], iteration_bounds = array<i64: 2, 16>, scalar_prefetch = 0 : i64, scratch_operands = 3 : i64, tpu.core_type = #tpu.core_type<sc_vector_subcore>, window_params = [{transform_indices = #map}, {transform_indices = #map1}, {transform_indices = #map2}, {transform_indices = #map3}]} {
    %mul3A = arith.constant 2 : i32
    %mul3A_0 = arith.muli %arg1, %mul3A : i32
    %add3A = arith.addi %mul3A_0, %arg0 : i32
    %mul3A_1 = arith.constant 10368 : i32
    %mul3A_2 = arith.muli %add3A, %mul3A_1 : i32
    %eq3A = arith.constant 0 : i32
    %eq3A_3 = arith.cmpi eq, %arg1, %eq3A : i32
    %convert_element_type3A = arith.extui %eq3A_3 : i1 to i32
    %cond3A = arith.constant 0 : i32
    %cond3A_4 = arith.cmpi ne, %convert_element_type3A, %cond3A : i32
    scf.if %cond3A_4 {
      "tpu.region"() ({
        %run_scoped3A = tpu.sem_alloc : memref<!tpu.dma_semaphore, #tpu.memory_space<semaphore_mem>>
        tpu.enqueue_dma source(%arg4 : memref<10240x128xf32, #tpu.memory_space<hbm>>) target(%arg8 : memref<10240x128xf32, #tpu.memory_space<vmem_shared>>) target_semaphore(%run_scoped3A : memref<!tpu.dma_semaphore, #tpu.memory_space<semaphore_mem>>)
        tpu.wait_dma2 semaphore(%run_scoped3A : memref<!tpu.dma_semaphore, #tpu.memory_space<semaphore_mem>>) src(%arg4 : memref<10240x128xf32, #tpu.memory_space<hbm>>) dst(%arg8 : memref<10240x128xf32, #tpu.memory_space<vmem_shared>>)
        tpu.yield
      }) : () -> ()
    } else {
    }
    %barrier3A = arith.constant 0 : index
    tpu.barrier barrier_id(%barrier3A)
    %scan3A = arith.constant 0 : i32
    %scan3A_5 = arith.constant 81 : i32
    %scan3A_6 = arith.addi %scan3A, %scan3A_5 : i32
    %scan3A_7 = arith.constant 1 : i32
    scf.for %scan3A_16 = %scan3A to %scan3A_6 step %scan3A_7  : i32 {
      %mul3A_17 = arith.constant 1 : i32
      %mul3A_18 = arith.muli %scan3A_16, %mul3A_17 : i32
      %add3A_19 = arith.constant 0 : i32
      %add3A_20 = arith.addi %add3A_19, %mul3A_18 : i32
      %mul3A_21 = arith.constant 128 : i32
      %mul3A_22 = arith.muli %add3A_20, %mul3A_21 : i32
      %add3A_23 = arith.addi %mul3A_2, %mul3A_22 : i32
      "tpu.region"() ({
        %run_scoped3A_24 = tpu.sem_alloc : memref<!tpu.dma_semaphore, #tpu.memory_space<semaphore_mem>>
        %dma_start3A = tpu.memref_slice %arg3[%add3A_23] : memref<331776xi32, #tpu.memory_space<hbm>> -> memref<128xi32, #tpu.memory_space<hbm>>
        %dma_start3A_25 = tpu.memref_slice %arg3[%add3A_23] : memref<331776xi32, #tpu.memory_space<hbm>> -> memref<128xi32, #tpu.memory_space<hbm>>
        tpu.enqueue_dma source(%dma_start3A_25 : memref<128xi32, #tpu.memory_space<hbm>>) target(%arg6 : memref<128xi32, #tpu.memory_space<vmem>>) target_semaphore(%run_scoped3A_24 : memref<!tpu.dma_semaphore, #tpu.memory_space<semaphore_mem>>)
        %dma_wait3A = tpu.memref_slice %arg3[%add3A_23] : memref<331776xi32, #tpu.memory_space<hbm>> -> memref<128xi32, #tpu.memory_space<hbm>>
        %dma_wait3A_26 = tpu.memref_slice %arg3[%add3A_23] : memref<331776xi32, #tpu.memory_space<hbm>> -> memref<128xi32, #tpu.memory_space<hbm>>
        tpu.wait_dma2 semaphore(%run_scoped3A_24 : memref<!tpu.dma_semaphore, #tpu.memory_space<semaphore_mem>>) src(%dma_wait3A_26 : memref<128xi32, #tpu.memory_space<hbm>>) dst(%arg6 : memref<128xi32, #tpu.memory_space<vmem>>)
        tpu.yield
      }) : () -> ()
      %run_scoped3A = arith.constant 0 : i32
      "tpu.region"() ({
        %run_scoped3A_24 = tpu.sem_alloc : memref<!tpu.dma_semaphore, #tpu.memory_space<semaphore_mem>>
        %dma_start3A = arith.constant 0 : i32
        %dma_start3A_25 = arith.constant 0 : i32
        %dma_start3A_26 = tpu.memref_slice %arg2[%run_scoped3A, %dma_start3A, %dma_start3A_25] : memref<1x331776x128xf32, #tpu.memory_space<hbm>> -> memref<1x331776x128xf32, #tpu.memory_space<hbm>>
        %dma_start3A_27 = tpu.memref_squeeze %dma_start3A_26 : memref<1x331776x128xf32, #tpu.memory_space<hbm>> -> memref<331776x128xf32, #tpu.memory_space<hbm>>
        %dma_start3A_28 = arith.constant 0 : i32
        %dma_start3A_29 = tpu.memref_slice %dma_start3A_27[%add3A_23, %dma_start3A_28] : memref<331776x128xf32, #tpu.memory_space<hbm>> -> memref<128x128xf32, #tpu.memory_space<hbm>>
        %dma_start3A_30 = arith.constant 0 : i32
        %dma_start3A_31 = arith.constant 0 : i32
        %dma_start3A_32 = tpu.memref_slice %arg2[%run_scoped3A, %dma_start3A_30, %dma_start3A_31] : memref<1x331776x128xf32, #tpu.memory_space<hbm>> -> memref<1x331776x128xf32, #tpu.memory_space<hbm>>
        %dma_start3A_33 = tpu.memref_squeeze %dma_start3A_32 : memref<1x331776x128xf32, #tpu.memory_space<hbm>> -> memref<331776x128xf32, #tpu.memory_space<hbm>>
        %dma_start3A_34 = arith.constant 0 : i32
        %dma_start3A_35 = tpu.memref_slice %dma_start3A_33[%add3A_23, %dma_start3A_34] : memref<331776x128xf32, #tpu.memory_space<hbm>> -> memref<128x128xf32, #tpu.memory_space<hbm>>
        tpu.enqueue_dma source(%dma_start3A_35 : memref<128x128xf32, #tpu.memory_space<hbm>>) target(%arg7 : memref<128x128xf32, #tpu.memory_space<vmem>>) target_semaphore(%run_scoped3A_24 : memref<!tpu.dma_semaphore, #tpu.memory_space<semaphore_mem>>)
        %dma_wait3A = arith.constant 0 : i32
        %dma_wait3A_36 = arith.constant 0 : i32
        %dma_wait3A_37 = tpu.memref_slice %arg2[%run_scoped3A, %dma_wait3A, %dma_wait3A_36] : memref<1x331776x128xf32, #tpu.memory_space<hbm>> -> memref<1x331776x128xf32, #tpu.memory_space<hbm>>
        %dma_wait3A_38 = tpu.memref_squeeze %dma_wait3A_37 : memref<1x331776x128xf32, #tpu.memory_space<hbm>> -> memref<331776x128xf32, #tpu.memory_space<hbm>>
        %dma_wait3A_39 = arith.constant 0 : i32
        %dma_wait3A_40 = tpu.memref_slice %dma_wait3A_38[%add3A_23, %dma_wait3A_39] : memref<331776x128xf32, #tpu.memory_space<hbm>> -> memref<128x128xf32, #tpu.memory_space<hbm>>
        %dma_wait3A_41 = arith.constant 0 : i32
        %dma_wait3A_42 = arith.constant 0 : i32
        %dma_wait3A_43 = tpu.memref_slice %arg2[%run_scoped3A, %dma_wait3A_41, %dma_wait3A_42] : memref<1x331776x128xf32, #tpu.memory_space<hbm>> -> memref<1x331776x128xf32, #tpu.memory_space<hbm>>
        %dma_wait3A_44 = tpu.memref_squeeze %dma_wait3A_43 : memref<1x331776x128xf32, #tpu.memory_space<hbm>> -> memref<331776x128xf32, #tpu.memory_space<hbm>>
        %dma_wait3A_45 = arith.constant 0 : i32
        %dma_wait3A_46 = tpu.memref_slice %dma_wait3A_44[%add3A_23, %dma_wait3A_45] : memref<331776x128xf32, #tpu.memory_space<hbm>> -> memref<128x128xf32, #tpu.memory_space<hbm>>
        tpu.wait_dma2 semaphore(%run_scoped3A_24 : memref<!tpu.dma_semaphore, #tpu.memory_space<semaphore_mem>>) src(%dma_wait3A_46 : memref<128x128xf32, #tpu.memory_space<hbm>>) dst(%arg7 : memref<128x128xf32, #tpu.memory_space<vmem>>)
        tpu.yield
      }) : () -> ()
      "tpu.region"() ({
        %run_scoped3A_24 = tpu.sem_alloc : memref<!tpu.dma_semaphore, #tpu.memory_space<semaphore_mem>>
        %dma_start3A = arith.constant 0 : i32
        %dma_start3A_25 = arith.constant 0 : i32
        %dma_start3A_26 = tpu.memref_slice %arg8[%dma_start3A, %dma_start3A_25] : memref<10240x128xf32, #tpu.memory_space<vmem_shared>> -> memref<10240x128xf32, #tpu.memory_space<vmem_shared>>
        tpu.enqueue_indirect_dma source(%arg7 : memref<128x128xf32, #tpu.memory_space<vmem>>) target(%dma_start3A_26 : memref<10240x128xf32, #tpu.memory_space<vmem_shared>>) offsets(%arg6 : memref<128xi32, #tpu.memory_space<vmem>>) semaphore(%run_scoped3A_24 : memref<!tpu.dma_semaphore, #tpu.memory_space<semaphore_mem>>) {add = true}
        %dma_wait3A = arith.constant 0 : i32
        %dma_wait3A_27 = arith.constant 0 : i32
        %dma_wait3A_28 = tpu.memref_slice %arg8[%dma_wait3A, %dma_wait3A_27] : memref<10240x128xf32, #tpu.memory_space<vmem_shared>> -> memref<10240x128xf32, #tpu.memory_space<vmem_shared>>
        tpu.wait_indirect_dma semaphore(%run_scoped3A_24 : memref<!tpu.dma_semaphore, #tpu.memory_space<semaphore_mem>>) src(%arg7 : memref<128x128xf32, #tpu.memory_space<vmem>>) dst(%dma_wait3A_28 : memref<10240x128xf32, #tpu.memory_space<vmem_shared>>)
        tpu.yield
      }) : () -> ()
    }
    %scan3A_8 = arith.constant 81 : i32
    %barrier3A_9 = arith.constant 0 : index
    tpu.barrier barrier_id(%barrier3A_9)
    %eq3A_10 = arith.constant 0 : i32
    %eq3A_11 = arith.cmpi eq, %arg1, %eq3A_10 : i32
    %convert_element_type3A_12 = arith.extui %eq3A_11 : i1 to i32
    %cond3A_13 = arith.constant 0 : i32
    %cond3A_14 = arith.cmpi ne, %convert_element_type3A_12, %cond3A_13 : i32
    scf.if %cond3A_14 {
      %run_scoped3A = arith.constant 0 : i32
      "tpu.region"() ({
        %run_scoped3A_16 = tpu.sem_alloc : memref<!tpu.dma_semaphore, #tpu.memory_space<semaphore_mem>>
        %dma_start3A = arith.constant 0 : i32
        %dma_start3A_17 = arith.constant 0 : i32
        %dma_start3A_18 = arith.constant 0 : i32
        %dma_start3A_19 = tpu.memref_slice %arg5[%arg0, %dma_start3A, %dma_start3A_17, %dma_start3A_18] : memref<2x1x10240x128xf32, #tpu.memory_space<hbm>> -> memref<1x1x10240x128xf32, #tpu.memory_space<hbm>>
        %dma_start3A_20 = tpu.memref_squeeze %dma_start3A_19 : memref<1x1x10240x128xf32, #tpu.memory_space<hbm>> -> memref<1x10240x128xf32, #tpu.memory_space<hbm>>
        %dma_start3A_21 = arith.constant 0 : i32
        %dma_start3A_22 = arith.constant 0 : i32
        %dma_start3A_23 = tpu.memref_slice %dma_start3A_20[%run_scoped3A, %dma_start3A_21, %dma_start3A_22] : memref<1x10240x128xf32, #tpu.memory_space<hbm>> -> memref<1x10240x128xf32, #tpu.memory_space<hbm>>
        %dma_start3A_24 = tpu.memref_squeeze %dma_start3A_23 : memref<1x10240x128xf32, #tpu.memory_space<hbm>> -> memref<10240x128xf32, #tpu.memory_space<hbm>>
        tpu.enqueue_dma source(%arg8 : memref<10240x128xf32, #tpu.memory_space<vmem_shared>>) target(%dma_start3A_24 : memref<10240x128xf32, #tpu.memory_space<hbm>>) target_semaphore(%run_scoped3A_16 : memref<!tpu.dma_semaphore, #tpu.memory_space<semaphore_mem>>)
        %dma_wait3A = arith.constant 0 : i32
        %dma_wait3A_25 = arith.constant 0 : i32
        %dma_wait3A_26 = arith.constant 0 : i32
        %dma_wait3A_27 = tpu.memref_slice %arg5[%arg0, %dma_wait3A, %dma_wait3A_25, %dma_wait3A_26] : memref<2x1x10240x128xf32, #tpu.memory_space<hbm>> -> memref<1x1x10240x128xf32, #tpu.memory_space<hbm>>
        %dma_wait3A_28 = tpu.memref_squeeze %dma_wait3A_27 : memref<1x1x10240x128xf32, #tpu.memory_space<hbm>> -> memref<1x10240x128xf32, #tpu.memory_space<hbm>>
        %dma_wait3A_29 = arith.constant 0 : i32
        %dma_wait3A_30 = arith.constant 0 : i32
        %dma_wait3A_31 = tpu.memref_slice %dma_wait3A_28[%run_scoped3A, %dma_wait3A_29, %dma_wait3A_30] : memref<1x10240x128xf32, #tpu.memory_space<hbm>> -> memref<1x10240x128xf32, #tpu.memory_space<hbm>>
        %dma_wait3A_32 = tpu.memref_squeeze %dma_wait3A_31 : memref<1x10240x128xf32, #tpu.memory_space<hbm>> -> memref<10240x128xf32, #tpu.memory_space<hbm>>
        tpu.wait_dma2 semaphore(%run_scoped3A_16 : memref<!tpu.dma_semaphore, #tpu.memory_space<semaphore_mem>>) src(%arg8 : memref<10240x128xf32, #tpu.memory_space<vmem_shared>>) dst(%dma_wait3A_32 : memref<10240x128xf32, #tpu.memory_space<hbm>>)
        tpu.yield
      }) : () -> ()
    } else {
    }
    %barrier3A_15 = arith.constant 0 : index
    tpu.barrier barrier_id(%barrier3A_15)
    return
  }
}

#map = affine_map<(d0, d1) -> (0, 0)>
#map1 = affine_map<(d0, d1) -> (0)>
module attributes {stable_mosaic.version = 14 : i64} {
  func.func @k(%arg0: i32, %arg1: i32, %arg2: memref<10240x128xf32, #tpu.memory_space<hbm>>, %arg3: memref<331776xi32, #tpu.memory_space<hbm>>, %arg4: memref<331776x128xf32, #tpu.memory_space<hbm>>, %arg5: memref<128xi32, #tpu.memory_space<vmem>>, %arg6: memref<128x128xf32, #tpu.memory_space<vmem>>, %arg7: memref<!tpu.dma_semaphore, #tpu.memory_space<semaphore_mem>>) attributes {dimension_semantics = [#tpu.dimension_semantics<core_parallel>, #tpu.dimension_semantics<subcore_parallel>], iteration_bounds = array<i64: 2, 16>, scalar_prefetch = 0 : i64, scratch_operands = 3 : i64, tpu.core_type = #tpu.core_type<sc_vector_subcore>, window_params = [{transform_indices = #map}, {transform_indices = #map1}, {transform_indices = #map}]} {
    %mul3A = arith.constant 2 : i32
    %mul3A_0 = arith.muli %arg1, %mul3A : i32
    %add3A = arith.addi %mul3A_0, %arg0 : i32
    %mul3A_1 = arith.constant 10368 : i32
    %mul3A_2 = arith.muli %add3A, %mul3A_1 : i32
    %scan3A = arith.constant 0 : i32
    %scan3A_3 = arith.constant 81 : i32
    %scan3A_4 = arith.addi %scan3A, %scan3A_3 : i32
    %scan3A_5 = arith.constant 1 : i32
    scf.for %scan3A_7 = %scan3A to %scan3A_4 step %scan3A_5  : i32 {
      %mul3A_8 = arith.constant 1 : i32
      %mul3A_9 = arith.muli %scan3A_7, %mul3A_8 : i32
      %add3A_10 = arith.constant 0 : i32
      %add3A_11 = arith.addi %add3A_10, %mul3A_9 : i32
      %mul3A_12 = arith.constant 128 : i32
      %mul3A_13 = arith.muli %add3A_11, %mul3A_12 : i32
      %add3A_14 = arith.addi %mul3A_2, %mul3A_13 : i32
      "tpu.region"() ({
        %run_scoped3A = tpu.sem_alloc : memref<!tpu.dma_semaphore, #tpu.memory_space<semaphore_mem>>
        %dma_start3A_19 = tpu.memref_slice %arg3[%add3A_14] : memref<331776xi32, #tpu.memory_space<hbm>> -> memref<128xi32, #tpu.memory_space<hbm>>
        %dma_start3A_20 = tpu.memref_slice %arg3[%add3A_14] : memref<331776xi32, #tpu.memory_space<hbm>> -> memref<128xi32, #tpu.memory_space<hbm>>
        tpu.enqueue_dma source(%dma_start3A_20 : memref<128xi32, #tpu.memory_space<hbm>>) target(%arg5 : memref<128xi32, #tpu.memory_space<vmem>>) target_semaphore(%run_scoped3A : memref<!tpu.dma_semaphore, #tpu.memory_space<semaphore_mem>>)
        %dma_wait3A_21 = tpu.memref_slice %arg3[%add3A_14] : memref<331776xi32, #tpu.memory_space<hbm>> -> memref<128xi32, #tpu.memory_space<hbm>>
        %dma_wait3A_22 = tpu.memref_slice %arg3[%add3A_14] : memref<331776xi32, #tpu.memory_space<hbm>> -> memref<128xi32, #tpu.memory_space<hbm>>
        tpu.wait_dma2 semaphore(%run_scoped3A : memref<!tpu.dma_semaphore, #tpu.memory_space<semaphore_mem>>) src(%dma_wait3A_22 : memref<128xi32, #tpu.memory_space<hbm>>) dst(%arg5 : memref<128xi32, #tpu.memory_space<vmem>>)
        tpu.yield
      }) : () -> ()
      %dma_start3A = arith.constant 0 : i32
      %dma_start3A_15 = arith.constant 0 : i32
      %dma_start3A_16 = tpu.memref_slice %arg2[%dma_start3A, %dma_start3A_15] : memref<10240x128xf32, #tpu.memory_space<hbm>> -> memref<10240x128xf32, #tpu.memory_space<hbm>>
      tpu.enqueue_indirect_dma source(%dma_start3A_16 : memref<10240x128xf32, #tpu.memory_space<hbm>>) target(%arg6 : memref<128x128xf32, #tpu.memory_space<vmem>>) offsets(%arg5 : memref<128xi32, #tpu.memory_space<vmem>>) semaphore(%arg7 : memref<!tpu.dma_semaphore, #tpu.memory_space<semaphore_mem>>)
      %dma_wait3A = arith.constant 0 : i32
      %dma_wait3A_17 = arith.constant 0 : i32
      %dma_wait3A_18 = tpu.memref_slice %arg2[%dma_wait3A, %dma_wait3A_17] : memref<10240x128xf32, #tpu.memory_space<hbm>> -> memref<10240x128xf32, #tpu.memory_space<hbm>>
      tpu.wait_indirect_dma semaphore(%arg7 : memref<!tpu.dma_semaphore, #tpu.memory_space<semaphore_mem>>) src(%dma_wait3A_18 : memref<10240x128xf32, #tpu.memory_space<hbm>>) dst(%arg6 : memref<128x128xf32, #tpu.memory_space<vmem>>)
      "tpu.region"() ({
        %run_scoped3A = tpu.sem_alloc : memref<!tpu.dma_semaphore, #tpu.memory_space<semaphore_mem>>
        %dma_start3A_19 = arith.constant 0 : i32
        %dma_start3A_20 = tpu.memref_slice %arg4[%add3A_14, %dma_start3A_19] : memref<331776x128xf32, #tpu.memory_space<hbm>> -> memref<128x128xf32, #tpu.memory_space<hbm>>
        %dma_start3A_21 = arith.constant 0 : i32
        %dma_start3A_22 = tpu.memref_slice %arg4[%add3A_14, %dma_start3A_21] : memref<331776x128xf32, #tpu.memory_space<hbm>> -> memref<128x128xf32, #tpu.memory_space<hbm>>
        tpu.enqueue_dma source(%arg6 : memref<128x128xf32, #tpu.memory_space<vmem>>) target(%dma_start3A_22 : memref<128x128xf32, #tpu.memory_space<hbm>>) target_semaphore(%run_scoped3A : memref<!tpu.dma_semaphore, #tpu.memory_space<semaphore_mem>>)
        %dma_wait3A_23 = arith.constant 0 : i32
        %dma_wait3A_24 = tpu.memref_slice %arg4[%add3A_14, %dma_wait3A_23] : memref<331776x128xf32, #tpu.memory_space<hbm>> -> memref<128x128xf32, #tpu.memory_space<hbm>>
        %dma_wait3A_25 = arith.constant 0 : i32
        %dma_wait3A_26 = tpu.memref_slice %arg4[%add3A_14, %dma_wait3A_25] : memref<331776x128xf32, #tpu.memory_space<hbm>> -> memref<128x128xf32, #tpu.memory_space<hbm>>
        tpu.wait_dma2 semaphore(%run_scoped3A : memref<!tpu.dma_semaphore, #tpu.memory_space<semaphore_mem>>) src(%arg6 : memref<128x128xf32, #tpu.memory_space<vmem>>) dst(%dma_wait3A_26 : memref<128x128xf32, #tpu.memory_space<hbm>>)
        tpu.yield
      }) : () -> ()
    }
    %scan3A_6 = arith.constant 81 : i32
    return
  }
}

#map = affine_map<(d0, d1) -> (0, 0, 0)>
#map1 = affine_map<(d0, d1) -> (0)>
#map2 = affine_map<(d0, d1) -> (0, 0)>
#map3 = affine_map<(d0, d1) -> (0, 0, 0, 0)>
module attributes {stable_mosaic.version = 14 : i64} {
  func.func @k(%arg0: i32, %arg1: i32, %arg2: memref<1x331776x128xf32, #tpu.memory_space<hbm>>, %arg3: memref<331776xi32, #tpu.memory_space<hbm>>, %arg4: memref<10240x128xf32, #tpu.memory_space<hbm>>, %arg5: memref<2x1x10240x128xf32, #tpu.memory_space<hbm>>, %arg6: memref<128xi32, #tpu.memory_space<vmem>>, %arg7: memref<128x128xf32, #tpu.memory_space<vmem>>, %arg8: memref<10240x128xf32, #tpu.memory_space<vmem_shared>>) attributes {dimension_semantics = [#tpu.dimension_semantics<core_parallel>, #tpu.dimension_semantics<subcore_parallel>], iteration_bounds = array<i64: 2, 16>, scalar_prefetch = 0 : i64, scratch_operands = 3 : i64, tpu.core_type = #tpu.core_type<sc_vector_subcore>, window_params = [{transform_indices = #map}, {transform_indices = #map1}, {transform_indices = #map2}, {transform_indices = #map3}]} {
    %mul3A = arith.constant 2 : i32
    %mul3A_0 = arith.muli %arg1, %mul3A : i32
    %add3A = arith.addi %mul3A_0, %arg0 : i32
    %mul3A_1 = arith.constant 10368 : i32
    %mul3A_2 = arith.muli %add3A, %mul3A_1 : i32
    %eq3A = arith.constant 0 : i32
    %eq3A_3 = arith.cmpi eq, %arg1, %eq3A : i32
    %convert_element_type3A = arith.extui %eq3A_3 : i1 to i32
    %cond3A = arith.constant 0 : i32
    %cond3A_4 = arith.cmpi ne, %convert_element_type3A, %cond3A : i32
    scf.if %cond3A_4 {
      "tpu.region"() ({
        %run_scoped3A = tpu.sem_alloc : memref<!tpu.dma_semaphore, #tpu.memory_space<semaphore_mem>>
        tpu.enqueue_dma source(%arg4 : memref<10240x128xf32, #tpu.memory_space<hbm>>) target(%arg8 : memref<10240x128xf32, #tpu.memory_space<vmem_shared>>) target_semaphore(%run_scoped3A : memref<!tpu.dma_semaphore, #tpu.memory_space<semaphore_mem>>)
        tpu.wait_dma2 semaphore(%run_scoped3A : memref<!tpu.dma_semaphore, #tpu.memory_space<semaphore_mem>>) src(%arg4 : memref<10240x128xf32, #tpu.memory_space<hbm>>) dst(%arg8 : memref<10240x128xf32, #tpu.memory_space<vmem_shared>>)
        tpu.yield
      }) : () -> ()
    } else {
    }
    %barrier3A = arith.constant 0 : index
    tpu.barrier barrier_id(%barrier3A)
    %scan3A = arith.constant 0 : i32
    %scan3A_5 = arith.constant 81 : i32
    %scan3A_6 = arith.addi %scan3A, %scan3A_5 : i32
    %scan3A_7 = arith.constant 1 : i32
    scf.for %scan3A_16 = %scan3A to %scan3A_6 step %scan3A_7  : i32 {
      %mul3A_17 = arith.constant 1 : i32
      %mul3A_18 = arith.muli %scan3A_16, %mul3A_17 : i32
      %add3A_19 = arith.constant 0 : i32
      %add3A_20 = arith.addi %add3A_19, %mul3A_18 : i32
      %mul3A_21 = arith.constant 128 : i32
      %mul3A_22 = arith.muli %add3A_20, %mul3A_21 : i32
      %add3A_23 = arith.addi %mul3A_2, %mul3A_22 : i32
      "tpu.region"() ({
        %run_scoped3A_24 = tpu.sem_alloc : memref<!tpu.dma_semaphore, #tpu.memory_space<semaphore_mem>>
        %dma_start3A = tpu.memref_slice %arg3[%add3A_23] : memref<331776xi32, #tpu.memory_space<hbm>> -> memref<128xi32, #tpu.memory_space<hbm>>
        %dma_start3A_25 = tpu.memref_slice %arg3[%add3A_23] : memref<331776xi32, #tpu.memory_space<hbm>> -> memref<128xi32, #tpu.memory_space<hbm>>
        tpu.enqueue_dma source(%dma_start3A_25 : memref<128xi32, #tpu.memory_space<hbm>>) target(%arg6 : memref<128xi32, #tpu.memory_space<vmem>>) target_semaphore(%run_scoped3A_24 : memref<!tpu.dma_semaphore, #tpu.memory_space<semaphore_mem>>)
        %dma_wait3A = tpu.memref_slice %arg3[%add3A_23] : memref<331776xi32, #tpu.memory_space<hbm>> -> memref<128xi32, #tpu.memory_space<hbm>>
        %dma_wait3A_26 = tpu.memref_slice %arg3[%add3A_23] : memref<331776xi32, #tpu.memory_space<hbm>> -> memref<128xi32, #tpu.memory_space<hbm>>
        tpu.wait_dma2 semaphore(%run_scoped3A_24 : memref<!tpu.dma_semaphore, #tpu.memory_space<semaphore_mem>>) src(%dma_wait3A_26 : memref<128xi32, #tpu.memory_space<hbm>>) dst(%arg6 : memref<128xi32, #tpu.memory_space<vmem>>)
        tpu.yield
      }) : () -> ()
      %run_scoped3A = arith.constant 0 : i32
      "tpu.region"() ({
        %run_scoped3A_24 = tpu.sem_alloc : memref<!tpu.dma_semaphore, #tpu.memory_space<semaphore_mem>>
        %dma_start3A = arith.constant 0 : i32
        %dma_start3A_25 = arith.constant 0 : i32
        %dma_start3A_26 = tpu.memref_slice %arg2[%run_scoped3A, %dma_start3A, %dma_start3A_25] : memref<1x331776x128xf32, #tpu.memory_space<hbm>> -> memref<1x331776x128xf32, #tpu.memory_space<hbm>>
        %dma_start3A_27 = tpu.memref_squeeze %dma_start3A_26 : memref<1x331776x128xf32, #tpu.memory_space<hbm>> -> memref<331776x128xf32, #tpu.memory_space<hbm>>
        %dma_start3A_28 = arith.constant 0 : i32
        %dma_start3A_29 = tpu.memref_slice %dma_start3A_27[%add3A_23, %dma_start3A_28] : memref<331776x128xf32, #tpu.memory_space<hbm>> -> memref<128x128xf32, #tpu.memory_space<hbm>>
        %dma_start3A_30 = arith.constant 0 : i32
        %dma_start3A_31 = arith.constant 0 : i32
        %dma_start3A_32 = tpu.memref_slice %arg2[%run_scoped3A, %dma_start3A_30, %dma_start3A_31] : memref<1x331776x128xf32, #tpu.memory_space<hbm>> -> memref<1x331776x128xf32, #tpu.memory_space<hbm>>
        %dma_start3A_33 = tpu.memref_squeeze %dma_start3A_32 : memref<1x331776x128xf32, #tpu.memory_space<hbm>> -> memref<331776x128xf32, #tpu.memory_space<hbm>>
        %dma_start3A_34 = arith.constant 0 : i32
        %dma_start3A_35 = tpu.memref_slice %dma_start3A_33[%add3A_23, %dma_start3A_34] : memref<331776x128xf32, #tpu.memory_space<hbm>> -> memref<128x128xf32, #tpu.memory_space<hbm>>
        tpu.enqueue_dma source(%dma_start3A_35 : memref<128x128xf32, #tpu.memory_space<hbm>>) target(%arg7 : memref<128x128xf32, #tpu.memory_space<vmem>>) target_semaphore(%run_scoped3A_24 : memref<!tpu.dma_semaphore, #tpu.memory_space<semaphore_mem>>)
        %dma_wait3A = arith.constant 0 : i32
        %dma_wait3A_36 = arith.constant 0 : i32
        %dma_wait3A_37 = tpu.memref_slice %arg2[%run_scoped3A, %dma_wait3A, %dma_wait3A_36] : memref<1x331776x128xf32, #tpu.memory_space<hbm>> -> memref<1x331776x128xf32, #tpu.memory_space<hbm>>
        %dma_wait3A_38 = tpu.memref_squeeze %dma_wait3A_37 : memref<1x331776x128xf32, #tpu.memory_space<hbm>> -> memref<331776x128xf32, #tpu.memory_space<hbm>>
        %dma_wait3A_39 = arith.constant 0 : i32
        %dma_wait3A_40 = tpu.memref_slice %dma_wait3A_38[%add3A_23, %dma_wait3A_39] : memref<331776x128xf32, #tpu.memory_space<hbm>> -> memref<128x128xf32, #tpu.memory_space<hbm>>
        %dma_wait3A_41 = arith.constant 0 : i32
        %dma_wait3A_42 = arith.constant 0 : i32
        %dma_wait3A_43 = tpu.memref_slice %arg2[%run_scoped3A, %dma_wait3A_41, %dma_wait3A_42] : memref<1x331776x128xf32, #tpu.memory_space<hbm>> -> memref<1x331776x128xf32, #tpu.memory_space<hbm>>
        %dma_wait3A_44 = tpu.memref_squeeze %dma_wait3A_43 : memref<1x331776x128xf32, #tpu.memory_space<hbm>> -> memref<331776x128xf32, #tpu.memory_space<hbm>>
        %dma_wait3A_45 = arith.constant 0 : i32
        %dma_wait3A_46 = tpu.memref_slice %dma_wait3A_44[%add3A_23, %dma_wait3A_45] : memref<331776x128xf32, #tpu.memory_space<hbm>> -> memref<128x128xf32, #tpu.memory_space<hbm>>
        tpu.wait_dma2 semaphore(%run_scoped3A_24 : memref<!tpu.dma_semaphore, #tpu.memory_space<semaphore_mem>>) src(%dma_wait3A_46 : memref<128x128xf32, #tpu.memory_space<hbm>>) dst(%arg7 : memref<128x128xf32, #tpu.memory_space<vmem>>)
        tpu.yield
      }) : () -> ()
      "tpu.region"() ({
        %run_scoped3A_24 = tpu.sem_alloc : memref<!tpu.dma_semaphore, #tpu.memory_space<semaphore_mem>>
        %dma_start3A = arith.constant 0 : i32
        %dma_start3A_25 = arith.constant 0 : i32
        %dma_start3A_26 = tpu.memref_slice %arg8[%dma_start3A, %dma_start3A_25] : memref<10240x128xf32, #tpu.memory_space<vmem_shared>> -> memref<10240x128xf32, #tpu.memory_space<vmem_shared>>
        tpu.enqueue_indirect_dma source(%arg7 : memref<128x128xf32, #tpu.memory_space<vmem>>) target(%dma_start3A_26 : memref<10240x128xf32, #tpu.memory_space<vmem_shared>>) offsets(%arg6 : memref<128xi32, #tpu.memory_space<vmem>>) semaphore(%run_scoped3A_24 : memref<!tpu.dma_semaphore, #tpu.memory_space<semaphore_mem>>) {add = true}
        %dma_wait3A = arith.constant 0 : i32
        %dma_wait3A_27 = arith.constant 0 : i32
        %dma_wait3A_28 = tpu.memref_slice %arg8[%dma_wait3A, %dma_wait3A_27] : memref<10240x128xf32, #tpu.memory_space<vmem_shared>> -> memref<10240x128xf32, #tpu.memory_space<vmem_shared>>
        tpu.wait_indirect_dma semaphore(%run_scoped3A_24 : memref<!tpu.dma_semaphore, #tpu.memory_space<semaphore_mem>>) src(%arg7 : memref<128x128xf32, #tpu.memory_space<vmem>>) dst(%dma_wait3A_28 : memref<10240x128xf32, #tpu.memory_space<vmem_shared>>)
        tpu.yield
      }) : () -> ()
    }
    %scan3A_8 = arith.constant 81 : i32
    %barrier3A_9 = arith.constant 0 : index
    tpu.barrier barrier_id(%barrier3A_9)
    %eq3A_10 = arith.constant 0 : i32
    %eq3A_11 = arith.cmpi eq, %arg1, %eq3A_10 : i32
    %convert_element_type3A_12 = arith.extui %eq3A_11 : i1 to i32
    %cond3A_13 = arith.constant 0 : i32
    %cond3A_14 = arith.cmpi ne, %convert_element_type3A_12, %cond3A_13 : i32
    scf.if %cond3A_14 {
      %run_scoped3A = arith.constant 0 : i32
      "tpu.region"() ({
        %run_scoped3A_16 = tpu.sem_alloc : memref<!tpu.dma_semaphore, #tpu.memory_space<semaphore_mem>>
        %dma_start3A = arith.constant 0 : i32
        %dma_start3A_17 = arith.constant 0 : i32
        %dma_start3A_18 = arith.constant 0 : i32
        %dma_start3A_19 = tpu.memref_slice %arg5[%arg0, %dma_start3A, %dma_start3A_17, %dma_start3A_18] : memref<2x1x10240x128xf32, #tpu.memory_space<hbm>> -> memref<1x1x10240x128xf32, #tpu.memory_space<hbm>>
        %dma_start3A_20 = tpu.memref_squeeze %dma_start3A_19 : memref<1x1x10240x128xf32, #tpu.memory_space<hbm>> -> memref<1x10240x128xf32, #tpu.memory_space<hbm>>
        %dma_start3A_21 = arith.constant 0 : i32
        %dma_start3A_22 = arith.constant 0 : i32
        %dma_start3A_23 = tpu.memref_slice %dma_start3A_20[%run_scoped3A, %dma_start3A_21, %dma_start3A_22] : memref<1x10240x128xf32, #tpu.memory_space<hbm>> -> memref<1x10240x128xf32, #tpu.memory_space<hbm>>
        %dma_start3A_24 = tpu.memref_squeeze %dma_start3A_23 : memref<1x10240x128xf32, #tpu.memory_space<hbm>> -> memref<10240x128xf32, #tpu.memory_space<hbm>>
        tpu.enqueue_dma source(%arg8 : memref<10240x128xf32, #tpu.memory_space<vmem_shared>>) target(%dma_start3A_24 : memref<10240x128xf32, #tpu.memory_space<hbm>>) target_semaphore(%run_scoped3A_16 : memref<!tpu.dma_semaphore, #tpu.memory_space<semaphore_mem>>)
        %dma_wait3A = arith.constant 0 : i32
        %dma_wait3A_25 = arith.constant 0 : i32
        %dma_wait3A_26 = arith.constant 0 : i32
        %dma_wait3A_27 = tpu.memref_slice %arg5[%arg0, %dma_wait3A, %dma_wait3A_25, %dma_wait3A_26] : memref<2x1x10240x128xf32, #tpu.memory_space<hbm>> -> memref<1x1x10240x128xf32, #tpu.memory_space<hbm>>
        %dma_wait3A_28 = tpu.memref_squeeze %dma_wait3A_27 : memref<1x1x10240x128xf32, #tpu.memory_space<hbm>> -> memref<1x10240x128xf32, #tpu.memory_space<hbm>>
        %dma_wait3A_29 = arith.constant 0 : i32
        %dma_wait3A_30 = arith.constant 0 : i32
        %dma_wait3A_31 = tpu.memref_slice %dma_wait3A_28[%run_scoped3A, %dma_wait3A_29, %dma_wait3A_30] : memref<1x10240x128xf32, #tpu.memory_space<hbm>> -> memref<1x10240x128xf32, #tpu.memory_space<hbm>>
        %dma_wait3A_32 = tpu.memref_squeeze %dma_wait3A_31 : memref<1x10240x128xf32, #tpu.memory_space<hbm>> -> memref<10240x128xf32, #tpu.memory_space<hbm>>
        tpu.wait_dma2 semaphore(%run_scoped3A_16 : memref<!tpu.dma_semaphore, #tpu.memory_space<semaphore_mem>>) src(%arg8 : memref<10240x128xf32, #tpu.memory_space<vmem_shared>>) dst(%dma_wait3A_32 : memref<10240x128xf32, #tpu.memory_space<hbm>>)
        tpu.yield
      }) : () -> ()
    } else {
    }
    %barrier3A_15 = arith.constant 0 : index
    tpu.barrier barrier_id(%barrier3A_15)
    return
  }
}

module attributes {stable_mosaic.version = 14 : i64} {
  func.func @_dense1_kernel(%arg0: i32, %arg1: memref<512x128xf32, #tpu.memory_space<vmem>>, %arg2: memref<512x1xi32, #tpu.memory_space<vmem>>, %arg3: memref<128x64xf32, #tpu.memory_space<vmem>>, %arg4: memref<1x64xf32, #tpu.memory_space<vmem>>, %arg5: memref<64x64xf32, #tpu.memory_space<vmem>>, %arg6: memref<1x64xf32, #tpu.memory_space<vmem>>, %arg7: memref<64x64xf32, #tpu.memory_space<vmem>>, %arg8: memref<1x64xf32, #tpu.memory_space<vmem>>, %arg9: memref<64x512xf32, #tpu.memory_space<vmem>>, %arg10: memref<8x64xf32, #tpu.memory_space<vmem>>, %arg11: memref<8x64xf32, #tpu.memory_space<vmem>>, %arg12: memref<512x640xf32, #tpu.memory_space<vmem>>, %arg13: memref<512x128xf32, #tpu.memory_space<vmem>>) attributes {dimension_semantics = [#tpu.dimension_semantics<arbitrary>], iteration_bounds = array<i64: 20>, scalar_prefetch = 0 : i64, scratch_operands = 0 : i64, tpu.core_type = #tpu.core_type<tc>, window_params = [{transform_indices = @transform_0, window_bounds = array<i64: 512, 128>}, {transform_indices = @transform_1, window_bounds = array<i64: 512, 1>}, {pipeline_mode = #tpu.pipeline_mode<synchronous>, transform_indices = @transform_2, window_bounds = array<i64: 128, 64>}, {pipeline_mode = #tpu.pipeline_mode<synchronous>, transform_indices = @transform_3, window_bounds = array<i64: 1, 64>}, {pipeline_mode = #tpu.pipeline_mode<synchronous>, transform_indices = @transform_4, window_bounds = array<i64: 64, 64>}, {pipeline_mode = #tpu.pipeline_mode<synchronous>, transform_indices = @transform_5, window_bounds = array<i64: 1, 64>}, {pipeline_mode = #tpu.pipeline_mode<synchronous>, transform_indices = @transform_6, window_bounds = array<i64: 64, 64>}, {pipeline_mode = #tpu.pipeline_mode<synchronous>, transform_indices = @transform_7, window_bounds = array<i64: 1, 64>}, {pipeline_mode = #tpu.pipeline_mode<synchronous>, transform_indices = @transform_8, window_bounds = array<i64: 64, 512>}, {pipeline_mode = #tpu.pipeline_mode<synchronous>, transform_indices = @transform_9, window_bounds = array<i64: 8, 64>}, {pipeline_mode = #tpu.pipeline_mode<synchronous>, transform_indices = @transform_10, window_bounds = array<i64: 8, 64>}, {transform_indices = @transform_11, window_bounds = array<i64: 512, 640>}, {transform_indices = @transform_12, window_bounds = array<i64: 512, 128>}]} {
    %get3A = arith.constant 0 : index
    %get3A_0 = arith.constant 0 : index
    %get3A_1 = vector.load %arg1[%get3A, %get3A_0] : memref<512x128xf32, #tpu.memory_space<vmem>>, vector<512x128xf32>
    %get3A_2 = arith.constant 0 : index
    %get3A_3 = arith.constant 0 : index
    %get3A_4 = vector.load %arg2[%get3A_2, %get3A_3] : memref<512x1xi32, #tpu.memory_space<vmem>>, vector<512x1xi32>
    %get3A_5 = arith.constant 0 : index
    %get3A_6 = arith.constant 0 : index
    %get3A_7 = vector.load %arg3[%get3A_5, %get3A_6] : memref<128x64xf32, #tpu.memory_space<vmem>>, vector<128x64xf32>
    %dot_general3A = arith.constant dense<0.000000e+00> : vector<512x64xf32>
    %dot_general3A_8 = tpu.matmul %get3A_1, %get3A_7, %dot_general3A {dimension_numbers = #tpu.dot_dimension_numbers<[1], [0], [0], [1], [0, 0, 1, 1], [], []>, transpose_lhs_hint = false} : vector<512x128xf32>, vector<128x64xf32>, vector<512x64xf32> -> vector<512x64xf32>
    %get3A_9 = arith.constant 0 : index
    %get3A_10 = arith.constant 0 : index
    %get3A_11 = vector.load %arg4[%get3A_9, %get3A_10] : memref<1x64xf32, #tpu.memory_space<vmem>>, vector<1x64xf32>
    %add3A = vector.broadcast %get3A_11 : vector<1x64xf32> to vector<512x64xf32>
    %add3A_12 = arith.addf %dot_general3A_8, %add3A : vector<512x64xf32>
    %slice3A = vector.extract_strided_slice %get3A_1 {offsets = [0, 0], sizes = [512, 64], strides = [1, 1]} : vector<512x128xf32> to vector<512x64xf32>
    %get3A_13 = arith.constant 0 : index
    %get3A_14 = arith.constant 0 : index
    %get3A_15 = vector.load %arg5[%get3A_13, %get3A_14] : memref<64x64xf32, #tpu.memory_space<vmem>>, vector<64x64xf32>
    %dot_general3A_16 = arith.constant dense<0.000000e+00> : vector<512x64xf32>
    %dot_general3A_17 = tpu.matmul %slice3A, %get3A_15, %dot_general3A_16 {dimension_numbers = #tpu.dot_dimension_numbers<[1], [0], [0], [1], [0, 0, 1, 1], [], []>, transpose_lhs_hint = false} : vector<512x64xf32>, vector<64x64xf32>, vector<512x64xf32> -> vector<512x64xf32>
    %get3A_18 = arith.constant 0 : index
    %get3A_19 = arith.constant 0 : index
    %get3A_20 = vector.load %arg6[%get3A_18, %get3A_19] : memref<1x64xf32, #tpu.memory_space<vmem>>, vector<1x64xf32>
    %add3A_21 = vector.broadcast %get3A_20 : vector<1x64xf32> to vector<512x64xf32>
    %add3A_22 = arith.addf %dot_general3A_17, %add3A_21 : vector<512x64xf32>
    %slice3A_23 = vector.extract_strided_slice %get3A_1 {offsets = [0, 0], sizes = [512, 64], strides = [1, 1]} : vector<512x128xf32> to vector<512x64xf32>
    %get3A_24 = arith.constant 0 : index
    %get3A_25 = arith.constant 0 : index
    %get3A_26 = vector.load %arg7[%get3A_24, %get3A_25] : memref<64x64xf32, #tpu.memory_space<vmem>>, vector<64x64xf32>
    %dot_general3A_27 = arith.constant dense<0.000000e+00> : vector<512x64xf32>
    %dot_general3A_28 = tpu.matmul %slice3A_23, %get3A_26, %dot_general3A_27 {dimension_numbers = #tpu.dot_dimension_numbers<[1], [0], [0], [1], [0, 0, 1, 1], [], []>, transpose_lhs_hint = false} : vector<512x64xf32>, vector<64x64xf32>, vector<512x64xf32> -> vector<512x64xf32>
    %get3A_29 = arith.constant 0 : index
    %get3A_30 = arith.constant 0 : index
    %get3A_31 = vector.load %arg8[%get3A_29, %get3A_30] : memref<1x64xf32, #tpu.memory_space<vmem>>, vector<1x64xf32>
    %add3A_32 = vector.broadcast %get3A_31 : vector<1x64xf32> to vector<512x64xf32>
    %add3A_33 = arith.addf %dot_general3A_28, %add3A_32 : vector<512x64xf32>
    %eq3A = arith.constant 0 : i32
    %eq3A_34 = vector.broadcast %eq3A : i32 to vector<512x1xi32>
    %eq3A_35 = arith.cmpi eq, %get3A_4, %eq3A_34 : vector<512x1xi32>
    %eq3A_36 = arith.constant 1 : i32
    %eq3A_37 = vector.broadcast %eq3A_36 : i32 to vector<512x1xi32>
    %eq3A_38 = arith.cmpi eq, %get3A_4, %eq3A_37 : vector<512x1xi32>
    %broadcast_in_dim3A = vector.shape_cast %eq3A_38 : vector<512x1xi1> to vector<512x1xi1>
    %broadcast_in_dim3A_39 = vector.broadcast %broadcast_in_dim3A : vector<512x1xi1> to vector<512x64xi1>
    %select_n3A = arith.select %broadcast_in_dim3A_39, %add3A_22, %add3A_33 : vector<512x64xi1>, vector<512x64xf32>
    %broadcast_in_dim3A_40 = vector.shape_cast %eq3A_35 : vector<512x1xi1> to vector<512x1xi1>
    %broadcast_in_dim3A_41 = vector.broadcast %broadcast_in_dim3A_40 : vector<512x1xi1> to vector<512x64xi1>
    %select_n3A_42 = arith.select %broadcast_in_dim3A_41, %add3A_12, %select_n3A : vector<512x64xi1>, vector<512x64xf32>
    %get3A_43 = arith.constant 0 : index
    %get3A_44 = arith.constant 0 : index
    %get3A_45 = vector.load %arg9[%get3A_43, %get3A_44] : memref<64x512xf32, #tpu.memory_space<vmem>>, vector<64x512xf32>
    %dot_general3A_46 = arith.constant dense<0.000000e+00> : vector<512x512xf32>
    %dot_general3A_47 = tpu.matmul %select_n3A_42, %get3A_45, %dot_general3A_46 {dimension_numbers = #tpu.dot_dimension_numbers<[1], [0], [0], [1], [0, 0, 1, 1], [], []>, transpose_lhs_hint = false} : vector<512x64xf32>, vector<64x512xf32>, vector<512x512xf32> -> vector<512x512xf32>
    %get3A_48 = arith.constant 0 : index
    %get3A_49 = arith.constant 0 : index
    %get3A_50 = vector.load %arg10[%get3A_48, %get3A_49] : memref<8x64xf32, #tpu.memory_space<vmem>>, vector<8x64xf32>
    %get3A_51 = arith.constant 0 : index
    %get3A_52 = arith.constant 0 : index
    %get3A_53 = vector.load %arg11[%get3A_51, %get3A_52] : memref<8x64xf32, #tpu.memory_space<vmem>>, vector<8x64xf32>
    %slice3A_54 = vector.extract_strided_slice %dot_general3A_47 {offsets = [0, 0], sizes = [512, 64], strides = [1, 1]} : vector<512x512xf32> to vector<512x64xf32>
    %slice3A_55 = vector.extract_strided_slice %get3A_50 {offsets = [0, 0], sizes = [1, 64], strides = [1, 1]} : vector<8x64xf32> to vector<1x64xf32>
    %squeeze3A = vector.shape_cast %slice3A_55 : vector<1x64xf32> to vector<64xf32>
    %broadcast_in_dim3A_56 = vector.shape_cast %squeeze3A : vector<64xf32> to vector<1x64xf32>
    %mul3A = vector.broadcast %broadcast_in_dim3A_56 : vector<1x64xf32> to vector<512x64xf32>
    %mul3A_57 = arith.mulf %slice3A_54, %mul3A : vector<512x64xf32>
    %reduce_sum3A = arith.constant dense<0.000000e+00> : vector<512xf32>
    %reduce_sum3A_58 = vector.multi_reduction <add>, %mul3A_57, %reduce_sum3A [1] : vector<512x64xf32> to vector<512xf32>
    %broadcast_in_dim3A_59 = vector.shape_cast %reduce_sum3A_58 : vector<512xf32> to vector<512x1xf32>
    %slice3A_60 = vector.extract_strided_slice %get3A_53 {offsets = [0, 0], sizes = [1, 64], strides = [1, 1]} : vector<8x64xf32> to vector<1x64xf32>
    %squeeze3A_61 = vector.shape_cast %slice3A_60 : vector<1x64xf32> to vector<64xf32>
    %broadcast_in_dim3A_62 = vector.shape_cast %squeeze3A_61 : vector<64xf32> to vector<1x64xf32>
    %mul3A_63 = vector.broadcast %broadcast_in_dim3A_62 : vector<1x64xf32> to vector<512x64xf32>
    %mul3A_64 = arith.mulf %slice3A_54, %mul3A_63 : vector<512x64xf32>
    %reduce_sum3A_65 = arith.constant dense<0.000000e+00> : vector<512xf32>
    %reduce_sum3A_66 = vector.multi_reduction <add>, %mul3A_64, %reduce_sum3A_65 [1] : vector<512x64xf32> to vector<512xf32>
    %broadcast_in_dim3A_67 = vector.shape_cast %reduce_sum3A_66 : vector<512xf32> to vector<512x1xf32>
    %slice3A_68 = vector.extract_strided_slice %dot_general3A_47 {offsets = [0, 64], sizes = [512, 64], strides = [1, 1]} : vector<512x512xf32> to vector<512x64xf32>
    %slice3A_69 = vector.extract_strided_slice %get3A_50 {offsets = [1, 0], sizes = [1, 64], strides = [1, 1]} : vector<8x64xf32> to vector<1x64xf32>
    %squeeze3A_70 = vector.shape_cast %slice3A_69 : vector<1x64xf32> to vector<64xf32>
    %broadcast_in_dim3A_71 = vector.shape_cast %squeeze3A_70 : vector<64xf32> to vector<1x64xf32>
    %mul3A_72 = vector.broadcast %broadcast_in_dim3A_71 : vector<1x64xf32> to vector<512x64xf32>
    %mul3A_73 = arith.mulf %slice3A_68, %mul3A_72 : vector<512x64xf32>
    %reduce_sum3A_74 = arith.constant dense<0.000000e+00> : vector<512xf32>
    %reduce_sum3A_75 = vector.multi_reduction <add>, %mul3A_73, %reduce_sum3A_74 [1] : vector<512x64xf32> to vector<512xf32>
    %broadcast_in_dim3A_76 = vector.shape_cast %reduce_sum3A_75 : vector<512xf32> to vector<512x1xf32>
    %slice3A_77 = vector.extract_strided_slice %get3A_53 {offsets = [1, 0], sizes = [1, 64], strides = [1, 1]} : vector<8x64xf32> to vector<1x64xf32>
    %squeeze3A_78 = vector.shape_cast %slice3A_77 : vector<1x64xf32> to vector<64xf32>
    %broadcast_in_dim3A_79 = vector.shape_cast %squeeze3A_78 : vector<64xf32> to vector<1x64xf32>
    %mul3A_80 = vector.broadcast %broadcast_in_dim3A_79 : vector<1x64xf32> to vector<512x64xf32>
    %mul3A_81 = arith.mulf %slice3A_68, %mul3A_80 : vector<512x64xf32>
    %reduce_sum3A_82 = arith.constant dense<0.000000e+00> : vector<512xf32>
    %reduce_sum3A_83 = vector.multi_reduction <add>, %mul3A_81, %reduce_sum3A_82 [1] : vector<512x64xf32> to vector<512xf32>
    %broadcast_in_dim3A_84 = vector.shape_cast %reduce_sum3A_83 : vector<512xf32> to vector<512x1xf32>
    %slice3A_85 = vector.extract_strided_slice %dot_general3A_47 {offsets = [0, 128], sizes = [512, 64], strides = [1, 1]} : vector<512x512xf32> to vector<512x64xf32>
    %slice3A_86 = vector.extract_strided_slice %get3A_50 {offsets = [2, 0], sizes = [1, 64], strides = [1, 1]} : vector<8x64xf32> to vector<1x64xf32>
    %squeeze3A_87 = vector.shape_cast %slice3A_86 : vector<1x64xf32> to vector<64xf32>
    %broadcast_in_dim3A_88 = vector.shape_cast %squeeze3A_87 : vector<64xf32> to vector<1x64xf32>
    %mul3A_89 = vector.broadcast %broadcast_in_dim3A_88 : vector<1x64xf32> to vector<512x64xf32>
    %mul3A_90 = arith.mulf %slice3A_85, %mul3A_89 : vector<512x64xf32>
    %reduce_sum3A_91 = arith.constant dense<0.000000e+00> : vector<512xf32>
    %reduce_sum3A_92 = vector.multi_reduction <add>, %mul3A_90, %reduce_sum3A_91 [1] : vector<512x64xf32> to vector<512xf32>
    %broadcast_in_dim3A_93 = vector.shape_cast %reduce_sum3A_92 : vector<512xf32> to vector<512x1xf32>
    %slice3A_94 = vector.extract_strided_slice %get3A_53 {offsets = [2, 0], sizes = [1, 64], strides = [1, 1]} : vector<8x64xf32> to vector<1x64xf32>
    %squeeze3A_95 = vector.shape_cast %slice3A_94 : vector<1x64xf32> to vector<64xf32>
    %broadcast_in_dim3A_96 = vector.shape_cast %squeeze3A_95 : vector<64xf32> to vector<1x64xf32>
    %mul3A_97 = vector.broadcast %broadcast_in_dim3A_96 : vector<1x64xf32> to vector<512x64xf32>
    %mul3A_98 = arith.mulf %slice3A_85, %mul3A_97 : vector<512x64xf32>
    %reduce_sum3A_99 = arith.constant dense<0.000000e+00> : vector<512xf32>
    %reduce_sum3A_100 = vector.multi_reduction <add>, %mul3A_98, %reduce_sum3A_99 [1] : vector<512x64xf32> to vector<512xf32>
    %broadcast_in_dim3A_101 = vector.shape_cast %reduce_sum3A_100 : vector<512xf32> to vector<512x1xf32>
    %slice3A_102 = vector.extract_strided_slice %dot_general3A_47 {offsets = [0, 192], sizes = [512, 64], strides = [1, 1]} : vector<512x512xf32> to vector<512x64xf32>
    %slice3A_103 = vector.extract_strided_slice %get3A_50 {offsets = [3, 0], sizes = [1, 64], strides = [1, 1]} : vector<8x64xf32> to vector<1x64xf32>
    %squeeze3A_104 = vector.shape_cast %slice3A_103 : vector<1x64xf32> to vector<64xf32>
    %broadcast_in_dim3A_105 = vector.shape_cast %squeeze3A_104 : vector<64xf32> to vector<1x64xf32>
    %mul3A_106 = vector.broadcast %broadcast_in_dim3A_105 : vector<1x64xf32> to vector<512x64xf32>
    %mul3A_107 = arith.mulf %slice3A_102, %mul3A_106 : vector<512x64xf32>
    %reduce_sum3A_108 = arith.constant dense<0.000000e+00> : vector<512xf32>
    %reduce_sum3A_109 = vector.multi_reduction <add>, %mul3A_107, %reduce_sum3A_108 [1] : vector<512x64xf32> to vector<512xf32>
    %broadcast_in_dim3A_110 = vector.shape_cast %reduce_sum3A_109 : vector<512xf32> to vector<512x1xf32>
    %slice3A_111 = vector.extract_strided_slice %get3A_53 {offsets = [3, 0], sizes = [1, 64], strides = [1, 1]} : vector<8x64xf32> to vector<1x64xf32>
    %squeeze3A_112 = vector.shape_cast %slice3A_111 : vector<1x64xf32> to vector<64xf32>
    %broadcast_in_dim3A_113 = vector.shape_cast %squeeze3A_112 : vector<64xf32> to vector<1x64xf32>
    %mul3A_114 = vector.broadcast %broadcast_in_dim3A_113 : vector<1x64xf32> to vector<512x64xf32>
    %mul3A_115 = arith.mulf %slice3A_102, %mul3A_114 : vector<512x64xf32>
    %reduce_sum3A_116 = arith.constant dense<0.000000e+00> : vector<512xf32>
    %reduce_sum3A_117 = vector.multi_reduction <add>, %mul3A_115, %reduce_sum3A_116 [1] : vector<512x64xf32> to vector<512xf32>
    %broadcast_in_dim3A_118 = vector.shape_cast %reduce_sum3A_117 : vector<512xf32> to vector<512x1xf32>
    %slice3A_119 = vector.extract_strided_slice %dot_general3A_47 {offsets = [0, 256], sizes = [512, 64], strides = [1, 1]} : vector<512x512xf32> to vector<512x64xf32>
    %slice3A_120 = vector.extract_strided_slice %get3A_50 {offsets = [4, 0], sizes = [1, 64], strides = [1, 1]} : vector<8x64xf32> to vector<1x64xf32>
    %squeeze3A_121 = vector.shape_cast %slice3A_120 : vector<1x64xf32> to vector<64xf32>
    %broadcast_in_dim3A_122 = vector.shape_cast %squeeze3A_121 : vector<64xf32> to vector<1x64xf32>
    %mul3A_123 = vector.broadcast %broadcast_in_dim3A_122 : vector<1x64xf32> to vector<512x64xf32>
    %mul3A_124 = arith.mulf %slice3A_119, %mul3A_123 : vector<512x64xf32>
    %reduce_sum3A_125 = arith.constant dense<0.000000e+00> : vector<512xf32>
    %reduce_sum3A_126 = vector.multi_reduction <add>, %mul3A_124, %reduce_sum3A_125 [1] : vector<512x64xf32> to vector<512xf32>
    %broadcast_in_dim3A_127 = vector.shape_cast %reduce_sum3A_126 : vector<512xf32> to vector<512x1xf32>
    %slice3A_128 = vector.extract_strided_slice %get3A_53 {offsets = [4, 0], sizes = [1, 64], strides = [1, 1]} : vector<8x64xf32> to vector<1x64xf32>
    %squeeze3A_129 = vector.shape_cast %slice3A_128 : vector<1x64xf32> to vector<64xf32>
    %broadcast_in_dim3A_130 = vector.shape_cast %squeeze3A_129 : vector<64xf32> to vector<1x64xf32>
    %mul3A_131 = vector.broadcast %broadcast_in_dim3A_130 : vector<1x64xf32> to vector<512x64xf32>
    %mul3A_132 = arith.mulf %slice3A_119, %mul3A_131 : vector<512x64xf32>
    %reduce_sum3A_133 = arith.constant dense<0.000000e+00> : vector<512xf32>
    %reduce_sum3A_134 = vector.multi_reduction <add>, %mul3A_132, %reduce_sum3A_133 [1] : vector<512x64xf32> to vector<512xf32>
    %broadcast_in_dim3A_135 = vector.shape_cast %reduce_sum3A_134 : vector<512xf32> to vector<512x1xf32>
    %slice3A_136 = vector.extract_strided_slice %dot_general3A_47 {offsets = [0, 320], sizes = [512, 64], strides = [1, 1]} : vector<512x512xf32> to vector<512x64xf32>
    %slice3A_137 = vector.extract_strided_slice %get3A_50 {offsets = [5, 0], sizes = [1, 64], strides = [1, 1]} : vector<8x64xf32> to vector<1x64xf32>
    %squeeze3A_138 = vector.shape_cast %slice3A_137 : vector<1x64xf32> to vector<64xf32>
    %broadcast_in_dim3A_139 = vector.shape_cast %squeeze3A_138 : vector<64xf32> to vector<1x64xf32>
    %mul3A_140 = vector.broadcast %broadcast_in_dim3A_139 : vector<1x64xf32> to vector<512x64xf32>
    %mul3A_141 = arith.mulf %slice3A_136, %mul3A_140 : vector<512x64xf32>
    %reduce_sum3A_142 = arith.constant dense<0.000000e+00> : vector<512xf32>
    %reduce_sum3A_143 = vector.multi_reduction <add>, %mul3A_141, %reduce_sum3A_142 [1] : vector<512x64xf32> to vector<512xf32>
    %broadcast_in_dim3A_144 = vector.shape_cast %reduce_sum3A_143 : vector<512xf32> to vector<512x1xf32>
    %slice3A_145 = vector.extract_strided_slice %get3A_53 {offsets = [5, 0], sizes = [1, 64], strides = [1, 1]} : vector<8x64xf32> to vector<1x64xf32>
    %squeeze3A_146 = vector.shape_cast %slice3A_145 : vector<1x64xf32> to vector<64xf32>
    %broadcast_in_dim3A_147 = vector.shape_cast %squeeze3A_146 : vector<64xf32> to vector<1x64xf32>
    %mul3A_148 = vector.broadcast %broadcast_in_dim3A_147 : vector<1x64xf32> to vector<512x64xf32>
    %mul3A_149 = arith.mulf %slice3A_136, %mul3A_148 : vector<512x64xf32>
    %reduce_sum3A_150 = arith.constant dense<0.000000e+00> : vector<512xf32>
    %reduce_sum3A_151 = vector.multi_reduction <add>, %mul3A_149, %reduce_sum3A_150 [1] : vector<512x64xf32> to vector<512xf32>
    %broadcast_in_dim3A_152 = vector.shape_cast %reduce_sum3A_151 : vector<512xf32> to vector<512x1xf32>
    %slice3A_153 = vector.extract_strided_slice %dot_general3A_47 {offsets = [0, 384], sizes = [512, 64], strides = [1, 1]} : vector<512x512xf32> to vector<512x64xf32>
    %slice3A_154 = vector.extract_strided_slice %get3A_50 {offsets = [6, 0], sizes = [1, 64], strides = [1, 1]} : vector<8x64xf32> to vector<1x64xf32>
    %squeeze3A_155 = vector.shape_cast %slice3A_154 : vector<1x64xf32> to vector<64xf32>
    %broadcast_in_dim3A_156 = vector.shape_cast %squeeze3A_155 : vector<64xf32> to vector<1x64xf32>
    %mul3A_157 = vector.broadcast %broadcast_in_dim3A_156 : vector<1x64xf32> to vector<512x64xf32>
    %mul3A_158 = arith.mulf %slice3A_153, %mul3A_157 : vector<512x64xf32>
    %reduce_sum3A_159 = arith.constant dense<0.000000e+00> : vector<512xf32>
    %reduce_sum3A_160 = vector.multi_reduction <add>, %mul3A_158, %reduce_sum3A_159 [1] : vector<512x64xf32> to vector<512xf32>
    %broadcast_in_dim3A_161 = vector.shape_cast %reduce_sum3A_160 : vector<512xf32> to vector<512x1xf32>
    %slice3A_162 = vector.extract_strided_slice %get3A_53 {offsets = [6, 0], sizes = [1, 64], strides = [1, 1]} : vector<8x64xf32> to vector<1x64xf32>
    %squeeze3A_163 = vector.shape_cast %slice3A_162 : vector<1x64xf32> to vector<64xf32>
    %broadcast_in_dim3A_164 = vector.shape_cast %squeeze3A_163 : vector<64xf32> to vector<1x64xf32>
    %mul3A_165 = vector.broadcast %broadcast_in_dim3A_164 : vector<1x64xf32> to vector<512x64xf32>
    %mul3A_166 = arith.mulf %slice3A_153, %mul3A_165 : vector<512x64xf32>
    %reduce_sum3A_167 = arith.constant dense<0.000000e+00> : vector<512xf32>
    %reduce_sum3A_168 = vector.multi_reduction <add>, %mul3A_166, %reduce_sum3A_167 [1] : vector<512x64xf32> to vector<512xf32>
    %broadcast_in_dim3A_169 = vector.shape_cast %reduce_sum3A_168 : vector<512xf32> to vector<512x1xf32>
    %slice3A_170 = vector.extract_strided_slice %dot_general3A_47 {offsets = [0, 448], sizes = [512, 64], strides = [1, 1]} : vector<512x512xf32> to vector<512x64xf32>
    %slice3A_171 = vector.extract_strided_slice %get3A_50 {offsets = [7, 0], sizes = [1, 64], strides = [1, 1]} : vector<8x64xf32> to vector<1x64xf32>
    %squeeze3A_172 = vector.shape_cast %slice3A_171 : vector<1x64xf32> to vector<64xf32>
    %broadcast_in_dim3A_173 = vector.shape_cast %squeeze3A_172 : vector<64xf32> to vector<1x64xf32>
    %mul3A_174 = vector.broadcast %broadcast_in_dim3A_173 : vector<1x64xf32> to vector<512x64xf32>
    %mul3A_175 = arith.mulf %slice3A_170, %mul3A_174 : vector<512x64xf32>
    %reduce_sum3A_176 = arith.constant dense<0.000000e+00> : vector<512xf32>
    %reduce_sum3A_177 = vector.multi_reduction <add>, %mul3A_175, %reduce_sum3A_176 [1] : vector<512x64xf32> to vector<512xf32>
    %broadcast_in_dim3A_178 = vector.shape_cast %reduce_sum3A_177 : vector<512xf32> to vector<512x1xf32>
    %slice3A_179 = vector.extract_strided_slice %get3A_53 {offsets = [7, 0], sizes = [1, 64], strides = [1, 1]} : vector<8x64xf32> to vector<1x64xf32>
    %squeeze3A_180 = vector.shape_cast %slice3A_179 : vector<1x64xf32> to vector<64xf32>
    %broadcast_in_dim3A_181 = vector.shape_cast %squeeze3A_180 : vector<64xf32> to vector<1x64xf32>
    %mul3A_182 = vector.broadcast %broadcast_in_dim3A_181 : vector<1x64xf32> to vector<512x64xf32>
    %mul3A_183 = arith.mulf %slice3A_170, %mul3A_182 : vector<512x64xf32>
    %reduce_sum3A_184 = arith.constant dense<0.000000e+00> : vector<512xf32>
    %reduce_sum3A_185 = vector.multi_reduction <add>, %mul3A_183, %reduce_sum3A_184 [1] : vector<512x64xf32> to vector<512xf32>
    %broadcast_in_dim3A_186 = vector.shape_cast %reduce_sum3A_185 : vector<512xf32> to vector<512x1xf32>
    %broadcast_in_dim3A_187 = arith.constant 0.000000e+00 : f32
    %broadcast_in_dim3A_188 = vector.broadcast %broadcast_in_dim3A_187 : f32 to vector<512x120xf32>
    %concatenate3A = tpu.concatenate %dot_general3A_47, %broadcast_in_dim3A_59, %broadcast_in_dim3A_76, %broadcast_in_dim3A_93, %broadcast_in_dim3A_110, %broadcast_in_dim3A_127, %broadcast_in_dim3A_144, %broadcast_in_dim3A_161, %broadcast_in_dim3A_178, %broadcast_in_dim3A_188 in 1 : vector<512x512xf32>, vector<512x1xf32>, vector<512x1xf32>, vector<512x1xf32>, vector<512x1xf32>, vector<512x1xf32>, vector<512x1xf32>, vector<512x1xf32>, vector<512x1xf32>, vector<512x120xf32> -> vector<512x640xf32>
    %swap3A = arith.constant 0 : index
    %swap3A_189 = arith.constant 0 : index
    %swap3A_190 = vector.load %arg12[%swap3A, %swap3A_189] : memref<512x640xf32, #tpu.memory_space<vmem>>, vector<512x640xf32>
    tpu.vector_store %arg12[%swap3A, %swap3A_189], %concatenate3A {strides = array<i32>} : memref<512x640xf32, #tpu.memory_space<vmem>>, vector<512x640xf32>,
    %concatenate3A_191 = tpu.concatenate %broadcast_in_dim3A_67, %broadcast_in_dim3A_84, %broadcast_in_dim3A_101, %broadcast_in_dim3A_118, %broadcast_in_dim3A_135, %broadcast_in_dim3A_152, %broadcast_in_dim3A_169, %broadcast_in_dim3A_186, %broadcast_in_dim3A_188 in 1 : vector<512x1xf32>, vector<512x1xf32>, vector<512x1xf32>, vector<512x1xf32>, vector<512x1xf32>, vector<512x1xf32>, vector<512x1xf32>, vector<512x1xf32>, vector<512x120xf32> -> vector<512x128xf32>
    %swap3A_192 = arith.constant 0 : index
    %swap3A_193 = arith.constant 0 : index
    %swap3A_194 = vector.load %arg13[%swap3A_192, %swap3A_193] : memref<512x128xf32, #tpu.memory_space<vmem>>, vector<512x128xf32>
    tpu.vector_store %arg13[%swap3A_192, %swap3A_193], %concatenate3A_191 {strides = array<i32>} : memref<512x128xf32, #tpu.memory_space<vmem>>, vector<512x128xf32>,
    return
  }
  func.func @transform_0(%arg0: i32) -> (i32, i32) {
    %c0_i32 = arith.constant 0 : i32
    %c0_i32_0 = arith.constant 0 : i32
    return %arg0, %c0_i32 : i32, i32
  }
  func.func @transform_1(%arg0: i32) -> (i32, i32) {
    %c0_i32 = arith.constant 0 : i32
    %c0_i32_0 = arith.constant 0 : i32
    return %arg0, %c0_i32 : i32, i32
  }
  func.func @transform_2(%arg0: i32) -> (i32, i32) {
    %c0_i32 = arith.constant 0 : i32
    %c0_i32_0 = arith.constant 0 : i32
    %c0_i32_1 = arith.constant 0 : i32
    return %c0_i32, %c0_i32_0 : i32, i32
  }
  func.func @transform_3(%arg0: i32) -> (i32, i32) {
    %c0_i32 = arith.constant 0 : i32
    %c0_i32_0 = arith.constant 0 : i32
    %c0_i32_1 = arith.constant 0 : i32
    return %c0_i32, %c0_i32_0 : i32, i32
  }
  func.func @transform_4(%arg0: i32) -> (i32, i32) {
    %c0_i32 = arith.constant 0 : i32
    %c0_i32_0 = arith.constant 0 : i32
    %c0_i32_1 = arith.constant 0 : i32
    return %c0_i32, %c0_i32_0 : i32, i32
  }
  func.func @transform_5(%arg0: i32) -> (i32, i32) {
    %c0_i32 = arith.constant 0 : i32
    %c0_i32_0 = arith.constant 0 : i32
    %c0_i32_1 = arith.constant 0 : i32
    return %c0_i32, %c0_i32_0 : i32, i32
  }
  func.func @transform_6(%arg0: i32) -> (i32, i32) {
    %c0_i32 = arith.constant 0 : i32
    %c0_i32_0 = arith.constant 0 : i32
    %c0_i32_1 = arith.constant 0 : i32
    return %c0_i32, %c0_i32_0 : i32, i32
  }
  func.func @transform_7(%arg0: i32) -> (i32, i32) {
    %c0_i32 = arith.constant 0 : i32
    %c0_i32_0 = arith.constant 0 : i32
    %c0_i32_1 = arith.constant 0 : i32
    return %c0_i32, %c0_i32_0 : i32, i32
  }
  func.func @transform_8(%arg0: i32) -> (i32, i32) {
    %c0_i32 = arith.constant 0 : i32
    %c0_i32_0 = arith.constant 0 : i32
    %c0_i32_1 = arith.constant 0 : i32
    return %c0_i32, %c0_i32_0 : i32, i32
  }
  func.func @transform_9(%arg0: i32) -> (i32, i32) {
    %c0_i32 = arith.constant 0 : i32
    %c0_i32_0 = arith.constant 0 : i32
    %c0_i32_1 = arith.constant 0 : i32
    return %c0_i32, %c0_i32_0 : i32, i32
  }
  func.func @transform_10(%arg0: i32) -> (i32, i32) {
    %c0_i32 = arith.constant 0 : i32
    %c0_i32_0 = arith.constant 0 : i32
    %c0_i32_1 = arith.constant 0 : i32
    return %c0_i32, %c0_i32_0 : i32, i32
  }
  func.func @transform_11(%arg0: i32) -> (i32, i32) {
    %c0_i32 = arith.constant 0 : i32
    %c0_i32_0 = arith.constant 0 : i32
    return %arg0, %c0_i32 : i32, i32
  }
  func.func @transform_12(%arg0: i32) -> (i32, i32) {
    %c0_i32 = arith.constant 0 : i32
    %c0_i32_0 = arith.constant 0 : i32
    return %arg0, %c0_i32 : i32, i32
  }
}

module attributes {stable_mosaic.version = 14 : i64} {
  func.func @_exp_leaky_kernel(%arg0: i32, %arg1: memref<2048x128xf32, #tpu.memory_space<vmem>>, %arg2: memref<2048x128xf32, #tpu.memory_space<vmem>>, %arg3: memref<2048x128xf32, #tpu.memory_space<vmem>>) attributes {dimension_semantics = [#tpu.dimension_semantics<arbitrary>], iteration_bounds = array<i64: 162>, scalar_prefetch = 0 : i64, scratch_operands = 0 : i64, tpu.core_type = #tpu.core_type<tc>, window_params = [{transform_indices = @transform_0, window_bounds = array<i64: 2048, 128>}, {transform_indices = @transform_1, window_bounds = array<i64: 2048, 128>}, {transform_indices = @transform_2, window_bounds = array<i64: 2048, 128>}]} {
    %get3A = arith.constant 0 : index
    %get3A_0 = arith.constant 0 : index
    %get3A_1 = vector.load %arg1[%get3A, %get3A_0] : memref<2048x128xf32, #tpu.memory_space<vmem>>, vector<2048x128xf32>
    %slice3A = vector.extract_strided_slice %get3A_1 {offsets = [0, 0], sizes = [2048, 8], strides = [1, 1]} : vector<2048x128xf32> to vector<2048x8xf32>
    %get3A_2 = arith.constant 0 : index
    %get3A_3 = arith.constant 0 : index
    %get3A_4 = vector.load %arg2[%get3A_2, %get3A_3] : memref<2048x128xf32, #tpu.memory_space<vmem>>, vector<2048x128xf32>
    %slice3A_5 = vector.extract_strided_slice %get3A_4 {offsets = [0, 0], sizes = [2048, 8], strides = [1, 1]} : vector<2048x128xf32> to vector<2048x8xf32>
    %add3A = arith.addf %slice3A, %slice3A_5 : vector<2048x8xf32>
    %gt3A = arith.constant 0.000000e+00 : f32
    %gt3A_6 = vector.broadcast %gt3A : f32 to vector<2048x8xf32>
    %gt3A_7 = arith.cmpf ogt, %add3A, %gt3A_6 : vector<2048x8xf32>
    %mul3A = arith.constant 2.000000e-01 : f32
    %mul3A_8 = vector.broadcast %mul3A : f32 to vector<2048x8xf32>
    %mul3A_9 = arith.mulf %mul3A_8, %add3A : vector<2048x8xf32>
    %select_n3A = arith.select %gt3A_7, %add3A, %mul3A_9 : vector<2048x8xi1>, vector<2048x8xf32>
    %exp3A = math.exp %select_n3A : vector<2048x8xf32>
    %broadcast_in_dim3A = arith.constant 0.000000e+00 : f32
    %broadcast_in_dim3A_10 = vector.broadcast %broadcast_in_dim3A : f32 to vector<2048x120xf32>
    %concatenate3A = tpu.concatenate %exp3A, %broadcast_in_dim3A_10 in 1 : vector<2048x8xf32>, vector<2048x120xf32> -> vector<2048x128xf32>
    %swap3A = arith.constant 0 : index
    %swap3A_11 = arith.constant 0 : index
    %swap3A_12 = vector.load %arg3[%swap3A, %swap3A_11] : memref<2048x128xf32, #tpu.memory_space<vmem>>, vector<2048x128xf32>
    tpu.vector_store %arg3[%swap3A, %swap3A_11], %concatenate3A {strides = array<i32>} : memref<2048x128xf32, #tpu.memory_space<vmem>>, vector<2048x128xf32>,
    return
  }
  func.func @transform_0(%arg0: i32) -> (i32, i32) {
    %c4_i32 = arith.constant 4 : i32
    %c0_i32 = arith.constant 0 : i32
    return %arg0, %c4_i32 : i32, i32
  }
  func.func @transform_1(%arg0: i32) -> (i32, i32) {
    %c0_i32 = arith.constant 0 : i32
    %c0_i32_0 = arith.constant 0 : i32
    return %arg0, %c0_i32 : i32, i32
  }
  func.func @transform_2(%arg0: i32) -> (i32, i32) {
    %c0_i32 = arith.constant 0 : i32
    %c0_i32_0 = arith.constant 0 : i32
    return %arg0, %c0_i32 : i32, i32
  }
}

module attributes {stable_mosaic.version = 14 : i64} {
  func.func @_pack2_kernel(%arg0: i32, %arg1: memref<2x1x512x128xf32, #tpu.memory_space<vmem>>, %arg2: memref<512x128xf32, #tpu.memory_space<vmem>>) attributes {dimension_semantics = [#tpu.dimension_semantics<arbitrary>], iteration_bounds = array<i64: 20>, scalar_prefetch = 0 : i64, scratch_operands = 0 : i64, tpu.core_type = #tpu.core_type<tc>, window_params = [{transform_indices = @transform_0, window_bounds = array<i64: 2, 1, 512, 128>}, {transform_indices = @transform_1, window_bounds = array<i64: 512, 128>}]} {
    %get3A = arith.constant 0 : index
    %get3A_0 = arith.constant 0 : index
    %get3A_1 = arith.constant 0 : index
    %get3A_2 = arith.constant 0 : index
    %get3A_3 = vector.load %arg1[%get3A, %get3A_0, %get3A_1, %get3A_2] : memref<2x1x512x128xf32, #tpu.memory_space<vmem>>, vector<2x1x512x128xf32>
    %slice3A = vector.extract_strided_slice %get3A_3 {offsets = [0, 0, 0, 0], sizes = [1, 1, 512, 128], strides = [1, 1, 1, 1]} : vector<2x1x512x128xf32> to vector<1x1x512x128xf32>
    %squeeze3A = vector.shape_cast %slice3A : vector<1x1x512x128xf32> to vector<512x128xf32>
    %slice3A_4 = vector.extract_strided_slice %squeeze3A {offsets = [0, 0], sizes = [512, 8], strides = [1, 1]} : vector<512x128xf32> to vector<512x8xf32>
    %slice3A_5 = vector.extract_strided_slice %get3A_3 {offsets = [1, 0, 0, 0], sizes = [1, 1, 512, 128], strides = [1, 1, 1, 1]} : vector<2x1x512x128xf32> to vector<1x1x512x128xf32>
    %squeeze3A_6 = vector.shape_cast %slice3A_5 : vector<1x1x512x128xf32> to vector<512x128xf32>
    %slice3A_7 = vector.extract_strided_slice %squeeze3A_6 {offsets = [0, 0], sizes = [512, 8], strides = [1, 1]} : vector<512x128xf32> to vector<512x8xf32>
    %broadcast_in_dim3A = arith.constant 0.000000e+00 : f32
    %broadcast_in_dim3A_8 = vector.broadcast %broadcast_in_dim3A : f32 to vector<512x112xf32>
    %concatenate3A = tpu.concatenate %slice3A_4, %slice3A_7, %broadcast_in_dim3A_8 in 1 : vector<512x8xf32>, vector<512x8xf32>, vector<512x112xf32> -> vector<512x128xf32>
    %swap3A = arith.constant 0 : index
    %swap3A_9 = arith.constant 0 : index
    %swap3A_10 = vector.load %arg2[%swap3A, %swap3A_9] : memref<512x128xf32, #tpu.memory_space<vmem>>, vector<512x128xf32>
    tpu.vector_store %arg2[%swap3A, %swap3A_9], %concatenate3A {strides = array<i32>} : memref<512x128xf32, #tpu.memory_space<vmem>>, vector<512x128xf32>,
    return
  }
  func.func @transform_0(%arg0: i32) -> (i32, i32, i32, i32) {
    %c0_i32 = arith.constant 0 : i32
    %c0_i32_0 = arith.constant 0 : i32
    %c0_i32_1 = arith.constant 0 : i32
    %c0_i32_2 = arith.constant 0 : i32
    return %c0_i32, %c0_i32_0, %arg0, %c0_i32_1 : i32, i32, i32, i32
  }
  func.func @transform_1(%arg0: i32) -> (i32, i32) {
    %c0_i32 = arith.constant 0 : i32
    %c0_i32_0 = arith.constant 0 : i32
    return %arg0, %c0_i32 : i32, i32
  }
}

module attributes {stable_mosaic.version = 14 : i64} {
  func.func @_msg1_kernel(%arg0: i32, %arg1: memref<2048x128xf32, #tpu.memory_space<vmem>>, %arg2: memref<2048x128xf32, #tpu.memory_space<vmem>>, %arg3: memref<2048x512xf32, #tpu.memory_space<vmem>>, %arg4: memref<4x2048x128xf32, #tpu.memory_space<vmem>>) attributes {dimension_semantics = [#tpu.dimension_semantics<arbitrary>], iteration_bounds = array<i64: 162>, scalar_prefetch = 0 : i64, scratch_operands = 0 : i64, tpu.core_type = #tpu.core_type<tc>, window_params = [{transform_indices = @transform_0, window_bounds = array<i64: 2048, 128>}, {transform_indices = @transform_1, window_bounds = array<i64: 2048, 128>}, {transform_indices = @transform_2, window_bounds = array<i64: 2048, 512>}, {transform_indices = @transform_3, window_bounds = array<i64: 4, 2048, 128>}]} {
    %get3A = arith.constant 0 : index
    %get3A_0 = arith.constant 0 : index
    %get3A_1 = vector.load %arg2[%get3A, %get3A_0] : memref<2048x128xf32, #tpu.memory_space<vmem>>, vector<2048x128xf32>
    %get3A_2 = arith.constant 0 : index
    %get3A_3 = arith.constant 0 : index
    %get3A_4 = vector.load %arg1[%get3A_2, %get3A_3] : memref<2048x128xf32, #tpu.memory_space<vmem>>, vector<2048x128xf32>
    %slice3A = vector.extract_strided_slice %get3A_4 {offsets = [0, 0], sizes = [2048, 8], strides = [1, 1]} : vector<2048x128xf32> to vector<2048x8xf32>
    %slice3A_5 = vector.extract_strided_slice %get3A_1 {offsets = [0, 0], sizes = [2048, 8], strides = [1, 1]} : vector<2048x128xf32> to vector<2048x8xf32>
    %slice3A_6 = vector.extract_strided_slice %get3A_1 {offsets = [0, 8], sizes = [2048, 8], strides = [1, 1]} : vector<2048x128xf32> to vector<2048x8xf32>
    %add3A = arith.addf %slice3A_5, %slice3A_6 : vector<2048x8xf32>
    %add3A_7 = arith.constant 1.000000e-16 : f32
    %add3A_8 = vector.broadcast %add3A_7 : f32 to vector<2048x8xf32>
    %add3A_9 = arith.addf %add3A, %add3A_8 : vector<2048x8xf32>
    %div3A = arith.divf %slice3A, %add3A_9 : vector<2048x8xf32>
    %get3A_10 = arith.constant 0 : index
    %get3A_11 = arith.constant 0 : index
    %get3A_12 = vector.load %arg3[%get3A_10, %get3A_11] : memref<2048x512xf32, #tpu.memory_space<vmem>>, vector<2048x512xf32>
    %slice3A_13 = vector.extract_strided_slice %div3A {offsets = [0, 0], sizes = [2048, 1], strides = [1, 1]} : vector<2048x8xf32> to vector<2048x1xf32>
    %slice3A_14 = vector.extract_strided_slice %div3A {offsets = [0, 1], sizes = [2048, 1], strides = [1, 1]} : vector<2048x8xf32> to vector<2048x1xf32>
    %slice3A_15 = vector.extract_strided_slice %get3A_12 {offsets = [0, 0], sizes = [2048, 64], strides = [1, 1]} : vector<2048x512xf32> to vector<2048x64xf32>
    %mul3A = vector.broadcast %slice3A_13 : vector<2048x1xf32> to vector<2048x64xf32>
    %mul3A_16 = arith.mulf %mul3A, %slice3A_15 : vector<2048x64xf32>
    %slice3A_17 = vector.extract_strided_slice %get3A_12 {offsets = [0, 64], sizes = [2048, 64], strides = [1, 1]} : vector<2048x512xf32> to vector<2048x64xf32>
    %mul3A_18 = vector.broadcast %slice3A_14 : vector<2048x1xf32> to vector<2048x64xf32>
    %mul3A_19 = arith.mulf %mul3A_18, %slice3A_17 : vector<2048x64xf32>
    %concatenate3A = tpu.concatenate %mul3A_16, %mul3A_19 in 1 : vector<2048x64xf32>, vector<2048x64xf32> -> vector<2048x128xf32>
    %slice3A_20 = vector.extract_strided_slice %div3A {offsets = [0, 2], sizes = [2048, 1], strides = [1, 1]} : vector<2048x8xf32> to vector<2048x1xf32>
    %slice3A_21 = vector.extract_strided_slice %div3A {offsets = [0, 3], sizes = [2048, 1], strides = [1, 1]} : vector<2048x8xf32> to vector<2048x1xf32>
    %slice3A_22 = vector.extract_strided_slice %get3A_12 {offsets = [0, 128], sizes = [2048, 64], strides = [1, 1]} : vector<2048x512xf32> to vector<2048x64xf32>
    %mul3A_23 = vector.broadcast %slice3A_20 : vector<2048x1xf32> to vector<2048x64xf32>
    %mul3A_24 = arith.mulf %mul3A_23, %slice3A_22 : vector<2048x64xf32>
    %slice3A_25 = vector.extract_strided_slice %get3A_12 {offsets = [0, 192], sizes = [2048, 64], strides = [1, 1]} : vector<2048x512xf32> to vector<2048x64xf32>
    %mul3A_26 = vector.broadcast %slice3A_21 : vector<2048x1xf32> to vector<2048x64xf32>
    %mul3A_27 = arith.mulf %mul3A_26, %slice3A_25 : vector<2048x64xf32>
    %concatenate3A_28 = tpu.concatenate %mul3A_24, %mul3A_27 in 1 : vector<2048x64xf32>, vector<2048x64xf32> -> vector<2048x128xf32>
    %slice3A_29 = vector.extract_strided_slice %div3A {offsets = [0, 4], sizes = [2048, 1], strides = [1, 1]} : vector<2048x8xf32> to vector<2048x1xf32>
    %slice3A_30 = vector.extract_strided_slice %div3A {offsets = [0, 5], sizes = [2048, 1], strides = [1, 1]} : vector<2048x8xf32> to vector<2048x1xf32>
    %slice3A_31 = vector.extract_strided_slice %get3A_12 {offsets = [0, 256], sizes = [2048, 64], strides = [1, 1]} : vector<2048x512xf32> to vector<2048x64xf32>
    %mul3A_32 = vector.broadcast %slice3A_29 : vector<2048x1xf32> to vector<2048x64xf32>
    %mul3A_33 = arith.mulf %mul3A_32, %slice3A_31 : vector<2048x64xf32>
    %slice3A_34 = vector.extract_strided_slice %get3A_12 {offsets = [0, 320], sizes = [2048, 64], strides = [1, 1]} : vector<2048x512xf32> to vector<2048x64xf32>
    %mul3A_35 = vector.broadcast %slice3A_30 : vector<2048x1xf32> to vector<2048x64xf32>
    %mul3A_36 = arith.mulf %mul3A_35, %slice3A_34 : vector<2048x64xf32>
    %concatenate3A_37 = tpu.concatenate %mul3A_33, %mul3A_36 in 1 : vector<2048x64xf32>, vector<2048x64xf32> -> vector<2048x128xf32>
    %slice3A_38 = vector.extract_strided_slice %div3A {offsets = [0, 6], sizes = [2048, 1], strides = [1, 1]} : vector<2048x8xf32> to vector<2048x1xf32>
    %slice3A_39 = vector.extract_strided_slice %div3A {offsets = [0, 7], sizes = [2048, 1], strides = [1, 1]} : vector<2048x8xf32> to vector<2048x1xf32>
    %slice3A_40 = vector.extract_strided_slice %get3A_12 {offsets = [0, 384], sizes = [2048, 64], strides = [1, 1]} : vector<2048x512xf32> to vector<2048x64xf32>
    %mul3A_41 = vector.broadcast %slice3A_38 : vector<2048x1xf32> to vector<2048x64xf32>
    %mul3A_42 = arith.mulf %mul3A_41, %slice3A_40 : vector<2048x64xf32>
    %slice3A_43 = vector.extract_strided_slice %get3A_12 {offsets = [0, 448], sizes = [2048, 64], strides = [1, 1]} : vector<2048x512xf32> to vector<2048x64xf32>
    %mul3A_44 = vector.broadcast %slice3A_39 : vector<2048x1xf32> to vector<2048x64xf32>
    %mul3A_45 = arith.mulf %mul3A_44, %slice3A_43 : vector<2048x64xf32>
    %concatenate3A_46 = tpu.concatenate %mul3A_42, %mul3A_45 in 1 : vector<2048x64xf32>, vector<2048x64xf32> -> vector<2048x128xf32>
    %stack3A = vector.shape_cast %concatenate3A : vector<2048x128xf32> to vector<1x2048x128xf32>
    %stack3A_47 = vector.shape_cast %concatenate3A_28 : vector<2048x128xf32> to vector<1x2048x128xf32>
    %stack3A_48 = vector.shape_cast %concatenate3A_37 : vector<2048x128xf32> to vector<1x2048x128xf32>
    %stack3A_49 = vector.shape_cast %concatenate3A_46 : vector<2048x128xf32> to vector<1x2048x128xf32>
    %stack3A_50 = tpu.concatenate %stack3A, %stack3A_47, %stack3A_48, %stack3A_49 in 0 : vector<1x2048x128xf32>, vector<1x2048x128xf32>, vector<1x2048x128xf32>, vector<1x2048x128xf32> -> vector<4x2048x128xf32>
    %swap3A = arith.constant 0 : index
    %swap3A_51 = arith.constant 0 : index
    %swap3A_52 = arith.constant 0 : index
    %swap3A_53 = vector.load %arg4[%swap3A, %swap3A_51, %swap3A_52] : memref<4x2048x128xf32, #tpu.memory_space<vmem>>, vector<4x2048x128xf32>
    tpu.vector_store %arg4[%swap3A, %swap3A_51, %swap3A_52], %stack3A_50 {strides = array<i32>} : memref<4x2048x128xf32, #tpu.memory_space<vmem>>, vector<4x2048x128xf32>,
    return
  }
  func.func @transform_0(%arg0: i32) -> (i32, i32) {
    %c0_i32 = arith.constant 0 : i32
    %c0_i32_0 = arith.constant 0 : i32
    return %arg0, %c0_i32 : i32, i32
  }
  func.func @transform_1(%arg0: i32) -> (i32, i32) {
    %c0_i32 = arith.constant 0 : i32
    %c0_i32_0 = arith.constant 0 : i32
    return %arg0, %c0_i32 : i32, i32
  }
  func.func @transform_2(%arg0: i32) -> (i32, i32) {
    %c0_i32 = arith.constant 0 : i32
    %c0_i32_0 = arith.constant 0 : i32
    return %arg0, %c0_i32 : i32, i32
  }
  func.func @transform_3(%arg0: i32) -> (i32, i32, i32) {
    %c0_i32 = arith.constant 0 : i32
    %c0_i32_0 = arith.constant 0 : i32
    %c0_i32_1 = arith.constant 0 : i32
    return %c0_i32, %arg0, %c0_i32_0 : i32, i32, i32
  }
}

module attributes {stable_mosaic.version = 14 : i64} {
  func.func @_dense2_kernel(%arg0: i32, %arg1: memref<2x4x512x128xf32, #tpu.memory_space<vmem>>, %arg2: memref<8x64xf32, #tpu.memory_space<vmem>>, %arg3: memref<8x64x64xf32, #tpu.memory_space<vmem>>, %arg4: memref<1x64xf32, #tpu.memory_space<vmem>>, %arg5: memref<1x64xf32, #tpu.memory_space<vmem>>, %arg6: memref<512x128xf32, #tpu.memory_space<vmem>>, %arg7: memref<512x128xf32, #tpu.memory_space<vmem>>) attributes {dimension_semantics = [#tpu.dimension_semantics<arbitrary>], iteration_bounds = array<i64: 20>, scalar_prefetch = 0 : i64, scratch_operands = 0 : i64, tpu.core_type = #tpu.core_type<tc>, window_params = [{transform_indices = @transform_0, window_bounds = array<i64: 2, 4, 512, 128>}, {pipeline_mode = #tpu.pipeline_mode<synchronous>, transform_indices = @transform_1, window_bounds = array<i64: 8, 64>}, {pipeline_mode = #tpu.pipeline_mode<synchronous>, transform_indices = @transform_2, window_bounds = array<i64: 8, 64, 64>}, {pipeline_mode = #tpu.pipeline_mode<synchronous>, transform_indices = @transform_3, window_bounds = array<i64: 1, 64>}, {pipeline_mode = #tpu.pipeline_mode<synchronous>, transform_indices = @transform_4, window_bounds = array<i64: 1, 64>}, {transform_indices = @transform_5, window_bounds = array<i64: 512, 128>}, {transform_indices = @transform_6, window_bounds = array<i64: 512, 128>}]} {
    %get3A = arith.constant 0 : index
    %get3A_0 = arith.constant 0 : index
    %get3A_1 = arith.constant 0 : index
    %get3A_2 = arith.constant 0 : index
    %get3A_3 = vector.load %arg1[%get3A, %get3A_0, %get3A_1, %get3A_2] : memref<2x4x512x128xf32, #tpu.memory_space<vmem>>, vector<2x4x512x128xf32>
    %slice3A = vector.extract_strided_slice %get3A_3 {offsets = [0, 0, 0, 0], sizes = [1, 4, 512, 128], strides = [1, 1, 1, 1]} : vector<2x4x512x128xf32> to vector<1x4x512x128xf32>
    %squeeze3A = vector.shape_cast %slice3A : vector<1x4x512x128xf32> to vector<4x512x128xf32>
    %slice3A_4 = vector.extract_strided_slice %get3A_3 {offsets = [1, 0, 0, 0], sizes = [1, 4, 512, 128], strides = [1, 1, 1, 1]} : vector<2x4x512x128xf32> to vector<1x4x512x128xf32>
    %squeeze3A_5 = vector.shape_cast %slice3A_4 : vector<1x4x512x128xf32> to vector<4x512x128xf32>
    %add3A = arith.addf %squeeze3A, %squeeze3A_5 : vector<4x512x128xf32>
    %get3A_6 = arith.constant 0 : index
    %get3A_7 = arith.constant 0 : index
    %get3A_8 = vector.load %arg2[%get3A_6, %get3A_7] : memref<8x64xf32, #tpu.memory_space<vmem>>, vector<8x64xf32>
    %get3A_9 = arith.constant 0 : index
    %get3A_10 = arith.constant 0 : index
    %get3A_11 = arith.constant 0 : index
    %get3A_12 = vector.load %arg3[%get3A_9, %get3A_10, %get3A_11] : memref<8x64x64xf32, #tpu.memory_space<vmem>>, vector<8x64x64xf32>
    %slice3A_13 = vector.extract_strided_slice %add3A {offsets = [0, 0, 0], sizes = [1, 512, 128], strides = [1, 1, 1]} : vector<4x512x128xf32> to vector<1x512x128xf32>
    %squeeze3A_14 = vector.shape_cast %slice3A_13 : vector<1x512x128xf32> to vector<512x128xf32>
    %slice3A_15 = vector.extract_strided_slice %squeeze3A_14 {offsets = [0, 0], sizes = [512, 64], strides = [1, 1]} : vector<512x128xf32> to vector<512x64xf32>
    %slice3A_16 = vector.extract_strided_slice %get3A_8 {offsets = [0, 0], sizes = [1, 64], strides = [1, 1]} : vector<8x64xf32> to vector<1x64xf32>
    %squeeze3A_17 = vector.shape_cast %slice3A_16 : vector<1x64xf32> to vector<64xf32>
    %broadcast_in_dim3A = vector.shape_cast %squeeze3A_17 : vector<64xf32> to vector<1x64xf32>
    %add3A_18 = vector.broadcast %broadcast_in_dim3A : vector<1x64xf32> to vector<512x64xf32>
    %add3A_19 = arith.addf %slice3A_15, %add3A_18 : vector<512x64xf32>
    %gt3A = arith.constant 0.000000e+00 : f32
    %gt3A_20 = vector.broadcast %gt3A : f32 to vector<512x64xf32>
    %gt3A_21 = arith.cmpf ogt, %add3A_19, %gt3A_20 : vector<512x64xf32>
    %min3A = arith.constant 0.000000e+00 : f32
    %min3A_22 = vector.broadcast %min3A : f32 to vector<512x64xf32>
    %min3A_23 = arith.minimumf %add3A_19, %min3A_22 : vector<512x64xf32>
    %exp3A = math.exp %min3A_23 : vector<512x64xf32>
    %sub3A = arith.constant 1.000000e+00 : f32
    %sub3A_24 = vector.broadcast %sub3A : f32 to vector<512x64xf32>
    %sub3A_25 = arith.subf %exp3A, %sub3A_24 : vector<512x64xf32>
    %select_n3A = arith.select %gt3A_21, %add3A_19, %sub3A_25 : vector<512x64xi1>, vector<512x64xf32>
    %slice3A_26 = vector.extract_strided_slice %get3A_12 {offsets = [0, 0, 0], sizes = [1, 64, 64], strides = [1, 1, 1]} : vector<8x64x64xf32> to vector<1x64x64xf32>
    %squeeze3A_27 = vector.shape_cast %slice3A_26 : vector<1x64x64xf32> to vector<64x64xf32>
    %dot_general3A = arith.constant dense<0.000000e+00> : vector<512x64xf32>
    %dot_general3A_28 = tpu.matmul %select_n3A, %squeeze3A_27, %dot_general3A {dimension_numbers = #tpu.dot_dimension_numbers<[1], [0], [0], [1], [0, 0, 1, 1], [], []>, transpose_lhs_hint = false} : vector<512x64xf32>, vector<64x64xf32>, vector<512x64xf32> -> vector<512x64xf32>
    %slice3A_29 = vector.extract_strided_slice %add3A {offsets = [0, 0, 0], sizes = [1, 512, 128], strides = [1, 1, 1]} : vector<4x512x128xf32> to vector<1x512x128xf32>
    %squeeze3A_30 = vector.shape_cast %slice3A_29 : vector<1x512x128xf32> to vector<512x128xf32>
    %slice3A_31 = vector.extract_strided_slice %squeeze3A_30 {offsets = [0, 64], sizes = [512, 64], strides = [1, 1]} : vector<512x128xf32> to vector<512x64xf32>
    %slice3A_32 = vector.extract_strided_slice %get3A_8 {offsets = [1, 0], sizes = [1, 64], strides = [1, 1]} : vector<8x64xf32> to vector<1x64xf32>
    %squeeze3A_33 = vector.shape_cast %slice3A_32 : vector<1x64xf32> to vector<64xf32>
    %broadcast_in_dim3A_34 = vector.shape_cast %squeeze3A_33 : vector<64xf32> to vector<1x64xf32>
    %add3A_35 = vector.broadcast %broadcast_in_dim3A_34 : vector<1x64xf32> to vector<512x64xf32>
    %add3A_36 = arith.addf %slice3A_31, %add3A_35 : vector<512x64xf32>
    %gt3A_37 = arith.constant 0.000000e+00 : f32
    %gt3A_38 = vector.broadcast %gt3A_37 : f32 to vector<512x64xf32>
    %gt3A_39 = arith.cmpf ogt, %add3A_36, %gt3A_38 : vector<512x64xf32>
    %min3A_40 = arith.constant 0.000000e+00 : f32
    %min3A_41 = vector.broadcast %min3A_40 : f32 to vector<512x64xf32>
    %min3A_42 = arith.minimumf %add3A_36, %min3A_41 : vector<512x64xf32>
    %exp3A_43 = math.exp %min3A_42 : vector<512x64xf32>
    %sub3A_44 = arith.constant 1.000000e+00 : f32
    %sub3A_45 = vector.broadcast %sub3A_44 : f32 to vector<512x64xf32>
    %sub3A_46 = arith.subf %exp3A_43, %sub3A_45 : vector<512x64xf32>
    %select_n3A_47 = arith.select %gt3A_39, %add3A_36, %sub3A_46 : vector<512x64xi1>, vector<512x64xf32>
    %slice3A_48 = vector.extract_strided_slice %get3A_12 {offsets = [1, 0, 0], sizes = [1, 64, 64], strides = [1, 1, 1]} : vector<8x64x64xf32> to vector<1x64x64xf32>
    %squeeze3A_49 = vector.shape_cast %slice3A_48 : vector<1x64x64xf32> to vector<64x64xf32>
    %dot_general3A_50 = arith.constant dense<0.000000e+00> : vector<512x64xf32>
    %dot_general3A_51 = tpu.matmul %select_n3A_47, %squeeze3A_49, %dot_general3A_50 {dimension_numbers = #tpu.dot_dimension_numbers<[1], [0], [0], [1], [0, 0, 1, 1], [], []>, transpose_lhs_hint = false} : vector<512x64xf32>, vector<64x64xf32>, vector<512x64xf32> -> vector<512x64xf32>
    %add3A_52 = arith.addf %dot_general3A_28, %dot_general3A_51 : vector<512x64xf32>
    %slice3A_53 = vector.extract_strided_slice %add3A {offsets = [1, 0, 0], sizes = [1, 512, 128], strides = [1, 1, 1]} : vector<4x512x128xf32> to vector<1x512x128xf32>
    %squeeze3A_54 = vector.shape_cast %slice3A_53 : vector<1x512x128xf32> to vector<512x128xf32>
    %slice3A_55 = vector.extract_strided_slice %squeeze3A_54 {offsets = [0, 0], sizes = [512, 64], strides = [1, 1]} : vector<512x128xf32> to vector<512x64xf32>
    %slice3A_56 = vector.extract_strided_slice %get3A_8 {offsets = [2, 0], sizes = [1, 64], strides = [1, 1]} : vector<8x64xf32> to vector<1x64xf32>
    %squeeze3A_57 = vector.shape_cast %slice3A_56 : vector<1x64xf32> to vector<64xf32>
    %broadcast_in_dim3A_58 = vector.shape_cast %squeeze3A_57 : vector<64xf32> to vector<1x64xf32>
    %add3A_59 = vector.broadcast %broadcast_in_dim3A_58 : vector<1x64xf32> to vector<512x64xf32>
    %add3A_60 = arith.addf %slice3A_55, %add3A_59 : vector<512x64xf32>
    %gt3A_61 = arith.constant 0.000000e+00 : f32
    %gt3A_62 = vector.broadcast %gt3A_61 : f32 to vector<512x64xf32>
    %gt3A_63 = arith.cmpf ogt, %add3A_60, %gt3A_62 : vector<512x64xf32>
    %min3A_64 = arith.constant 0.000000e+00 : f32
    %min3A_65 = vector.broadcast %min3A_64 : f32 to vector<512x64xf32>
    %min3A_66 = arith.minimumf %add3A_60, %min3A_65 : vector<512x64xf32>
    %exp3A_67 = math.exp %min3A_66 : vector<512x64xf32>
    %sub3A_68 = arith.constant 1.000000e+00 : f32
    %sub3A_69 = vector.broadcast %sub3A_68 : f32 to vector<512x64xf32>
    %sub3A_70 = arith.subf %exp3A_67, %sub3A_69 : vector<512x64xf32>
    %select_n3A_71 = arith.select %gt3A_63, %add3A_60, %sub3A_70 : vector<512x64xi1>, vector<512x64xf32>
    %slice3A_72 = vector.extract_strided_slice %get3A_12 {offsets = [2, 0, 0], sizes = [1, 64, 64], strides = [1, 1, 1]} : vector<8x64x64xf32> to vector<1x64x64xf32>
    %squeeze3A_73 = vector.shape_cast %slice3A_72 : vector<1x64x64xf32> to vector<64x64xf32>
    %dot_general3A_74 = arith.constant dense<0.000000e+00> : vector<512x64xf32>
    %dot_general3A_75 = tpu.matmul %select_n3A_71, %squeeze3A_73, %dot_general3A_74 {dimension_numbers = #tpu.dot_dimension_numbers<[1], [0], [0], [1], [0, 0, 1, 1], [], []>, transpose_lhs_hint = false} : vector<512x64xf32>, vector<64x64xf32>, vector<512x64xf32> -> vector<512x64xf32>
    %add3A_76 = arith.addf %add3A_52, %dot_general3A_75 : vector<512x64xf32>
    %slice3A_77 = vector.extract_strided_slice %add3A {offsets = [1, 0, 0], sizes = [1, 512, 128], strides = [1, 1, 1]} : vector<4x512x128xf32> to vector<1x512x128xf32>
    %squeeze3A_78 = vector.shape_cast %slice3A_77 : vector<1x512x128xf32> to vector<512x128xf32>
    %slice3A_79 = vector.extract_strided_slice %squeeze3A_78 {offsets = [0, 64], sizes = [512, 64], strides = [1, 1]} : vector<512x128xf32> to vector<512x64xf32>
    %slice3A_80 = vector.extract_strided_slice %get3A_8 {offsets = [3, 0], sizes = [1, 64], strides = [1, 1]} : vector<8x64xf32> to vector<1x64xf32>
    %squeeze3A_81 = vector.shape_cast %slice3A_80 : vector<1x64xf32> to vector<64xf32>
    %broadcast_in_dim3A_82 = vector.shape_cast %squeeze3A_81 : vector<64xf32> to vector<1x64xf32>
    %add3A_83 = vector.broadcast %broadcast_in_dim3A_82 : vector<1x64xf32> to vector<512x64xf32>
    %add3A_84 = arith.addf %slice3A_79, %add3A_83 : vector<512x64xf32>
    %gt3A_85 = arith.constant 0.000000e+00 : f32
    %gt3A_86 = vector.broadcast %gt3A_85 : f32 to vector<512x64xf32>
    %gt3A_87 = arith.cmpf ogt, %add3A_84, %gt3A_86 : vector<512x64xf32>
    %min3A_88 = arith.constant 0.000000e+00 : f32
    %min3A_89 = vector.broadcast %min3A_88 : f32 to vector<512x64xf32>
    %min3A_90 = arith.minimumf %add3A_84, %min3A_89 : vector<512x64xf32>
    %exp3A_91 = math.exp %min3A_90 : vector<512x64xf32>
    %sub3A_92 = arith.constant 1.000000e+00 : f32
    %sub3A_93 = vector.broadcast %sub3A_92 : f32 to vector<512x64xf32>
    %sub3A_94 = arith.subf %exp3A_91, %sub3A_93 : vector<512x64xf32>
    %select_n3A_95 = arith.select %gt3A_87, %add3A_84, %sub3A_94 : vector<512x64xi1>, vector<512x64xf32>
    %slice3A_96 = vector.extract_strided_slice %get3A_12 {offsets = [3, 0, 0], sizes = [1, 64, 64], strides = [1, 1, 1]} : vector<8x64x64xf32> to vector<1x64x64xf32>
    %squeeze3A_97 = vector.shape_cast %slice3A_96 : vector<1x64x64xf32> to vector<64x64xf32>
    %dot_general3A_98 = arith.constant dense<0.000000e+00> : vector<512x64xf32>
    %dot_general3A_99 = tpu.matmul %select_n3A_95, %squeeze3A_97, %dot_general3A_98 {dimension_numbers = #tpu.dot_dimension_numbers<[1], [0], [0], [1], [0, 0, 1, 1], [], []>, transpose_lhs_hint = false} : vector<512x64xf32>, vector<64x64xf32>, vector<512x64xf32> -> vector<512x64xf32>
    %add3A_100 = arith.addf %add3A_76, %dot_general3A_99 : vector<512x64xf32>
    %slice3A_101 = vector.extract_strided_slice %add3A {offsets = [2, 0, 0], sizes = [1, 512, 128], strides = [1, 1, 1]} : vector<4x512x128xf32> to vector<1x512x128xf32>
    %squeeze3A_102 = vector.shape_cast %slice3A_101 : vector<1x512x128xf32> to vector<512x128xf32>
    %slice3A_103 = vector.extract_strided_slice %squeeze3A_102 {offsets = [0, 0], sizes = [512, 64], strides = [1, 1]} : vector<512x128xf32> to vector<512x64xf32>
    %slice3A_104 = vector.extract_strided_slice %get3A_8 {offsets = [4, 0], sizes = [1, 64], strides = [1, 1]} : vector<8x64xf32> to vector<1x64xf32>
    %squeeze3A_105 = vector.shape_cast %slice3A_104 : vector<1x64xf32> to vector<64xf32>
    %broadcast_in_dim3A_106 = vector.shape_cast %squeeze3A_105 : vector<64xf32> to vector<1x64xf32>
    %add3A_107 = vector.broadcast %broadcast_in_dim3A_106 : vector<1x64xf32> to vector<512x64xf32>
    %add3A_108 = arith.addf %slice3A_103, %add3A_107 : vector<512x64xf32>
    %gt3A_109 = arith.constant 0.000000e+00 : f32
    %gt3A_110 = vector.broadcast %gt3A_109 : f32 to vector<512x64xf32>
    %gt3A_111 = arith.cmpf ogt, %add3A_108, %gt3A_110 : vector<512x64xf32>
    %min3A_112 = arith.constant 0.000000e+00 : f32
    %min3A_113 = vector.broadcast %min3A_112 : f32 to vector<512x64xf32>
    %min3A_114 = arith.minimumf %add3A_108, %min3A_113 : vector<512x64xf32>
    %exp3A_115 = math.exp %min3A_114 : vector<512x64xf32>
    %sub3A_116 = arith.constant 1.000000e+00 : f32
    %sub3A_117 = vector.broadcast %sub3A_116 : f32 to vector<512x64xf32>
    %sub3A_118 = arith.subf %exp3A_115, %sub3A_117 : vector<512x64xf32>
    %select_n3A_119 = arith.select %gt3A_111, %add3A_108, %sub3A_118 : vector<512x64xi1>, vector<512x64xf32>
    %slice3A_120 = vector.extract_strided_slice %get3A_12 {offsets = [4, 0, 0], sizes = [1, 64, 64], strides = [1, 1, 1]} : vector<8x64x64xf32> to vector<1x64x64xf32>
    %squeeze3A_121 = vector.shape_cast %slice3A_120 : vector<1x64x64xf32> to vector<64x64xf32>
    %dot_general3A_122 = arith.constant dense<0.000000e+00> : vector<512x64xf32>
    %dot_general3A_123 = tpu.matmul %select_n3A_119, %squeeze3A_121, %dot_general3A_122 {dimension_numbers = #tpu.dot_dimension_numbers<[1], [0], [0], [1], [0, 0, 1, 1], [], []>, transpose_lhs_hint = false} : vector<512x64xf32>, vector<64x64xf32>, vector<512x64xf32> -> vector<512x64xf32>
    %add3A_124 = arith.addf %add3A_100, %dot_general3A_123 : vector<512x64xf32>
    %slice3A_125 = vector.extract_strided_slice %add3A {offsets = [2, 0, 0], sizes = [1, 512, 128], strides = [1, 1, 1]} : vector<4x512x128xf32> to vector<1x512x128xf32>
    %squeeze3A_126 = vector.shape_cast %slice3A_125 : vector<1x512x128xf32> to vector<512x128xf32>
    %slice3A_127 = vector.extract_strided_slice %squeeze3A_126 {offsets = [0, 64], sizes = [512, 64], strides = [1, 1]} : vector<512x128xf32> to vector<512x64xf32>
    %slice3A_128 = vector.extract_strided_slice %get3A_8 {offsets = [5, 0], sizes = [1, 64], strides = [1, 1]} : vector<8x64xf32> to vector<1x64xf32>
    %squeeze3A_129 = vector.shape_cast %slice3A_128 : vector<1x64xf32> to vector<64xf32>
    %broadcast_in_dim3A_130 = vector.shape_cast %squeeze3A_129 : vector<64xf32> to vector<1x64xf32>
    %add3A_131 = vector.broadcast %broadcast_in_dim3A_130 : vector<1x64xf32> to vector<512x64xf32>
    %add3A_132 = arith.addf %slice3A_127, %add3A_131 : vector<512x64xf32>
    %gt3A_133 = arith.constant 0.000000e+00 : f32
    %gt3A_134 = vector.broadcast %gt3A_133 : f32 to vector<512x64xf32>
    %gt3A_135 = arith.cmpf ogt, %add3A_132, %gt3A_134 : vector<512x64xf32>
    %min3A_136 = arith.constant 0.000000e+00 : f32
    %min3A_137 = vector.broadcast %min3A_136 : f32 to vector<512x64xf32>
    %min3A_138 = arith.minimumf %add3A_132, %min3A_137 : vector<512x64xf32>
    %exp3A_139 = math.exp %min3A_138 : vector<512x64xf32>
    %sub3A_140 = arith.constant 1.000000e+00 : f32
    %sub3A_141 = vector.broadcast %sub3A_140 : f32 to vector<512x64xf32>
    %sub3A_142 = arith.subf %exp3A_139, %sub3A_141 : vector<512x64xf32>
    %select_n3A_143 = arith.select %gt3A_135, %add3A_132, %sub3A_142 : vector<512x64xi1>, vector<512x64xf32>
    %slice3A_144 = vector.extract_strided_slice %get3A_12 {offsets = [5, 0, 0], sizes = [1, 64, 64], strides = [1, 1, 1]} : vector<8x64x64xf32> to vector<1x64x64xf32>
    %squeeze3A_145 = vector.shape_cast %slice3A_144 : vector<1x64x64xf32> to vector<64x64xf32>
    %dot_general3A_146 = arith.constant dense<0.000000e+00> : vector<512x64xf32>
    %dot_general3A_147 = tpu.matmul %select_n3A_143, %squeeze3A_145, %dot_general3A_146 {dimension_numbers = #tpu.dot_dimension_numbers<[1], [0], [0], [1], [0, 0, 1, 1], [], []>, transpose_lhs_hint = false} : vector<512x64xf32>, vector<64x64xf32>, vector<512x64xf32> -> vector<512x64xf32>
    %add3A_148 = arith.addf %add3A_124, %dot_general3A_147 : vector<512x64xf32>
    %slice3A_149 = vector.extract_strided_slice %add3A {offsets = [3, 0, 0], sizes = [1, 512, 128], strides = [1, 1, 1]} : vector<4x512x128xf32> to vector<1x512x128xf32>
    %squeeze3A_150 = vector.shape_cast %slice3A_149 : vector<1x512x128xf32> to vector<512x128xf32>
    %slice3A_151 = vector.extract_strided_slice %squeeze3A_150 {offsets = [0, 0], sizes = [512, 64], strides = [1, 1]} : vector<512x128xf32> to vector<512x64xf32>
    %slice3A_152 = vector.extract_strided_slice %get3A_8 {offsets = [6, 0], sizes = [1, 64], strides = [1, 1]} : vector<8x64xf32> to vector<1x64xf32>
    %squeeze3A_153 = vector.shape_cast %slice3A_152 : vector<1x64xf32> to vector<64xf32>
    %broadcast_in_dim3A_154 = vector.shape_cast %squeeze3A_153 : vector<64xf32> to vector<1x64xf32>
    %add3A_155 = vector.broadcast %broadcast_in_dim3A_154 : vector<1x64xf32> to vector<512x64xf32>
    %add3A_156 = arith.addf %slice3A_151, %add3A_155 : vector<512x64xf32>
    %gt3A_157 = arith.constant 0.000000e+00 : f32
    %gt3A_158 = vector.broadcast %gt3A_157 : f32 to vector<512x64xf32>
    %gt3A_159 = arith.cmpf ogt, %add3A_156, %gt3A_158 : vector<512x64xf32>
    %min3A_160 = arith.constant 0.000000e+00 : f32
    %min3A_161 = vector.broadcast %min3A_160 : f32 to vector<512x64xf32>
    %min3A_162 = arith.minimumf %add3A_156, %min3A_161 : vector<512x64xf32>
    %exp3A_163 = math.exp %min3A_162 : vector<512x64xf32>
    %sub3A_164 = arith.constant 1.000000e+00 : f32
    %sub3A_165 = vector.broadcast %sub3A_164 : f32 to vector<512x64xf32>
    %sub3A_166 = arith.subf %exp3A_163, %sub3A_165 : vector<512x64xf32>
    %select_n3A_167 = arith.select %gt3A_159, %add3A_156, %sub3A_166 : vector<512x64xi1>, vector<512x64xf32>
    %slice3A_168 = vector.extract_strided_slice %get3A_12 {offsets = [6, 0, 0], sizes = [1, 64, 64], strides = [1, 1, 1]} : vector<8x64x64xf32> to vector<1x64x64xf32>
    %squeeze3A_169 = vector.shape_cast %slice3A_168 : vector<1x64x64xf32> to vector<64x64xf32>
    %dot_general3A_170 = arith.constant dense<0.000000e+00> : vector<512x64xf32>
    %dot_general3A_171 = tpu.matmul %select_n3A_167, %squeeze3A_169, %dot_general3A_170 {dimension_numbers = #tpu.dot_dimension_numbers<[1], [0], [0], [1], [0, 0, 1, 1], [], []>, transpose_lhs_hint = false} : vector<512x64xf32>, vector<64x64xf32>, vector<512x64xf32> -> vector<512x64xf32>
    %add3A_172 = arith.addf %add3A_148, %dot_general3A_171 : vector<512x64xf32>
    %slice3A_173 = vector.extract_strided_slice %add3A {offsets = [3, 0, 0], sizes = [1, 512, 128], strides = [1, 1, 1]} : vector<4x512x128xf32> to vector<1x512x128xf32>
    %squeeze3A_174 = vector.shape_cast %slice3A_173 : vector<1x512x128xf32> to vector<512x128xf32>
    %slice3A_175 = vector.extract_strided_slice %squeeze3A_174 {offsets = [0, 64], sizes = [512, 64], strides = [1, 1]} : vector<512x128xf32> to vector<512x64xf32>
    %slice3A_176 = vector.extract_strided_slice %get3A_8 {offsets = [7, 0], sizes = [1, 64], strides = [1, 1]} : vector<8x64xf32> to vector<1x64xf32>
    %squeeze3A_177 = vector.shape_cast %slice3A_176 : vector<1x64xf32> to vector<64xf32>
    %broadcast_in_dim3A_178 = vector.shape_cast %squeeze3A_177 : vector<64xf32> to vector<1x64xf32>
    %add3A_179 = vector.broadcast %broadcast_in_dim3A_178 : vector<1x64xf32> to vector<512x64xf32>
    %add3A_180 = arith.addf %slice3A_175, %add3A_179 : vector<512x64xf32>
    %gt3A_181 = arith.constant 0.000000e+00 : f32
    %gt3A_182 = vector.broadcast %gt3A_181 : f32 to vector<512x64xf32>
    %gt3A_183 = arith.cmpf ogt, %add3A_180, %gt3A_182 : vector<512x64xf32>
    %min3A_184 = arith.constant 0.000000e+00 : f32
    %min3A_185 = vector.broadcast %min3A_184 : f32 to vector<512x64xf32>
    %min3A_186 = arith.minimumf %add3A_180, %min3A_185 : vector<512x64xf32>
    %exp3A_187 = math.exp %min3A_186 : vector<512x64xf32>
    %sub3A_188 = arith.constant 1.000000e+00 : f32
    %sub3A_189 = vector.broadcast %sub3A_188 : f32 to vector<512x64xf32>
    %sub3A_190 = arith.subf %exp3A_187, %sub3A_189 : vector<512x64xf32>
    %select_n3A_191 = arith.select %gt3A_183, %add3A_180, %sub3A_190 : vector<512x64xi1>, vector<512x64xf32>
    %slice3A_192 = vector.extract_strided_slice %get3A_12 {offsets = [7, 0, 0], sizes = [1, 64, 64], strides = [1, 1, 1]} : vector<8x64x64xf32> to vector<1x64x64xf32>
    %squeeze3A_193 = vector.shape_cast %slice3A_192 : vector<1x64x64xf32> to vector<64x64xf32>
    %dot_general3A_194 = arith.constant dense<0.000000e+00> : vector<512x64xf32>
    %dot_general3A_195 = tpu.matmul %select_n3A_191, %squeeze3A_193, %dot_general3A_194 {dimension_numbers = #tpu.dot_dimension_numbers<[1], [0], [0], [1], [0, 0, 1, 1], [], []>, transpose_lhs_hint = false} : vector<512x64xf32>, vector<64x64xf32>, vector<512x64xf32> -> vector<512x64xf32>
    %add3A_196 = arith.addf %add3A_172, %dot_general3A_195 : vector<512x64xf32>
    %get3A_197 = arith.constant 0 : index
    %get3A_198 = arith.constant 0 : index
    %get3A_199 = vector.load %arg4[%get3A_197, %get3A_198] : memref<1x64xf32, #tpu.memory_space<vmem>>, vector<1x64xf32>
    %mul3A = vector.broadcast %get3A_199 : vector<1x64xf32> to vector<512x64xf32>
    %mul3A_200 = arith.mulf %add3A_196, %mul3A : vector<512x64xf32>
    %reduce_sum3A = arith.constant dense<0.000000e+00> : vector<512xf32>
    %reduce_sum3A_201 = vector.multi_reduction <add>, %mul3A_200, %reduce_sum3A [1] : vector<512x64xf32> to vector<512xf32>
    %broadcast_in_dim3A_202 = vector.shape_cast %reduce_sum3A_201 : vector<512xf32> to vector<512x1xf32>
    %broadcast_in_dim3A_203 = vector.shape_cast %broadcast_in_dim3A_202 : vector<512x1xf32> to vector<512x1xf32>
    %broadcast_in_dim3A_204 = vector.broadcast %broadcast_in_dim3A_203 : vector<512x1xf32> to vector<512x8xf32>
    %get3A_205 = arith.constant 0 : index
    %get3A_206 = arith.constant 0 : index
    %get3A_207 = vector.load %arg5[%get3A_205, %get3A_206] : memref<1x64xf32, #tpu.memory_space<vmem>>, vector<1x64xf32>
    %mul3A_208 = vector.broadcast %get3A_207 : vector<1x64xf32> to vector<512x64xf32>
    %mul3A_209 = arith.mulf %add3A_196, %mul3A_208 : vector<512x64xf32>
    %reduce_sum3A_210 = arith.constant dense<0.000000e+00> : vector<512xf32>
    %reduce_sum3A_211 = vector.multi_reduction <add>, %mul3A_209, %reduce_sum3A_210 [1] : vector<512x64xf32> to vector<512xf32>
    %broadcast_in_dim3A_212 = vector.shape_cast %reduce_sum3A_211 : vector<512xf32> to vector<512x1xf32>
    %broadcast_in_dim3A_213 = vector.shape_cast %broadcast_in_dim3A_212 : vector<512x1xf32> to vector<512x1xf32>
    %broadcast_in_dim3A_214 = vector.broadcast %broadcast_in_dim3A_213 : vector<512x1xf32> to vector<512x8xf32>
    %broadcast_in_dim3A_215 = arith.constant 0.000000e+00 : f32
    %broadcast_in_dim3A_216 = vector.broadcast %broadcast_in_dim3A_215 : f32 to vector<512x56xf32>
    %concatenate3A = tpu.concatenate %add3A_196, %broadcast_in_dim3A_204, %broadcast_in_dim3A_216 in 1 : vector<512x64xf32>, vector<512x8xf32>, vector<512x56xf32> -> vector<512x128xf32>
    %swap3A = arith.constant 0 : index
    %swap3A_217 = arith.constant 0 : index
    %swap3A_218 = vector.load %arg6[%swap3A, %swap3A_217] : memref<512x128xf32, #tpu.memory_space<vmem>>, vector<512x128xf32>
    tpu.vector_store %arg6[%swap3A, %swap3A_217], %concatenate3A {strides = array<i32>} : memref<512x128xf32, #tpu.memory_space<vmem>>, vector<512x128xf32>,
    %broadcast_in_dim3A_219 = arith.constant 0.000000e+00 : f32
    %broadcast_in_dim3A_220 = vector.broadcast %broadcast_in_dim3A_219 : f32 to vector<512x120xf32>
    %concatenate3A_221 = tpu.concatenate %broadcast_in_dim3A_214, %broadcast_in_dim3A_220 in 1 : vector<512x8xf32>, vector<512x120xf32> -> vector<512x128xf32>
    %swap3A_222 = arith.constant 0 : index
    %swap3A_223 = arith.constant 0 : index
    %swap3A_224 = vector.load %arg7[%swap3A_222, %swap3A_223] : memref<512x128xf32, #tpu.memory_space<vmem>>, vector<512x128xf32>
    tpu.vector_store %arg7[%swap3A_222, %swap3A_223], %concatenate3A_221 {strides = array<i32>} : memref<512x128xf32, #tpu.memory_space<vmem>>, vector<512x128xf32>,
    return
  }
  func.func @transform_0(%arg0: i32) -> (i32, i32, i32, i32) {
    %c0_i32 = arith.constant 0 : i32
    %c0_i32_0 = arith.constant 0 : i32
    %c0_i32_1 = arith.constant 0 : i32
    %c0_i32_2 = arith.constant 0 : i32
    return %c0_i32, %c0_i32_0, %arg0, %c0_i32_1 : i32, i32, i32, i32
  }
  func.func @transform_1(%arg0: i32) -> (i32, i32) {
    %c0_i32 = arith.constant 0 : i32
    %c0_i32_0 = arith.constant 0 : i32
    %c0_i32_1 = arith.constant 0 : i32
    return %c0_i32, %c0_i32_0 : i32, i32
  }
  func.func @transform_2(%arg0: i32) -> (i32, i32, i32) {
    %c0_i32 = arith.constant 0 : i32
    %c0_i32_0 = arith.constant 0 : i32
    %c0_i32_1 = arith.constant 0 : i32
    %c0_i32_2 = arith.constant 0 : i32
    return %c0_i32, %c0_i32_0, %c0_i32_1 : i32, i32, i32
  }
  func.func @transform_3(%arg0: i32) -> (i32, i32) {
    %c0_i32 = arith.constant 0 : i32
    %c0_i32_0 = arith.constant 0 : i32
    %c0_i32_1 = arith.constant 0 : i32
    return %c0_i32, %c0_i32_0 : i32, i32
  }
  func.func @transform_4(%arg0: i32) -> (i32, i32) {
    %c0_i32 = arith.constant 0 : i32
    %c0_i32_0 = arith.constant 0 : i32
    %c0_i32_1 = arith.constant 0 : i32
    return %c0_i32, %c0_i32_0 : i32, i32
  }
  func.func @transform_5(%arg0: i32) -> (i32, i32) {
    %c0_i32 = arith.constant 0 : i32
    %c0_i32_0 = arith.constant 0 : i32
    return %arg0, %c0_i32 : i32, i32
  }
  func.func @transform_6(%arg0: i32) -> (i32, i32) {
    %c0_i32 = arith.constant 0 : i32
    %c0_i32_0 = arith.constant 0 : i32
    return %arg0, %c0_i32 : i32, i32
  }
}

module attributes {stable_mosaic.version = 14 : i64} {
  func.func @_exp_leaky_kernel(%arg0: i32, %arg1: memref<2048x128xf32, #tpu.memory_space<vmem>>, %arg2: memref<2048x128xf32, #tpu.memory_space<vmem>>, %arg3: memref<2048x128xf32, #tpu.memory_space<vmem>>) attributes {dimension_semantics = [#tpu.dimension_semantics<arbitrary>], iteration_bounds = array<i64: 162>, scalar_prefetch = 0 : i64, scratch_operands = 0 : i64, tpu.core_type = #tpu.core_type<tc>, window_params = [{transform_indices = @transform_0, window_bounds = array<i64: 2048, 128>}, {transform_indices = @transform_1, window_bounds = array<i64: 2048, 128>}, {transform_indices = @transform_2, window_bounds = array<i64: 2048, 128>}]} {
    %get3A = arith.constant 0 : index
    %get3A_0 = arith.constant 0 : index
    %get3A_1 = vector.load %arg1[%get3A, %get3A_0] : memref<2048x128xf32, #tpu.memory_space<vmem>>, vector<2048x128xf32>
    %slice3A = vector.extract_strided_slice %get3A_1 {offsets = [0, 64], sizes = [2048, 8], strides = [1, 1]} : vector<2048x128xf32> to vector<2048x8xf32>
    %get3A_2 = arith.constant 0 : index
    %get3A_3 = arith.constant 0 : index
    %get3A_4 = vector.load %arg2[%get3A_2, %get3A_3] : memref<2048x128xf32, #tpu.memory_space<vmem>>, vector<2048x128xf32>
    %slice3A_5 = vector.extract_strided_slice %get3A_4 {offsets = [0, 0], sizes = [2048, 8], strides = [1, 1]} : vector<2048x128xf32> to vector<2048x8xf32>
    %add3A = arith.addf %slice3A, %slice3A_5 : vector<2048x8xf32>
    %gt3A = arith.constant 0.000000e+00 : f32
    %gt3A_6 = vector.broadcast %gt3A : f32 to vector<2048x8xf32>
    %gt3A_7 = arith.cmpf ogt, %add3A, %gt3A_6 : vector<2048x8xf32>
    %mul3A = arith.constant 2.000000e-01 : f32
    %mul3A_8 = vector.broadcast %mul3A : f32 to vector<2048x8xf32>
    %mul3A_9 = arith.mulf %mul3A_8, %add3A : vector<2048x8xf32>
    %select_n3A = arith.select %gt3A_7, %add3A, %mul3A_9 : vector<2048x8xi1>, vector<2048x8xf32>
    %exp3A = math.exp %select_n3A : vector<2048x8xf32>
    %broadcast_in_dim3A = arith.constant 0.000000e+00 : f32
    %broadcast_in_dim3A_10 = vector.broadcast %broadcast_in_dim3A : f32 to vector<2048x120xf32>
    %concatenate3A = tpu.concatenate %exp3A, %broadcast_in_dim3A_10 in 1 : vector<2048x8xf32>, vector<2048x120xf32> -> vector<2048x128xf32>
    %swap3A = arith.constant 0 : index
    %swap3A_11 = arith.constant 0 : index
    %swap3A_12 = vector.load %arg3[%swap3A, %swap3A_11] : memref<2048x128xf32, #tpu.memory_space<vmem>>, vector<2048x128xf32>
    tpu.vector_store %arg3[%swap3A, %swap3A_11], %concatenate3A {strides = array<i32>} : memref<2048x128xf32, #tpu.memory_space<vmem>>, vector<2048x128xf32>,
    return
  }
  func.func @transform_0(%arg0: i32) -> (i32, i32) {
    %c0_i32 = arith.constant 0 : i32
    %c0_i32_0 = arith.constant 0 : i32
    return %arg0, %c0_i32 : i32, i32
  }
  func.func @transform_1(%arg0: i32) -> (i32, i32) {
    %c0_i32 = arith.constant 0 : i32
    %c0_i32_0 = arith.constant 0 : i32
    return %arg0, %c0_i32 : i32, i32
  }
  func.func @transform_2(%arg0: i32) -> (i32, i32) {
    %c0_i32 = arith.constant 0 : i32
    %c0_i32_0 = arith.constant 0 : i32
    return %arg0, %c0_i32 : i32, i32
  }
}

module attributes {stable_mosaic.version = 14 : i64} {
  func.func @_msg2_kernel(%arg0: i32, %arg1: memref<2048x128xf32, #tpu.memory_space<vmem>>, %arg2: memref<2048x128xf32, #tpu.memory_space<vmem>>, %arg3: memref<2048x128xf32, #tpu.memory_space<vmem>>, %arg4: memref<1x2048x128xf32, #tpu.memory_space<vmem>>) attributes {dimension_semantics = [#tpu.dimension_semantics<arbitrary>], iteration_bounds = array<i64: 162>, scalar_prefetch = 0 : i64, scratch_operands = 0 : i64, tpu.core_type = #tpu.core_type<tc>, window_params = [{transform_indices = @transform_0, window_bounds = array<i64: 2048, 128>}, {transform_indices = @transform_1, window_bounds = array<i64: 2048, 128>}, {transform_indices = @transform_2, window_bounds = array<i64: 2048, 128>}, {transform_indices = @transform_3, window_bounds = array<i64: 1, 2048, 128>}]} {
    %get3A = arith.constant 0 : index
    %get3A_0 = arith.constant 0 : index
    %get3A_1 = vector.load %arg2[%get3A, %get3A_0] : memref<2048x128xf32, #tpu.memory_space<vmem>>, vector<2048x128xf32>
    %get3A_2 = arith.constant 0 : index
    %get3A_3 = arith.constant 0 : index
    %get3A_4 = vector.load %arg1[%get3A_2, %get3A_3] : memref<2048x128xf32, #tpu.memory_space<vmem>>, vector<2048x128xf32>
    %slice3A = vector.extract_strided_slice %get3A_4 {offsets = [0, 0], sizes = [2048, 1], strides = [1, 1]} : vector<2048x128xf32> to vector<2048x1xf32>
    %slice3A_5 = vector.extract_strided_slice %get3A_1 {offsets = [0, 0], sizes = [2048, 1], strides = [1, 1]} : vector<2048x128xf32> to vector<2048x1xf32>
    %slice3A_6 = vector.extract_strided_slice %get3A_1 {offsets = [0, 8], sizes = [2048, 1], strides = [1, 1]} : vector<2048x128xf32> to vector<2048x1xf32>
    %add3A = arith.addf %slice3A_5, %slice3A_6 : vector<2048x1xf32>
    %add3A_7 = arith.constant 1.000000e-16 : f32
    %add3A_8 = vector.broadcast %add3A_7 : f32 to vector<2048x1xf32>
    %add3A_9 = arith.addf %add3A, %add3A_8 : vector<2048x1xf32>
    %div3A = arith.divf %slice3A, %add3A_9 : vector<2048x1xf32>
    %get3A_10 = arith.constant 0 : index
    %get3A_11 = arith.constant 0 : index
    %get3A_12 = vector.load %arg3[%get3A_10, %get3A_11] : memref<2048x128xf32, #tpu.memory_space<vmem>>, vector<2048x128xf32>
    %slice3A_13 = vector.extract_strided_slice %get3A_12 {offsets = [0, 0], sizes = [2048, 64], strides = [1, 1]} : vector<2048x128xf32> to vector<2048x64xf32>
    %mul3A = vector.broadcast %div3A : vector<2048x1xf32> to vector<2048x64xf32>
    %mul3A_14 = arith.mulf %mul3A, %slice3A_13 : vector<2048x64xf32>
    %broadcast_in_dim3A = arith.constant 0.000000e+00 : f32
    %broadcast_in_dim3A_15 = vector.broadcast %broadcast_in_dim3A : f32 to vector<2048x64xf32>
    %concatenate3A = tpu.concatenate %mul3A_14, %broadcast_in_dim3A_15 in 1 : vector<2048x64xf32>, vector<2048x64xf32> -> vector<2048x128xf32>
    %broadcast_in_dim3A_16 = vector.shape_cast %concatenate3A : vector<2048x128xf32> to vector<1x2048x128xf32>
    %swap3A = arith.constant 0 : index
    %swap3A_17 = arith.constant 0 : index
    %swap3A_18 = arith.constant 0 : index
    %swap3A_19 = vector.load %arg4[%swap3A, %swap3A_17, %swap3A_18] : memref<1x2048x128xf32, #tpu.memory_space<vmem>>, vector<1x2048x128xf32>
    tpu.vector_store %arg4[%swap3A, %swap3A_17, %swap3A_18], %broadcast_in_dim3A_16 {strides = array<i32>} : memref<1x2048x128xf32, #tpu.memory_space<vmem>>, vector<1x2048x128xf32>,
    return
  }
  func.func @transform_0(%arg0: i32) -> (i32, i32) {
    %c0_i32 = arith.constant 0 : i32
    %c0_i32_0 = arith.constant 0 : i32
    return %arg0, %c0_i32 : i32, i32
  }
  func.func @transform_1(%arg0: i32) -> (i32, i32) {
    %c0_i32 = arith.constant 0 : i32
    %c0_i32_0 = arith.constant 0 : i32
    return %arg0, %c0_i32 : i32, i32
  }
  func.func @transform_2(%arg0: i32) -> (i32, i32) {
    %c0_i32 = arith.constant 0 : i32
    %c0_i32_0 = arith.constant 0 : i32
    return %arg0, %c0_i32 : i32, i32
  }
  func.func @transform_3(%arg0: i32) -> (i32, i32, i32) {
    %c0_i32 = arith.constant 0 : i32
    %c0_i32_0 = arith.constant 0 : i32
    %c0_i32_1 = arith.constant 0 : i32
    return %c0_i32, %arg0, %c0_i32_0 : i32, i32, i32
  }
}

module attributes {stable_mosaic.version = 14 : i64} {
  func.func @_final_kernel(%arg0: memref<2x1x10240x128xf32, #tpu.memory_space<vmem>>, %arg1: memref<1x64xf32, #tpu.memory_space<vmem>>, %arg2: memref<10240x1xi32, #tpu.memory_space<vmem>>, %arg3: memref<64x128xf32, #tpu.memory_space<vmem>>, %arg4: memref<1x128xf32, #tpu.memory_space<vmem>>, %arg5: memref<64x128xf32, #tpu.memory_space<vmem>>) attributes {dimension_semantics = [], scalar_prefetch = 0 : i64, scratch_operands = 0 : i64, tpu.core_type = #tpu.core_type<tc>} {
    %get3A = arith.constant 0 : index
    %get3A_0 = arith.constant 0 : index
    %get3A_1 = arith.constant 0 : index
    %get3A_2 = arith.constant 0 : index
    %get3A_3 = vector.load %arg0[%get3A, %get3A_0, %get3A_1, %get3A_2] : memref<2x1x10240x128xf32, #tpu.memory_space<vmem>>, vector<2x1x10240x128xf32>
    %slice3A = vector.extract_strided_slice %get3A_3 {offsets = [0, 0, 0, 0], sizes = [1, 1, 10240, 128], strides = [1, 1, 1, 1]} : vector<2x1x10240x128xf32> to vector<1x1x10240x128xf32>
    %squeeze3A = vector.shape_cast %slice3A : vector<1x1x10240x128xf32> to vector<10240x128xf32>
    %slice3A_4 = vector.extract_strided_slice %squeeze3A {offsets = [0, 0], sizes = [10240, 64], strides = [1, 1]} : vector<10240x128xf32> to vector<10240x64xf32>
    %slice3A_5 = vector.extract_strided_slice %get3A_3 {offsets = [1, 0, 0, 0], sizes = [1, 1, 10240, 128], strides = [1, 1, 1, 1]} : vector<2x1x10240x128xf32> to vector<1x1x10240x128xf32>
    %squeeze3A_6 = vector.shape_cast %slice3A_5 : vector<1x1x10240x128xf32> to vector<10240x128xf32>
    %slice3A_7 = vector.extract_strided_slice %squeeze3A_6 {offsets = [0, 0], sizes = [10240, 64], strides = [1, 1]} : vector<10240x128xf32> to vector<10240x64xf32>
    %add3A = arith.addf %slice3A_4, %slice3A_7 : vector<10240x64xf32>
    %get3A_8 = arith.constant 0 : index
    %get3A_9 = arith.constant 0 : index
    %get3A_10 = vector.load %arg1[%get3A_8, %get3A_9] : memref<1x64xf32, #tpu.memory_space<vmem>>, vector<1x64xf32>
    %add3A_11 = vector.broadcast %get3A_10 : vector<1x64xf32> to vector<10240x64xf32>
    %add3A_12 = arith.addf %add3A, %add3A_11 : vector<10240x64xf32>
    %iota3A = tpu.iota {dimensions = array<i32: 1>} : vector<10240x64xi32>
    %get3A_13 = arith.constant 0 : index
    %get3A_14 = arith.constant 0 : index
    %get3A_15 = vector.load %arg2[%get3A_13, %get3A_14] : memref<10240x1xi32, #tpu.memory_space<vmem>>, vector<10240x1xi32>
    %eq3A = vector.broadcast %get3A_15 : vector<10240x1xi32> to vector<10240x64xi32>
    %eq3A_16 = arith.cmpi eq, %eq3A, %iota3A : vector<10240x64xi32>
    %convert_element_type3A = arith.extui %eq3A_16 : vector<10240x64xi1> to vector<10240x64xi32>
    %convert_element_type3A_17 = arith.sitofp %convert_element_type3A : vector<10240x64xi32> to vector<10240x64xf32>
    %dot_general3A = arith.constant dense<0.000000e+00> : vector<64x64xf32>
    %dot_general3A_18 = tpu.matmul %convert_element_type3A_17, %add3A_12, %dot_general3A {dimension_numbers = #tpu.dot_dimension_numbers<[0], [0], [1], [1], [0, 1, 1, 1], [], []>, transpose_lhs_hint = false} : vector<10240x64xf32>, vector<10240x64xf32>, vector<64x64xf32> -> vector<64x64xf32>
    %broadcast_in_dim3A = arith.constant 1.000000e+00 : f32
    %broadcast_in_dim3A_19 = vector.broadcast %broadcast_in_dim3A : f32 to vector<10240x1xf32>
    %dot_general3A_20 = arith.constant dense<0.000000e+00> : vector<64x1xf32>
    %dot_general3A_21 = tpu.matmul %convert_element_type3A_17, %broadcast_in_dim3A_19, %dot_general3A_20 {dimension_numbers = #tpu.dot_dimension_numbers<[0], [0], [1], [1], [0, 1, 1, 1], [], []>, transpose_lhs_hint = false} : vector<10240x64xf32>, vector<10240x1xf32>, vector<64x1xf32> -> vector<64x1xf32>
    %max3A = arith.constant 1.000000e+00 : f32
    %max3A_22 = vector.broadcast %max3A : f32 to vector<64x1xf32>
    %max3A_23 = arith.maximumf %dot_general3A_21, %max3A_22 : vector<64x1xf32>
    %div3A = vector.broadcast %max3A_23 : vector<64x1xf32> to vector<64x64xf32>
    %div3A_24 = arith.divf %dot_general3A_18, %div3A : vector<64x64xf32>
    %get3A_25 = arith.constant 0 : index
    %get3A_26 = arith.constant 0 : index
    %get3A_27 = vector.load %arg3[%get3A_25, %get3A_26] : memref<64x128xf32, #tpu.memory_space<vmem>>, vector<64x128xf32>
    %dot_general3A_28 = arith.constant dense<0.000000e+00> : vector<64x128xf32>
    %dot_general3A_29 = tpu.matmul %div3A_24, %get3A_27, %dot_general3A_28 {dimension_numbers = #tpu.dot_dimension_numbers<[1], [0], [0], [1], [0, 0, 1, 1], [], []>, transpose_lhs_hint = false} : vector<64x64xf32>, vector<64x128xf32>, vector<64x128xf32> -> vector<64x128xf32>
    %get3A_30 = arith.constant 0 : index
    %get3A_31 = arith.constant 0 : index
    %get3A_32 = vector.load %arg4[%get3A_30, %get3A_31] : memref<1x128xf32, #tpu.memory_space<vmem>>, vector<1x128xf32>
    %add3A_33 = vector.broadcast %get3A_32 : vector<1x128xf32> to vector<64x128xf32>
    %add3A_34 = arith.addf %dot_general3A_29, %add3A_33 : vector<64x128xf32>
    %swap3A = arith.constant 0 : index
    %swap3A_35 = arith.constant 0 : index
    %swap3A_36 = vector.load %arg5[%swap3A, %swap3A_35] : memref<64x128xf32, #tpu.memory_space<vmem>>, vector<64x128xf32>
    tpu.vector_store %arg5[%swap3A, %swap3A_35], %add3A_34 {strides = array<i32>} : memref<64x128xf32, #tpu.memory_space<vmem>>, vector<64x128xf32>,
    return
  }
}

</mosaic_0001>

<sc_bundles>
// kernel: kernel.21.cloned.1.call-start
scs
__scs_entry_jumppad:
0x0: {  	(pc) =	sbr.rel $0x88, $3  }
0x1: {  	(tag) =	ssettag $0x0;
	lr =	simm.s32 $0x1  }
0x2: {  	[smem:$0x3F8D] =	sst lr;
	_ =	strace $0xD0000000  }
0x3: {  	_ = 	snop  }
0x4: {  	_ = 	snop  }
0x5: {  	_ = 	snop  }
0x6: {  	_ = 	snop  }
0x7: {  	_ = 	snop  }
__scs_overlays_trampoline_lowered:
0x8: {  	[smem:$0x3F9C] =	sst s0  }
0x9: {  	[smem:$0x3F9D] =	sst s1  }
0xa: {  	[smem:$0x3F9E] =	sst s2  }
0xb: {  	[smem:$0x3F9F] =	sst s3  }
0xc: {  	[smem:$0x3FA0] =	sst s4  }
0xd: {  	[smem:$0x3FA1] =	sst s5  }
0xe: {  	[smem:$0x3FA2] =	sst s6  }
0xf: {  	[smem:$0x3FA3] =	sst s7  }
0x10: {  	[smem:$0x3FA4] =	sst s8  }
0x11: {  	[smem:$0x3FA5] =	sst s9;
	s0 =	simm.s32 @!p0 $0x0  }
0x12: {  	s1 =	sld [smem:$0x3F8B];
	s0 =	simm.s32 @p0 $0x1  }
0x13: {  	[smem:$0x3FA6] =	sst s0;
	s0 =	simm.s32 @!p1 $0x0  }
0x14: {  	s2 =	sld [smem:$0x3F8A];
	s0 =	simm.s32 @p1 $0x1  }
0x15: {  	[smem:$0x3FA7] =	sst s0;
	s0 =	simm.s32 @!p2 $0x0  }
0x16: {  	s3 =	sld [smem:$0x3FDB];
	s0 =	simm.s32 @p2 $0x1  }
0x17: {  	s4 =	simm.s32 $0x1BF5;
	[smem:$0x3FA9] =	sst s0  }
0x18: {  	s0 =	sld [smem:$0x3F8C];
	_ =	swait.ge [sflag:s4], $0x0  }
0x19: {  	s7 =	sld [smem:$0x3F8D]  }
0x1a: {  	s8 =	sadd.s32 $0xFFFFE003, lr  }
0x1b: {  	s9 =	sadd.s32 $0xFFFFFEF7, lr;
	s5 =	simm.s32 $0xFFFFFFFF;
	p2 =	slt.u32 s8, $0xFFFFF086  }
0x1c: {  	p1 =	slt.u32 s9, $0xF7A;
	s5 =	simm.s32 @!p2 $0x0  }
0x1d: {  	s5 =	simm.s32 @p1 $0x1;
	p0 =	seq.s32 s7, s2  }
0x1e: {  	s7 =	smul.u32 @!p0 $0xF7A, s2;
	p2 =	seq.s32 @!p0 s5, $0x0  }
0x1f: {  	s9 =	smul.u32 $0xF7A, s1;
	s8 =	simm.s32 @!p0 $0x1BF5;
	p2 =	por !p2, p0  }
0x20: {  	[sflag:s8] =	ssyncset.s32 @!p0 $0xFFFFF086;
	s6 =	sadd.s32 @!p0 s3, s7;
	s7 =	simm.s32 @!p0 $0x108  }
0x21: {  	s3 =	sadd.s32 s3, s9;
	s6 =	sadd.s32 @!p0 $0x88, s6;
	s7 =	simm.s32 @p2 $0x1082  }
0x22: {  	[simem:s7], [sflag:s8] =	dma.local @!p0 [hbm:s6], $0xF7A  }
0x23: {  	s9 =	sor.u32 $0xD0000000, s2;
	s6 =	simm.s32 $0x108;
	_ =	swait.ge @!p0 [sflag:s8], $0x0  }
0x24: {  	s3 =	sadd.s32 $0x88, s3;
	s6 =	simm.s32 @!p1 $0x1082;
	[sflag:s4] =	ssyncset.s32 $0xFFFFF086  }
0x25: {  	[simem:s6], [sflag:s4] =	dma.local [hbm:s3], $0xF7A  }
0x26: {  	[smem:$0x3F8D] =	sst s1;
	(tag) =	ssettag s2;
	_ =	strace s9  }
0x27: {  	s1 =	sld [smem:$0x3F9D]  }
0x28: {  	s2 =	sld [smem:$0x3F9E]  }
0x29: {  	s4 =	sld [smem:$0x3FA0]  }
0x2a: {  	p0 =	seq.s32 s5, $0x0;
	s5 =	sld [smem:$0x3FA1]  }
0x2b: {  	s6 =	sld [smem:$0x3FA2]  }
0x2c: {  	s7 =	sld [smem:$0x3FA3]  }
0x2d: {  	s3 =	simm.s32 $0x108;
	s8 =	sld [smem:$0x3FA4]  }
0x2e: {  	s3 =	simm.s32 @!p0 $0x1082;
	s9 =	sld [smem:$0x3FA5]  }
0x2f: {  	lr =	sadd.s32 s0, s3;
	s0 =	sld [smem:$0x3F9C]  }
0x30: {  	s3 =	sld [smem:$0x3F9F]  }
0x31: {  	[smem:$0x3FA8] =	sst s10  }
0x32: {  	s10 =	sld [smem:$0x3FA6];
	_ =	sdelay $0x3  }
0x33: {  	p0 =	seq.s32 s10, $0x1;
	s10 =	sld [smem:$0x3FA8];
	_ =	sdelay $0x3  }
0x34: {  	[smem:$0x3FA8] =	sst s10  }
0x35: {  	s10 =	sld [smem:$0x3FA7];
	_ =	sdelay $0x3  }
0x36: {  	p1 =	seq.s32 s10, $0x1;
	s10 =	sld [smem:$0x3FA8];
	_ =	sdelay $0x3  }
0x37: {  	[smem:$0x3FA8] =	sst s10  }
0x38: {  	s10 =	sld [smem:$0x3FA9]  }
0x39: {  	_ = 	snop;
	(pc) =	sbr.ind lr, $3  }
0x3a: {  	_ = 	snop  }
0x3b: {  	_ = 	snop  }
0x3c: {  	p2 =	seq.s32 s10, $0x1;
	s10 =	sld [smem:$0x3FA8]  }
0x3d: {  	_ =	shalt  }
0x3e: {  	_ =	shalt  }
0x3f: {  	_ =	shalt  }
0x40: {  	_ =	shalt  }
0x41: {  	_ =	shalt  }
0x42: {  	_ =	shalt  }
0x43: {  	_ =	shalt  }
0x44: {  	_ =	shalt  }
0x45: {  	_ =	shalt  }
0x46: {  	_ =	shalt  }
0x47: {  	_ =	shalt  }
0x48: {  	_ =	shalt  }
0x49: {  	_ =	shalt  }
0x4a: {  	_ =	shalt  }
0x4b: {  	_ =	shalt  }
0x4c: {  	_ =	shalt  }
0x4d: {  	_ =	shalt  }
0x4e: {  	_ =	shalt  }
0x4f: {  	_ =	shalt  }
0x50: {  	_ =	shalt  }
0x51: {  	_ =	shalt  }
0x52: {  	_ =	shalt  }
0x53: {  	_ =	shalt  }
0x54: {  	_ =	shalt  }
0x55: {  	_ =	shalt  }
0x56: {  	_ =	shalt  }
0x57: {  	_ =	shalt  }
0x58: {  	_ =	shalt  }
0x59: {  	_ =	shalt  }
0x5a: {  	_ =	shalt  }
0x5b: {  	_ =	shalt  }
0x5c: {  	_ =	shalt  }
0x5d: {  	_ =	shalt  }
0x5e: {  	_ =	shalt  }
0x5f: {  	_ =	shalt  }
0x60: {  	_ =	shalt  }
0x61: {  	_ =	shalt  }
0x62: {  	_ =	shalt  }
0x63: {  	_ =	shalt  }
0x64: {  	_ =	shalt  }
0x65: {  	_ =	shalt  }
0x66: {  	_ =	shalt  }
0x67: {  	_ =	shalt  }
0x68: {  	_ =	shalt  }
0x69: {  	_ =	shalt  }
0x6a: {  	_ =	shalt  }
0x6b: {  	_ =	shalt  }
0x6c: {  	_ =	shalt  }
0x6d: {  	_ =	shalt  }
0x6e: {  	_ =	shalt  }
0x6f: {  	_ =	shalt  }
0x70: {  	_ =	shalt  }
0x71: {  	_ =	shalt  }
0x72: {  	_ =	shalt  }
0x73: {  	_ =	shalt  }
0x74: {  	_ =	shalt  }
0x75: {  	_ =	shalt  }
0x76: {  	_ =	shalt  }
0x77: {  	_ =	shalt  }
0x78: {  	_ =	shalt  }
0x79: {  	_ =	shalt  }
0x7a: {  	_ =	shalt  }
0x7b: {  	_ =	shalt  }
0x7c: {  	_ =	shalt  }
0x7d: {  	_ =	shalt  }
0x7e: {  	_ =	shalt  }
0x7f: {  	_ =	shalt  }
0x80: {  	_ =	shalt  }
0x81: {  	_ =	shalt  }
0x82: {  	_ =	shalt  }
0x83: {  	_ =	shalt  }
0x84: {  	_ =	shalt  }
0x85: {  	_ =	shalt  }
0x86: {  	_ =	shalt  }
0x87: {  	_ =	shalt  }
.Lfunc_end0:
.L_simem_size_0:
called_computation_lowered:
.L_overlay_start_0:
0x88: {  	s2 =	sld [smem:$0x3FD9]  }
0x89: {  	s3 =	sld [smem:$0x3FFE];
	_ =	sdelay $0x1  }
0x8a: {  	s1 =	srdreg.scid  }
0x8b: {  	s0 =	sand.u32 $0x1, s1  }
0x8c: {  	s17 =	sshll.u32 s0, $0xA;
	s2 =	sadd.s32 s3, s2  }
0x8d: {  	s2 =	sadd.s32 s2, s17  }
0x8e: {  	[smem:$0x3FB4] =	sst s2  }
0x8f: {  	_ = 	snop  }
0x90: {  	(tm) =	ssettm $0x1  }
0x91: {  	s18 =	sld [smem:$0x3FFB];
	_ =	sdelay $0x3  }
0x92: {  	_ =	strace s18  }
0x93: {  	s2 =	sld [smem:$0x3FFC];
	_ =	sdelay $0x3  }
0x94: {  	_ =	strace s2  }
0x95: {  	s2 =	sld [smem:$0x3FFD];
	_ =	sdelay $0x3  }
0x96: {  	_ =	strace s2  }
0x97: {  	_ =	strace $0x8FFFFFFF  }
0x98: {  	s19 =	sld [smem:$0x3FDB];
	_ =	sdelay $0x1  }
0x99: {  	s20 =	simm.s32 $_scs_section_size  }
0x9a: {  	s4 =	simm.s32 $_size__tile_overlayer_lowered;
	s5 =	simm.s32 $_tile_overlayer_lowered  }
0x9b: {  	s6 =	simm.s32 $0x1BFF;
	s21 =	sshll.u32 s5, $0x1;
	s3 =	sadd.s32 s20, s19  }
0x9c: {  	s22 =	simm.s32 $0x0;
	s4 =	sshll.u32 s4, $0x1;
	s5 =	sadd.s32 s21, s3  }
0x9d: {  	[timem:s22], [sflag:s6] =	dma.local [hbm:s5], s4  }
0x9e: {  	_ =	swait.ge [sflag:s6], s4  }
0x9f: {  	s4 =	ssub.s32 $0x0, s4;
	[sflag:s6] =	ssyncset.done $0x0  }
0xa0: {  	[sflag:s6] =	ssyncadd.s32 s4;
	_ =	sdelay $0x1  }
0xa1: {  	s23 =	simm.s32 $0x1B8B  }
0xa2: {  	_ =	swait.ge [sflag:s23], $0x1  }
0xa3: {  	[sflag:s23] =	ssyncset.done $0x0  }
0xa4: {  	[sflag:s23] =	ssyncadd.s32 $0xFFFFFFFF  }
0xa5: {  	s4 =	sld [smem:$0x0]  }
0xa6: {  	s5 =	sand.u32 $0xFFFFFFFE, s1  }
0xa7: {  	p0 =	sne.s32 s1, s5  }
0xa8: {  	s5 =	sshll.u32 @p0 s5, $0xE  }
0xa9: {  	s5 =	sadd.s32 @p0 $0x11B8D, s5;
	s6 =	sshll.u32 @p0 s4, $0x11  }
0xaa: {  	s5 =	sor.u32 @p0 s6, s5  }
0xab: {  	[sflag:s5] =	ssyncadd.remote.s32 @p0 $0x1;
	_ =	sdelay $0x1  }
0xac: {  	s5 =	simm.s32 @p0 $0x1B8D  }
0xad: {  	_ =	swait.eq @p0 [sflag:s5], $0x1  }
0xae: {  	[sflag:s5] =	ssyncadd.s32 @p0 $0xFFFFFFFF  }
0xaf: {  	s6 =	sshll.u32 @!p0 s1, $0xE  }
0xb0: {  	s6 =	sor.u32 @!p0 $0x4000, s6;
	s5 =	simm.s32 @!p0 $0x1B8D  }
0xb1: {  	s4 =	sshll.u32 @!p0 s4, $0x11;
	s6 =	sadd.s32 @!p0 $0x11B8D, s6;
	_ =	swait.eq @!p0 [sflag:s5], $0x1  }
0xb2: {  	s4 =	sor.u32 @!p0 s4, s6;
	[sflag:s5] =	ssyncadd.s32 @!p0 $0xFFFFFFFF  }
0xb3: {  	s25 =	simm.s32 $0x1B8E;
	s24 =	sld [smem:$0x3FFE];
	[sflag:s4] =	ssyncadd.remote.s32 @!p0 $0x1  }
0xb4: {  	s26 =	simm.s32 $execute0_lowered;
	[smem:$0x3FD2] =	sst s25  }
0xb5: {  	s5 =	sshll.u32 s26, $0x1;
	_ =	strace $0x80000049;
	[dreg:$0x1] =	wrdreg $0xFFFFFFFF  }
0xb6: {  	s28 =	simm.s32 $_size_execute0_lowered;
	s3 =	sadd.s32 s3, s5;
	[dreg:$0x0] =	wrdreg $0x0  }
0xb7: {  	s5 =	sshll.u32 s28, $0x1;
	[dreg:$0x2] =	wrdreg s3  }
0xb8: {  	[dreg:$0x3] =	wrdreg s5  }
0xb9: {  	[dreg:$0x4] =	wrdreg $0xC0  }
0xba: {  	_ =	task [dreg:s22], $0x5FFFF  }
0xbb: {  	[dreg:$0x1] =	wrdreg $0xFFFFFFFF  }
0xbc: {  	[dreg:$0x0] =	wrdreg $0x60  }
0xbd: {  	[dreg:$0x2] =	wrdreg s24  }
0xbe: {  	[dreg:$0x3] =	wrdreg $0x9  }
0xbf: {  	_ =	task.clear_ibuf [dreg:s22], $0x4FFFF;
	_ =	strace $0x90000049  }
0xc0: {  	s29 =	simm.s32 $0x9;
	_ =	strace $0x8000004B  }
0xc1: {  	_ =	swait.ge [sflag:s29], $0x1  }
0xc2: {  	[sflag:s29] =	ssyncadd.s32 $0xFFFFFFFF  }
0xc3: {  	_ =	strace $0x9000004B  }
0xc4: {  	_ =	sfence  }
0xc5: {  	s30 =	sld [smem:$0x0];
	_ =	sdelay $0x2  }
0xc6: {  	s31 =	sshll.u32 s1, $0xD;
	s1 =	sshrl.u32 s1, $0x2  }
0xc7: {  	s4 =	sand.u32 $0x4000, s31;
	s1 =	sadd.s32 s1, s30  }
0xc8: {  	s0 =	sor.u32 s4, s0;
	s1 =	sshll.u32 s1, $0x11  }
0xc9: {  	s0 =	sor.u32 s1, s0  }
0xca: {  	s0 =	sadd.s32 $0x8F2B, s0  }
0xcb: {  	[sflag:s0] =	ssyncadd.remote.s32 $0x1  }
0xcc: {  	_ =	sfence.sel $0xFFFF  }
0xcd: {  	[dreg:$0x0] =	wrdreg $0xFFFFFFFF;
	(pc) =	sbr.abs _section_cstart, $3  }
0xce: {  	[dreg:$0x1] =	wrdreg $0xFFFFFFFF  }
0xcf: {  	_ =	task.clear_ibuf [dreg:s22], $0x2FFFF;
	_ =	strace $0x9FFFFFFF  }
0xd0: {  	(tm) =	ssettm $0x7FFFFFFF  }
0xd1: {  	_ =	shalt  }
tec
execute0_lowered:
.L_overlay_start_1:
0x0: {  	(tag) =	ssettag $0x1  }
0x1: {  	s0 =	srdreg.scid;
	s2 =	stileid.u32  }
0x2: {  	s1 =	sand.u32 $0x1, s0;
	s2 =	smul.u32 $0x5100, s2  }
0x3: {  	s3 =	smul.u32 $0x2880, s1;
	_ =	sdelay $0x1  }
0x4: {  	s0 =	rddreg [dreg:$0x0];
	s3 =	sadd.s32 s3, s2;
	s2 =	simm.s32 $0x0  }
0x5: {  	s20 =	simm.s32 $0x880;
	[smem:$0x7FF] =	sst s2  }
0x6: {  	s21 =	simm.s32 $0x1080;
	_ =	strace $0x8000004A;
	[dreg:$0x3] =	wrdreg s20  }
0x7: {  	s22 =	simm.s32 $0x1480;
	[dreg:$0x4] =	wrdreg s21  }
0x8: {  	s23 =	simm.s32 $0x1C80;
	[dreg:$0x5] =	wrdreg s22  }
0x9: {  	s24 =	simm.s32 $0x2480;
	[dreg:$0x6] =	wrdreg s23  }
0xa: {  	s25 =	simm.s32 $0x2880;
	[dreg:$0x7] =	wrdreg s24  }
0xb: {  	s26 =	simm.s32 $0x3080;
	[dreg:$0x8] =	wrdreg s25  }
0xc: {  	s5 =	simm.s32 $0x3880;
	[dreg:$0x9] =	wrdreg s26  }
0xd: {  	s6 =	simm.s32 $0x3C80;
	[dreg:$0xa] =	wrdreg s5  }
0xe: {  	s7 =	simm.s32 $0x4480;
	[dreg:$0xb] =	wrdreg s6  }
0xf: {  	s8 =	simm.s32 $0x4C80;
	[dreg:$0xc] =	wrdreg s7  }
0x10: {  	s9 =	simm.s32 $0x5080;
	[dreg:$0xd] =	wrdreg s8  }
0x11: {  	s10 =	simm.s32 $0x5880;
	s11 =	simm.s32 $0x6080;
	[dreg:$0xe] =	wrdreg s9  }
0x12: {  	s12 =	simm.s32 $0x6480;
	s13 =	simm.s32 $0x6C80;
	[dreg:$0xf] =	wrdreg s10  }
0x13: {  	s14 =	simm.s32 $0x7480;
	s15 =	simm.s32 $0x7880;
	[dreg:$0x10] =	wrdreg s11  }
0x14: {  	s16 =	simm.s32 $0x8080;
	s17 =	simm.s32 $0x8880;
	[dreg:$0x11] =	wrdreg s12  }
0x15: {  	s18 =	simm.s32 $0x8C80;
	s19 =	simm.s32 $0x9480;
	[dreg:$0x12] =	wrdreg s13  }
0x16: {  	s28 =	simm.s32 $0x13480;
	s29 =	simm.s32 $0x13C80;
	[dreg:$0x13] =	wrdreg s14  }
0x17: {  	s30 =	simm.s32 $0x1;
	s31 =	simm.s32 $0x0;
	[dreg:$0x14] =	wrdreg s15  }
0x18: {  	s1 =	ssub.s32 $0x2, s1;
	s3 =	sshrl.u32 s3, $0x3;
	[dreg:$0x15] =	wrdreg s16  }
0x19: {  	s4 =	sadd.s32 s3, s0;
	s5 =	smul.u32 $0x280, s3;
	[dreg:$0x16] =	wrdreg s17  }
0x1a: {  	s3 =	sadd.s32 $0x1A800, s0;
	[dreg:$0x17] =	wrdreg s18;
	s20 =	sshrl.u32 s1, $0x1  }
0x1b: {  	[dreg:$0x18] =	wrdreg s19;
	s21 =	simm.s32 $0x9C80;
	s22 =	simm.s32 $0xA080  }
0x1c: {  	s6 =	simm.s32 $0xA880;
	s23 =	simm.s32 $0xB080;
	s24 =	simm.s32 $0xB480  }
0x1d: {  	s26 =	simm.s32 $0xBC80;
	s8 =	simm.s32 $0x2;
	s9 =	simm.s32 $0x80  }
0x1e: {  	s10 =	simm.s32 $0xC480;
	s11 =	simm.s32 $0xC880;
	[dreg:$0x19] =	wrdreg s21  }
0x1f: {  	s12 =	simm.s32 $0xD080;
	s13 =	simm.s32 $0xD880;
	[dreg:$0x1a] =	wrdreg s22  }
0x20: {  	s14 =	simm.s32 $0xDC80;
	s15 =	simm.s32 $0xE480;
	[dreg:$0x1b] =	wrdreg s6  }
0x21: {  	s16 =	simm.s32 $0xEC80;
	s17 =	simm.s32 $0xF080;
	[dreg:$0x1c] =	wrdreg s23  }
0x22: {  	s18 =	simm.s32 $0xF880;
	s19 =	simm.s32 $0x10080;
	[dreg:$0x1d] =	wrdreg s24  }
0x23: {  	s4 =	sadd.s32 $0x6200, s4;
	s1 =	ssub.s32 s1, s20;
	[dreg:$0x1e] =	wrdreg s26  }
0x24: {  	s20 =	simm.s32 $0x10480;
	s21 =	simm.s32 $0x10C80;
	s22 =	simm.s32 $0x11480  }
0x25: {  	s23 =	simm.s32 $0x11880;
	s24 =	simm.s32 $0x12080;
	s26 =	simm.s32 $0x12C80  }
0x26: {  	v2 =	vlaneseq.u32;
	[dreg:$0x2] =	wrdreg s4;
	s7 =	sadd.s32 s5, s0;
	s1 =	smax.u32 s1, $0x1  }
0x27: {  	vm0 =	vmmov $0xffff;
	vm1 =	vmmov $0xff;
	v1 =	vshrl.u32 v2, $0x3;
	s4 =	sadd.s32 $0x1A900, s0;
	[dreg:$0x1f] =	wrdreg s1;
	s25 =	sadd.s32 $0x61A800, s7  }
0x28: {  	v0 =	vand.u32 $0x7, v2;
	v2 =	vor.u32 $0x8, v2;
	v1 =	vmul.u32 $0x8, v1;
	s5 =	sadd.s32 $0x1AA00, s0;
	[smem:$0x7FD] =	sst s25;
	s25 =	simm.s32 $0x12880  }
.LBB2_1:
0x29: {  	s1 =	simm.s32 $0x0;
	s7 =	sld [smem:$0x7FD]  }
.LBB2_2:
0x2a: {  	s6 =	rddreg [dreg:$0x2]  }
0x2b: {  	s6 =	sadd.s32 s1, s6  }
0x2c: {  	[tilespmem:s2], [sflag:$0x2] =	stream.linear.gather [hbm4b:s6+s2], $0x80, $0x38;
	[tilespmem:$0x14080] =	vst v63  }
0x2d: {  	_ =	swait.ge [sflag:s8], $0x80  }
0x2e: {  	[sflag:s8] =	ssyncset.done $0x0  }
0x2f: {  	[sflag:s8] =	ssyncadd.s32 $0xFFFFFF80  }
0x30: {  	v3 =	vld [tilespmem:$0x0];
	_ =	sdelay $0x4  }
0x31: {  	v4 =	vshrl.u32 v3, $0x3  }
0x32: {  	v4 =	vmul.u32 $0x28, v4  }
0x33: {  	v3 =	vand.u32 $0x7, v3  }
0x34: {  	v3 =	vor.u32 v3, v4  }
0x35: {  	v4 =	vperm.xlane v3, v0;
	_ =	sdelay $0x1  }
0x36: {  	v4 =	vadd.s32 v1, v4;
	_ =	sdelay $0x3  }
0x37: {  	v3 =	vperm.xlane v3, v2  }
0x38: {  	[tilespmem:s9], [sflag:$0x1] =	stream.indirect_vreg.gather [hbm4b:s3+s2], $0x80, v4, vm0, $0xb8;
	[tilespmem:$0x14080] =	vst v63  }
0x39: {  	s6 =	rddreg [dreg:$0x3];
	v3 =	vadd.s32 v1, v3  }
0x3a: {  	[tilespmem:s6], [sflag:$0x1] =	stream.indirect_vreg.gather [hbm4b:s4+s2], $0x80, v4, vm0, $0xb8;
	[tilespmem:$0x14080] =	vst v63  }
0x3b: {  	s0 =	rddreg [dreg:$0x4]  }
0x3c: {  	[tilespmem:s0], [sflag:$0x1] =	stream.indirect_vreg.gather [hbm4b:s5+s2], $0x80, v4, vm1, $0xb8;
	[tilespmem:$0x14080] =	vst v63  }
0x3d: {  	s6 =	rddreg [dreg:$0x5]  }
0x3e: {  	[tilespmem:s6], [sflag:$0x1] =	stream.indirect_vreg.gather [hbm4b:s3+s2], $0x80, v3, vm0, $0xb8;
	[tilespmem:$0x14080] =	vst v63  }
0x3f: {  	s0 =	rddreg [dreg:$0x6]  }
0x40: {  	[tilespmem:s0], [sflag:$0x1] =	stream.indirect_vreg.gather [hbm4b:s4+s2], $0x80, v3, vm0, $0xb8;
	[tilespmem:$0x14080] =	vst v63  }
0x41: {  	s6 =	rddreg [dreg:$0x7]  }
0x42: {  	[tilespmem:s6], [sflag:$0x1] =	stream.indirect_vreg.gather [hbm4b:s5+s2], $0x80, v3, vm1, $0xb8;
	[tilespmem:$0x14080] =	vst v63  }
0x43: {  	v3 =	vld [tilespmem:$0x10];
	_ =	sdelay $0x4  }
0x44: {  	v57 =	vshrl.u32 v3, $0x3  }
0x45: {  	v4 =	vmul.u32 $0x28, v57  }
0x46: {  	v3 =	vand.u32 $0x7, v3  }
0x47: {  	v3 =	vor.u32 v3, v4  }
0x48: {  	v4 =	vperm.xlane v3, v0;
	_ =	sdelay $0x1  }
0x49: {  	v4 =	vadd.s32 v1, v4;
	_ =	sdelay $0x3  }
0x4a: {  	s0 =	rddreg [dreg:$0x8];
	v3 =	vperm.xlane v3, v2  }
0x4b: {  	[tilespmem:s0], [sflag:$0x1] =	stream.indirect_vreg.gather [hbm4b:s3+s2], $0x80, v4, vm0, $0xb8;
	[tilespmem:$0x14080] =	vst v63  }
0x4c: {  	s6 =	rddreg [dreg:$0x9];
	v3 =	vadd.s32 v1, v3  }
0x4d: {  	[tilespmem:s6], [sflag:$0x1] =	stream.indirect_vreg.gather [hbm4b:s4+s2], $0x80, v4, vm0, $0xb8;
	[tilespmem:$0x14080] =	vst v63  }
0x4e: {  	s0 =	rddreg [dreg:$0xa]  }
0x4f: {  	[tilespmem:s0], [sflag:$0x1] =	stream.indirect_vreg.gather [hbm4b:s5+s2], $0x80, v4, vm1, $0xb8;
	[tilespmem:$0x14080] =	vst v63  }
0x50: {  	s6 =	rddreg [dreg:$0xb]  }
0x51: {  	[tilespmem:s6], [sflag:$0x1] =	stream.indirect_vreg.gather [hbm4b:s3+s2], $0x80, v3, vm0, $0xb8;
	[tilespmem:$0x14080] =	vst v63  }
0x52: {  	s0 =	rddreg [dreg:$0xc]  }
0x53: {  	[tilespmem:s0], [sflag:$0x1] =	stream.indirect_vreg.gather [hbm4b:s4+s2], $0x80, v3, vm0, $0xb8;
	[tilespmem:$0x14080] =	vst v63  }
0x54: {  	s6 =	rddreg [dreg:$0xd]  }
0x55: {  	[tilespmem:s6], [sflag:$0x1] =	stream.indirect_vreg.gather [hbm4b:s5+s2], $0x80, v3, vm1, $0xb8;
	[tilespmem:$0x14080] =	vst v63  }
0x56: {  	v3 =	vld [tilespmem:$0x20];
	_ =	sdelay $0x4  }
0x57: {  	v58 =	vshrl.u32 v3, $0x3  }
0x58: {  	v4 =	vmul.u32 $0x28, v58  }
0x59: {  	v3 =	vand.u32 $0x7, v3  }
0x5a: {  	v3 =	vor.u32 v3, v4  }
0x5b: {  	v4 =	vperm.xlane v3, v0;
	_ =	sdelay $0x1  }
0x5c: {  	v4 =	vadd.s32 v1, v4;
	_ =	sdelay $0x3  }
0x5d: {  	s0 =	rddreg [dreg:$0xe];
	v3 =	vperm.xlane v3, v2  }
0x5e: {  	[tilespmem:s0], [sflag:$0x1] =	stream.indirect_vreg.gather [hbm4b:s3+s2], $0x80, v4, vm0, $0xb8;
	[tilespmem:$0x14080] =	vst v63  }
0x5f: {  	s6 =	rddreg [dreg:$0xf];
	v3 =	vadd.s32 v1, v3  }
0x60: {  	[tilespmem:s6], [sflag:$0x1] =	stream.indirect_vreg.gather [hbm4b:s4+s2], $0x80, v4, vm0, $0xb8;
	[tilespmem:$0x14080] =	vst v63  }
0x61: {  	s0 =	rddreg [dreg:$0x10]  }
0x62: {  	[tilespmem:s0], [sflag:$0x1] =	stream.indirect_vreg.gather [hbm4b:s5+s2], $0x80, v4, vm1, $0xb8;
	[tilespmem:$0x14080] =	vst v63  }
0x63: {  	s6 =	rddreg [dreg:$0x11]  }
0x64: {  	[tilespmem:s6], [sflag:$0x1] =	stream.indirect_vreg.gather [hbm4b:s3+s2], $0x80, v3, vm0, $0xb8;
	[tilespmem:$0x14080] =	vst v63  }
0x65: {  	s0 =	rddreg [dreg:$0x12]  }
0x66: {  	[tilespmem:s0], [sflag:$0x1] =	stream.indirect_vreg.gather [hbm4b:s4+s2], $0x80, v3, vm0, $0xb8;
	[tilespmem:$0x14080] =	vst v63  }
0x67: {  	s6 =	rddreg [dreg:$0x13]  }
0x68: {  	[tilespmem:s6], [sflag:$0x1] =	stream.indirect_vreg.gather [hbm4b:s5+s2], $0x80, v3, vm1, $0xb8;
	[tilespmem:$0x14080] =	vst v63  }
0x69: {  	v3 =	vld [tilespmem:$0x30];
	_ =	sdelay $0x4  }
0x6a: {  	v59 =	vshrl.u32 v3, $0x3  }
0x6b: {  	v4 =	vmul.u32 $0x28, v59  }
0x6c: {  	v3 =	vand.u32 $0x7, v3  }
0x6d: {  	v3 =	vor.u32 v3, v4  }
0x6e: {  	v4 =	vperm.xlane v3, v0;
	_ =	sdelay $0x1  }
0x6f: {  	v4 =	vadd.s32 v1, v4;
	_ =	sdelay $0x3  }
0x70: {  	s0 =	rddreg [dreg:$0x14];
	v3 =	vperm.xlane v3, v2  }
0x71: {  	[tilespmem:s0], [sflag:$0x1] =	stream.indirect_vreg.gather [hbm4b:s3+s2], $0x80, v4, vm0, $0xb8;
	[tilespmem:$0x14080] =	vst v63  }
0x72: {  	s6 =	rddreg [dreg:$0x15];
	v3 =	vadd.s32 v1, v3  }
0x73: {  	[tilespmem:s6], [sflag:$0x1] =	stream.indirect_vreg.gather [hbm4b:s4+s2], $0x80, v4, vm0, $0xb8;
	[tilespmem:$0x14080] =	vst v63  }
0x74: {  	s0 =	rddreg [dreg:$0x16]  }
0x75: {  	[tilespmem:s0], [sflag:$0x1] =	stream.indirect_vreg.gather [hbm4b:s5+s2], $0x80, v4, vm1, $0xb8;
	[tilespmem:$0x14080] =	vst v63  }
0x76: {  	s6 =	rddreg [dreg:$0x17]  }
0x77: {  	[tilespmem:s6], [sflag:$0x1] =	stream.indirect_vreg.gather [hbm4b:s3+s2], $0x80, v3, vm0, $0xb8;
	[tilespmem:$0x14080] =	vst v63  }
0x78: {  	s0 =	rddreg [dreg:$0x18]  }
0x79: {  	[tilespmem:s0], [sflag:$0x1] =	stream.indirect_vreg.gather [hbm4b:s4+s2], $0x80, v3, vm0, $0xb8;
	[tilespmem:$0x14080] =	vst v63  }
0x7a: {  	s6 =	rddreg [dreg:$0x19]  }
0x7b: {  	[tilespmem:s6], [sflag:$0x1] =	stream.indirect_vreg.gather [hbm4b:s5+s2], $0x80, v3, vm1, $0xb8;
	[tilespmem:$0x14080] =	vst v63  }
0x7c: {  	v3 =	vld [tilespmem:$0x40];
	_ =	sdelay $0x4  }
0x7d: {  	v60 =	vshrl.u32 v3, $0x3  }
0x7e: {  	v4 =	vmul.u32 $0x28, v60  }
0x7f: {  	v3 =	vand.u32 $0x7, v3  }
0x80: {  	v3 =	vor.u32 v3, v4  }
0x81: {  	v4 =	vperm.xlane v3, v0;
	_ =	sdelay $0x1  }
0x82: {  	v4 =	vadd.s32 v1, v4;
	_ =	sdelay $0x3  }
0x83: {  	s0 =	rddreg [dreg:$0x1a];
	v3 =	vperm.xlane v3, v2  }
0x84: {  	[tilespmem:s0], [sflag:$0x1] =	stream.indirect_vreg.gather [hbm4b:s3+s2], $0x80, v4, vm0, $0xb8;
	[tilespmem:$0x14080] =	vst v63  }
0x85: {  	s6 =	rddreg [dreg:$0x1b];
	v3 =	vadd.s32 v1, v3  }
0x86: {  	[tilespmem:s6], [sflag:$0x1] =	stream.indirect_vreg.gather [hbm4b:s4+s2], $0x80, v4, vm0, $0xb8;
	[tilespmem:$0x14080] =	vst v63  }
0x87: {  	s0 =	rddreg [dreg:$0x1c]  }
0x88: {  	[tilespmem:s0], [sflag:$0x1] =	stream.indirect_vreg.gather [hbm4b:s5+s2], $0x80, v4, vm1, $0xb8;
	[tilespmem:$0x14080] =	vst v63  }
0x89: {  	s6 =	rddreg [dreg:$0x1d]  }
0x8a: {  	[tilespmem:s6], [sflag:$0x1] =	stream.indirect_vreg.gather [hbm4b:s3+s2], $0x80, v3, vm0, $0xb8;
	[tilespmem:$0x14080] =	vst v63  }
0x8b: {  	s0 =	rddreg [dreg:$0x1e]  }
0x8c: {  	[tilespmem:s0], [sflag:$0x1] =	stream.indirect_vreg.gather [hbm4b:s4+s2], $0x80, v3, vm0, $0xb8;
	[tilespmem:$0x14080] =	vst v63  }
0x8d: {  	_ = 	snop  }
0x8e: {  	[tilespmem:s10], [sflag:$0x1] =	stream.indirect_vreg.gather [hbm4b:s5+s2], $0x80, v3, vm1, $0xb8;
	[tilespmem:$0x14080] =	vst v63  }
0x8f: {  	v3 =	vld [tilespmem:$0x50];
	_ =	sdelay $0x4  }
0x90: {  	v61 =	vshrl.u32 v3, $0x3  }
0x91: {  	v4 =	vmul.u32 $0x28, v61  }
0x92: {  	v3 =	vand.u32 $0x7, v3  }
0x93: {  	v3 =	vor.u32 v3, v4  }
0x94: {  	v4 =	vperm.xlane v3, v0;
	_ =	sdelay $0x1  }
0x95: {  	v4 =	vadd.s32 v1, v4;
	_ =	sdelay $0x3  }
0x96: {  	v3 =	vperm.xlane v3, v2  }
0x97: {  	[tilespmem:s11], [sflag:$0x1] =	stream.indirect_vreg.gather [hbm4b:s3+s2], $0x80, v4, vm0, $0xb8;
	[tilespmem:$0x14080] =	vst v63  }
0x98: {  	v3 =	vadd.s32 v1, v3  }
0x99: {  	[tilespmem:s12], [sflag:$0x1] =	stream.indirect_vreg.gather [hbm4b:s4+s2], $0x80, v4, vm0, $0xb8;
	[tilespmem:$0x14080] =	vst v63  }
0x9a: {  	_ = 	snop  }
0x9b: {  	[tilespmem:s13], [sflag:$0x1] =	stream.indirect_vreg.gather [hbm4b:s5+s2], $0x80, v4, vm1, $0xb8;
	[tilespmem:$0x14080] =	vst v63  }
0x9c: {  	_ = 	snop  }
0x9d: {  	[tilespmem:s14], [sflag:$0x1] =	stream.indirect_vreg.gather [hbm4b:s3+s2], $0x80, v3, vm0, $0xb8;
	[tilespmem:$0x14080] =	vst v63  }
0x9e: {  	_ = 	snop  }
0x9f: {  	[tilespmem:s15], [sflag:$0x1] =	stream.indirect_vreg.gather [hbm4b:s4+s2], $0x80, v3, vm0, $0xb8;
	[tilespmem:$0x14080] =	vst v63  }
0xa0: {  	_ = 	snop  }
0xa1: {  	[tilespmem:s16], [sflag:$0x1] =	stream.indirect_vreg.gather [hbm4b:s5+s2], $0x80, v3, vm1, $0xb8;
	[tilespmem:$0x14080] =	vst v63  }
0xa2: {  	v3 =	vld [tilespmem:$0x60];
	_ =	sdelay $0x4  }
0xa3: {  	v62 =	vshrl.u32 v3, $0x3  }
0xa4: {  	v4 =	vmul.u32 $0x28, v62  }
0xa5: {  	v3 =	vand.u32 $0x7, v3  }
0xa6: {  	v3 =	vor.u32 v3, v4  }
0xa7: {  	v4 =	vperm.xlane v3, v0;
	_ =	sdelay $0x1  }
0xa8: {  	v4 =	vadd.s32 v1, v4;
	_ =	sdelay $0x3  }
0xa9: {  	v3 =	vperm.xlane v3, v2  }
0xaa: {  	[tilespmem:s17], [sflag:$0x1] =	stream.indirect_vreg.gather [hbm4b:s3+s2], $0x80, v4, vm0, $0xb8;
	[tilespmem:$0x14080] =	vst v63  }
0xab: {  	v3 =	vadd.s32 v1, v3  }
0xac: {  	[tilespmem:s18], [sflag:$0x1] =	stream.indirect_vreg.gather [hbm4b:s4+s2], $0x80, v4, vm0, $0xb8;
	[tilespmem:$0x14080] =	vst v63  }
0xad: {  	_ = 	snop  }
0xae: {  	[tilespmem:s19], [sflag:$0x1] =	stream.indirect_vreg.gather [hbm4b:s5+s2], $0x80, v4, vm1, $0xb8;
	[tilespmem:$0x14080] =	vst v63  }
0xaf: {  	_ = 	snop  }
0xb0: {  	[tilespmem:s20], [sflag:$0x1] =	stream.indirect_vreg.gather [hbm4b:s3+s2], $0x80, v3, vm0, $0xb8;
	[tilespmem:$0x14080] =	vst v63  }
0xb1: {  	_ = 	snop  }
0xb2: {  	[tilespmem:s21], [sflag:$0x1] =	stream.indirect_vreg.gather [hbm4b:s4+s2], $0x80, v3, vm0, $0xb8;
	[tilespmem:$0x14080] =	vst v63  }
0xb3: {  	_ = 	snop  }
0xb4: {  	[tilespmem:s22], [sflag:$0x1] =	stream.indirect_vreg.gather [hbm4b:s5+s2], $0x80, v3, vm1, $0xb8;
	[tilespmem:$0x14080] =	vst v63  }
0xb5: {  	v3 =	vld [tilespmem:$0x70];
	_ =	sdelay $0x4  }
0xb6: {  	v63 =	vshrl.u32 v3, $0x3  }
0xb7: {  	v4 =	vmul.u32 $0x28, v63  }
0xb8: {  	v3 =	vand.u32 $0x7, v3  }
0xb9: {  	v3 =	vor.u32 v3, v4  }
0xba: {  	v4 =	vperm.xlane v3, v0;
	_ =	sdelay $0x1  }
0xbb: {  	v4 =	vadd.s32 v1, v4;
	_ =	sdelay $0x3  }
0xbc: {  	v3 =	vperm.xlane v3, v2  }
0xbd: {  	[tilespmem:s23], [sflag:$0x1] =	stream.indirect_vreg.gather [hbm4b:s3+s2], $0x80, v4, vm0, $0xb8;
	[tilespmem:$0x14080] =	vst v63  }
0xbe: {  	v3 =	vadd.s32 v1, v3  }
0xbf: {  	[tilespmem:s24], [sflag:$0x1] =	stream.indirect_vreg.gather [hbm4b:s4+s2], $0x80, v4, vm0, $0xb8;
	[tilespmem:$0x14080] =	vst v63  }
0xc0: {  	_ = 	snop  }
0xc1: {  	[tilespmem:s25], [sflag:$0x1] =	stream.indirect_vreg.gather [hbm4b:s5+s2], $0x80, v4, vm1, $0xb8;
	[tilespmem:$0x14080] =	vst v63  }
0xc2: {  	_ = 	snop  }
0xc3: {  	[tilespmem:s26], [sflag:$0x1] =	stream.indirect_vreg.gather [hbm4b:s3+s2], $0x80, v3, vm0, $0xb8;
	[tilespmem:$0x14080] =	vst v63  }
0xc4: {  	_ = 	snop  }
0xc5: {  	[tilespmem:s28], [sflag:$0x1] =	stream.indirect_vreg.gather [hbm4b:s4+s2], $0x80, v3, vm0, $0xb8;
	[tilespmem:$0x14080] =	vst v63  }
0xc6: {  	_ = 	snop  }
0xc7: {  	[tilespmem:s29], [sflag:$0x1] =	stream.indirect_vreg.gather [hbm4b:s5+s2], $0x80, v3, vm1, $0xb8;
	[tilespmem:$0x14080] =	vst v63  }
0xc8: {  	_ =	swait.ge [sflag:s30], $0x14000  }
0xc9: {  	p0 =	sne.s32 s1, $0x500;
	[sflag:s30] =	ssyncset.done $0x0  }
.Ltmp0:
0xca: {  	[sflag:s30] =	ssyncadd.s32 $0xFFFEC000;
	(pc) =	sbr.rel @p0 .LBB2_2-.Ltmp0, $4  }
0xcb: {  	[hbm4b:s7+s2] =	stream.linear.scatter [tilespmem:s9], [sflag:$0x2], $0x14000, $0x38;
	[tilespmem:$0x14080] =	vst v63  }
0xcc: {  	_ =	swait.ge [sflag:s8], $0x14000  }
0xcd: {  	[sflag:s8] =	ssyncset.done $0x0  }
0xce: {  	s1 =	sadd.s32 $0x10, s1;
	s7 =	sadd.s32 $0x2800, s7;
	[sflag:s8] =	ssyncadd.s32 $0xFFFEC000  }
0xcf: {  	s31 =	sadd.s32 $0x1, s31;
	s0 =	rddreg [dreg:$0x1f]  }
0xd0: {  	p0 =	sne.s32 s31, s0  }
.Ltmp1:
0xd1: {  	_ = 	snop;
	(pc) =	sbr.rel @p0 .LBB2_1-.Ltmp1, $1  }
0xd2: {  	_ =	sdelay $0x3  }
0xd3: {  	_ =	sfence.sel $0x180000  }
0xd4: {  	[bflag:$0x0] =	sbarrier.arrive $0xFFFF  }
0xd5: {  	_ =	strace $0x9000004A  }
0xd6: {  	s0 =	stileid.u32;
	[bflag:$0x2] =	sbarrier.arrive $0xFFFF  }
0xd7: {  	p0 =	sne.s32 s0, $0x0;
	s0 =	rddreg [dreg:$0x1]  }
0xd8: {  	s0 =	sadd.s32 @!p0 $0x100000, s0  }
0xd9: {  	[sflag:s0] =	ssyncadd.tile.s32 @!p0 $0x1;
	_ =	shalt  }
.Lfunc_end2:
_tile_overlayer_lowered:
.L_overlay_start_2:
0xda: {  	(tag) =	ssettag $0x2  }
0xdb: {  	s0 =	rddreg [dreg:$0x0];
	s2 =	stileid.u32  }
0xdc: {  	s1 =	rddreg [dreg:$0x1];
	p0 =	sne.s32 s2, $0x0  }
0xdd: {  	s3 =	rddreg [dreg:$0x2];
	[bflag:$0x3] =	sbarrier.arrive $0xFFFF;
	s2 =	simm.s32 @!p0 $0x1C02  }
0xde: {  	[timem:s3], [sflag:s2] =	dma.local @!p0 [hbm:s0], s1  }
0xdf: {  	s0 =	simm.s32 @!p0 $0x2  }
0xe0: {  	_ =	swait.ge @!p0 [sflag:s0], s1  }
0xe1: {  	s1 =	ssub.s32 @!p0 $0x0, s1;
	[sflag:s0] =	ssyncset.done @!p0 $0x0  }
0xe2: {  	[sflag:s0] =	ssyncadd.s32 @!p0 s1  }
0xe3: {  	[bflag:$0x3] =	sbarrier.arrive $0xFFFF  }
0xe4: {  	_ =	shalt  }

// kernel: kernel.24.cloned.1.call-start
scs
__scs_entry_jumppad:
0x0: {  	(pc) =	sbr.rel $0x88, $3  }
0x1: {  	(tag) =	ssettag $0x0;
	lr =	simm.s32 $0x1  }
0x2: {  	[smem:$0x3F8D] =	sst lr;
	_ =	strace $0xD0000000  }
0x3: {  	_ = 	snop  }
0x4: {  	_ = 	snop  }
0x5: {  	_ = 	snop  }
0x6: {  	_ = 	snop  }
0x7: {  	_ = 	snop  }
__scs_overlays_trampoline_lowered:
0x8: {  	[smem:$0x3F9C] =	sst s0  }
0x9: {  	[smem:$0x3F9D] =	sst s1  }
0xa: {  	[smem:$0x3F9E] =	sst s2  }
0xb: {  	[smem:$0x3F9F] =	sst s3  }
0xc: {  	[smem:$0x3FA0] =	sst s4  }
0xd: {  	[smem:$0x3FA1] =	sst s5  }
0xe: {  	[smem:$0x3FA2] =	sst s6  }
0xf: {  	[smem:$0x3FA3] =	sst s7  }
0x10: {  	[smem:$0x3FA4] =	sst s8  }
0x11: {  	[smem:$0x3FA5] =	sst s9;
	s0 =	simm.s32 @!p0 $0x0  }
0x12: {  	s1 =	sld [smem:$0x3F8B];
	s0 =	simm.s32 @p0 $0x1  }
0x13: {  	[smem:$0x3FA6] =	sst s0;
	s0 =	simm.s32 @!p1 $0x0  }
0x14: {  	s2 =	sld [smem:$0x3F8A];
	s0 =	simm.s32 @p1 $0x1  }
0x15: {  	[smem:$0x3FA7] =	sst s0;
	s0 =	simm.s32 @!p2 $0x0  }
0x16: {  	s3 =	sld [smem:$0x3FDB];
	s0 =	simm.s32 @p2 $0x1  }
0x17: {  	s4 =	simm.s32 $0x1BF5;
	[smem:$0x3FA9] =	sst s0  }
0x18: {  	s0 =	sld [smem:$0x3F8C];
	_ =	swait.ge [sflag:s4], $0x0  }
0x19: {  	s7 =	sld [smem:$0x3F8D]  }
0x1a: {  	s8 =	sadd.s32 $0xFFFFE003, lr  }
0x1b: {  	s9 =	sadd.s32 $0xFFFFFEF7, lr;
	s5 =	simm.s32 $0xFFFFFFFF;
	p2 =	slt.u32 s8, $0xFFFFF086  }
0x1c: {  	p1 =	slt.u32 s9, $0xF7A;
	s5 =	simm.s32 @!p2 $0x0  }
0x1d: {  	s5 =	simm.s32 @p1 $0x1;
	p0 =	seq.s32 s7, s2  }
0x1e: {  	s7 =	smul.u32 @!p0 $0xF7A, s2;
	p2 =	seq.s32 @!p0 s5, $0x0  }
0x1f: {  	s9 =	smul.u32 $0xF7A, s1;
	s8 =	simm.s32 @!p0 $0x1BF5;
	p2 =	por !p2, p0  }
0x20: {  	[sflag:s8] =	ssyncset.s32 @!p0 $0xFFFFF086;
	s6 =	sadd.s32 @!p0 s3, s7;
	s7 =	simm.s32 @!p0 $0x108  }
0x21: {  	s3 =	sadd.s32 s3, s9;
	s6 =	sadd.s32 @!p0 $0x88, s6;
	s7 =	simm.s32 @p2 $0x1082  }
0x22: {  	[simem:s7], [sflag:s8] =	dma.local @!p0 [hbm:s6], $0xF7A  }
0x23: {  	s9 =	sor.u32 $0xD0000000, s2;
	s6 =	simm.s32 $0x108;
	_ =	swait.ge @!p0 [sflag:s8], $0x0  }
0x24: {  	s3 =	sadd.s32 $0x88, s3;
	s6 =	simm.s32 @!p1 $0x1082;
	[sflag:s4] =	ssyncset.s32 $0xFFFFF086  }
0x25: {  	[simem:s6], [sflag:s4] =	dma.local [hbm:s3], $0xF7A  }
0x26: {  	[smem:$0x3F8D] =	sst s1;
	(tag) =	ssettag s2;
	_ =	strace s9  }
0x27: {  	s1 =	sld [smem:$0x3F9D]  }
0x28: {  	s2 =	sld [smem:$0x3F9E]  }
0x29: {  	s4 =	sld [smem:$0x3FA0]  }
0x2a: {  	p0 =	seq.s32 s5, $0x0;
	s5 =	sld [smem:$0x3FA1]  }
0x2b: {  	s6 =	sld [smem:$0x3FA2]  }
0x2c: {  	s7 =	sld [smem:$0x3FA3]  }
0x2d: {  	s3 =	simm.s32 $0x108;
	s8 =	sld [smem:$0x3FA4]  }
0x2e: {  	s3 =	simm.s32 @!p0 $0x1082;
	s9 =	sld [smem:$0x3FA5]  }
0x2f: {  	lr =	sadd.s32 s0, s3;
	s0 =	sld [smem:$0x3F9C]  }
0x30: {  	s3 =	sld [smem:$0x3F9F]  }
0x31: {  	[smem:$0x3FA8] =	sst s10  }
0x32: {  	s10 =	sld [smem:$0x3FA6];
	_ =	sdelay $0x3  }
0x33: {  	p0 =	seq.s32 s10, $0x1;
	s10 =	sld [smem:$0x3FA8];
	_ =	sdelay $0x3  }
0x34: {  	[smem:$0x3FA8] =	sst s10  }
0x35: {  	s10 =	sld [smem:$0x3FA7];
	_ =	sdelay $0x3  }
0x36: {  	p1 =	seq.s32 s10, $0x1;
	s10 =	sld [smem:$0x3FA8];
	_ =	sdelay $0x3  }
0x37: {  	[smem:$0x3FA8] =	sst s10  }
0x38: {  	s10 =	sld [smem:$0x3FA9]  }
0x39: {  	_ = 	snop;
	(pc) =	sbr.ind lr, $3  }
0x3a: {  	_ = 	snop  }
0x3b: {  	_ = 	snop  }
0x3c: {  	p2 =	seq.s32 s10, $0x1;
	s10 =	sld [smem:$0x3FA8]  }
0x3d: {  	_ =	shalt  }
0x3e: {  	_ =	shalt  }
0x3f: {  	_ =	shalt  }
0x40: {  	_ =	shalt  }
0x41: {  	_ =	shalt  }
0x42: {  	_ =	shalt  }
0x43: {  	_ =	shalt  }
0x44: {  	_ =	shalt  }
0x45: {  	_ =	shalt  }
0x46: {  	_ =	shalt  }
0x47: {  	_ =	shalt  }
0x48: {  	_ =	shalt  }
0x49: {  	_ =	shalt  }
0x4a: {  	_ =	shalt  }
0x4b: {  	_ =	shalt  }
0x4c: {  	_ =	shalt  }
0x4d: {  	_ =	shalt  }
0x4e: {  	_ =	shalt  }
0x4f: {  	_ =	shalt  }
0x50: {  	_ =	shalt  }
0x51: {  	_ =	shalt  }
0x52: {  	_ =	shalt  }
0x53: {  	_ =	shalt  }
0x54: {  	_ =	shalt  }
0x55: {  	_ =	shalt  }
0x56: {  	_ =	shalt  }
0x57: {  	_ =	shalt  }
0x58: {  	_ =	shalt  }
0x59: {  	_ =	shalt  }
0x5a: {  	_ =	shalt  }
0x5b: {  	_ =	shalt  }
0x5c: {  	_ =	shalt  }
0x5d: {  	_ =	shalt  }
0x5e: {  	_ =	shalt  }
0x5f: {  	_ =	shalt  }
0x60: {  	_ =	shalt  }
0x61: {  	_ =	shalt  }
0x62: {  	_ =	shalt  }
0x63: {  	_ =	shalt  }
0x64: {  	_ =	shalt  }
0x65: {  	_ =	shalt  }
0x66: {  	_ =	shalt  }
0x67: {  	_ =	shalt  }
0x68: {  	_ =	shalt  }
0x69: {  	_ =	shalt  }
0x6a: {  	_ =	shalt  }
0x6b: {  	_ =	shalt  }
0x6c: {  	_ =	shalt  }
0x6d: {  	_ =	shalt  }
0x6e: {  	_ =	shalt  }
0x6f: {  	_ =	shalt  }
0x70: {  	_ =	shalt  }
0x71: {  	_ =	shalt  }
0x72: {  	_ =	shalt  }
0x73: {  	_ =	shalt  }
0x74: {  	_ =	shalt  }
0x75: {  	_ =	shalt  }
0x76: {  	_ =	shalt  }
0x77: {  	_ =	shalt  }
0x78: {  	_ =	shalt  }
0x79: {  	_ =	shalt  }
0x7a: {  	_ =	shalt  }
0x7b: {  	_ =	shalt  }
0x7c: {  	_ =	shalt  }
0x7d: {  	_ =	shalt  }
0x7e: {  	_ =	shalt  }
0x7f: {  	_ =	shalt  }
0x80: {  	_ =	shalt  }
0x81: {  	_ =	shalt  }
0x82: {  	_ =	shalt  }
0x83: {  	_ =	shalt  }
0x84: {  	_ =	shalt  }
0x85: {  	_ =	shalt  }
0x86: {  	_ =	shalt  }
0x87: {  	_ =	shalt  }
.Lfunc_end0:
.L_simem_size_0:
called_computation.1_lowered:
.L_overlay_start_0:
0x88: {  	s2 =	sld [smem:$0x3FD9]  }
0x89: {  	s3 =	sld [smem:$0x3FFE];
	_ =	sdelay $0x1  }
0x8a: {  	s1 =	srdreg.scid  }
0x8b: {  	s0 =	sand.u32 $0x1, s1  }
0x8c: {  	s16 =	sshll.u32 s0, $0xA;
	s2 =	sadd.s32 s3, s2  }
0x8d: {  	s2 =	sadd.s32 s2, s16  }
0x8e: {  	[smem:$0x3FB4] =	sst s2  }
0x8f: {  	_ = 	snop  }
0x90: {  	(tm) =	ssettm $0x1  }
0x91: {  	s17 =	sld [smem:$0x3FFB];
	_ =	sdelay $0x3  }
0x92: {  	_ =	strace s17  }
0x93: {  	s2 =	sld [smem:$0x3FFC];
	_ =	sdelay $0x3  }
0x94: {  	_ =	strace s2  }
0x95: {  	s2 =	sld [smem:$0x3FFD];
	_ =	sdelay $0x3  }
0x96: {  	_ =	strace s2  }
0x97: {  	_ =	strace $0x8FFFFFFF  }
0x98: {  	s18 =	sld [smem:$0x3FDB];
	_ =	sdelay $0x1  }
0x99: {  	s19 =	simm.s32 $_scs_section_size  }
0x9a: {  	s4 =	simm.s32 $_size__tile_overlayer_lowered;
	s5 =	simm.s32 $_tile_overlayer_lowered  }
0x9b: {  	s22 =	simm.s32 $0x1BFF;
	s21 =	sshll.u32 s5, $0x1;
	s2 =	sadd.s32 s19, s18  }
0x9c: {  	s6 =	simm.s32 $0x0;
	s20 =	sshll.u32 s4, $0x1;
	s4 =	sadd.s32 s21, s2  }
0x9d: {  	[timem:s6], [sflag:s22] =	dma.local [hbm:s4], s20  }
0x9e: {  	_ =	swait.ge [sflag:s22], s20  }
0x9f: {  	s3 =	ssub.s32 $0x0, s20;
	[sflag:s22] =	ssyncset.done $0x0  }
0xa0: {  	[sflag:s22] =	ssyncadd.s32 s3;
	_ =	sdelay $0x1  }
0xa1: {  	s23 =	simm.s32 $0x1B8B  }
0xa2: {  	_ =	swait.ge [sflag:s23], $0x1  }
0xa3: {  	[sflag:s23] =	ssyncset.done $0x0  }
0xa4: {  	s25 =	simm.s32 $0x1B8E;
	s24 =	sld [smem:$0x3FFE];
	[sflag:s23] =	ssyncadd.s32 $0xFFFFFFFF  }
0xa5: {  	s26 =	simm.s32 $execute0_lowered;
	[smem:$0x3FD2] =	sst s25  }
0xa6: {  	s4 =	sshll.u32 s26, $0x1;
	_ =	strace $0x80000046;
	[dreg:$0x1] =	wrdreg $0xFFFFFFFF  }
0xa7: {  	s28 =	simm.s32 $_size_execute0_lowered;
	s2 =	sadd.s32 s2, s4;
	[dreg:$0x0] =	wrdreg $0x0  }
0xa8: {  	s4 =	sshll.u32 s28, $0x1;
	[dreg:$0x2] =	wrdreg s2  }
0xa9: {  	[dreg:$0x3] =	wrdreg s4  }
0xaa: {  	[dreg:$0x4] =	wrdreg $0xC0  }
0xab: {  	_ =	task [dreg:s6], $0x5FFFF  }
0xac: {  	[dreg:$0x1] =	wrdreg $0xFFFFFFFF  }
0xad: {  	[dreg:$0x0] =	wrdreg $0x60  }
0xae: {  	[dreg:$0x2] =	wrdreg s24  }
0xaf: {  	[dreg:$0x3] =	wrdreg $0xA  }
0xb0: {  	_ =	task.clear_ibuf [dreg:s6], $0x4FFFF;
	_ =	strace $0x90000046  }
0xb1: {  	s29 =	simm.s32 $0xA;
	_ =	strace $0x80000048  }
0xb2: {  	_ =	swait.ge [sflag:s29], $0x1  }
0xb3: {  	[sflag:s29] =	ssyncadd.s32 $0xFFFFFFFF  }
0xb4: {  	_ =	strace $0x90000048  }
0xb5: {  	_ =	sfence  }
0xb6: {  	s30 =	sld [smem:$0x0];
	_ =	sdelay $0x2  }
0xb7: {  	s31 =	sshll.u32 s1, $0xD;
	s1 =	sshrl.u32 s1, $0x2  }
0xb8: {  	s3 =	sand.u32 $0x4000, s31;
	s1 =	sadd.s32 s1, s30  }
0xb9: {  	s0 =	sor.u32 s3, s0;
	s1 =	sshll.u32 s1, $0x11  }
0xba: {  	s0 =	sor.u32 s1, s0  }
0xbb: {  	s0 =	sadd.s32 $0x8F2B, s0  }
0xbc: {  	[sflag:s0] =	ssyncadd.remote.s32 $0x1  }
0xbd: {  	_ =	sfence.sel $0xFFFF  }
0xbe: {  	[dreg:$0x0] =	wrdreg $0xFFFFFFFF;
	(pc) =	sbr.abs _section_cstart, $3  }
0xbf: {  	[dreg:$0x1] =	wrdreg $0xFFFFFFFF  }
0xc0: {  	_ =	task.clear_ibuf [dreg:s6], $0x2FFFF;
	_ =	strace $0x9FFFFFFF  }
0xc1: {  	(tm) =	ssettm $0x7FFFFFFF  }
tec
execute0_lowered:
.L_overlay_start_1:
0x0: {  	(tag) =	ssettag $0x1  }
0x1: {  	s4 =	rddreg [dreg:$0x0]  }
0x2: {  	s0 =	rddreg [dreg:$0x1];
	s2 =	simm.s32 $0x0;
	s1 =	stileid.u32  }
0x3: {  	s3 =	srdreg.scid;
	s10 =	simm.s32 $0x0;
	s6 =	smul.u32 $0x5100, s1  }
0x4: {  	[smem:$0x7FF] =	sst s2;
	s5 =	sand.u32 $0x1, s3;
	s8 =	smul.u32 $0x51000, s1  }
0x5: {  	s3 =	sadd.s32 $0xE2800, s4;
	s7 =	smul.u32 $0x2880, s5;
	s9 =	ssub.s32 $0x2, s5  }
0x6: {  	_ =	strace $0x80000047;
	s5 =	smul.u32 $0x28800, s5;
	s31 =	sshrl.u32 s9, $0x1  }
0x7: {  	s8 =	sadd.s32 s8, s4;
	s6 =	sadd.s32 s7, s6;
	s7 =	ssub.s32 s9, s31  }
0x8: {  	s5 =	sadd.s32 s5, s8;
	s8 =	simm.s32 $0x80;
	s6 =	sshrl.u32 s6, $0x3  }
0x9: {  	s9 =	simm.s32 $0x1;
	s5 =	sadd.s32 $0x10A800, s5;
	s6 =	sadd.s32 s6, s4  }
0xa: {  	s4 =	smax.u32 s7, $0x1;
	s7 =	simm.s32 $0x2;
	s6 =	sadd.s32 $0x10600, s6  }
.LBB2_1:
0xb: {  	s11 =	sadd.s32 $0x0, s6  }
0xc: {  	[tilespmem:s2], [sflag:$0x2] =	stream.linear.gather [hbm4b:s11+s2], $0x80, $0x38;
	[tilespmem:$0x4080] =	vst v63  }
0xd: {  	_ =	swait.ge [sflag:s7], $0x80  }
0xe: {  	[sflag:s7] =	ssyncset.done $0x0  }
0xf: {  	[sflag:s7] =	ssyncadd.s32 $0xFFFFFF80  }
0x10: {  	[tilespmem:s8], [sflag:$0x1] =	stream.indirect.gather [hbm4b:s3+s8], $0x80, s2, s8, $0xb8;
	[tilespmem:$0x4080] =	vst v63  }
0x11: {  	_ =	swait.ge [sflag:s9], $0x4000  }
0x12: {  	[sflag:s9] =	ssyncset.done $0x0  }
0x13: {  	[sflag:s9] =	ssyncadd.s32 $0xFFFFC000  }
0x14: {  	[hbm4b:s5+s2] =	stream.linear.scatter [tilespmem:s8], [sflag:$0x2], $0x4000, $0x38;
	[tilespmem:$0x4080] =	vst v63  }
0x15: {  	s12 =	simm.s32 $0x10;
	_ =	swait.ge [sflag:s7], $0x4000  }
0x16: {  	s13 =	simm.s32 $0x20;
	s11 =	sadd.s32 $0x800, s5;
	[sflag:s7] =	ssyncset.done $0x0  }
.LBB2_2:
0x17: {  	s14 =	sadd.s32 s12, s6  }
0x18: {  	[sflag:s7] =	ssyncadd.s32 $0xFFFFC000;
	s12 =	smov.u32 s13;
	s15 =	sadd.s32 $0x10, s13  }
0x19: {  	[tilespmem:s2], [sflag:$0x2] =	stream.linear.gather [hbm4b:s14+s2], $0x80, $0x38;
	[tilespmem:$0x4080] =	vst v63  }
0x1a: {  	p0 =	sne.s32 s13, $0x500;
	_ =	swait.ge [sflag:s7], $0x80  }
0x1b: {  	[sflag:s7] =	ssyncset.done $0x0  }
0x1c: {  	[sflag:s7] =	ssyncadd.s32 $0xFFFFFF80  }
0x1d: {  	[tilespmem:s8], [sflag:$0x1] =	stream.indirect.gather [hbm4b:s3+s8], $0x80, s2, s8, $0xb8;
	[tilespmem:$0x4080] =	vst v63  }
0x1e: {  	_ =	swait.ge [sflag:s9], $0x4000  }
.Ltmp0:
0x1f: {  	[sflag:s9] =	ssyncset.done $0x0;
	(pc) =	sbr.rel @p0 .LBB2_2-.Ltmp0, $4  }
0x20: {  	[sflag:s9] =	ssyncadd.s32 $0xFFFFC000  }
0x21: {  	[hbm4b:s11+s2] =	stream.linear.scatter [tilespmem:s8], [sflag:$0x2], $0x4000, $0x38;
	[tilespmem:$0x4080] =	vst v63  }
0x22: {  	_ =	swait.ge [sflag:s7], $0x4000  }
0x23: {  	s13 =	smov.u32 s15;
	s11 =	sadd.s32 $0x800, s11;
	[sflag:s7] =	ssyncset.done $0x0  }
0x24: {  	s12 =	sadd.s32 s12, s6;
	[sflag:s7] =	ssyncadd.s32 $0xFFFFC000  }
0x25: {  	[tilespmem:s2], [sflag:$0x2] =	stream.linear.gather [hbm4b:s12+s2], $0x80, $0x38;
	[tilespmem:$0x4080] =	vst v63  }
0x26: {  	_ =	swait.ge [sflag:s7], $0x80  }
0x27: {  	[sflag:s7] =	ssyncset.done $0x0  }
0x28: {  	[sflag:s7] =	ssyncadd.s32 $0xFFFFFF80  }
0x29: {  	[tilespmem:s8], [sflag:$0x1] =	stream.indirect.gather [hbm4b:s3+s8], $0x80, s2, s8, $0xb8;
	[tilespmem:$0x4080] =	vst v63  }
0x2a: {  	s10 =	sadd.s32 $0x1, s10;
	_ =	swait.ge [sflag:s9], $0x4000  }
0x2b: {  	p0 =	sne.s32 s10, s4;
	[sflag:s9] =	ssyncset.done $0x0  }
.Ltmp1:
0x2c: {  	[sflag:s9] =	ssyncadd.s32 $0xFFFFC000;
	(pc) =	sbr.rel @p0 .LBB2_1-.Ltmp1, $4  }
0x2d: {  	[hbm4b:s11+s2] =	stream.linear.scatter [tilespmem:s8], [sflag:$0x2], $0x4000, $0x38;
	[tilespmem:$0x4080] =	vst v63  }
0x2e: {  	_ =	swait.ge [sflag:s7], $0x4000  }
0x2f: {  	[sflag:s7] =	ssyncset.done $0x0  }
0x30: {  	[sflag:s7] =	ssyncadd.s32 $0xFFFFC000  }
0x31: {  	_ =	sfence.sel $0x180000  }
0x32: {  	[bflag:$0x0] =	sbarrier.arrive $0xFFFF  }
0x33: {  	p0 =	sne.s32 s1, $0x0;
	_ =	strace $0x90000047  }
0x34: {  	s0 =	sadd.s32 @!p0 $0x100000, s0;
	[bflag:$0x2] =	sbarrier.arrive $0xFFFF  }
0x35: {  	[sflag:s0] =	ssyncadd.tile.s32 @!p0 $0x1;
	_ =	shalt  }
.Lfunc_end2:
_tile_overlayer_lowered:
.L_overlay_start_2:
0x36: {  	(tag) =	ssettag $0x2  }
0x37: {  	s0 =	rddreg [dreg:$0x0];
	s2 =	stileid.u32  }
0x38: {  	s1 =	rddreg [dreg:$0x1];
	p0 =	sne.s32 s2, $0x0  }
0x39: {  	s3 =	rddreg [dreg:$0x2];
	[bflag:$0x3] =	sbarrier.arrive $0xFFFF;
	s2 =	simm.s32 @!p0 $0x1C02  }
0x3a: {  	[timem:s3], [sflag:s2] =	dma.local @!p0 [hbm:s0], s1  }
0x3b: {  	s0 =	simm.s32 @!p0 $0x2  }
0x3c: {  	_ =	swait.ge @!p0 [sflag:s0], s1  }
0x3d: {  	s1 =	ssub.s32 @!p0 $0x0, s1;
	[sflag:s0] =	ssyncset.done @!p0 $0x0  }
0x3e: {  	[sflag:s0] =	ssyncadd.s32 @!p0 s1  }
0x3f: {  	[bflag:$0x3] =	sbarrier.arrive $0xFFFF  }
0x40: {  	_ =	shalt  }

// kernel: kernel.27.cloned.1.call-start
scs
__scs_entry_jumppad:
0x0: {  	(pc) =	sbr.rel $0x88, $3  }
0x1: {  	(tag) =	ssettag $0x0;
	lr =	simm.s32 $0x1  }
0x2: {  	[smem:$0x3F8D] =	sst lr;
	_ =	strace $0xD0000000  }
0x3: {  	_ = 	snop  }
0x4: {  	_ = 	snop  }
0x5: {  	_ = 	snop  }
0x6: {  	_ = 	snop  }
0x7: {  	_ = 	snop  }
__scs_overlays_trampoline_lowered:
0x8: {  	[smem:$0x3F9C] =	sst s0  }
0x9: {  	[smem:$0x3F9D] =	sst s1  }
0xa: {  	[smem:$0x3F9E] =	sst s2  }
0xb: {  	[smem:$0x3F9F] =	sst s3  }
0xc: {  	[smem:$0x3FA0] =	sst s4  }
0xd: {  	[smem:$0x3FA1] =	sst s5  }
0xe: {  	[smem:$0x3FA2] =	sst s6  }
0xf: {  	[smem:$0x3FA3] =	sst s7  }
0x10: {  	[smem:$0x3FA4] =	sst s8  }
0x11: {  	[smem:$0x3FA5] =	sst s9;
	s0 =	simm.s32 @!p0 $0x0  }
0x12: {  	s1 =	sld [smem:$0x3F8B];
	s0 =	simm.s32 @p0 $0x1  }
0x13: {  	[smem:$0x3FA6] =	sst s0;
	s0 =	simm.s32 @!p1 $0x0  }
0x14: {  	s2 =	sld [smem:$0x3F8A];
	s0 =	simm.s32 @p1 $0x1  }
0x15: {  	[smem:$0x3FA7] =	sst s0;
	s0 =	simm.s32 @!p2 $0x0  }
0x16: {  	s3 =	sld [smem:$0x3FDB];
	s0 =	simm.s32 @p2 $0x1  }
0x17: {  	s4 =	simm.s32 $0x1BF5;
	[smem:$0x3FA9] =	sst s0  }
0x18: {  	s0 =	sld [smem:$0x3F8C];
	_ =	swait.ge [sflag:s4], $0x0  }
0x19: {  	s7 =	sld [smem:$0x3F8D]  }
0x1a: {  	s8 =	sadd.s32 $0xFFFFE003, lr  }
0x1b: {  	s9 =	sadd.s32 $0xFFFFFEF7, lr;
	s5 =	simm.s32 $0xFFFFFFFF;
	p2 =	slt.u32 s8, $0xFFFFF086  }
0x1c: {  	p1 =	slt.u32 s9, $0xF7A;
	s5 =	simm.s32 @!p2 $0x0  }
0x1d: {  	s5 =	simm.s32 @p1 $0x1;
	p0 =	seq.s32 s7, s2  }
0x1e: {  	s7 =	smul.u32 @!p0 $0xF7A, s2;
	p2 =	seq.s32 @!p0 s5, $0x0  }
0x1f: {  	s9 =	smul.u32 $0xF7A, s1;
	s8 =	simm.s32 @!p0 $0x1BF5;
	p2 =	por !p2, p0  }
0x20: {  	[sflag:s8] =	ssyncset.s32 @!p0 $0xFFFFF086;
	s6 =	sadd.s32 @!p0 s3, s7;
	s7 =	simm.s32 @!p0 $0x108  }
0x21: {  	s3 =	sadd.s32 s3, s9;
	s6 =	sadd.s32 @!p0 $0x88, s6;
	s7 =	simm.s32 @p2 $0x1082  }
0x22: {  	[simem:s7], [sflag:s8] =	dma.local @!p0 [hbm:s6], $0xF7A  }
0x23: {  	s9 =	sor.u32 $0xD0000000, s2;
	s6 =	simm.s32 $0x108;
	_ =	swait.ge @!p0 [sflag:s8], $0x0  }
0x24: {  	s3 =	sadd.s32 $0x88, s3;
	s6 =	simm.s32 @!p1 $0x1082;
	[sflag:s4] =	ssyncset.s32 $0xFFFFF086  }
0x25: {  	[simem:s6], [sflag:s4] =	dma.local [hbm:s3], $0xF7A  }
0x26: {  	[smem:$0x3F8D] =	sst s1;
	(tag) =	ssettag s2;
	_ =	strace s9  }
0x27: {  	s1 =	sld [smem:$0x3F9D]  }
0x28: {  	s2 =	sld [smem:$0x3F9E]  }
0x29: {  	s4 =	sld [smem:$0x3FA0]  }
0x2a: {  	p0 =	seq.s32 s5, $0x0;
	s5 =	sld [smem:$0x3FA1]  }
0x2b: {  	s6 =	sld [smem:$0x3FA2]  }
0x2c: {  	s7 =	sld [smem:$0x3FA3]  }
0x2d: {  	s3 =	simm.s32 $0x108;
	s8 =	sld [smem:$0x3FA4]  }
0x2e: {  	s3 =	simm.s32 @!p0 $0x1082;
	s9 =	sld [smem:$0x3FA5]  }
0x2f: {  	lr =	sadd.s32 s0, s3;
	s0 =	sld [smem:$0x3F9C]  }
0x30: {  	s3 =	sld [smem:$0x3F9F]  }
0x31: {  	[smem:$0x3FA8] =	sst s10  }
0x32: {  	s10 =	sld [smem:$0x3FA6];
	_ =	sdelay $0x3  }
0x33: {  	p0 =	seq.s32 s10, $0x1;
	s10 =	sld [smem:$0x3FA8];
	_ =	sdelay $0x3  }
0x34: {  	[smem:$0x3FA8] =	sst s10  }
0x35: {  	s10 =	sld [smem:$0x3FA7];
	_ =	sdelay $0x3  }
0x36: {  	p1 =	seq.s32 s10, $0x1;
	s10 =	sld [smem:$0x3FA8];
	_ =	sdelay $0x3  }
0x37: {  	[smem:$0x3FA8] =	sst s10  }
0x38: {  	s10 =	sld [smem:$0x3FA9]  }
0x39: {  	_ = 	snop;
	(pc) =	sbr.ind lr, $3  }
0x3a: {  	_ = 	snop  }
0x3b: {  	_ = 	snop  }
0x3c: {  	p2 =	seq.s32 s10, $0x1;
	s10 =	sld [smem:$0x3FA8]  }
0x3d: {  	_ =	shalt  }
0x3e: {  	_ =	shalt  }
0x3f: {  	_ =	shalt  }
0x40: {  	_ =	shalt  }
0x41: {  	_ =	shalt  }
0x42: {  	_ =	shalt  }
0x43: {  	_ =	shalt  }
0x44: {  	_ =	shalt  }
0x45: {  	_ =	shalt  }
0x46: {  	_ =	shalt  }
0x47: {  	_ =	shalt  }
0x48: {  	_ =	shalt  }
0x49: {  	_ =	shalt  }
0x4a: {  	_ =	shalt  }
0x4b: {  	_ =	shalt  }
0x4c: {  	_ =	shalt  }
0x4d: {  	_ =	shalt  }
0x4e: {  	_ =	shalt  }
0x4f: {  	_ =	shalt  }
0x50: {  	_ =	shalt  }
0x51: {  	_ =	shalt  }
0x52: {  	_ =	shalt  }
0x53: {  	_ =	shalt  }
0x54: {  	_ =	shalt  }
0x55: {  	_ =	shalt  }
0x56: {  	_ =	shalt  }
0x57: {  	_ =	shalt  }
0x58: {  	_ =	shalt  }
0x59: {  	_ =	shalt  }
0x5a: {  	_ =	shalt  }
0x5b: {  	_ =	shalt  }
0x5c: {  	_ =	shalt  }
0x5d: {  	_ =	shalt  }
0x5e: {  	_ =	shalt  }
0x5f: {  	_ =	shalt  }
0x60: {  	_ =	shalt  }
0x61: {  	_ =	shalt  }
0x62: {  	_ =	shalt  }
0x63: {  	_ =	shalt  }
0x64: {  	_ =	shalt  }
0x65: {  	_ =	shalt  }
0x66: {  	_ =	shalt  }
0x67: {  	_ =	shalt  }
0x68: {  	_ =	shalt  }
0x69: {  	_ =	shalt  }
0x6a: {  	_ =	shalt  }
0x6b: {  	_ =	shalt  }
0x6c: {  	_ =	shalt  }
0x6d: {  	_ =	shalt  }
0x6e: {  	_ =	shalt  }
0x6f: {  	_ =	shalt  }
0x70: {  	_ =	shalt  }
0x71: {  	_ =	shalt  }
0x72: {  	_ =	shalt  }
0x73: {  	_ =	shalt  }
0x74: {  	_ =	shalt  }
0x75: {  	_ =	shalt  }
0x76: {  	_ =	shalt  }
0x77: {  	_ =	shalt  }
0x78: {  	_ =	shalt  }
0x79: {  	_ =	shalt  }
0x7a: {  	_ =	shalt  }
0x7b: {  	_ =	shalt  }
0x7c: {  	_ =	shalt  }
0x7d: {  	_ =	shalt  }
0x7e: {  	_ =	shalt  }
0x7f: {  	_ =	shalt  }
0x80: {  	_ =	shalt  }
0x81: {  	_ =	shalt  }
0x82: {  	_ =	shalt  }
0x83: {  	_ =	shalt  }
0x84: {  	_ =	shalt  }
0x85: {  	_ =	shalt  }
0x86: {  	_ =	shalt  }
0x87: {  	_ =	shalt  }
.Lfunc_end0:
.L_simem_size_0:
called_computation.2_lowered:
.L_overlay_start_0:
0x88: {  	s2 =	sld [smem:$0x3FD9]  }
0x89: {  	s3 =	sld [smem:$0x3FFE];
	_ =	sdelay $0x1  }
0x8a: {  	s1 =	srdreg.scid  }
0x8b: {  	s0 =	sand.u32 $0x1, s1  }
0x8c: {  	s16 =	sshll.u32 s0, $0xA;
	s2 =	sadd.s32 s3, s2  }
0x8d: {  	s2 =	sadd.s32 s2, s16  }
0x8e: {  	[smem:$0x3FB4] =	sst s2  }
0x8f: {  	_ = 	snop  }
0x90: {  	(tm) =	ssettm $0x1  }
0x91: {  	s17 =	sld [smem:$0x3FFB];
	_ =	sdelay $0x3  }
0x92: {  	_ =	strace s17  }
0x93: {  	s2 =	sld [smem:$0x3FFC];
	_ =	sdelay $0x3  }
0x94: {  	_ =	strace s2  }
0x95: {  	s2 =	sld [smem:$0x3FFD];
	_ =	sdelay $0x3  }
0x96: {  	_ =	strace s2  }
0x97: {  	_ =	strace $0x8FFFFFFF  }
0x98: {  	s18 =	sld [smem:$0x3FDB];
	_ =	sdelay $0x1  }
0x99: {  	s19 =	simm.s32 $_scs_section_size  }
0x9a: {  	s4 =	simm.s32 $_size__tile_overlayer_lowered;
	s5 =	simm.s32 $_tile_overlayer_lowered  }
0x9b: {  	s22 =	simm.s32 $0x1BFF;
	s21 =	sshll.u32 s5, $0x1;
	s2 =	sadd.s32 s19, s18  }
0x9c: {  	s6 =	simm.s32 $0x0;
	s20 =	sshll.u32 s4, $0x1;
	s4 =	sadd.s32 s21, s2  }
0x9d: {  	[timem:s6], [sflag:s22] =	dma.local [hbm:s4], s20  }
0x9e: {  	_ =	swait.ge [sflag:s22], s20  }
0x9f: {  	s3 =	ssub.s32 $0x0, s20;
	[sflag:s22] =	ssyncset.done $0x0  }
0xa0: {  	[sflag:s22] =	ssyncadd.s32 s3;
	_ =	sdelay $0x1  }
0xa1: {  	s23 =	simm.s32 $0x1B8B  }
0xa2: {  	_ =	swait.ge [sflag:s23], $0x1  }
0xa3: {  	[sflag:s23] =	ssyncset.done $0x0  }
0xa4: {  	s25 =	simm.s32 $0x1B8E;
	s24 =	sld [smem:$0x3FFE];
	[sflag:s23] =	ssyncadd.s32 $0xFFFFFFFF  }
0xa5: {  	s26 =	simm.s32 $execute0_lowered;
	[smem:$0x3FD2] =	sst s25  }
0xa6: {  	s4 =	sshll.u32 s26, $0x1;
	_ =	strace $0x8000004C;
	[dreg:$0x1] =	wrdreg $0xFFFFFFFF  }
0xa7: {  	s28 =	simm.s32 $_size_execute0_lowered;
	s2 =	sadd.s32 s2, s4;
	[dreg:$0x0] =	wrdreg $0x0  }
0xa8: {  	s4 =	sshll.u32 s28, $0x1;
	[dreg:$0x2] =	wrdreg s2  }
0xa9: {  	[dreg:$0x3] =	wrdreg s4  }
0xaa: {  	[dreg:$0x4] =	wrdreg $0xC0  }
0xab: {  	_ =	task [dreg:s6], $0x5FFFF  }
0xac: {  	[dreg:$0x1] =	wrdreg $0xFFFFFFFF  }
0xad: {  	[dreg:$0x0] =	wrdreg $0x60  }
0xae: {  	[dreg:$0x2] =	wrdreg s24  }
0xaf: {  	[dreg:$0x3] =	wrdreg $0x40800  }
0xb0: {  	[dreg:$0x4] =	wrdreg $0x9  }
0xb1: {  	_ =	task.clear_ibuf [dreg:s6], $0x5FFFF;
	_ =	strace $0x9000004C  }
0xb2: {  	s29 =	simm.s32 $0x9;
	_ =	strace $0x8000004E  }
0xb3: {  	_ =	swait.ge [sflag:s29], $0x1  }
0xb4: {  	[sflag:s29] =	ssyncadd.s32 $0xFFFFFFFF  }
0xb5: {  	_ =	strace $0x9000004E  }
0xb6: {  	_ =	sfence  }
0xb7: {  	s30 =	sld [smem:$0x0];
	_ =	sdelay $0x2  }
0xb8: {  	s31 =	sshll.u32 s1, $0xD;
	s1 =	sshrl.u32 s1, $0x2  }
0xb9: {  	s3 =	sand.u32 $0x4000, s31;
	s1 =	sadd.s32 s1, s30  }
0xba: {  	s0 =	sor.u32 s3, s0;
	s1 =	sshll.u32 s1, $0x11  }
0xbb: {  	s0 =	sor.u32 s1, s0  }
0xbc: {  	s0 =	sadd.s32 $0x8F2B, s0  }
0xbd: {  	[sflag:s0] =	ssyncadd.remote.s32 $0x1  }
0xbe: {  	_ =	sfence.sel $0xFFFF  }
0xbf: {  	[dreg:$0x0] =	wrdreg $0xFFFFFFFF;
	(pc) =	sbr.abs _section_cstart, $3  }
0xc0: {  	[dreg:$0x1] =	wrdreg $0xFFFFFFFF  }
0xc1: {  	_ =	task.clear_ibuf [dreg:s6], $0x2FFFF;
	_ =	strace $0x9FFFFFFF  }
0xc2: {  	(tm) =	ssettm $0x7FFFFFFF  }
0xc3: {  	_ =	shalt  }
tec
execute0_lowered:
.L_overlay_start_1:
0x0: {  	(tag) =	ssettag $0x1  }
0x1: {  	s6 =	stileid.u32;
	s0 =	srdreg.scid  }
0x2: {  	s3 =	rddreg [dreg:$0x0];
	s5 =	smul.u32 $0x5100, s6  }
0x3: {  	s1 =	rddreg [dreg:$0x1];
	s4 =	sand.u32 $0x1, s0;
	s8 =	smul.u32 $0x51000, s6  }
0x4: {  	s2 =	simm.s32 $0x0;
	s0 =	rddreg [dreg:$0x2];
	s7 =	smul.u32 $0x2880, s4  }
0x5: {  	[smem:$0x7FF] =	sst s2;
	s29 =	smul.u32 $0x28000, s4  }
0x6: {  	p0 =	sne.s32 s6, $0x0;
	s30 =	ssub.s32 $0x2, s4;
	s11 =	smul.u32 $0x28800, s4  }
0x7: {  	_ =	strace $0x8000004D;
	s8 =	sadd.s32 s8, s3;
	s10 =	sshrl.u32 s30, $0x1  }
0x8: {  	s5 =	sadd.s32 s7, s5;
	s7 =	sadd.s32 s29, s3;
	s31 =	sadd.s32 s11, s8  }
0x9: {  	s8 =	sshrl.u32 @!p0 s1, $0x3;
	s11 =	simm.s32 $0x0;
	s5 =	sshrl.u32 s5, $0x3  }
0xa: {  	s4 =	sadd.s32 $0x42800, s7;
	s6 =	sadd.s32 $0x1F6A800, s31;
	s9 =	sadd.s32 s5, s3  }
0xb: {  	s3 =	sadd.s32 $0x1A800, s3;
	s5 =	ssub.s32 s30, s10;
	s10 =	simm.s32 $0x80  }
0xc: {  	s5 =	smax.u32 s5, $0x1;
	s7 =	sadd.s32 $0x10600, s9;
	s9 =	simm.s32 $0x1  }
.LBB2_1:
0xd: {  	s12 =	simm.s32 @!p0 $0x1C01  }
0xe: {  	[spmem:s8], [sflag:s12] =	dma.local @!p0 [hbm:s3], $0x28000  }
0xf: {  	s12 =	simm.s32 @!p0 $0x1  }
0x10: {  	_ =	swait.ge @!p0 [sflag:s12], $0x28000  }
0x11: {  	[sflag:s12] =	ssyncset.done @!p0 $0x0  }
0x12: {  	[sflag:s12] =	ssyncadd.s32 @!p0 $0xFFFD8000  }
0x13: {  	s31 =	sadd.s32 $0x0, s7;
	[bflag:$0x0] =	sbarrier.arrive $0xFFFF  }
0x14: {  	[tilespmem:s2], [sflag:$0x1] =	stream.linear.gather [hbm4b:s31+s2], $0x80, $0x38;
	[tilespmem:$0x18080] =	vst v63  }
0x15: {  	_ =	swait.ge [sflag:s9], $0x80  }
0x16: {  	[sflag:s9] =	ssyncset.done $0x0  }
0x17: {  	[sflag:s9] =	ssyncadd.s32 $0xFFFFFF80  }
0x18: {  	[tilespmem:s10], [sflag:$0x1] =	stream.linear.gather [hbm4b:s6+s2], $0x4000, $0x38;
	[tilespmem:$0x18080] =	vst v63  }
0x19: {  	_ =	swait.ge [sflag:s9], $0x4000  }
0x1a: {  	[sflag:s9] =	ssyncset.done $0x0  }
0x1b: {  	[sflag:s9] =	ssyncadd.s32 $0xFFFFC000  }
0x1c: {  	[spmem:s1] =	stream.indirect.scatter.add.f32 [tilespmem:s10], [sflag:$0x1], $0x80, s2, s10, $0xb8;
	[tilespmem:$0x18080] =	vst v63  }
0x1d: {  	s13 =	simm.s32 $0x10;
	_ =	swait.ge [sflag:s9], $0x4000  }
0x1e: {  	s14 =	simm.s32 $0x20;
	s12 =	sadd.s32 $0x800, s6;
	[sflag:s9] =	ssyncset.done $0x0  }
.LBB2_2:
0x1f: {  	s15 =	sadd.s32 s13, s7  }
0x20: {  	[sflag:s9] =	ssyncadd.s32 $0xFFFFC000;
	s13 =	smov.u32 s14;
	s16 =	sadd.s32 $0x10, s14  }
0x21: {  	[tilespmem:s2], [sflag:$0x1] =	stream.linear.gather [hbm4b:s15+s2], $0x80, $0x38;
	[tilespmem:$0x18080] =	vst v63  }
0x22: {  	p1 =	sne.s32 s14, $0x500;
	_ =	swait.ge [sflag:s9], $0x80  }
0x23: {  	[sflag:s9] =	ssyncset.done $0x0  }
0x24: {  	[sflag:s9] =	ssyncadd.s32 $0xFFFFFF80  }
0x25: {  	[tilespmem:s10], [sflag:$0x1] =	stream.linear.gather [hbm4b:s12+s2], $0x4000, $0x38;
	[tilespmem:$0x18080] =	vst v63  }
0x26: {  	_ =	swait.ge [sflag:s9], $0x4000  }
.Ltmp0:
0x27: {  	[sflag:s9] =	ssyncset.done $0x0;
	(pc) =	sbr.rel @p1 .LBB2_2-.Ltmp0, $4  }
0x28: {  	[sflag:s9] =	ssyncadd.s32 $0xFFFFC000  }
0x29: {  	[spmem:s1] =	stream.indirect.scatter.add.f32 [tilespmem:s10], [sflag:$0x1], $0x80, s2, s10, $0xb8;
	[tilespmem:$0x18080] =	vst v63  }
0x2a: {  	_ =	swait.ge [sflag:s9], $0x4000  }
0x2b: {  	s14 =	smov.u32 s16;
	s12 =	sadd.s32 $0x800, s12;
	[sflag:s9] =	ssyncset.done $0x0  }
0x2c: {  	s13 =	sadd.s32 s13, s7;
	[sflag:s9] =	ssyncadd.s32 $0xFFFFC000  }
0x2d: {  	[tilespmem:s2], [sflag:$0x1] =	stream.linear.gather [hbm4b:s13+s2], $0x80, $0x38;
	[tilespmem:$0x18080] =	vst v63  }
0x2e: {  	_ =	swait.ge [sflag:s9], $0x80  }
0x2f: {  	[sflag:s9] =	ssyncset.done $0x0  }
0x30: {  	[sflag:s9] =	ssyncadd.s32 $0xFFFFFF80  }
0x31: {  	[tilespmem:s10], [sflag:$0x1] =	stream.linear.gather [hbm4b:s12+s2], $0x4000, $0x38;
	[tilespmem:$0x18080] =	vst v63  }
0x32: {  	_ =	swait.ge [sflag:s9], $0x4000  }
0x33: {  	[sflag:s9] =	ssyncset.done $0x0  }
0x34: {  	[sflag:s9] =	ssyncadd.s32 $0xFFFFC000  }
0x35: {  	[spmem:s1] =	stream.indirect.scatter.add.f32 [tilespmem:s10], [sflag:$0x1], $0x80, s2, s10, $0xb8;
	[tilespmem:$0x18080] =	vst v63  }
0x36: {  	_ =	swait.ge [sflag:s9], $0x4000  }
0x37: {  	[sflag:s9] =	ssyncset.done $0x0  }
0x38: {  	[sflag:s9] =	ssyncadd.s32 $0xFFFFC000  }
0x39: {  	s11 =	sadd.s32 $0x1, s11;
	s12 =	simm.s32 @!p0 $0x1C01;
	[bflag:$0x0] =	sbarrier.arrive $0xFFFF  }
0x3a: {  	[hbm:s4], [sflag:s12] =	dma.local @!p0 [spmem:s8], $0x28000  }
0x3b: {  	p1 =	sne.s32 s11, s5;
	s12 =	simm.s32 @!p0 $0x1  }
.Ltmp1:
0x3c: {  	_ =	swait.ge @!p0 [sflag:s12], $0x28000;
	(pc) =	sbr.rel @p1 .LBB2_1-.Ltmp1, $3  }
0x3d: {  	[sflag:s12] =	ssyncset.done @!p0 $0x0  }
0x3e: {  	[sflag:s12] =	ssyncadd.s32 @!p0 $0xFFFD8000  }
0x3f: {  	[bflag:$0x0] =	sbarrier.arrive $0xFFFF;
	_ =	sdelay $0x1  }
0x40: {  	_ =	sfence.sel $0x180000  }
0x41: {  	[bflag:$0x0] =	sbarrier.arrive $0xFFFF  }
0x42: {  	_ =	strace $0x9000004D  }
0x43: {  	s0 =	sadd.s32 @!p0 $0x100000, s0;
	[bflag:$0x2] =	sbarrier.arrive $0xFFFF  }
0x44: {  	[sflag:s0] =	ssyncadd.tile.s32 @!p0 $0x1;
	_ =	shalt  }
.Lfunc_end2:
_tile_overlayer_lowered:
.L_overlay_start_2:
0x45: {  	(tag) =	ssettag $0x2  }
0x46: {  	s0 =	rddreg [dreg:$0x0];
	s2 =	stileid.u32  }
0x47: {  	s1 =	rddreg [dreg:$0x1];
	p0 =	sne.s32 s2, $0x0  }
0x48: {  	s3 =	rddreg [dreg:$0x2];
	[bflag:$0x3] =	sbarrier.arrive $0xFFFF;
	s2 =	simm.s32 @!p0 $0x1C01  }
0x49: {  	[timem:s3], [sflag:s2] =	dma.local @!p0 [hbm:s0], s1  }
0x4a: {  	s0 =	simm.s32 @!p0 $0x1  }
0x4b: {  	_ =	swait.ge @!p0 [sflag:s0], s1  }
0x4c: {  	s1 =	ssub.s32 @!p0 $0x0, s1;
	[sflag:s0] =	ssyncset.done @!p0 $0x0  }
0x4d: {  	[sflag:s0] =	ssyncadd.s32 @!p0 s1  }
0x4e: {  	[bflag:$0x3] =	sbarrier.arrive $0xFFFF  }
0x4f: {  	_ =	shalt  }

// kernel: kernel.30.cloned.1.call-start
scs
__scs_entry_jumppad:
0x0: {  	(pc) =	sbr.rel $0x88, $3  }
0x1: {  	(tag) =	ssettag $0x0;
	lr =	simm.s32 $0x1  }
0x2: {  	[smem:$0x3F8D] =	sst lr;
	_ =	strace $0xD0000000  }
0x3: {  	_ = 	snop  }
0x4: {  	_ = 	snop  }
0x5: {  	_ = 	snop  }
0x6: {  	_ = 	snop  }
0x7: {  	_ = 	snop  }
__scs_overlays_trampoline_lowered:
0x8: {  	[smem:$0x3F9C] =	sst s0  }
0x9: {  	[smem:$0x3F9D] =	sst s1  }
0xa: {  	[smem:$0x3F9E] =	sst s2  }
0xb: {  	[smem:$0x3F9F] =	sst s3  }
0xc: {  	[smem:$0x3FA0] =	sst s4  }
0xd: {  	[smem:$0x3FA1] =	sst s5  }
0xe: {  	[smem:$0x3FA2] =	sst s6  }
0xf: {  	[smem:$0x3FA3] =	sst s7  }
0x10: {  	[smem:$0x3FA4] =	sst s8  }
0x11: {  	[smem:$0x3FA5] =	sst s9;
	s0 =	simm.s32 @!p0 $0x0  }
0x12: {  	s1 =	sld [smem:$0x3F8B];
	s0 =	simm.s32 @p0 $0x1  }
0x13: {  	[smem:$0x3FA6] =	sst s0;
	s0 =	simm.s32 @!p1 $0x0  }
0x14: {  	s2 =	sld [smem:$0x3F8A];
	s0 =	simm.s32 @p1 $0x1  }
0x15: {  	[smem:$0x3FA7] =	sst s0;
	s0 =	simm.s32 @!p2 $0x0  }
0x16: {  	s3 =	sld [smem:$0x3FDB];
	s0 =	simm.s32 @p2 $0x1  }
0x17: {  	s4 =	simm.s32 $0x1BF5;
	[smem:$0x3FA9] =	sst s0  }
0x18: {  	s0 =	sld [smem:$0x3F8C];
	_ =	swait.ge [sflag:s4], $0x0  }
0x19: {  	s7 =	sld [smem:$0x3F8D]  }
0x1a: {  	s8 =	sadd.s32 $0xFFFFE003, lr  }
0x1b: {  	s9 =	sadd.s32 $0xFFFFFEF7, lr;
	s5 =	simm.s32 $0xFFFFFFFF;
	p2 =	slt.u32 s8, $0xFFFFF086  }
0x1c: {  	p1 =	slt.u32 s9, $0xF7A;
	s5 =	simm.s32 @!p2 $0x0  }
0x1d: {  	s5 =	simm.s32 @p1 $0x1;
	p0 =	seq.s32 s7, s2  }
0x1e: {  	s7 =	smul.u32 @!p0 $0xF7A, s2;
	p2 =	seq.s32 @!p0 s5, $0x0  }
0x1f: {  	s9 =	smul.u32 $0xF7A, s1;
	s8 =	simm.s32 @!p0 $0x1BF5;
	p2 =	por !p2, p0  }
0x20: {  	[sflag:s8] =	ssyncset.s32 @!p0 $0xFFFFF086;
	s6 =	sadd.s32 @!p0 s3, s7;
	s7 =	simm.s32 @!p0 $0x108  }
0x21: {  	s3 =	sadd.s32 s3, s9;
	s6 =	sadd.s32 @!p0 $0x88, s6;
	s7 =	simm.s32 @p2 $0x1082  }
0x22: {  	[simem:s7], [sflag:s8] =	dma.local @!p0 [hbm:s6], $0xF7A  }
0x23: {  	s9 =	sor.u32 $0xD0000000, s2;
	s6 =	simm.s32 $0x108;
	_ =	swait.ge @!p0 [sflag:s8], $0x0  }
0x24: {  	s3 =	sadd.s32 $0x88, s3;
	s6 =	simm.s32 @!p1 $0x1082;
	[sflag:s4] =	ssyncset.s32 $0xFFFFF086  }
0x25: {  	[simem:s6], [sflag:s4] =	dma.local [hbm:s3], $0xF7A  }
0x26: {  	[smem:$0x3F8D] =	sst s1;
	(tag) =	ssettag s2;
	_ =	strace s9  }
0x27: {  	s1 =	sld [smem:$0x3F9D]  }
0x28: {  	s2 =	sld [smem:$0x3F9E]  }
0x29: {  	s4 =	sld [smem:$0x3FA0]  }
0x2a: {  	p0 =	seq.s32 s5, $0x0;
	s5 =	sld [smem:$0x3FA1]  }
0x2b: {  	s6 =	sld [smem:$0x3FA2]  }
0x2c: {  	s7 =	sld [smem:$0x3FA3]  }
0x2d: {  	s3 =	simm.s32 $0x108;
	s8 =	sld [smem:$0x3FA4]  }
0x2e: {  	s3 =	simm.s32 @!p0 $0x1082;
	s9 =	sld [smem:$0x3FA5]  }
0x2f: {  	lr =	sadd.s32 s0, s3;
	s0 =	sld [smem:$0x3F9C]  }
0x30: {  	s3 =	sld [smem:$0x3F9F]  }
0x31: {  	[smem:$0x3FA8] =	sst s10  }
0x32: {  	s10 =	sld [smem:$0x3FA6];
	_ =	sdelay $0x3  }
0x33: {  	p0 =	seq.s32 s10, $0x1;
	s10 =	sld [smem:$0x3FA8];
	_ =	sdelay $0x3  }
0x34: {  	[smem:$0x3FA8] =	sst s10  }
0x35: {  	s10 =	sld [smem:$0x3FA7];
	_ =	sdelay $0x3  }
0x36: {  	p1 =	seq.s32 s10, $0x1;
	s10 =	sld [smem:$0x3FA8];
	_ =	sdelay $0x3  }
0x37: {  	[smem:$0x3FA8] =	sst s10  }
0x38: {  	s10 =	sld [smem:$0x3FA9]  }
0x39: {  	_ = 	snop;
	(pc) =	sbr.ind lr, $3  }
0x3a: {  	_ = 	snop  }
0x3b: {  	_ = 	snop  }
0x3c: {  	p2 =	seq.s32 s10, $0x1;
	s10 =	sld [smem:$0x3FA8]  }
0x3d: {  	_ =	shalt  }
0x3e: {  	_ =	shalt  }
0x3f: {  	_ =	shalt  }
0x40: {  	_ =	shalt  }
0x41: {  	_ =	shalt  }
0x42: {  	_ =	shalt  }
0x43: {  	_ =	shalt  }
0x44: {  	_ =	shalt  }
0x45: {  	_ =	shalt  }
0x46: {  	_ =	shalt  }
0x47: {  	_ =	shalt  }
0x48: {  	_ =	shalt  }
0x49: {  	_ =	shalt  }
0x4a: {  	_ =	shalt  }
0x4b: {  	_ =	shalt  }
0x4c: {  	_ =	shalt  }
0x4d: {  	_ =	shalt  }
0x4e: {  	_ =	shalt  }
0x4f: {  	_ =	shalt  }
0x50: {  	_ =	shalt  }
0x51: {  	_ =	shalt  }
0x52: {  	_ =	shalt  }
0x53: {  	_ =	shalt  }
0x54: {  	_ =	shalt  }
0x55: {  	_ =	shalt  }
0x56: {  	_ =	shalt  }
0x57: {  	_ =	shalt  }
0x58: {  	_ =	shalt  }
0x59: {  	_ =	shalt  }
0x5a: {  	_ =	shalt  }
0x5b: {  	_ =	shalt  }
0x5c: {  	_ =	shalt  }
0x5d: {  	_ =	shalt  }
0x5e: {  	_ =	shalt  }
0x5f: {  	_ =	shalt  }
0x60: {  	_ =	shalt  }
0x61: {  	_ =	shalt  }
0x62: {  	_ =	shalt  }
0x63: {  	_ =	shalt  }
0x64: {  	_ =	shalt  }
0x65: {  	_ =	shalt  }
0x66: {  	_ =	shalt  }
0x67: {  	_ =	shalt  }
0x68: {  	_ =	shalt  }
0x69: {  	_ =	shalt  }
0x6a: {  	_ =	shalt  }
0x6b: {  	_ =	shalt  }
0x6c: {  	_ =	shalt  }
0x6d: {  	_ =	shalt  }
0x6e: {  	_ =	shalt  }
0x6f: {  	_ =	shalt  }
0x70: {  	_ =	shalt  }
0x71: {  	_ =	shalt  }
0x72: {  	_ =	shalt  }
0x73: {  	_ =	shalt  }
0x74: {  	_ =	shalt  }
0x75: {  	_ =	shalt  }
0x76: {  	_ =	shalt  }
0x77: {  	_ =	shalt  }
0x78: {  	_ =	shalt  }
0x79: {  	_ =	shalt  }
0x7a: {  	_ =	shalt  }
0x7b: {  	_ =	shalt  }
0x7c: {  	_ =	shalt  }
0x7d: {  	_ =	shalt  }
0x7e: {  	_ =	shalt  }
0x7f: {  	_ =	shalt  }
0x80: {  	_ =	shalt  }
0x81: {  	_ =	shalt  }
0x82: {  	_ =	shalt  }
0x83: {  	_ =	shalt  }
0x84: {  	_ =	shalt  }
0x85: {  	_ =	shalt  }
0x86: {  	_ =	shalt  }
0x87: {  	_ =	shalt  }
.Lfunc_end0:
.L_simem_size_0:
called_computation.3_lowered:
.L_overlay_start_0:
0x88: {  	s2 =	sld [smem:$0x3FD9]  }
0x89: {  	s3 =	sld [smem:$0x3FFE];
	_ =	sdelay $0x1  }
0x8a: {  	s1 =	srdreg.scid  }
0x8b: {  	s0 =	sand.u32 $0x1, s1  }
0x8c: {  	s16 =	sshll.u32 s0, $0xA;
	s2 =	sadd.s32 s3, s2  }
0x8d: {  	s2 =	sadd.s32 s2, s16  }
0x8e: {  	[smem:$0x3FB4] =	sst s2  }
0x8f: {  	_ = 	snop  }
0x90: {  	(tm) =	ssettm $0x1  }
0x91: {  	s17 =	sld [smem:$0x3FFB];
	_ =	sdelay $0x3  }
0x92: {  	_ =	strace s17  }
0x93: {  	s2 =	sld [smem:$0x3FFC];
	_ =	sdelay $0x3  }
0x94: {  	_ =	strace s2  }
0x95: {  	s2 =	sld [smem:$0x3FFD];
	_ =	sdelay $0x3  }
0x96: {  	_ =	strace s2  }
0x97: {  	_ =	strace $0x8FFFFFFF  }
0x98: {  	s18 =	sld [smem:$0x3FDB];
	_ =	sdelay $0x1  }
0x99: {  	s19 =	simm.s32 $_scs_section_size  }
0x9a: {  	s4 =	simm.s32 $_size__tile_overlayer_lowered;
	s5 =	simm.s32 $_tile_overlayer_lowered  }
0x9b: {  	s22 =	simm.s32 $0x1BFF;
	s21 =	sshll.u32 s5, $0x1;
	s2 =	sadd.s32 s19, s18  }
0x9c: {  	s6 =	simm.s32 $0x0;
	s20 =	sshll.u32 s4, $0x1;
	s4 =	sadd.s32 s21, s2  }
0x9d: {  	[timem:s6], [sflag:s22] =	dma.local [hbm:s4], s20  }
0x9e: {  	_ =	swait.ge [sflag:s22], s20  }
0x9f: {  	s3 =	ssub.s32 $0x0, s20;
	[sflag:s22] =	ssyncset.done $0x0  }
0xa0: {  	[sflag:s22] =	ssyncadd.s32 s3;
	_ =	sdelay $0x1  }
0xa1: {  	s23 =	simm.s32 $0x1B8B  }
0xa2: {  	_ =	swait.ge [sflag:s23], $0x1  }
0xa3: {  	[sflag:s23] =	ssyncset.done $0x0  }
0xa4: {  	s25 =	simm.s32 $0x1B8E;
	s24 =	sld [smem:$0x3FFE];
	[sflag:s23] =	ssyncadd.s32 $0xFFFFFFFF  }
0xa5: {  	s26 =	simm.s32 $execute0_lowered;
	[smem:$0x3FD2] =	sst s25  }
0xa6: {  	s4 =	sshll.u32 s26, $0x1;
	_ =	strace $0x8000004F;
	[dreg:$0x1] =	wrdreg $0xFFFFFFFF  }
0xa7: {  	s28 =	simm.s32 $_size_execute0_lowered;
	s2 =	sadd.s32 s2, s4;
	[dreg:$0x0] =	wrdreg $0x0  }
0xa8: {  	s4 =	sshll.u32 s28, $0x1;
	[dreg:$0x2] =	wrdreg s2  }
0xa9: {  	[dreg:$0x3] =	wrdreg s4  }
0xaa: {  	[dreg:$0x4] =	wrdreg $0xC0  }
0xab: {  	_ =	task [dreg:s6], $0x5FFFF  }
0xac: {  	[dreg:$0x1] =	wrdreg $0xFFFFFFFF  }
0xad: {  	[dreg:$0x0] =	wrdreg $0x60  }
0xae: {  	[dreg:$0x2] =	wrdreg s24  }
0xaf: {  	[dreg:$0x3] =	wrdreg $0x9  }
0xb0: {  	_ =	task.clear_ibuf [dreg:s6], $0x4FFFF;
	_ =	strace $0x9000004F  }
0xb1: {  	s29 =	simm.s32 $0x9;
	_ =	strace $0x80000051  }
0xb2: {  	_ =	swait.ge [sflag:s29], $0x1  }
0xb3: {  	[sflag:s29] =	ssyncadd.s32 $0xFFFFFFFF  }
0xb4: {  	_ =	strace $0x90000051  }
0xb5: {  	_ =	sfence  }
0xb6: {  	s30 =	sld [smem:$0x0];
	_ =	sdelay $0x2  }
0xb7: {  	s31 =	sshll.u32 s1, $0xD;
	s1 =	sshrl.u32 s1, $0x2  }
0xb8: {  	s3 =	sand.u32 $0x4000, s31;
	s1 =	sadd.s32 s1, s30  }
0xb9: {  	s0 =	sor.u32 s3, s0;
	s1 =	sshll.u32 s1, $0x11  }
0xba: {  	s0 =	sor.u32 s1, s0  }
0xbb: {  	s0 =	sadd.s32 $0x8F2B, s0  }
0xbc: {  	[sflag:s0] =	ssyncadd.remote.s32 $0x1  }
0xbd: {  	_ =	sfence.sel $0xFFFF  }
0xbe: {  	[dreg:$0x0] =	wrdreg $0xFFFFFFFF;
	(pc) =	sbr.abs _section_cstart, $3  }
0xbf: {  	[dreg:$0x1] =	wrdreg $0xFFFFFFFF  }
0xc0: {  	_ =	task.clear_ibuf [dreg:s6], $0x2FFFF;
	_ =	strace $0x9FFFFFFF  }
0xc1: {  	(tm) =	ssettm $0x7FFFFFFF  }
tec
execute0_lowered:
.L_overlay_start_1:
0x0: {  	(tag) =	ssettag $0x1  }
0x1: {  	s4 =	rddreg [dreg:$0x0]  }
0x2: {  	s0 =	rddreg [dreg:$0x1];
	s2 =	simm.s32 $0x0;
	s1 =	stileid.u32  }
0x3: {  	s3 =	srdreg.scid;
	s10 =	simm.s32 $0x0;
	s6 =	smul.u32 $0x5100, s1  }
0x4: {  	[smem:$0x7FF] =	sst s2;
	s5 =	sand.u32 $0x1, s3;
	s8 =	smul.u32 $0x51000, s1  }
0x5: {  	s3 =	sadd.s32 $0x42800, s4;
	s7 =	smul.u32 $0x2880, s5;
	s9 =	ssub.s32 $0x2, s5  }
0x6: {  	_ =	strace $0x80000050;
	s5 =	smul.u32 $0x28800, s5;
	s31 =	sshrl.u32 s9, $0x1  }
0x7: {  	s8 =	sadd.s32 s8, s4;
	s6 =	sadd.s32 s7, s6;
	s7 =	ssub.s32 s9, s31  }
0x8: {  	s5 =	sadd.s32 s5, s8;
	s8 =	simm.s32 $0x80;
	s6 =	sshrl.u32 s6, $0x3  }
0x9: {  	s9 =	simm.s32 $0x1;
	s5 =	sadd.s32 $0x6A800, s5;
	s6 =	sadd.s32 s6, s4  }
0xa: {  	s4 =	smax.u32 s7, $0x1;
	s7 =	simm.s32 $0x2;
	s6 =	sadd.s32 $0x10600, s6  }
.LBB2_1:
0xb: {  	s11 =	sadd.s32 $0x0, s6  }
0xc: {  	[tilespmem:s2], [sflag:$0x2] =	stream.linear.gather [hbm4b:s11+s2], $0x80, $0x38;
	[tilespmem:$0x4080] =	vst v63  }
0xd: {  	_ =	swait.ge [sflag:s7], $0x80  }
0xe: {  	[sflag:s7] =	ssyncset.done $0x0  }
0xf: {  	[sflag:s7] =	ssyncadd.s32 $0xFFFFFF80  }
0x10: {  	[tilespmem:s8], [sflag:$0x1] =	stream.indirect.gather [hbm4b:s3+s8], $0x80, s2, s8, $0xb8;
	[tilespmem:$0x4080] =	vst v63  }
0x11: {  	_ =	swait.ge [sflag:s9], $0x4000  }
0x12: {  	[sflag:s9] =	ssyncset.done $0x0  }
0x13: {  	[sflag:s9] =	ssyncadd.s32 $0xFFFFC000  }
0x14: {  	[hbm4b:s5+s2] =	stream.linear.scatter [tilespmem:s8], [sflag:$0x2], $0x4000, $0x38;
	[tilespmem:$0x4080] =	vst v63  }
0x15: {  	s12 =	simm.s32 $0x10;
	_ =	swait.ge [sflag:s7], $0x4000  }
0x16: {  	s13 =	simm.s32 $0x20;
	s11 =	sadd.s32 $0x800, s5;
	[sflag:s7] =	ssyncset.done $0x0  }
.LBB2_2:
0x17: {  	s14 =	sadd.s32 s12, s6  }
0x18: {  	[sflag:s7] =	ssyncadd.s32 $0xFFFFC000;
	s12 =	smov.u32 s13;
	s15 =	sadd.s32 $0x10, s13  }
0x19: {  	[tilespmem:s2], [sflag:$0x2] =	stream.linear.gather [hbm4b:s14+s2], $0x80, $0x38;
	[tilespmem:$0x4080] =	vst v63  }
0x1a: {  	p0 =	sne.s32 s13, $0x500;
	_ =	swait.ge [sflag:s7], $0x80  }
0x1b: {  	[sflag:s7] =	ssyncset.done $0x0  }
0x1c: {  	[sflag:s7] =	ssyncadd.s32 $0xFFFFFF80  }
0x1d: {  	[tilespmem:s8], [sflag:$0x1] =	stream.indirect.gather [hbm4b:s3+s8], $0x80, s2, s8, $0xb8;
	[tilespmem:$0x4080] =	vst v63  }
0x1e: {  	_ =	swait.ge [sflag:s9], $0x4000  }
.Ltmp0:
0x1f: {  	[sflag:s9] =	ssyncset.done $0x0;
	(pc) =	sbr.rel @p0 .LBB2_2-.Ltmp0, $4  }
0x20: {  	[sflag:s9] =	ssyncadd.s32 $0xFFFFC000  }
0x21: {  	[hbm4b:s11+s2] =	stream.linear.scatter [tilespmem:s8], [sflag:$0x2], $0x4000, $0x38;
	[tilespmem:$0x4080] =	vst v63  }
0x22: {  	_ =	swait.ge [sflag:s7], $0x4000  }
0x23: {  	s13 =	smov.u32 s15;
	s11 =	sadd.s32 $0x800, s11;
	[sflag:s7] =	ssyncset.done $0x0  }
0x24: {  	s12 =	sadd.s32 s12, s6;
	[sflag:s7] =	ssyncadd.s32 $0xFFFFC000  }
0x25: {  	[tilespmem:s2], [sflag:$0x2] =	stream.linear.gather [hbm4b:s12+s2], $0x80, $0x38;
	[tilespmem:$0x4080] =	vst v63  }
0x26: {  	_ =	swait.ge [sflag:s7], $0x80  }
0x27: {  	[sflag:s7] =	ssyncset.done $0x0  }
0x28: {  	[sflag:s7] =	ssyncadd.s32 $0xFFFFFF80  }
0x29: {  	[tilespmem:s8], [sflag:$0x1] =	stream.indirect.gather [hbm4b:s3+s8], $0x80, s2, s8, $0xb8;
	[tilespmem:$0x4080] =	vst v63  }
0x2a: {  	s10 =	sadd.s32 $0x1, s10;
	_ =	swait.ge [sflag:s9], $0x4000  }
0x2b: {  	p0 =	sne.s32 s10, s4;
	[sflag:s9] =	ssyncset.done $0x0  }
.Ltmp1:
0x2c: {  	[sflag:s9] =	ssyncadd.s32 $0xFFFFC000;
	(pc) =	sbr.rel @p0 .LBB2_1-.Ltmp1, $4  }
0x2d: {  	[hbm4b:s11+s2] =	stream.linear.scatter [tilespmem:s8], [sflag:$0x2], $0x4000, $0x38;
	[tilespmem:$0x4080] =	vst v63  }
0x2e: {  	_ =	swait.ge [sflag:s7], $0x4000  }
0x2f: {  	[sflag:s7] =	ssyncset.done $0x0  }
0x30: {  	[sflag:s7] =	ssyncadd.s32 $0xFFFFC000  }
0x31: {  	_ =	sfence.sel $0x180000  }
0x32: {  	[bflag:$0x0] =	sbarrier.arrive $0xFFFF  }
0x33: {  	p0 =	sne.s32 s1, $0x0;
	_ =	strace $0x90000050  }
0x34: {  	s0 =	sadd.s32 @!p0 $0x100000, s0;
	[bflag:$0x2] =	sbarrier.arrive $0xFFFF  }
0x35: {  	[sflag:s0] =	ssyncadd.tile.s32 @!p0 $0x1;
	_ =	shalt  }
.Lfunc_end2:
_tile_overlayer_lowered:
.L_overlay_start_2:
0x36: {  	(tag) =	ssettag $0x2  }
0x37: {  	s0 =	rddreg [dreg:$0x0];
	s2 =	stileid.u32  }
0x38: {  	s1 =	rddreg [dreg:$0x1];
	p0 =	sne.s32 s2, $0x0  }
0x39: {  	s3 =	rddreg [dreg:$0x2];
	[bflag:$0x3] =	sbarrier.arrive $0xFFFF;
	s2 =	simm.s32 @!p0 $0x1C02  }
0x3a: {  	[timem:s3], [sflag:s2] =	dma.local @!p0 [hbm:s0], s1  }
0x3b: {  	s0 =	simm.s32 @!p0 $0x2  }
0x3c: {  	_ =	swait.ge @!p0 [sflag:s0], s1  }
0x3d: {  	s1 =	ssub.s32 @!p0 $0x0, s1;
	[sflag:s0] =	ssyncset.done @!p0 $0x0  }
0x3e: {  	[sflag:s0] =	ssyncadd.s32 @!p0 s1  }
0x3f: {  	[bflag:$0x3] =	sbarrier.arrive $0xFFFF  }
0x40: {  	_ =	shalt  }

// kernel: kernel.33.cloned.1.call-start
scs
__scs_entry_jumppad:
0x0: {  	(pc) =	sbr.rel $0x88, $3  }
0x1: {  	(tag) =	ssettag $0x0;
	lr =	simm.s32 $0x1  }
0x2: {  	[smem:$0x3F8D] =	sst lr;
	_ =	strace $0xD0000000  }
0x3: {  	_ = 	snop  }
0x4: {  	_ = 	snop  }
0x5: {  	_ = 	snop  }
0x6: {  	_ = 	snop  }
0x7: {  	_ = 	snop  }
__scs_overlays_trampoline_lowered:
0x8: {  	[smem:$0x3F9C] =	sst s0  }
0x9: {  	[smem:$0x3F9D] =	sst s1  }
0xa: {  	[smem:$0x3F9E] =	sst s2  }
0xb: {  	[smem:$0x3F9F] =	sst s3  }
0xc: {  	[smem:$0x3FA0] =	sst s4  }
0xd: {  	[smem:$0x3FA1] =	sst s5  }
0xe: {  	[smem:$0x3FA2] =	sst s6  }
0xf: {  	[smem:$0x3FA3] =	sst s7  }
0x10: {  	[smem:$0x3FA4] =	sst s8  }
0x11: {  	[smem:$0x3FA5] =	sst s9;
	s0 =	simm.s32 @!p0 $0x0  }
0x12: {  	s1 =	sld [smem:$0x3F8B];
	s0 =	simm.s32 @p0 $0x1  }
0x13: {  	[smem:$0x3FA6] =	sst s0;
	s0 =	simm.s32 @!p1 $0x0  }
0x14: {  	s2 =	sld [smem:$0x3F8A];
	s0 =	simm.s32 @p1 $0x1  }
0x15: {  	[smem:$0x3FA7] =	sst s0;
	s0 =	simm.s32 @!p2 $0x0  }
0x16: {  	s3 =	sld [smem:$0x3FDB];
	s0 =	simm.s32 @p2 $0x1  }
0x17: {  	s4 =	simm.s32 $0x1BF5;
	[smem:$0x3FA9] =	sst s0  }
0x18: {  	s0 =	sld [smem:$0x3F8C];
	_ =	swait.ge [sflag:s4], $0x0  }
0x19: {  	s7 =	sld [smem:$0x3F8D]  }
0x1a: {  	s8 =	sadd.s32 $0xFFFFE003, lr  }
0x1b: {  	s9 =	sadd.s32 $0xFFFFFEF7, lr;
	s5 =	simm.s32 $0xFFFFFFFF;
	p2 =	slt.u32 s8, $0xFFFFF086  }
0x1c: {  	p1 =	slt.u32 s9, $0xF7A;
	s5 =	simm.s32 @!p2 $0x0  }
0x1d: {  	s5 =	simm.s32 @p1 $0x1;
	p0 =	seq.s32 s7, s2  }
0x1e: {  	s7 =	smul.u32 @!p0 $0xF7A, s2;
	p2 =	seq.s32 @!p0 s5, $0x0  }
0x1f: {  	s9 =	smul.u32 $0xF7A, s1;
	s8 =	simm.s32 @!p0 $0x1BF5;
	p2 =	por !p2, p0  }
0x20: {  	[sflag:s8] =	ssyncset.s32 @!p0 $0xFFFFF086;
	s6 =	sadd.s32 @!p0 s3, s7;
	s7 =	simm.s32 @!p0 $0x108  }
0x21: {  	s3 =	sadd.s32 s3, s9;
	s6 =	sadd.s32 @!p0 $0x88, s6;
	s7 =	simm.s32 @p2 $0x1082  }
0x22: {  	[simem:s7], [sflag:s8] =	dma.local @!p0 [hbm:s6], $0xF7A  }
0x23: {  	s9 =	sor.u32 $0xD0000000, s2;
	s6 =	simm.s32 $0x108;
	_ =	swait.ge @!p0 [sflag:s8], $0x0  }
0x24: {  	s3 =	sadd.s32 $0x88, s3;
	s6 =	simm.s32 @!p1 $0x1082;
	[sflag:s4] =	ssyncset.s32 $0xFFFFF086  }
0x25: {  	[simem:s6], [sflag:s4] =	dma.local [hbm:s3], $0xF7A  }
0x26: {  	[smem:$0x3F8D] =	sst s1;
	(tag) =	ssettag s2;
	_ =	strace s9  }
0x27: {  	s1 =	sld [smem:$0x3F9D]  }
0x28: {  	s2 =	sld [smem:$0x3F9E]  }
0x29: {  	s4 =	sld [smem:$0x3FA0]  }
0x2a: {  	p0 =	seq.s32 s5, $0x0;
	s5 =	sld [smem:$0x3FA1]  }
0x2b: {  	s6 =	sld [smem:$0x3FA2]  }
0x2c: {  	s7 =	sld [smem:$0x3FA3]  }
0x2d: {  	s3 =	simm.s32 $0x108;
	s8 =	sld [smem:$0x3FA4]  }
0x2e: {  	s3 =	simm.s32 @!p0 $0x1082;
	s9 =	sld [smem:$0x3FA5]  }
0x2f: {  	lr =	sadd.s32 s0, s3;
	s0 =	sld [smem:$0x3F9C]  }
0x30: {  	s3 =	sld [smem:$0x3F9F]  }
0x31: {  	[smem:$0x3FA8] =	sst s10  }
0x32: {  	s10 =	sld [smem:$0x3FA6];
	_ =	sdelay $0x3  }
0x33: {  	p0 =	seq.s32 s10, $0x1;
	s10 =	sld [smem:$0x3FA8];
	_ =	sdelay $0x3  }
0x34: {  	[smem:$0x3FA8] =	sst s10  }
0x35: {  	s10 =	sld [smem:$0x3FA7];
	_ =	sdelay $0x3  }
0x36: {  	p1 =	seq.s32 s10, $0x1;
	s10 =	sld [smem:$0x3FA8];
	_ =	sdelay $0x3  }
0x37: {  	[smem:$0x3FA8] =	sst s10  }
0x38: {  	s10 =	sld [smem:$0x3FA9]  }
0x39: {  	_ = 	snop;
	(pc) =	sbr.ind lr, $3  }
0x3a: {  	_ = 	snop  }
0x3b: {  	_ = 	snop  }
0x3c: {  	p2 =	seq.s32 s10, $0x1;
	s10 =	sld [smem:$0x3FA8]  }
0x3d: {  	_ =	shalt  }
0x3e: {  	_ =	shalt  }
0x3f: {  	_ =	shalt  }
0x40: {  	_ =	shalt  }
0x41: {  	_ =	shalt  }
0x42: {  	_ =	shalt  }
0x43: {  	_ =	shalt  }
0x44: {  	_ =	shalt  }
0x45: {  	_ =	shalt  }
0x46: {  	_ =	shalt  }
0x47: {  	_ =	shalt  }
0x48: {  	_ =	shalt  }
0x49: {  	_ =	shalt  }
0x4a: {  	_ =	shalt  }
0x4b: {  	_ =	shalt  }
0x4c: {  	_ =	shalt  }
0x4d: {  	_ =	shalt  }
0x4e: {  	_ =	shalt  }
0x4f: {  	_ =	shalt  }
0x50: {  	_ =	shalt  }
0x51: {  	_ =	shalt  }
0x52: {  	_ =	shalt  }
0x53: {  	_ =	shalt  }
0x54: {  	_ =	shalt  }
0x55: {  	_ =	shalt  }
0x56: {  	_ =	shalt  }
0x57: {  	_ =	shalt  }
0x58: {  	_ =	shalt  }
0x59: {  	_ =	shalt  }
0x5a: {  	_ =	shalt  }
0x5b: {  	_ =	shalt  }
0x5c: {  	_ =	shalt  }
0x5d: {  	_ =	shalt  }
0x5e: {  	_ =	shalt  }
0x5f: {  	_ =	shalt  }
0x60: {  	_ =	shalt  }
0x61: {  	_ =	shalt  }
0x62: {  	_ =	shalt  }
0x63: {  	_ =	shalt  }
0x64: {  	_ =	shalt  }
0x65: {  	_ =	shalt  }
0x66: {  	_ =	shalt  }
0x67: {  	_ =	shalt  }
0x68: {  	_ =	shalt  }
0x69: {  	_ =	shalt  }
0x6a: {  	_ =	shalt  }
0x6b: {  	_ =	shalt  }
0x6c: {  	_ =	shalt  }
0x6d: {  	_ =	shalt  }
0x6e: {  	_ =	shalt  }
0x6f: {  	_ =	shalt  }
0x70: {  	_ =	shalt  }
0x71: {  	_ =	shalt  }
0x72: {  	_ =	shalt  }
0x73: {  	_ =	shalt  }
0x74: {  	_ =	shalt  }
0x75: {  	_ =	shalt  }
0x76: {  	_ =	shalt  }
0x77: {  	_ =	shalt  }
0x78: {  	_ =	shalt  }
0x79: {  	_ =	shalt  }
0x7a: {  	_ =	shalt  }
0x7b: {  	_ =	shalt  }
0x7c: {  	_ =	shalt  }
0x7d: {  	_ =	shalt  }
0x7e: {  	_ =	shalt  }
0x7f: {  	_ =	shalt  }
0x80: {  	_ =	shalt  }
0x81: {  	_ =	shalt  }
0x82: {  	_ =	shalt  }
0x83: {  	_ =	shalt  }
0x84: {  	_ =	shalt  }
0x85: {  	_ =	shalt  }
0x86: {  	_ =	shalt  }
0x87: {  	_ =	shalt  }
.Lfunc_end0:
.L_simem_size_0:
called_computation.4_lowered:
.L_overlay_start_0:
0x88: {  	s2 =	sld [smem:$0x3FD9]  }
0x89: {  	s3 =	sld [smem:$0x3FFE];
	_ =	sdelay $0x1  }
0x8a: {  	s1 =	srdreg.scid  }
0x8b: {  	s0 =	sand.u32 $0x1, s1  }
0x8c: {  	s16 =	sshll.u32 s0, $0xA;
	s2 =	sadd.s32 s3, s2  }
0x8d: {  	s2 =	sadd.s32 s2, s16  }
0x8e: {  	[smem:$0x3FB4] =	sst s2  }
0x8f: {  	_ = 	snop  }
0x90: {  	(tm) =	ssettm $0x1  }
0x91: {  	s17 =	sld [smem:$0x3FFB];
	_ =	sdelay $0x3  }
0x92: {  	_ =	strace s17  }
0x93: {  	s2 =	sld [smem:$0x3FFC];
	_ =	sdelay $0x3  }
0x94: {  	_ =	strace s2  }
0x95: {  	s2 =	sld [smem:$0x3FFD];
	_ =	sdelay $0x3  }
0x96: {  	_ =	strace s2  }
0x97: {  	_ =	strace $0x8FFFFFFF  }
0x98: {  	s18 =	sld [smem:$0x3FDB];
	_ =	sdelay $0x1  }
0x99: {  	s19 =	simm.s32 $_scs_section_size  }
0x9a: {  	s4 =	simm.s32 $_size__tile_overlayer_lowered;
	s5 =	simm.s32 $_tile_overlayer_lowered  }
0x9b: {  	s22 =	simm.s32 $0x1BFF;
	s21 =	sshll.u32 s5, $0x1;
	s2 =	sadd.s32 s19, s18  }
0x9c: {  	s6 =	simm.s32 $0x0;
	s20 =	sshll.u32 s4, $0x1;
	s4 =	sadd.s32 s21, s2  }
0x9d: {  	[timem:s6], [sflag:s22] =	dma.local [hbm:s4], s20  }
0x9e: {  	_ =	swait.ge [sflag:s22], s20  }
0x9f: {  	s3 =	ssub.s32 $0x0, s20;
	[sflag:s22] =	ssyncset.done $0x0  }
0xa0: {  	[sflag:s22] =	ssyncadd.s32 s3;
	_ =	sdelay $0x1  }
0xa1: {  	s23 =	simm.s32 $0x1B8B  }
0xa2: {  	_ =	swait.ge [sflag:s23], $0x1  }
0xa3: {  	[sflag:s23] =	ssyncset.done $0x0  }
0xa4: {  	s25 =	simm.s32 $0x1B8E;
	s24 =	sld [smem:$0x3FFE];
	[sflag:s23] =	ssyncadd.s32 $0xFFFFFFFF  }
0xa5: {  	s26 =	simm.s32 $execute0_lowered;
	[smem:$0x3FD2] =	sst s25  }
0xa6: {  	s4 =	sshll.u32 s26, $0x1;
	_ =	strace $0x80000052;
	[dreg:$0x1] =	wrdreg $0xFFFFFFFF  }
0xa7: {  	s28 =	simm.s32 $_size_execute0_lowered;
	s2 =	sadd.s32 s2, s4;
	[dreg:$0x0] =	wrdreg $0x0  }
0xa8: {  	s4 =	sshll.u32 s28, $0x1;
	[dreg:$0x2] =	wrdreg s2  }
0xa9: {  	[dreg:$0x3] =	wrdreg s4  }
0xaa: {  	[dreg:$0x4] =	wrdreg $0xC0  }
0xab: {  	_ =	task [dreg:s6], $0x5FFFF  }
0xac: {  	[dreg:$0x1] =	wrdreg $0xFFFFFFFF  }
0xad: {  	[dreg:$0x0] =	wrdreg $0x60  }
0xae: {  	[dreg:$0x2] =	wrdreg s24  }
0xaf: {  	[dreg:$0x3] =	wrdreg $0x40800  }
0xb0: {  	[dreg:$0x4] =	wrdreg $0x9  }
0xb1: {  	_ =	task.clear_ibuf [dreg:s6], $0x5FFFF;
	_ =	strace $0x90000052  }
0xb2: {  	s29 =	simm.s32 $0x9;
	_ =	strace $0x80000054  }
0xb3: {  	_ =	swait.ge [sflag:s29], $0x1  }
0xb4: {  	[sflag:s29] =	ssyncadd.s32 $0xFFFFFFFF  }
0xb5: {  	_ =	strace $0x90000054  }
0xb6: {  	_ =	sfence  }
0xb7: {  	s30 =	sld [smem:$0x0];
	_ =	sdelay $0x2  }
0xb8: {  	s31 =	sshll.u32 s1, $0xD;
	s1 =	sshrl.u32 s1, $0x2  }
0xb9: {  	s3 =	sand.u32 $0x4000, s31;
	s1 =	sadd.s32 s1, s30  }
0xba: {  	s0 =	sor.u32 s3, s0;
	s1 =	sshll.u32 s1, $0x11  }
0xbb: {  	s0 =	sor.u32 s1, s0  }
0xbc: {  	s0 =	sadd.s32 $0x8F2B, s0  }
0xbd: {  	[sflag:s0] =	ssyncadd.remote.s32 $0x1  }
0xbe: {  	_ =	sfence.sel $0xFFFF  }
0xbf: {  	[dreg:$0x0] =	wrdreg $0xFFFFFFFF;
	(pc) =	sbr.abs _section_cstart, $3  }
0xc0: {  	[dreg:$0x1] =	wrdreg $0xFFFFFFFF  }
0xc1: {  	_ =	task.clear_ibuf [dreg:s6], $0x2FFFF;
	_ =	strace $0x9FFFFFFF  }
0xc2: {  	(tm) =	ssettm $0x7FFFFFFF  }
0xc3: {  	_ =	shalt  }
tec
execute0_lowered:
.L_overlay_start_1:
0x0: {  	(tag) =	ssettag $0x1  }
0x1: {  	s0 =	srdreg.scid  }
0x2: {  	s10 =	stileid.u32;
	s8 =	rddreg [dreg:$0x0]  }
0x3: {  	s1 =	rddreg [dreg:$0x1];
	s2 =	simm.s32 $0x0;
	s3 =	smul.u32 $0x51000, s10  }
0x4: {  	s13 =	simm.s32 $0x1;
	s4 =	sand.u32 $0x1, s0;
	s6 =	smul.u32 $0x5100, s10  }
0x5: {  	s14 =	simm.s32 $0x80;
	s0 =	rddreg [dreg:$0x2];
	s5 =	smul.u32 $0x28800, s4  }
0x6: {  	s15 =	simm.s32 $0x0;
	[smem:$0x7FF] =	sst s2;
	s7 =	smul.u32 $0x2880, s4  }
0x7: {  	p0 =	sne.s32 s10, $0x0;
	s28 =	smul.u32 $0xA0000, s4;
	s30 =	ssub.s32 $0x2, s4  }
0x8: {  	_ =	strace $0x80000053;
	s4 =	sadd.s32 $0x1A800, s8;
	s31 =	sshrl.u32 s30, $0x1  }
0x9: {  	s3 =	sadd.s32 s5, s3;
	s26 =	sadd.s32 s7, s6;
	s29 =	sadd.s32 s28, s8  }
0xa: {  	s9 =	ssub.s32 s30, s31;
	s6 =	sadd.s32 $0x298A800, s8;
	s7 =	sadd.s32 $0x2E9A800, s8  }
0xb: {  	s11 =	sadd.s32 s3, s8;
	s5 =	sshrl.u32 s26, $0x3;
	s9 =	smax.u32 s9, $0x1  }
0xc: {  	s12 =	sadd.s32 s5, s8;
	s5 =	sadd.s32 $0x42800, s29;
	s8 =	sadd.s32 $0x33AA800, s8  }
0xd: {  	s10 =	sadd.s32 $0x247A800, s11;
	s11 =	sadd.s32 $0x10600, s12;
	s12 =	sshrl.u32 @!p0 s1, $0x3  }
.LBB2_1:
0xe: {  	s16 =	simm.s32 @!p0 $0x1C01  }
0xf: {  	[spmem:s12], [sflag:s16] =	dma.local @!p0 [hbm:s4], $0x28000  }
0x10: {  	s16 =	simm.s32 @!p0 $0x1  }
0x11: {  	_ =	swait.ge @!p0 [sflag:s16], $0x28000  }
0x12: {  	[sflag:s16] =	ssyncset.done @!p0 $0x0  }
0x13: {  	[sflag:s16] =	ssyncadd.s32 @!p0 $0xFFFD8000  }
0x14: {  	s31 =	sadd.s32 $0x0, s11;
	[bflag:$0x0] =	sbarrier.arrive $0xFFFF  }
0x15: {  	[tilespmem:s2], [sflag:$0x1] =	stream.linear.gather [hbm4b:s31+s2], $0x80, $0x38;
	[tilespmem:$0x18080] =	vst v63  }
0x16: {  	_ =	swait.ge [sflag:s13], $0x80  }
0x17: {  	[sflag:s13] =	ssyncset.done $0x0  }
0x18: {  	[sflag:s13] =	ssyncadd.s32 $0xFFFFFF80  }
0x19: {  	[tilespmem:s14], [sflag:$0x1] =	stream.linear.gather [hbm4b:s10+s2], $0x4000, $0x38;
	[tilespmem:$0x18080] =	vst v63  }
0x1a: {  	_ =	swait.ge [sflag:s13], $0x4000  }
0x1b: {  	[sflag:s13] =	ssyncset.done $0x0  }
0x1c: {  	[sflag:s13] =	ssyncadd.s32 $0xFFFFC000  }
0x1d: {  	[spmem:s1] =	stream.indirect.scatter.add.f32 [tilespmem:s14], [sflag:$0x1], $0x80, s2, s14, $0xb8;
	[tilespmem:$0x18080] =	vst v63  }
0x1e: {  	s17 =	simm.s32 $0x10;
	_ =	swait.ge [sflag:s13], $0x4000  }
0x1f: {  	s18 =	simm.s32 $0x20;
	s16 =	sadd.s32 $0x800, s10;
	[sflag:s13] =	ssyncset.done $0x0  }
.LBB2_2:
0x20: {  	s19 =	sadd.s32 s17, s11  }
0x21: {  	[sflag:s13] =	ssyncadd.s32 $0xFFFFC000;
	s17 =	smov.u32 s18;
	s20 =	sadd.s32 $0x10, s18  }
0x22: {  	[tilespmem:s2], [sflag:$0x1] =	stream.linear.gather [hbm4b:s19+s2], $0x80, $0x38;
	[tilespmem:$0x18080] =	vst v63  }
0x23: {  	p1 =	sne.s32 s18, $0x500;
	_ =	swait.ge [sflag:s13], $0x80  }
0x24: {  	[sflag:s13] =	ssyncset.done $0x0  }
0x25: {  	[sflag:s13] =	ssyncadd.s32 $0xFFFFFF80  }
0x26: {  	[tilespmem:s14], [sflag:$0x1] =	stream.linear.gather [hbm4b:s16+s2], $0x4000, $0x38;
	[tilespmem:$0x18080] =	vst v63  }
0x27: {  	_ =	swait.ge [sflag:s13], $0x4000  }
.Ltmp0:
0x28: {  	[sflag:s13] =	ssyncset.done $0x0;
	(pc) =	sbr.rel @p1 .LBB2_2-.Ltmp0, $4  }
0x29: {  	[sflag:s13] =	ssyncadd.s32 $0xFFFFC000  }
0x2a: {  	[spmem:s1] =	stream.indirect.scatter.add.f32 [tilespmem:s14], [sflag:$0x1], $0x80, s2, s14, $0xb8;
	[tilespmem:$0x18080] =	vst v63  }
0x2b: {  	_ =	swait.ge [sflag:s13], $0x4000  }
0x2c: {  	s18 =	smov.u32 s20;
	s16 =	sadd.s32 $0x800, s16;
	[sflag:s13] =	ssyncset.done $0x0  }
0x2d: {  	s17 =	sadd.s32 s17, s11;
	[sflag:s13] =	ssyncadd.s32 $0xFFFFC000  }
0x2e: {  	[tilespmem:s2], [sflag:$0x1] =	stream.linear.gather [hbm4b:s17+s2], $0x80, $0x38;
	[tilespmem:$0x18080] =	vst v63  }
0x2f: {  	_ =	swait.ge [sflag:s13], $0x80  }
0x30: {  	[sflag:s13] =	ssyncset.done $0x0  }
0x31: {  	[sflag:s13] =	ssyncadd.s32 $0xFFFFFF80  }
0x32: {  	[tilespmem:s14], [sflag:$0x1] =	stream.linear.gather [hbm4b:s16+s2], $0x4000, $0x38;
	[tilespmem:$0x18080] =	vst v63  }
0x33: {  	_ =	swait.ge [sflag:s13], $0x4000  }
0x34: {  	[sflag:s13] =	ssyncset.done $0x0  }
0x35: {  	[sflag:s13] =	ssyncadd.s32 $0xFFFFC000  }
0x36: {  	[spmem:s1] =	stream.indirect.scatter.add.f32 [tilespmem:s14], [sflag:$0x1], $0x80, s2, s14, $0xb8;
	[tilespmem:$0x18080] =	vst v63  }
0x37: {  	_ =	swait.ge [sflag:s13], $0x4000  }
0x38: {  	[sflag:s13] =	ssyncset.done $0x0  }
0x39: {  	[sflag:s13] =	ssyncadd.s32 $0xFFFFC000  }
0x3a: {  	[bflag:$0x0] =	sbarrier.arrive $0xFFFF  }
0x3b: {  	s17 =	simm.s32 @!p0 $0x1;
	s16 =	simm.s32 @!p0 $0x1C01;
	[bflag:$0x0] =	sbarrier.arrive @p0 $0xFFFF  }
0x3c: {  	[hbm:s5], [sflag:s16] =	dma.local @!p0 [spmem:s12], $0x28000  }
0x3d: {  	_ =	swait.ge @!p0 [sflag:s17], $0x28000  }
0x3e: {  	[sflag:s17] =	ssyncset.done @!p0 $0x0  }
0x3f: {  	[sflag:s17] =	ssyncadd.s32 @!p0 $0xFFFD8000  }
0x40: {  	[bflag:$0x0] =	sbarrier.arrive @!p0 $0xFFFF  }
0x41: {  	[spmem:s12], [sflag:s16] =	dma.local @!p0 [hbm:s4], $0x28000  }
0x42: {  	_ =	swait.ge @!p0 [sflag:s17], $0x28000  }
0x43: {  	[sflag:s17] =	ssyncset.done @!p0 $0x0  }
0x44: {  	[sflag:s17] =	ssyncadd.s32 @!p0 $0xFFFD8000  }
0x45: {  	s30 =	sadd.s32 $0x0, s11;
	[bflag:$0x0] =	sbarrier.arrive $0xFFFF  }
0x46: {  	[tilespmem:s2], [sflag:$0x1] =	stream.linear.gather [hbm4b:s30+s2], $0x80, $0x38;
	[tilespmem:$0x18080] =	vst v63  }
0x47: {  	_ =	swait.ge [sflag:s13], $0x80  }
0x48: {  	[sflag:s13] =	ssyncset.done $0x0  }
0x49: {  	s31 =	sadd.s32 s3, s6;
	[sflag:s13] =	ssyncadd.s32 $0xFFFFFF80  }
0x4a: {  	[tilespmem:s14], [sflag:$0x1] =	stream.linear.gather [hbm4b:s31+s2], $0x4000, $0x38;
	[tilespmem:$0x18080] =	vst v63  }
0x4b: {  	_ =	swait.ge [sflag:s13], $0x4000  }
0x4c: {  	[sflag:s13] =	ssyncset.done $0x0  }
0x4d: {  	[sflag:s13] =	ssyncadd.s32 $0xFFFFC000  }
0x4e: {  	[spmem:s1] =	stream.indirect.scatter.add.f32 [tilespmem:s14], [sflag:$0x1], $0x80, s2, s14, $0xb8;
	[tilespmem:$0x18080] =	vst v63  }
0x4f: {  	s18 =	simm.s32 $0x20;
	_ =	swait.ge [sflag:s13], $0x4000  }
0x50: {  	s16 =	sadd.s32 $0x800, s3;
	s17 =	simm.s32 $0x10;
	[sflag:s13] =	ssyncset.done $0x0  }
.LBB2_4:
0x51: {  	s19 =	sadd.s32 s17, s11  }
0x52: {  	[sflag:s13] =	ssyncadd.s32 $0xFFFFC000;
	s17 =	smov.u32 s18;
	s20 =	sadd.s32 $0x10, s18  }
0x53: {  	[tilespmem:s2], [sflag:$0x1] =	stream.linear.gather [hbm4b:s19+s2], $0x80, $0x38;
	[tilespmem:$0x18080] =	vst v63  }
0x54: {  	p1 =	sne.s32 s18, $0x500;
	_ =	swait.ge [sflag:s13], $0x80  }
0x55: {  	[sflag:s13] =	ssyncset.done $0x0  }
0x56: {  	s18 =	sadd.s32 s16, s6;
	[sflag:s13] =	ssyncadd.s32 $0xFFFFFF80  }
0x57: {  	[tilespmem:s14], [sflag:$0x1] =	stream.linear.gather [hbm4b:s18+s2], $0x4000, $0x38;
	[tilespmem:$0x18080] =	vst v63  }
0x58: {  	_ =	swait.ge [sflag:s13], $0x4000  }
.Ltmp1:
0x59: {  	[sflag:s13] =	ssyncset.done $0x0;
	(pc) =	sbr.rel @p1 .LBB2_4-.Ltmp1, $4  }
0x5a: {  	[sflag:s13] =	ssyncadd.s32 $0xFFFFC000  }
0x5b: {  	[spmem:s1] =	stream.indirect.scatter.add.f32 [tilespmem:s14], [sflag:$0x1], $0x80, s2, s14, $0xb8;
	[tilespmem:$0x18080] =	vst v63  }
0x5c: {  	_ =	swait.ge [sflag:s13], $0x4000  }
0x5d: {  	s16 =	sadd.s32 $0x800, s16;
	s18 =	smov.u32 s20;
	[sflag:s13] =	ssyncset.done $0x0  }
0x5e: {  	s17 =	sadd.s32 s17, s11;
	[sflag:s13] =	ssyncadd.s32 $0xFFFFC000  }
0x5f: {  	[tilespmem:s2], [sflag:$0x1] =	stream.linear.gather [hbm4b:s17+s2], $0x80, $0x38;
	[tilespmem:$0x18080] =	vst v63  }
0x60: {  	_ =	swait.ge [sflag:s13], $0x80  }
0x61: {  	[sflag:s13] =	ssyncset.done $0x0  }
0x62: {  	s16 =	sadd.s32 s16, s6;
	[sflag:s13] =	ssyncadd.s32 $0xFFFFFF80  }
0x63: {  	[tilespmem:s14], [sflag:$0x1] =	stream.linear.gather [hbm4b:s16+s2], $0x4000, $0x38;
	[tilespmem:$0x18080] =	vst v63  }
0x64: {  	_ =	swait.ge [sflag:s13], $0x4000  }
0x65: {  	[sflag:s13] =	ssyncset.done $0x0  }
0x66: {  	[sflag:s13] =	ssyncadd.s32 $0xFFFFC000  }
0x67: {  	[spmem:s1] =	stream.indirect.scatter.add.f32 [tilespmem:s14], [sflag:$0x1], $0x80, s2, s14, $0xb8;
	[tilespmem:$0x18080] =	vst v63  }
0x68: {  	_ =	swait.ge [sflag:s13], $0x4000  }
0x69: {  	[sflag:s13] =	ssyncset.done $0x0  }
0x6a: {  	[sflag:s13] =	ssyncadd.s32 $0xFFFFC000  }
0x6b: {  	[bflag:$0x0] =	sbarrier.arrive $0xFFFF  }
0x6c: {  	s17 =	simm.s32 @!p0 $0x1C01;
	s16 =	sadd.s32 @!p0 $0x28000, s5;
	[bflag:$0x0] =	sbarrier.arrive @p0 $0xFFFF  }
0x6d: {  	[hbm:s16], [sflag:s17] =	dma.local @!p0 [spmem:s12], $0x28000  }
0x6e: {  	s16 =	simm.s32 @!p0 $0x1  }
0x6f: {  	_ =	swait.ge @!p0 [sflag:s16], $0x28000  }
0x70: {  	[sflag:s16] =	ssyncset.done @!p0 $0x0  }
0x71: {  	[sflag:s16] =	ssyncadd.s32 @!p0 $0xFFFD8000  }
0x72: {  	[bflag:$0x0] =	sbarrier.arrive @!p0 $0xFFFF  }
0x73: {  	[spmem:s12], [sflag:s17] =	dma.local @!p0 [hbm:s4], $0x28000  }
0x74: {  	_ =	swait.ge @!p0 [sflag:s16], $0x28000  }
0x75: {  	[sflag:s16] =	ssyncset.done @!p0 $0x0  }
0x76: {  	[sflag:s16] =	ssyncadd.s32 @!p0 $0xFFFD8000  }
0x77: {  	s30 =	sadd.s32 $0x0, s11;
	[bflag:$0x0] =	sbarrier.arrive $0xFFFF  }
0x78: {  	[tilespmem:s2], [sflag:$0x1] =	stream.linear.gather [hbm4b:s30+s2], $0x80, $0x38;
	[tilespmem:$0x18080] =	vst v63  }
0x79: {  	_ =	swait.ge [sflag:s13], $0x80  }
0x7a: {  	[sflag:s13] =	ssyncset.done $0x0  }
0x7b: {  	s31 =	sadd.s32 s3, s7;
	[sflag:s13] =	ssyncadd.s32 $0xFFFFFF80  }
0x7c: {  	[tilespmem:s14], [sflag:$0x1] =	stream.linear.gather [hbm4b:s31+s2], $0x4000, $0x38;
	[tilespmem:$0x18080] =	vst v63  }
0x7d: {  	_ =	swait.ge [sflag:s13], $0x4000  }
0x7e: {  	[sflag:s13] =	ssyncset.done $0x0  }
0x7f: {  	[sflag:s13] =	ssyncadd.s32 $0xFFFFC000  }
0x80: {  	[spmem:s1] =	stream.indirect.scatter.add.f32 [tilespmem:s14], [sflag:$0x1], $0x80, s2, s14, $0xb8;
	[tilespmem:$0x18080] =	vst v63  }
0x81: {  	s18 =	simm.s32 $0x20;
	_ =	swait.ge [sflag:s13], $0x4000  }
0x82: {  	s17 =	simm.s32 $0x10;
	s16 =	sadd.s32 $0x800, s3;
	[sflag:s13] =	ssyncset.done $0x0  }
.LBB2_6:
0x83: {  	s19 =	sadd.s32 s17, s11  }
0x84: {  	[sflag:s13] =	ssyncadd.s32 $0xFFFFC000;
	s17 =	smov.u32 s18;
	s20 =	sadd.s32 $0x10, s18  }
0x85: {  	[tilespmem:s2], [sflag:$0x1] =	stream.linear.gather [hbm4b:s19+s2], $0x80, $0x38;
	[tilespmem:$0x18080] =	vst v63  }
0x86: {  	p1 =	sne.s32 s18, $0x500;
	_ =	swait.ge [sflag:s13], $0x80  }
0x87: {  	[sflag:s13] =	ssyncset.done $0x0  }
0x88: {  	s18 =	sadd.s32 s16, s7;
	[sflag:s13] =	ssyncadd.s32 $0xFFFFFF80  }
0x89: {  	[tilespmem:s14], [sflag:$0x1] =	stream.linear.gather [hbm4b:s18+s2], $0x4000, $0x38;
	[tilespmem:$0x18080] =	vst v63  }
0x8a: {  	_ =	swait.ge [sflag:s13], $0x4000  }
.Ltmp2:
0x8b: {  	[sflag:s13] =	ssyncset.done $0x0;
	(pc) =	sbr.rel @p1 .LBB2_6-.Ltmp2, $4  }
0x8c: {  	[sflag:s13] =	ssyncadd.s32 $0xFFFFC000  }
0x8d: {  	[spmem:s1] =	stream.indirect.scatter.add.f32 [tilespmem:s14], [sflag:$0x1], $0x80, s2, s14, $0xb8;
	[tilespmem:$0x18080] =	vst v63  }
0x8e: {  	_ =	swait.ge [sflag:s13], $0x4000  }
0x8f: {  	s16 =	sadd.s32 $0x800, s16;
	s18 =	smov.u32 s20;
	[sflag:s13] =	ssyncset.done $0x0  }
0x90: {  	s17 =	sadd.s32 s17, s11;
	[sflag:s13] =	ssyncadd.s32 $0xFFFFC000  }
0x91: {  	[tilespmem:s2], [sflag:$0x1] =	stream.linear.gather [hbm4b:s17+s2], $0x80, $0x38;
	[tilespmem:$0x18080] =	vst v63  }
0x92: {  	_ =	swait.ge [sflag:s13], $0x80  }
0x93: {  	[sflag:s13] =	ssyncset.done $0x0  }
0x94: {  	s16 =	sadd.s32 s16, s7;
	[sflag:s13] =	ssyncadd.s32 $0xFFFFFF80  }
0x95: {  	[tilespmem:s14], [sflag:$0x1] =	stream.linear.gather [hbm4b:s16+s2], $0x4000, $0x38;
	[tilespmem:$0x18080] =	vst v63  }
0x96: {  	_ =	swait.ge [sflag:s13], $0x4000  }
0x97: {  	[sflag:s13] =	ssyncset.done $0x0  }
0x98: {  	[sflag:s13] =	ssyncadd.s32 $0xFFFFC000  }
0x99: {  	[spmem:s1] =	stream.indirect.scatter.add.f32 [tilespmem:s14], [sflag:$0x1], $0x80, s2, s14, $0xb8;
	[tilespmem:$0x18080] =	vst v63  }
0x9a: {  	_ =	swait.ge [sflag:s13], $0x4000  }
0x9b: {  	[sflag:s13] =	ssyncset.done $0x0  }
0x9c: {  	[sflag:s13] =	ssyncadd.s32 $0xFFFFC000  }
0x9d: {  	[bflag:$0x0] =	sbarrier.arrive $0xFFFF  }
0x9e: {  	s17 =	simm.s32 @!p0 $0x1C01;
	s16 =	sadd.s32 @!p0 $0x50000, s5;
	[bflag:$0x0] =	sbarrier.arrive @p0 $0xFFFF  }
0x9f: {  	[hbm:s16], [sflag:s17] =	dma.local @!p0 [spmem:s12], $0x28000  }
0xa0: {  	s16 =	simm.s32 @!p0 $0x1  }
0xa1: {  	_ =	swait.ge @!p0 [sflag:s16], $0x28000  }
0xa2: {  	[sflag:s16] =	ssyncset.done @!p0 $0x0  }
0xa3: {  	[sflag:s16] =	ssyncadd.s32 @!p0 $0xFFFD8000  }
0xa4: {  	[bflag:$0x0] =	sbarrier.arrive @!p0 $0xFFFF  }
0xa5: {  	[spmem:s12], [sflag:s17] =	dma.local @!p0 [hbm:s4], $0x28000  }
0xa6: {  	_ =	swait.ge @!p0 [sflag:s16], $0x28000  }
0xa7: {  	[sflag:s16] =	ssyncset.done @!p0 $0x0  }
0xa8: {  	[sflag:s16] =	ssyncadd.s32 @!p0 $0xFFFD8000  }
0xa9: {  	s30 =	sadd.s32 $0x0, s11;
	[bflag:$0x0] =	sbarrier.arrive $0xFFFF  }
0xaa: {  	[tilespmem:s2], [sflag:$0x1] =	stream.linear.gather [hbm4b:s30+s2], $0x80, $0x38;
	[tilespmem:$0x18080] =	vst v63  }
0xab: {  	_ =	swait.ge [sflag:s13], $0x80  }
0xac: {  	[sflag:s13] =	ssyncset.done $0x0  }
0xad: {  	s31 =	sadd.s32 s3, s8;
	[sflag:s13] =	ssyncadd.s32 $0xFFFFFF80  }
0xae: {  	[tilespmem:s14], [sflag:$0x1] =	stream.linear.gather [hbm4b:s31+s2], $0x4000, $0x38;
	[tilespmem:$0x18080] =	vst v63  }
0xaf: {  	_ =	swait.ge [sflag:s13], $0x4000  }
0xb0: {  	[sflag:s13] =	ssyncset.done $0x0  }
0xb1: {  	[sflag:s13] =	ssyncadd.s32 $0xFFFFC000  }
0xb2: {  	[spmem:s1] =	stream.indirect.scatter.add.f32 [tilespmem:s14], [sflag:$0x1], $0x80, s2, s14, $0xb8;
	[tilespmem:$0x18080] =	vst v63  }
0xb3: {  	s18 =	simm.s32 $0x20;
	_ =	swait.ge [sflag:s13], $0x4000  }
0xb4: {  	s17 =	simm.s32 $0x10;
	s16 =	sadd.s32 $0x800, s3;
	[sflag:s13] =	ssyncset.done $0x0  }
.LBB2_8:
0xb5: {  	s19 =	sadd.s32 s17, s11  }
0xb6: {  	[sflag:s13] =	ssyncadd.s32 $0xFFFFC000;
	s17 =	smov.u32 s18;
	s20 =	sadd.s32 $0x10, s18  }
0xb7: {  	[tilespmem:s2], [sflag:$0x1] =	stream.linear.gather [hbm4b:s19+s2], $0x80, $0x38;
	[tilespmem:$0x18080] =	vst v63  }
0xb8: {  	p1 =	sne.s32 s18, $0x500;
	_ =	swait.ge [sflag:s13], $0x80  }
0xb9: {  	[sflag:s13] =	ssyncset.done $0x0  }
0xba: {  	s18 =	sadd.s32 s16, s8;
	[sflag:s13] =	ssyncadd.s32 $0xFFFFFF80  }
0xbb: {  	[tilespmem:s14], [sflag:$0x1] =	stream.linear.gather [hbm4b:s18+s2], $0x4000, $0x38;
	[tilespmem:$0x18080] =	vst v63  }
0xbc: {  	_ =	swait.ge [sflag:s13], $0x4000  }
.Ltmp3:
0xbd: {  	[sflag:s13] =	ssyncset.done $0x0;
	(pc) =	sbr.rel @p1 .LBB2_8-.Ltmp3, $4  }
0xbe: {  	[sflag:s13] =	ssyncadd.s32 $0xFFFFC000  }
0xbf: {  	[spmem:s1] =	stream.indirect.scatter.add.f32 [tilespmem:s14], [sflag:$0x1], $0x80, s2, s14, $0xb8;
	[tilespmem:$0x18080] =	vst v63  }
0xc0: {  	_ =	swait.ge [sflag:s13], $0x4000  }
0xc1: {  	s16 =	sadd.s32 $0x800, s16;
	s18 =	smov.u32 s20;
	[sflag:s13] =	ssyncset.done $0x0  }
0xc2: {  	s17 =	sadd.s32 s17, s11;
	[sflag:s13] =	ssyncadd.s32 $0xFFFFC000  }
0xc3: {  	[tilespmem:s2], [sflag:$0x1] =	stream.linear.gather [hbm4b:s17+s2], $0x80, $0x38;
	[tilespmem:$0x18080] =	vst v63  }
0xc4: {  	_ =	swait.ge [sflag:s13], $0x80  }
0xc5: {  	[sflag:s13] =	ssyncset.done $0x0  }
0xc6: {  	s16 =	sadd.s32 s16, s8;
	[sflag:s13] =	ssyncadd.s32 $0xFFFFFF80  }
0xc7: {  	[tilespmem:s14], [sflag:$0x1] =	stream.linear.gather [hbm4b:s16+s2], $0x4000, $0x38;
	[tilespmem:$0x18080] =	vst v63  }
0xc8: {  	_ =	swait.ge [sflag:s13], $0x4000  }
0xc9: {  	[sflag:s13] =	ssyncset.done $0x0  }
0xca: {  	[sflag:s13] =	ssyncadd.s32 $0xFFFFC000  }
0xcb: {  	[spmem:s1] =	stream.indirect.scatter.add.f32 [tilespmem:s14], [sflag:$0x1], $0x80, s2, s14, $0xb8;
	[tilespmem:$0x18080] =	vst v63  }
0xcc: {  	_ =	swait.ge [sflag:s13], $0x4000  }
0xcd: {  	[sflag:s13] =	ssyncset.done $0x0  }
0xce: {  	s15 =	sadd.s32 $0x1, s15;
	[sflag:s13] =	ssyncadd.s32 $0xFFFFC000  }
0xcf: {  	s17 =	simm.s32 @!p0 $0x1C01;
	s16 =	sadd.s32 @!p0 $0x78000, s5;
	[bflag:$0x0] =	sbarrier.arrive $0xFFFF  }
0xd0: {  	[hbm:s16], [sflag:s17] =	dma.local @!p0 [spmem:s12], $0x28000  }
0xd1: {  	p1 =	sne.s32 s15, s9;
	s16 =	simm.s32 @!p0 $0x1  }
.Ltmp4:
0xd2: {  	_ =	swait.ge @!p0 [sflag:s16], $0x28000;
	(pc) =	sbr.rel @p1 .LBB2_1-.Ltmp4, $3  }
0xd3: {  	[sflag:s16] =	ssyncset.done @!p0 $0x0  }
0xd4: {  	[sflag:s16] =	ssyncadd.s32 @!p0 $0xFFFD8000  }
0xd5: {  	[bflag:$0x0] =	sbarrier.arrive $0xFFFF;
	_ =	sdelay $0x1  }
0xd6: {  	_ =	sfence.sel $0x180000  }
0xd7: {  	[bflag:$0x0] =	sbarrier.arrive $0xFFFF  }
0xd8: {  	_ =	strace $0x90000053  }
0xd9: {  	s0 =	sadd.s32 @!p0 $0x100000, s0;
	[bflag:$0x2] =	sbarrier.arrive $0xFFFF  }
0xda: {  	[sflag:s0] =	ssyncadd.tile.s32 @!p0 $0x1;
	_ =	shalt  }
.Lfunc_end2:
_tile_overlayer_lowered:
.L_overlay_start_2:
0xdb: {  	(tag) =	ssettag $0x2  }
0xdc: {  	s0 =	rddreg [dreg:$0x0];
	s2 =	stileid.u32  }
0xdd: {  	s1 =	rddreg [dreg:$0x1];
	p0 =	sne.s32 s2, $0x0  }
0xde: {  	s3 =	rddreg [dreg:$0x2];
	[bflag:$0x3] =	sbarrier.arrive $0xFFFF;
	s2 =	simm.s32 @!p0 $0x1C01  }
0xdf: {  	[timem:s3], [sflag:s2] =	dma.local @!p0 [hbm:s0], s1  }
0xe0: {  	s0 =	simm.s32 @!p0 $0x1  }
0xe1: {  	_ =	swait.ge @!p0 [sflag:s0], s1  }
0xe2: {  	s1 =	ssub.s32 @!p0 $0x0, s1;
	[sflag:s0] =	ssyncset.done @!p0 $0x0  }
0xe3: {  	[sflag:s0] =	ssyncadd.s32 @!p0 s1  }
0xe4: {  	[bflag:$0x3] =	sbarrier.arrive $0xFFFF  }
0xe5: {  	_ =	shalt  }

// kernel: kernel.36.cloned.1.call-start
scs
__scs_entry_jumppad:
0x0: {  	(pc) =	sbr.rel $0x88, $3  }
0x1: {  	(tag) =	ssettag $0x0;
	lr =	simm.s32 $0x1  }
0x2: {  	[smem:$0x3F8D] =	sst lr;
	_ =	strace $0xD0000000  }
0x3: {  	_ = 	snop  }
0x4: {  	_ = 	snop  }
0x5: {  	_ = 	snop  }
0x6: {  	_ = 	snop  }
0x7: {  	_ = 	snop  }
__scs_overlays_trampoline_lowered:
0x8: {  	[smem:$0x3F9C] =	sst s0  }
0x9: {  	[smem:$0x3F9D] =	sst s1  }
0xa: {  	[smem:$0x3F9E] =	sst s2  }
0xb: {  	[smem:$0x3F9F] =	sst s3  }
0xc: {  	[smem:$0x3FA0] =	sst s4  }
0xd: {  	[smem:$0x3FA1] =	sst s5  }
0xe: {  	[smem:$0x3FA2] =	sst s6  }
0xf: {  	[smem:$0x3FA3] =	sst s7  }
0x10: {  	[smem:$0x3FA4] =	sst s8  }
0x11: {  	[smem:$0x3FA5] =	sst s9;
	s0 =	simm.s32 @!p0 $0x0  }
0x12: {  	s1 =	sld [smem:$0x3F8B];
	s0 =	simm.s32 @p0 $0x1  }
0x13: {  	[smem:$0x3FA6] =	sst s0;
	s0 =	simm.s32 @!p1 $0x0  }
0x14: {  	s2 =	sld [smem:$0x3F8A];
	s0 =	simm.s32 @p1 $0x1  }
0x15: {  	[smem:$0x3FA7] =	sst s0;
	s0 =	simm.s32 @!p2 $0x0  }
0x16: {  	s3 =	sld [smem:$0x3FDB];
	s0 =	simm.s32 @p2 $0x1  }
0x17: {  	s4 =	simm.s32 $0x1BF5;
	[smem:$0x3FA9] =	sst s0  }
0x18: {  	s0 =	sld [smem:$0x3F8C];
	_ =	swait.ge [sflag:s4], $0x0  }
0x19: {  	s7 =	sld [smem:$0x3F8D]  }
0x1a: {  	s8 =	sadd.s32 $0xFFFFE003, lr  }
0x1b: {  	s9 =	sadd.s32 $0xFFFFFEF7, lr;
	s5 =	simm.s32 $0xFFFFFFFF;
	p2 =	slt.u32 s8, $0xFFFFF086  }
0x1c: {  	p1 =	slt.u32 s9, $0xF7A;
	s5 =	simm.s32 @!p2 $0x0  }
0x1d: {  	s5 =	simm.s32 @p1 $0x1;
	p0 =	seq.s32 s7, s2  }
0x1e: {  	s7 =	smul.u32 @!p0 $0xF7A, s2;
	p2 =	seq.s32 @!p0 s5, $0x0  }
0x1f: {  	s9 =	smul.u32 $0xF7A, s1;
	s8 =	simm.s32 @!p0 $0x1BF5;
	p2 =	por !p2, p0  }
0x20: {  	[sflag:s8] =	ssyncset.s32 @!p0 $0xFFFFF086;
	s6 =	sadd.s32 @!p0 s3, s7;
	s7 =	simm.s32 @!p0 $0x108  }
0x21: {  	s3 =	sadd.s32 s3, s9;
	s6 =	sadd.s32 @!p0 $0x88, s6;
	s7 =	simm.s32 @p2 $0x1082  }
0x22: {  	[simem:s7], [sflag:s8] =	dma.local @!p0 [hbm:s6], $0xF7A  }
0x23: {  	s9 =	sor.u32 $0xD0000000, s2;
	s6 =	simm.s32 $0x108;
	_ =	swait.ge @!p0 [sflag:s8], $0x0  }
0x24: {  	s3 =	sadd.s32 $0x88, s3;
	s6 =	simm.s32 @!p1 $0x1082;
	[sflag:s4] =	ssyncset.s32 $0xFFFFF086  }
0x25: {  	[simem:s6], [sflag:s4] =	dma.local [hbm:s3], $0xF7A  }
0x26: {  	[smem:$0x3F8D] =	sst s1;
	(tag) =	ssettag s2;
	_ =	strace s9  }
0x27: {  	s1 =	sld [smem:$0x3F9D]  }
0x28: {  	s2 =	sld [smem:$0x3F9E]  }
0x29: {  	s4 =	sld [smem:$0x3FA0]  }
0x2a: {  	p0 =	seq.s32 s5, $0x0;
	s5 =	sld [smem:$0x3FA1]  }
0x2b: {  	s6 =	sld [smem:$0x3FA2]  }
0x2c: {  	s7 =	sld [smem:$0x3FA3]  }
0x2d: {  	s3 =	simm.s32 $0x108;
	s8 =	sld [smem:$0x3FA4]  }
0x2e: {  	s3 =	simm.s32 @!p0 $0x1082;
	s9 =	sld [smem:$0x3FA5]  }
0x2f: {  	lr =	sadd.s32 s0, s3;
	s0 =	sld [smem:$0x3F9C]  }
0x30: {  	s3 =	sld [smem:$0x3F9F]  }
0x31: {  	[smem:$0x3FA8] =	sst s10  }
0x32: {  	s10 =	sld [smem:$0x3FA6];
	_ =	sdelay $0x3  }
0x33: {  	p0 =	seq.s32 s10, $0x1;
	s10 =	sld [smem:$0x3FA8];
	_ =	sdelay $0x3  }
0x34: {  	[smem:$0x3FA8] =	sst s10  }
0x35: {  	s10 =	sld [smem:$0x3FA7];
	_ =	sdelay $0x3  }
0x36: {  	p1 =	seq.s32 s10, $0x1;
	s10 =	sld [smem:$0x3FA8];
	_ =	sdelay $0x3  }
0x37: {  	[smem:$0x3FA8] =	sst s10  }
0x38: {  	s10 =	sld [smem:$0x3FA9]  }
0x39: {  	_ = 	snop;
	(pc) =	sbr.ind lr, $3  }
0x3a: {  	_ = 	snop  }
0x3b: {  	_ = 	snop  }
0x3c: {  	p2 =	seq.s32 s10, $0x1;
	s10 =	sld [smem:$0x3FA8]  }
0x3d: {  	_ =	shalt  }
0x3e: {  	_ =	shalt  }
0x3f: {  	_ =	shalt  }
0x40: {  	_ =	shalt  }
0x41: {  	_ =	shalt  }
0x42: {  	_ =	shalt  }
0x43: {  	_ =	shalt  }
0x44: {  	_ =	shalt  }
0x45: {  	_ =	shalt  }
0x46: {  	_ =	shalt  }
0x47: {  	_ =	shalt  }
0x48: {  	_ =	shalt  }
0x49: {  	_ =	shalt  }
0x4a: {  	_ =	shalt  }
0x4b: {  	_ =	shalt  }
0x4c: {  	_ =	shalt  }
0x4d: {  	_ =	shalt  }
0x4e: {  	_ =	shalt  }
0x4f: {  	_ =	shalt  }
0x50: {  	_ =	shalt  }
0x51: {  	_ =	shalt  }
0x52: {  	_ =	shalt  }
0x53: {  	_ =	shalt  }
0x54: {  	_ =	shalt  }
0x55: {  	_ =	shalt  }
0x56: {  	_ =	shalt  }
0x57: {  	_ =	shalt  }
0x58: {  	_ =	shalt  }
0x59: {  	_ =	shalt  }
0x5a: {  	_ =	shalt  }
0x5b: {  	_ =	shalt  }
0x5c: {  	_ =	shalt  }
0x5d: {  	_ =	shalt  }
0x5e: {  	_ =	shalt  }
0x5f: {  	_ =	shalt  }
0x60: {  	_ =	shalt  }
0x61: {  	_ =	shalt  }
0x62: {  	_ =	shalt  }
0x63: {  	_ =	shalt  }
0x64: {  	_ =	shalt  }
0x65: {  	_ =	shalt  }
0x66: {  	_ =	shalt  }
0x67: {  	_ =	shalt  }
0x68: {  	_ =	shalt  }
0x69: {  	_ =	shalt  }
0x6a: {  	_ =	shalt  }
0x6b: {  	_ =	shalt  }
0x6c: {  	_ =	shalt  }
0x6d: {  	_ =	shalt  }
0x6e: {  	_ =	shalt  }
0x6f: {  	_ =	shalt  }
0x70: {  	_ =	shalt  }
0x71: {  	_ =	shalt  }
0x72: {  	_ =	shalt  }
0x73: {  	_ =	shalt  }
0x74: {  	_ =	shalt  }
0x75: {  	_ =	shalt  }
0x76: {  	_ =	shalt  }
0x77: {  	_ =	shalt  }
0x78: {  	_ =	shalt  }
0x79: {  	_ =	shalt  }
0x7a: {  	_ =	shalt  }
0x7b: {  	_ =	shalt  }
0x7c: {  	_ =	shalt  }
0x7d: {  	_ =	shalt  }
0x7e: {  	_ =	shalt  }
0x7f: {  	_ =	shalt  }
0x80: {  	_ =	shalt  }
0x81: {  	_ =	shalt  }
0x82: {  	_ =	shalt  }
0x83: {  	_ =	shalt  }
0x84: {  	_ =	shalt  }
0x85: {  	_ =	shalt  }
0x86: {  	_ =	shalt  }
0x87: {  	_ =	shalt  }
.Lfunc_end0:
.L_simem_size_0:
called_computation.5_lowered:
.L_overlay_start_0:
0x88: {  	s2 =	sld [smem:$0x3FD9]  }
0x89: {  	s3 =	sld [smem:$0x3FFE];
	_ =	sdelay $0x1  }
0x8a: {  	s1 =	srdreg.scid  }
0x8b: {  	s0 =	sand.u32 $0x1, s1  }
0x8c: {  	s17 =	sshll.u32 s0, $0xA;
	s2 =	sadd.s32 s3, s2  }
0x8d: {  	s2 =	sadd.s32 s2, s17  }
0x8e: {  	[smem:$0x3FB4] =	sst s2  }
0x8f: {  	_ = 	snop  }
0x90: {  	(tm) =	ssettm $0x1  }
0x91: {  	s18 =	sld [smem:$0x3FFB];
	_ =	sdelay $0x3  }
0x92: {  	_ =	strace s18  }
0x93: {  	s2 =	sld [smem:$0x3FFC];
	_ =	sdelay $0x3  }
0x94: {  	_ =	strace s2  }
0x95: {  	s2 =	sld [smem:$0x3FFD];
	_ =	sdelay $0x3  }
0x96: {  	_ =	strace s2  }
0x97: {  	_ =	strace $0x8FFFFFFF  }
0x98: {  	s19 =	sld [smem:$0x3FDB];
	_ =	sdelay $0x1  }
0x99: {  	s20 =	simm.s32 $_scs_section_size  }
0x9a: {  	s4 =	simm.s32 $_size__tile_overlayer_lowered;
	s5 =	simm.s32 $_tile_overlayer_lowered  }
0x9b: {  	s6 =	simm.s32 $0x1BFF;
	s21 =	sshll.u32 s5, $0x1;
	s3 =	sadd.s32 s20, s19  }
0x9c: {  	s22 =	simm.s32 $0x0;
	s4 =	sshll.u32 s4, $0x1;
	s5 =	sadd.s32 s21, s3  }
0x9d: {  	[timem:s22], [sflag:s6] =	dma.local [hbm:s5], s4  }
0x9e: {  	_ =	swait.ge [sflag:s6], s4  }
0x9f: {  	s4 =	ssub.s32 $0x0, s4;
	[sflag:s6] =	ssyncset.done $0x0  }
0xa0: {  	[sflag:s6] =	ssyncadd.s32 s4;
	_ =	sdelay $0x1  }
0xa1: {  	s23 =	simm.s32 $0x1B8B  }
0xa2: {  	_ =	swait.ge [sflag:s23], $0x1  }
0xa3: {  	[sflag:s23] =	ssyncset.done $0x0  }
0xa4: {  	[sflag:s23] =	ssyncadd.s32 $0xFFFFFFFF  }
0xa5: {  	s4 =	sld [smem:$0x0]  }
0xa6: {  	s5 =	sand.u32 $0xFFFFFFFE, s1  }
0xa7: {  	p0 =	sne.s32 s1, s5  }
0xa8: {  	s5 =	sshll.u32 @p0 s5, $0xE  }
0xa9: {  	s5 =	sadd.s32 @p0 $0x11B8D, s5;
	s6 =	sshll.u32 @p0 s4, $0x11  }
0xaa: {  	s5 =	sor.u32 @p0 s6, s5  }
0xab: {  	[sflag:s5] =	ssyncadd.remote.s32 @p0 $0x1;
	_ =	sdelay $0x1  }
0xac: {  	s5 =	simm.s32 @p0 $0x1B8D  }
0xad: {  	_ =	swait.eq @p0 [sflag:s5], $0x1  }
0xae: {  	[sflag:s5] =	ssyncadd.s32 @p0 $0xFFFFFFFF  }
0xaf: {  	s6 =	sshll.u32 @!p0 s1, $0xE  }
0xb0: {  	s6 =	sor.u32 @!p0 $0x4000, s6;
	s5 =	simm.s32 @!p0 $0x1B8D  }
0xb1: {  	s4 =	sshll.u32 @!p0 s4, $0x11;
	s6 =	sadd.s32 @!p0 $0x11B8D, s6;
	_ =	swait.eq @!p0 [sflag:s5], $0x1  }
0xb2: {  	s4 =	sor.u32 @!p0 s4, s6;
	[sflag:s5] =	ssyncadd.s32 @!p0 $0xFFFFFFFF  }
0xb3: {  	s25 =	simm.s32 $0x1B8E;
	s24 =	sld [smem:$0x3FFE];
	[sflag:s4] =	ssyncadd.remote.s32 @!p0 $0x1  }
0xb4: {  	s26 =	simm.s32 $execute0_lowered;
	[smem:$0x3FD2] =	sst s25  }
0xb5: {  	s5 =	sshll.u32 s26, $0x1;
	_ =	strace $0x80000058;
	[dreg:$0x1] =	wrdreg $0xFFFFFFFF  }
0xb6: {  	s28 =	simm.s32 $_size_execute0_lowered;
	s3 =	sadd.s32 s3, s5;
	[dreg:$0x0] =	wrdreg $0x0  }
0xb7: {  	s5 =	sshll.u32 s28, $0x1;
	[dreg:$0x2] =	wrdreg s3  }
0xb8: {  	[dreg:$0x3] =	wrdreg s5  }
0xb9: {  	[dreg:$0x4] =	wrdreg $0xC0  }
0xba: {  	_ =	task [dreg:s22], $0x5FFFF  }
0xbb: {  	[dreg:$0x1] =	wrdreg $0xFFFFFFFF  }
0xbc: {  	[dreg:$0x0] =	wrdreg $0x60  }
0xbd: {  	[dreg:$0x2] =	wrdreg s24  }
0xbe: {  	[dreg:$0x3] =	wrdreg $0x9  }
0xbf: {  	_ =	task.clear_ibuf [dreg:s22], $0x4FFFF;
	_ =	strace $0x90000058  }
0xc0: {  	s29 =	simm.s32 $0x9;
	_ =	strace $0x8000005A  }
0xc1: {  	_ =	swait.ge [sflag:s29], $0x1  }
0xc2: {  	[sflag:s29] =	ssyncadd.s32 $0xFFFFFFFF  }
0xc3: {  	_ =	strace $0x9000005A  }
0xc4: {  	_ =	sfence  }
0xc5: {  	s30 =	sld [smem:$0x0];
	_ =	sdelay $0x2  }
0xc6: {  	s31 =	sshll.u32 s1, $0xD;
	s1 =	sshrl.u32 s1, $0x2  }
0xc7: {  	s4 =	sand.u32 $0x4000, s31;
	s1 =	sadd.s32 s1, s30  }
0xc8: {  	s0 =	sor.u32 s4, s0;
	s1 =	sshll.u32 s1, $0x11  }
0xc9: {  	s0 =	sor.u32 s1, s0  }
0xca: {  	s0 =	sadd.s32 $0x8F2B, s0  }
0xcb: {  	[sflag:s0] =	ssyncadd.remote.s32 $0x1  }
0xcc: {  	_ =	sfence.sel $0xFFFF  }
0xcd: {  	[dreg:$0x0] =	wrdreg $0xFFFFFFFF;
	(pc) =	sbr.abs _section_cstart, $3  }
0xce: {  	[dreg:$0x1] =	wrdreg $0xFFFFFFFF  }
0xcf: {  	_ =	task.clear_ibuf [dreg:s22], $0x2FFFF;
	_ =	strace $0x9FFFFFFF  }
0xd0: {  	(tm) =	ssettm $0x7FFFFFFF  }
0xd1: {  	_ =	shalt  }
tec
execute0_lowered:
.L_overlay_start_1:
0x0: {  	(tag) =	ssettag $0x1  }
0x1: {  	s4 =	rddreg [dreg:$0x0]  }
0x2: {  	s0 =	rddreg [dreg:$0x1];
	s2 =	simm.s32 $0x0;
	s1 =	stileid.u32  }
0x3: {  	s3 =	srdreg.scid;
	s10 =	simm.s32 $0x0;
	s6 =	smul.u32 $0x5100, s1  }
0x4: {  	[smem:$0x7FF] =	sst s2;
	s5 =	sand.u32 $0x1, s3;
	s8 =	smul.u32 $0x51000, s1  }
0x5: {  	s3 =	sadd.s32 $0x6A800, s4;
	s7 =	smul.u32 $0x2880, s5;
	s9 =	ssub.s32 $0x2, s5  }
0x6: {  	_ =	strace $0x80000059;
	s5 =	smul.u32 $0x28800, s5;
	s31 =	sshrl.u32 s9, $0x1  }
0x7: {  	s8 =	sadd.s32 s8, s4;
	s6 =	sadd.s32 s7, s6;
	s7 =	ssub.s32 s9, s31  }
0x8: {  	s5 =	sadd.s32 s5, s8;
	s8 =	simm.s32 $0x80;
	s6 =	sshrl.u32 s6, $0x3  }
0x9: {  	s9 =	simm.s32 $0x1;
	s5 =	sadd.s32 $0x5A2800, s5;
	s6 =	sadd.s32 s6, s4  }
0xa: {  	s4 =	smax.u32 s7, $0x1;
	s7 =	simm.s32 $0x2;
	s6 =	sadd.s32 $0x6200, s6  }
.LBB2_1:
0xb: {  	s11 =	sadd.s32 $0x0, s6  }
0xc: {  	[tilespmem:s2], [sflag:$0x2] =	stream.linear.gather [hbm4b:s11+s2], $0x80, $0x38;
	[tilespmem:$0x4080] =	vst v63  }
0xd: {  	_ =	swait.ge [sflag:s7], $0x80  }
0xe: {  	[sflag:s7] =	ssyncset.done $0x0  }
0xf: {  	[sflag:s7] =	ssyncadd.s32 $0xFFFFFF80  }
0x10: {  	[tilespmem:s8], [sflag:$0x1] =	stream.indirect.gather [hbm4b:s3+s8], $0x80, s2, s8, $0xb8;
	[tilespmem:$0x4080] =	vst v63  }
0x11: {  	_ =	swait.ge [sflag:s9], $0x4000  }
0x12: {  	[sflag:s9] =	ssyncset.done $0x0  }
0x13: {  	[sflag:s9] =	ssyncadd.s32 $0xFFFFC000  }
0x14: {  	[hbm4b:s5+s2] =	stream.linear.scatter [tilespmem:s8], [sflag:$0x2], $0x4000, $0x38;
	[tilespmem:$0x4080] =	vst v63  }
0x15: {  	s12 =	simm.s32 $0x10;
	_ =	swait.ge [sflag:s7], $0x4000  }
0x16: {  	s13 =	simm.s32 $0x20;
	s11 =	sadd.s32 $0x800, s5;
	[sflag:s7] =	ssyncset.done $0x0  }
.LBB2_2:
0x17: {  	s14 =	sadd.s32 s12, s6  }
0x18: {  	[sflag:s7] =	ssyncadd.s32 $0xFFFFC000;
	s12 =	smov.u32 s13;
	s15 =	sadd.s32 $0x10, s13  }
0x19: {  	[tilespmem:s2], [sflag:$0x2] =	stream.linear.gather [hbm4b:s14+s2], $0x80, $0x38;
	[tilespmem:$0x4080] =	vst v63  }
0x1a: {  	p0 =	sne.s32 s13, $0x500;
	_ =	swait.ge [sflag:s7], $0x80  }
0x1b: {  	[sflag:s7] =	ssyncset.done $0x0  }
0x1c: {  	[sflag:s7] =	ssyncadd.s32 $0xFFFFFF80  }
0x1d: {  	[tilespmem:s8], [sflag:$0x1] =	stream.indirect.gather [hbm4b:s3+s8], $0x80, s2, s8, $0xb8;
	[tilespmem:$0x4080] =	vst v63  }
0x1e: {  	_ =	swait.ge [sflag:s9], $0x4000  }
.Ltmp0:
0x1f: {  	[sflag:s9] =	ssyncset.done $0x0;
	(pc) =	sbr.rel @p0 .LBB2_2-.Ltmp0, $4  }
0x20: {  	[sflag:s9] =	ssyncadd.s32 $0xFFFFC000  }
0x21: {  	[hbm4b:s11+s2] =	stream.linear.scatter [tilespmem:s8], [sflag:$0x2], $0x4000, $0x38;
	[tilespmem:$0x4080] =	vst v63  }
0x22: {  	_ =	swait.ge [sflag:s7], $0x4000  }
0x23: {  	s13 =	smov.u32 s15;
	s11 =	sadd.s32 $0x800, s11;
	[sflag:s7] =	ssyncset.done $0x0  }
0x24: {  	s12 =	sadd.s32 s12, s6;
	[sflag:s7] =	ssyncadd.s32 $0xFFFFC000  }
0x25: {  	[tilespmem:s2], [sflag:$0x2] =	stream.linear.gather [hbm4b:s12+s2], $0x80, $0x38;
	[tilespmem:$0x4080] =	vst v63  }
0x26: {  	_ =	swait.ge [sflag:s7], $0x80  }
0x27: {  	[sflag:s7] =	ssyncset.done $0x0  }
0x28: {  	[sflag:s7] =	ssyncadd.s32 $0xFFFFFF80  }
0x29: {  	[tilespmem:s8], [sflag:$0x1] =	stream.indirect.gather [hbm4b:s3+s8], $0x80, s2, s8, $0xb8;
	[tilespmem:$0x4080] =	vst v63  }
0x2a: {  	s10 =	sadd.s32 $0x1, s10;
	_ =	swait.ge [sflag:s9], $0x4000  }
0x2b: {  	p0 =	sne.s32 s10, s4;
	[sflag:s9] =	ssyncset.done $0x0  }
.Ltmp1:
0x2c: {  	[sflag:s9] =	ssyncadd.s32 $0xFFFFC000;
	(pc) =	sbr.rel @p0 .LBB2_1-.Ltmp1, $4  }
0x2d: {  	[hbm4b:s11+s2] =	stream.linear.scatter [tilespmem:s8], [sflag:$0x2], $0x4000, $0x38;
	[tilespmem:$0x4080] =	vst v63  }
0x2e: {  	_ =	swait.ge [sflag:s7], $0x4000  }
0x2f: {  	[sflag:s7] =	ssyncset.done $0x0  }
0x30: {  	[sflag:s7] =	ssyncadd.s32 $0xFFFFC000  }
0x31: {  	_ =	sfence.sel $0x180000  }
0x32: {  	[bflag:$0x0] =	sbarrier.arrive $0xFFFF  }
0x33: {  	p0 =	sne.s32 s1, $0x0;
	_ =	strace $0x90000059  }
0x34: {  	s0 =	sadd.s32 @!p0 $0x100000, s0;
	[bflag:$0x2] =	sbarrier.arrive $0xFFFF  }
0x35: {  	[sflag:s0] =	ssyncadd.tile.s32 @!p0 $0x1;
	_ =	shalt  }
.Lfunc_end2:
_tile_overlayer_lowered:
.L_overlay_start_2:
0x36: {  	(tag) =	ssettag $0x2  }
0x37: {  	s0 =	rddreg [dreg:$0x0];
	s2 =	stileid.u32  }
0x38: {  	s1 =	rddreg [dreg:$0x1];
	p0 =	sne.s32 s2, $0x0  }
0x39: {  	s3 =	rddreg [dreg:$0x2];
	[bflag:$0x3] =	sbarrier.arrive $0xFFFF;
	s2 =	simm.s32 @!p0 $0x1C02  }
0x3a: {  	[timem:s3], [sflag:s2] =	dma.local @!p0 [hbm:s0], s1  }
0x3b: {  	s0 =	simm.s32 @!p0 $0x2  }
0x3c: {  	_ =	swait.ge @!p0 [sflag:s0], s1  }
0x3d: {  	s1 =	ssub.s32 @!p0 $0x0, s1;
	[sflag:s0] =	ssyncset.done @!p0 $0x0  }
0x3e: {  	[sflag:s0] =	ssyncadd.s32 @!p0 s1  }
0x3f: {  	[bflag:$0x3] =	sbarrier.arrive $0xFFFF  }
0x40: {  	_ =	shalt  }

// kernel: kernel.39.cloned.1.call-start
scs
__scs_entry_jumppad:
0x0: {  	(pc) =	sbr.rel $0x88, $3  }
0x1: {  	(tag) =	ssettag $0x0;
	lr =	simm.s32 $0x1  }
0x2: {  	[smem:$0x3F8D] =	sst lr;
	_ =	strace $0xD0000000  }
0x3: {  	_ = 	snop  }
0x4: {  	_ = 	snop  }
0x5: {  	_ = 	snop  }
0x6: {  	_ = 	snop  }
0x7: {  	_ = 	snop  }
__scs_overlays_trampoline_lowered:
0x8: {  	[smem:$0x3F9C] =	sst s0  }
0x9: {  	[smem:$0x3F9D] =	sst s1  }
0xa: {  	[smem:$0x3F9E] =	sst s2  }
0xb: {  	[smem:$0x3F9F] =	sst s3  }
0xc: {  	[smem:$0x3FA0] =	sst s4  }
0xd: {  	[smem:$0x3FA1] =	sst s5  }
0xe: {  	[smem:$0x3FA2] =	sst s6  }
0xf: {  	[smem:$0x3FA3] =	sst s7  }
0x10: {  	[smem:$0x3FA4] =	sst s8  }
0x11: {  	[smem:$0x3FA5] =	sst s9;
	s0 =	simm.s32 @!p0 $0x0  }
0x12: {  	s1 =	sld [smem:$0x3F8B];
	s0 =	simm.s32 @p0 $0x1  }
0x13: {  	[smem:$0x3FA6] =	sst s0;
	s0 =	simm.s32 @!p1 $0x0  }
0x14: {  	s2 =	sld [smem:$0x3F8A];
	s0 =	simm.s32 @p1 $0x1  }
0x15: {  	[smem:$0x3FA7] =	sst s0;
	s0 =	simm.s32 @!p2 $0x0  }
0x16: {  	s3 =	sld [smem:$0x3FDB];
	s0 =	simm.s32 @p2 $0x1  }
0x17: {  	s4 =	simm.s32 $0x1BF5;
	[smem:$0x3FA9] =	sst s0  }
0x18: {  	s0 =	sld [smem:$0x3F8C];
	_ =	swait.ge [sflag:s4], $0x0  }
0x19: {  	s7 =	sld [smem:$0x3F8D]  }
0x1a: {  	s8 =	sadd.s32 $0xFFFFE003, lr  }
0x1b: {  	s9 =	sadd.s32 $0xFFFFFEF7, lr;
	s5 =	simm.s32 $0xFFFFFFFF;
	p2 =	slt.u32 s8, $0xFFFFF086  }
0x1c: {  	p1 =	slt.u32 s9, $0xF7A;
	s5 =	simm.s32 @!p2 $0x0  }
0x1d: {  	s5 =	simm.s32 @p1 $0x1;
	p0 =	seq.s32 s7, s2  }
0x1e: {  	s7 =	smul.u32 @!p0 $0xF7A, s2;
	p2 =	seq.s32 @!p0 s5, $0x0  }
0x1f: {  	s9 =	smul.u32 $0xF7A, s1;
	s8 =	simm.s32 @!p0 $0x1BF5;
	p2 =	por !p2, p0  }
0x20: {  	[sflag:s8] =	ssyncset.s32 @!p0 $0xFFFFF086;
	s6 =	sadd.s32 @!p0 s3, s7;
	s7 =	simm.s32 @!p0 $0x108  }
0x21: {  	s3 =	sadd.s32 s3, s9;
	s6 =	sadd.s32 @!p0 $0x88, s6;
	s7 =	simm.s32 @p2 $0x1082  }
0x22: {  	[simem:s7], [sflag:s8] =	dma.local @!p0 [hbm:s6], $0xF7A  }
0x23: {  	s9 =	sor.u32 $0xD0000000, s2;
	s6 =	simm.s32 $0x108;
	_ =	swait.ge @!p0 [sflag:s8], $0x0  }
0x24: {  	s3 =	sadd.s32 $0x88, s3;
	s6 =	simm.s32 @!p1 $0x1082;
	[sflag:s4] =	ssyncset.s32 $0xFFFFF086  }
0x25: {  	[simem:s6], [sflag:s4] =	dma.local [hbm:s3], $0xF7A  }
0x26: {  	[smem:$0x3F8D] =	sst s1;
	(tag) =	ssettag s2;
	_ =	strace s9  }
0x27: {  	s1 =	sld [smem:$0x3F9D]  }
0x28: {  	s2 =	sld [smem:$0x3F9E]  }
0x29: {  	s4 =	sld [smem:$0x3FA0]  }
0x2a: {  	p0 =	seq.s32 s5, $0x0;
	s5 =	sld [smem:$0x3FA1]  }
0x2b: {  	s6 =	sld [smem:$0x3FA2]  }
0x2c: {  	s7 =	sld [smem:$0x3FA3]  }
0x2d: {  	s3 =	simm.s32 $0x108;
	s8 =	sld [smem:$0x3FA4]  }
0x2e: {  	s3 =	simm.s32 @!p0 $0x1082;
	s9 =	sld [smem:$0x3FA5]  }
0x2f: {  	lr =	sadd.s32 s0, s3;
	s0 =	sld [smem:$0x3F9C]  }
0x30: {  	s3 =	sld [smem:$0x3F9F]  }
0x31: {  	[smem:$0x3FA8] =	sst s10  }
0x32: {  	s10 =	sld [smem:$0x3FA6];
	_ =	sdelay $0x3  }
0x33: {  	p0 =	seq.s32 s10, $0x1;
	s10 =	sld [smem:$0x3FA8];
	_ =	sdelay $0x3  }
0x34: {  	[smem:$0x3FA8] =	sst s10  }
0x35: {  	s10 =	sld [smem:$0x3FA7];
	_ =	sdelay $0x3  }
0x36: {  	p1 =	seq.s32 s10, $0x1;
	s10 =	sld [smem:$0x3FA8];
	_ =	sdelay $0x3  }
0x37: {  	[smem:$0x3FA8] =	sst s10  }
0x38: {  	s10 =	sld [smem:$0x3FA9]  }
0x39: {  	_ = 	snop;
	(pc) =	sbr.ind lr, $3  }
0x3a: {  	_ = 	snop  }
0x3b: {  	_ = 	snop  }
0x3c: {  	p2 =	seq.s32 s10, $0x1;
	s10 =	sld [smem:$0x3FA8]  }
0x3d: {  	_ =	shalt  }
0x3e: {  	_ =	shalt  }
0x3f: {  	_ =	shalt  }
0x40: {  	_ =	shalt  }
0x41: {  	_ =	shalt  }
0x42: {  	_ =	shalt  }
0x43: {  	_ =	shalt  }
0x44: {  	_ =	shalt  }
0x45: {  	_ =	shalt  }
0x46: {  	_ =	shalt  }
0x47: {  	_ =	shalt  }
0x48: {  	_ =	shalt  }
0x49: {  	_ =	shalt  }
0x4a: {  	_ =	shalt  }
0x4b: {  	_ =	shalt  }
0x4c: {  	_ =	shalt  }
0x4d: {  	_ =	shalt  }
0x4e: {  	_ =	shalt  }
0x4f: {  	_ =	shalt  }
0x50: {  	_ =	shalt  }
0x51: {  	_ =	shalt  }
0x52: {  	_ =	shalt  }
0x53: {  	_ =	shalt  }
0x54: {  	_ =	shalt  }
0x55: {  	_ =	shalt  }
0x56: {  	_ =	shalt  }
0x57: {  	_ =	shalt  }
0x58: {  	_ =	shalt  }
0x59: {  	_ =	shalt  }
0x5a: {  	_ =	shalt  }
0x5b: {  	_ =	shalt  }
0x5c: {  	_ =	shalt  }
0x5d: {  	_ =	shalt  }
0x5e: {  	_ =	shalt  }
0x5f: {  	_ =	shalt  }
0x60: {  	_ =	shalt  }
0x61: {  	_ =	shalt  }
0x62: {  	_ =	shalt  }
0x63: {  	_ =	shalt  }
0x64: {  	_ =	shalt  }
0x65: {  	_ =	shalt  }
0x66: {  	_ =	shalt  }
0x67: {  	_ =	shalt  }
0x68: {  	_ =	shalt  }
0x69: {  	_ =	shalt  }
0x6a: {  	_ =	shalt  }
0x6b: {  	_ =	shalt  }
0x6c: {  	_ =	shalt  }
0x6d: {  	_ =	shalt  }
0x6e: {  	_ =	shalt  }
0x6f: {  	_ =	shalt  }
0x70: {  	_ =	shalt  }
0x71: {  	_ =	shalt  }
0x72: {  	_ =	shalt  }
0x73: {  	_ =	shalt  }
0x74: {  	_ =	shalt  }
0x75: {  	_ =	shalt  }
0x76: {  	_ =	shalt  }
0x77: {  	_ =	shalt  }
0x78: {  	_ =	shalt  }
0x79: {  	_ =	shalt  }
0x7a: {  	_ =	shalt  }
0x7b: {  	_ =	shalt  }
0x7c: {  	_ =	shalt  }
0x7d: {  	_ =	shalt  }
0x7e: {  	_ =	shalt  }
0x7f: {  	_ =	shalt  }
0x80: {  	_ =	shalt  }
0x81: {  	_ =	shalt  }
0x82: {  	_ =	shalt  }
0x83: {  	_ =	shalt  }
0x84: {  	_ =	shalt  }
0x85: {  	_ =	shalt  }
0x86: {  	_ =	shalt  }
0x87: {  	_ =	shalt  }
.Lfunc_end0:
.L_simem_size_0:
called_computation.6_lowered:
.L_overlay_start_0:
0x88: {  	s2 =	sld [smem:$0x3FD9]  }
0x89: {  	s3 =	sld [smem:$0x3FFE];
	_ =	sdelay $0x1  }
0x8a: {  	s1 =	srdreg.scid  }
0x8b: {  	s0 =	sand.u32 $0x1, s1  }
0x8c: {  	s16 =	sshll.u32 s0, $0xA;
	s2 =	sadd.s32 s3, s2  }
0x8d: {  	s2 =	sadd.s32 s2, s16  }
0x8e: {  	[smem:$0x3FB4] =	sst s2  }
0x8f: {  	_ = 	snop  }
0x90: {  	(tm) =	ssettm $0x1  }
0x91: {  	s17 =	sld [smem:$0x3FFB];
	_ =	sdelay $0x3  }
0x92: {  	_ =	strace s17  }
0x93: {  	s2 =	sld [smem:$0x3FFC];
	_ =	sdelay $0x3  }
0x94: {  	_ =	strace s2  }
0x95: {  	s2 =	sld [smem:$0x3FFD];
	_ =	sdelay $0x3  }
0x96: {  	_ =	strace s2  }
0x97: {  	_ =	strace $0x8FFFFFFF  }
0x98: {  	s18 =	sld [smem:$0x3FDB];
	_ =	sdelay $0x1  }
0x99: {  	s19 =	simm.s32 $_scs_section_size  }
0x9a: {  	s4 =	simm.s32 $_size__tile_overlayer_lowered;
	s5 =	simm.s32 $_tile_overlayer_lowered  }
0x9b: {  	s22 =	simm.s32 $0x1BFF;
	s21 =	sshll.u32 s5, $0x1;
	s2 =	sadd.s32 s19, s18  }
0x9c: {  	s6 =	simm.s32 $0x0;
	s20 =	sshll.u32 s4, $0x1;
	s4 =	sadd.s32 s21, s2  }
0x9d: {  	[timem:s6], [sflag:s22] =	dma.local [hbm:s4], s20  }
0x9e: {  	_ =	swait.ge [sflag:s22], s20  }
0x9f: {  	s3 =	ssub.s32 $0x0, s20;
	[sflag:s22] =	ssyncset.done $0x0  }
0xa0: {  	[sflag:s22] =	ssyncadd.s32 s3;
	_ =	sdelay $0x1  }
0xa1: {  	s23 =	simm.s32 $0x1B8B  }
0xa2: {  	_ =	swait.ge [sflag:s23], $0x1  }
0xa3: {  	[sflag:s23] =	ssyncset.done $0x0  }
0xa4: {  	s25 =	simm.s32 $0x1B8E;
	s24 =	sld [smem:$0x3FFE];
	[sflag:s23] =	ssyncadd.s32 $0xFFFFFFFF  }
0xa5: {  	s26 =	simm.s32 $execute0_lowered;
	[smem:$0x3FD2] =	sst s25  }
0xa6: {  	s4 =	sshll.u32 s26, $0x1;
	_ =	strace $0x80000055;
	[dreg:$0x1] =	wrdreg $0xFFFFFFFF  }
0xa7: {  	s28 =	simm.s32 $_size_execute0_lowered;
	s2 =	sadd.s32 s2, s4;
	[dreg:$0x0] =	wrdreg $0x0  }
0xa8: {  	s4 =	sshll.u32 s28, $0x1;
	[dreg:$0x2] =	wrdreg s2  }
0xa9: {  	[dreg:$0x3] =	wrdreg s4  }
0xaa: {  	[dreg:$0x4] =	wrdreg $0xC0  }
0xab: {  	_ =	task [dreg:s6], $0x5FFFF  }
0xac: {  	[dreg:$0x1] =	wrdreg $0xFFFFFFFF  }
0xad: {  	[dreg:$0x0] =	wrdreg $0x60  }
0xae: {  	[dreg:$0x2] =	wrdreg s24  }
0xaf: {  	[dreg:$0x3] =	wrdreg $0xA  }
0xb0: {  	_ =	task.clear_ibuf [dreg:s6], $0x4FFFF;
	_ =	strace $0x90000055  }
0xb1: {  	s29 =	simm.s32 $0xA;
	_ =	strace $0x80000057  }
0xb2: {  	_ =	swait.ge [sflag:s29], $0x1  }
0xb3: {  	[sflag:s29] =	ssyncadd.s32 $0xFFFFFFFF  }
0xb4: {  	_ =	strace $0x90000057  }
0xb5: {  	_ =	sfence  }
0xb6: {  	s30 =	sld [smem:$0x0];
	_ =	sdelay $0x2  }
0xb7: {  	s31 =	sshll.u32 s1, $0xD;
	s1 =	sshrl.u32 s1, $0x2  }
0xb8: {  	s3 =	sand.u32 $0x4000, s31;
	s1 =	sadd.s32 s1, s30  }
0xb9: {  	s0 =	sor.u32 s3, s0;
	s1 =	sshll.u32 s1, $0x11  }
0xba: {  	s0 =	sor.u32 s1, s0  }
0xbb: {  	s0 =	sadd.s32 $0x8F2B, s0  }
0xbc: {  	[sflag:s0] =	ssyncadd.remote.s32 $0x1  }
0xbd: {  	_ =	sfence.sel $0xFFFF  }
0xbe: {  	[dreg:$0x0] =	wrdreg $0xFFFFFFFF;
	(pc) =	sbr.abs _section_cstart, $3  }
0xbf: {  	[dreg:$0x1] =	wrdreg $0xFFFFFFFF  }
0xc0: {  	_ =	task.clear_ibuf [dreg:s6], $0x2FFFF;
	_ =	strace $0x9FFFFFFF  }
0xc1: {  	(tm) =	ssettm $0x7FFFFFFF  }
tec
execute0_lowered:
.L_overlay_start_1:
0x0: {  	(tag) =	ssettag $0x1  }
0x1: {  	s4 =	rddreg [dreg:$0x0]  }
0x2: {  	s0 =	rddreg [dreg:$0x1];
	s2 =	simm.s32 $0x0;
	s1 =	stileid.u32  }
0x3: {  	s3 =	srdreg.scid;
	s10 =	simm.s32 $0x0;
	s6 =	smul.u32 $0x5100, s1  }
0x4: {  	[smem:$0x7FF] =	sst s2;
	s5 =	sand.u32 $0x1, s3;
	s8 =	smul.u32 $0x51000, s1  }
0x5: {  	s3 =	sadd.s32 $0x42800, s4;
	s7 =	smul.u32 $0x2880, s5;
	s9 =	ssub.s32 $0x2, s5  }
0x6: {  	_ =	strace $0x80000056;
	s5 =	smul.u32 $0x28800, s5;
	s31 =	sshrl.u32 s9, $0x1  }
0x7: {  	s8 =	sadd.s32 s8, s4;
	s6 =	sadd.s32 s7, s6;
	s7 =	ssub.s32 s9, s31  }
0x8: {  	s5 =	sadd.s32 s5, s8;
	s8 =	simm.s32 $0x80;
	s6 =	sshrl.u32 s6, $0x3  }
0x9: {  	s9 =	simm.s32 $0x1;
	s5 =	sadd.s32 $0x92800, s5;
	s6 =	sadd.s32 s6, s4  }
0xa: {  	s4 =	smax.u32 s7, $0x1;
	s7 =	simm.s32 $0x2;
	s6 =	sadd.s32 $0x10600, s6  }
.LBB2_1:
0xb: {  	s11 =	sadd.s32 $0x0, s6  }
0xc: {  	[tilespmem:s2], [sflag:$0x2] =	stream.linear.gather [hbm4b:s11+s2], $0x80, $0x38;
	[tilespmem:$0x4080] =	vst v63  }
0xd: {  	_ =	swait.ge [sflag:s7], $0x80  }
0xe: {  	[sflag:s7] =	ssyncset.done $0x0  }
0xf: {  	[sflag:s7] =	ssyncadd.s32 $0xFFFFFF80  }
0x10: {  	[tilespmem:s8], [sflag:$0x1] =	stream.indirect.gather [hbm4b:s3+s8], $0x80, s2, s8, $0xb8;
	[tilespmem:$0x4080] =	vst v63  }
0x11: {  	_ =	swait.ge [sflag:s9], $0x4000  }
0x12: {  	[sflag:s9] =	ssyncset.done $0x0  }
0x13: {  	[sflag:s9] =	ssyncadd.s32 $0xFFFFC000  }
0x14: {  	[hbm4b:s5+s2] =	stream.linear.scatter [tilespmem:s8], [sflag:$0x2], $0x4000, $0x38;
	[tilespmem:$0x4080] =	vst v63  }
0x15: {  	s12 =	simm.s32 $0x10;
	_ =	swait.ge [sflag:s7], $0x4000  }
0x16: {  	s13 =	simm.s32 $0x20;
	s11 =	sadd.s32 $0x800, s5;
	[sflag:s7] =	ssyncset.done $0x0  }
.LBB2_2:
0x17: {  	s14 =	sadd.s32 s12, s6  }
0x18: {  	[sflag:s7] =	ssyncadd.s32 $0xFFFFC000;
	s12 =	smov.u32 s13;
	s15 =	sadd.s32 $0x10, s13  }
0x19: {  	[tilespmem:s2], [sflag:$0x2] =	stream.linear.gather [hbm4b:s14+s2], $0x80, $0x38;
	[tilespmem:$0x4080] =	vst v63  }
0x1a: {  	p0 =	sne.s32 s13, $0x500;
	_ =	swait.ge [sflag:s7], $0x80  }
0x1b: {  	[sflag:s7] =	ssyncset.done $0x0  }
0x1c: {  	[sflag:s7] =	ssyncadd.s32 $0xFFFFFF80  }
0x1d: {  	[tilespmem:s8], [sflag:$0x1] =	stream.indirect.gather [hbm4b:s3+s8], $0x80, s2, s8, $0xb8;
	[tilespmem:$0x4080] =	vst v63  }
0x1e: {  	_ =	swait.ge [sflag:s9], $0x4000  }
.Ltmp0:
0x1f: {  	[sflag:s9] =	ssyncset.done $0x0;
	(pc) =	sbr.rel @p0 .LBB2_2-.Ltmp0, $4  }
0x20: {  	[sflag:s9] =	ssyncadd.s32 $0xFFFFC000  }
0x21: {  	[hbm4b:s11+s2] =	stream.linear.scatter [tilespmem:s8], [sflag:$0x2], $0x4000, $0x38;
	[tilespmem:$0x4080] =	vst v63  }
0x22: {  	_ =	swait.ge [sflag:s7], $0x4000  }
0x23: {  	s13 =	smov.u32 s15;
	s11 =	sadd.s32 $0x800, s11;
	[sflag:s7] =	ssyncset.done $0x0  }
0x24: {  	s12 =	sadd.s32 s12, s6;
	[sflag:s7] =	ssyncadd.s32 $0xFFFFC000  }
0x25: {  	[tilespmem:s2], [sflag:$0x2] =	stream.linear.gather [hbm4b:s12+s2], $0x80, $0x38;
	[tilespmem:$0x4080] =	vst v63  }
0x26: {  	_ =	swait.ge [sflag:s7], $0x80  }
0x27: {  	[sflag:s7] =	ssyncset.done $0x0  }
0x28: {  	[sflag:s7] =	ssyncadd.s32 $0xFFFFFF80  }
0x29: {  	[tilespmem:s8], [sflag:$0x1] =	stream.indirect.gather [hbm4b:s3+s8], $0x80, s2, s8, $0xb8;
	[tilespmem:$0x4080] =	vst v63  }
0x2a: {  	s10 =	sadd.s32 $0x1, s10;
	_ =	swait.ge [sflag:s9], $0x4000  }
0x2b: {  	p0 =	sne.s32 s10, s4;
	[sflag:s9] =	ssyncset.done $0x0  }
.Ltmp1:
0x2c: {  	[sflag:s9] =	ssyncadd.s32 $0xFFFFC000;
	(pc) =	sbr.rel @p0 .LBB2_1-.Ltmp1, $4  }
0x2d: {  	[hbm4b:s11+s2] =	stream.linear.scatter [tilespmem:s8], [sflag:$0x2], $0x4000, $0x38;
	[tilespmem:$0x4080] =	vst v63  }
0x2e: {  	_ =	swait.ge [sflag:s7], $0x4000  }
0x2f: {  	[sflag:s7] =	ssyncset.done $0x0  }
0x30: {  	[sflag:s7] =	ssyncadd.s32 $0xFFFFC000  }
0x31: {  	_ =	sfence.sel $0x180000  }
0x32: {  	[bflag:$0x0] =	sbarrier.arrive $0xFFFF  }
0x33: {  	p0 =	sne.s32 s1, $0x0;
	_ =	strace $0x90000056  }
0x34: {  	s0 =	sadd.s32 @!p0 $0x100000, s0;
	[bflag:$0x2] =	sbarrier.arrive $0xFFFF  }
0x35: {  	[sflag:s0] =	ssyncadd.tile.s32 @!p0 $0x1;
	_ =	shalt  }
.Lfunc_end2:
_tile_overlayer_lowered:
.L_overlay_start_2:
0x36: {  	(tag) =	ssettag $0x2  }
0x37: {  	s0 =	rddreg [dreg:$0x0];
	s2 =	stileid.u32  }
0x38: {  	s1 =	rddreg [dreg:$0x1];
	p0 =	sne.s32 s2, $0x0  }
0x39: {  	s3 =	rddreg [dreg:$0x2];
	[bflag:$0x3] =	sbarrier.arrive $0xFFFF;
	s2 =	simm.s32 @!p0 $0x1C02  }
0x3a: {  	[timem:s3], [sflag:s2] =	dma.local @!p0 [hbm:s0], s1  }
0x3b: {  	s0 =	simm.s32 @!p0 $0x2  }
0x3c: {  	_ =	swait.ge @!p0 [sflag:s0], s1  }
0x3d: {  	s1 =	ssub.s32 @!p0 $0x0, s1;
	[sflag:s0] =	ssyncset.done @!p0 $0x0  }
0x3e: {  	[sflag:s0] =	ssyncadd.s32 @!p0 s1  }
0x3f: {  	[bflag:$0x3] =	sbarrier.arrive $0xFFFF  }
0x40: {  	_ =	shalt  }

// kernel: kernel.42.cloned.1.call-start
scs
__scs_entry_jumppad:
0x0: {  	(pc) =	sbr.rel $0x88, $3  }
0x1: {  	(tag) =	ssettag $0x0;
	lr =	simm.s32 $0x1  }
0x2: {  	[smem:$0x3F8D] =	sst lr;
	_ =	strace $0xD0000000  }
0x3: {  	_ = 	snop  }
0x4: {  	_ = 	snop  }
0x5: {  	_ = 	snop  }
0x6: {  	_ = 	snop  }
0x7: {  	_ = 	snop  }
__scs_overlays_trampoline_lowered:
0x8: {  	[smem:$0x3F9C] =	sst s0  }
0x9: {  	[smem:$0x3F9D] =	sst s1  }
0xa: {  	[smem:$0x3F9E] =	sst s2  }
0xb: {  	[smem:$0x3F9F] =	sst s3  }
0xc: {  	[smem:$0x3FA0] =	sst s4  }
0xd: {  	[smem:$0x3FA1] =	sst s5  }
0xe: {  	[smem:$0x3FA2] =	sst s6  }
0xf: {  	[smem:$0x3FA3] =	sst s7  }
0x10: {  	[smem:$0x3FA4] =	sst s8  }
0x11: {  	[smem:$0x3FA5] =	sst s9;
	s0 =	simm.s32 @!p0 $0x0  }
0x12: {  	s1 =	sld [smem:$0x3F8B];
	s0 =	simm.s32 @p0 $0x1  }
0x13: {  	[smem:$0x3FA6] =	sst s0;
	s0 =	simm.s32 @!p1 $0x0  }
0x14: {  	s2 =	sld [smem:$0x3F8A];
	s0 =	simm.s32 @p1 $0x1  }
0x15: {  	[smem:$0x3FA7] =	sst s0;
	s0 =	simm.s32 @!p2 $0x0  }
0x16: {  	s3 =	sld [smem:$0x3FDB];
	s0 =	simm.s32 @p2 $0x1  }
0x17: {  	s4 =	simm.s32 $0x1BF5;
	[smem:$0x3FA9] =	sst s0  }
0x18: {  	s0 =	sld [smem:$0x3F8C];
	_ =	swait.ge [sflag:s4], $0x0  }
0x19: {  	s7 =	sld [smem:$0x3F8D]  }
0x1a: {  	s8 =	sadd.s32 $0xFFFFE003, lr  }
0x1b: {  	s9 =	sadd.s32 $0xFFFFFEF7, lr;
	s5 =	simm.s32 $0xFFFFFFFF;
	p2 =	slt.u32 s8, $0xFFFFF086  }
0x1c: {  	p1 =	slt.u32 s9, $0xF7A;
	s5 =	simm.s32 @!p2 $0x0  }
0x1d: {  	s5 =	simm.s32 @p1 $0x1;
	p0 =	seq.s32 s7, s2  }
0x1e: {  	s7 =	smul.u32 @!p0 $0xF7A, s2;
	p2 =	seq.s32 @!p0 s5, $0x0  }
0x1f: {  	s9 =	smul.u32 $0xF7A, s1;
	s8 =	simm.s32 @!p0 $0x1BF5;
	p2 =	por !p2, p0  }
0x20: {  	[sflag:s8] =	ssyncset.s32 @!p0 $0xFFFFF086;
	s6 =	sadd.s32 @!p0 s3, s7;
	s7 =	simm.s32 @!p0 $0x108  }
0x21: {  	s3 =	sadd.s32 s3, s9;
	s6 =	sadd.s32 @!p0 $0x88, s6;
	s7 =	simm.s32 @p2 $0x1082  }
0x22: {  	[simem:s7], [sflag:s8] =	dma.local @!p0 [hbm:s6], $0xF7A  }
0x23: {  	s9 =	sor.u32 $0xD0000000, s2;
	s6 =	simm.s32 $0x108;
	_ =	swait.ge @!p0 [sflag:s8], $0x0  }
0x24: {  	s3 =	sadd.s32 $0x88, s3;
	s6 =	simm.s32 @!p1 $0x1082;
	[sflag:s4] =	ssyncset.s32 $0xFFFFF086  }
0x25: {  	[simem:s6], [sflag:s4] =	dma.local [hbm:s3], $0xF7A  }
0x26: {  	[smem:$0x3F8D] =	sst s1;
	(tag) =	ssettag s2;
	_ =	strace s9  }
0x27: {  	s1 =	sld [smem:$0x3F9D]  }
0x28: {  	s2 =	sld [smem:$0x3F9E]  }
0x29: {  	s4 =	sld [smem:$0x3FA0]  }
0x2a: {  	p0 =	seq.s32 s5, $0x0;
	s5 =	sld [smem:$0x3FA1]  }
0x2b: {  	s6 =	sld [smem:$0x3FA2]  }
0x2c: {  	s7 =	sld [smem:$0x3FA3]  }
0x2d: {  	s3 =	simm.s32 $0x108;
	s8 =	sld [smem:$0x3FA4]  }
0x2e: {  	s3 =	simm.s32 @!p0 $0x1082;
	s9 =	sld [smem:$0x3FA5]  }
0x2f: {  	lr =	sadd.s32 s0, s3;
	s0 =	sld [smem:$0x3F9C]  }
0x30: {  	s3 =	sld [smem:$0x3F9F]  }
0x31: {  	[smem:$0x3FA8] =	sst s10  }
0x32: {  	s10 =	sld [smem:$0x3FA6];
	_ =	sdelay $0x3  }
0x33: {  	p0 =	seq.s32 s10, $0x1;
	s10 =	sld [smem:$0x3FA8];
	_ =	sdelay $0x3  }
0x34: {  	[smem:$0x3FA8] =	sst s10  }
0x35: {  	s10 =	sld [smem:$0x3FA7];
	_ =	sdelay $0x3  }
0x36: {  	p1 =	seq.s32 s10, $0x1;
	s10 =	sld [smem:$0x3FA8];
	_ =	sdelay $0x3  }
0x37: {  	[smem:$0x3FA8] =	sst s10  }
0x38: {  	s10 =	sld [smem:$0x3FA9]  }
0x39: {  	_ = 	snop;
	(pc) =	sbr.ind lr, $3  }
0x3a: {  	_ = 	snop  }
0x3b: {  	_ = 	snop  }
0x3c: {  	p2 =	seq.s32 s10, $0x1;
	s10 =	sld [smem:$0x3FA8]  }
0x3d: {  	_ =	shalt  }
0x3e: {  	_ =	shalt  }
0x3f: {  	_ =	shalt  }
0x40: {  	_ =	shalt  }
0x41: {  	_ =	shalt  }
0x42: {  	_ =	shalt  }
0x43: {  	_ =	shalt  }
0x44: {  	_ =	shalt  }
0x45: {  	_ =	shalt  }
0x46: {  	_ =	shalt  }
0x47: {  	_ =	shalt  }
0x48: {  	_ =	shalt  }
0x49: {  	_ =	shalt  }
0x4a: {  	_ =	shalt  }
0x4b: {  	_ =	shalt  }
0x4c: {  	_ =	shalt  }
0x4d: {  	_ =	shalt  }
0x4e: {  	_ =	shalt  }
0x4f: {  	_ =	shalt  }
0x50: {  	_ =	shalt  }
0x51: {  	_ =	shalt  }
0x52: {  	_ =	shalt  }
0x53: {  	_ =	shalt  }
0x54: {  	_ =	shalt  }
0x55: {  	_ =	shalt  }
0x56: {  	_ =	shalt  }
0x57: {  	_ =	shalt  }
0x58: {  	_ =	shalt  }
0x59: {  	_ =	shalt  }
0x5a: {  	_ =	shalt  }
0x5b: {  	_ =	shalt  }
0x5c: {  	_ =	shalt  }
0x5d: {  	_ =	shalt  }
0x5e: {  	_ =	shalt  }
0x5f: {  	_ =	shalt  }
0x60: {  	_ =	shalt  }
0x61: {  	_ =	shalt  }
0x62: {  	_ =	shalt  }
0x63: {  	_ =	shalt  }
0x64: {  	_ =	shalt  }
0x65: {  	_ =	shalt  }
0x66: {  	_ =	shalt  }
0x67: {  	_ =	shalt  }
0x68: {  	_ =	shalt  }
0x69: {  	_ =	shalt  }
0x6a: {  	_ =	shalt  }
0x6b: {  	_ =	shalt  }
0x6c: {  	_ =	shalt  }
0x6d: {  	_ =	shalt  }
0x6e: {  	_ =	shalt  }
0x6f: {  	_ =	shalt  }
0x70: {  	_ =	shalt  }
0x71: {  	_ =	shalt  }
0x72: {  	_ =	shalt  }
0x73: {  	_ =	shalt  }
0x74: {  	_ =	shalt  }
0x75: {  	_ =	shalt  }
0x76: {  	_ =	shalt  }
0x77: {  	_ =	shalt  }
0x78: {  	_ =	shalt  }
0x79: {  	_ =	shalt  }
0x7a: {  	_ =	shalt  }
0x7b: {  	_ =	shalt  }
0x7c: {  	_ =	shalt  }
0x7d: {  	_ =	shalt  }
0x7e: {  	_ =	shalt  }
0x7f: {  	_ =	shalt  }
0x80: {  	_ =	shalt  }
0x81: {  	_ =	shalt  }
0x82: {  	_ =	shalt  }
0x83: {  	_ =	shalt  }
0x84: {  	_ =	shalt  }
0x85: {  	_ =	shalt  }
0x86: {  	_ =	shalt  }
0x87: {  	_ =	shalt  }
.Lfunc_end0:
.L_simem_size_0:
called_computation.7_lowered:
.L_overlay_start_0:
0x88: {  	s2 =	sld [smem:$0x3FD9]  }
0x89: {  	s3 =	sld [smem:$0x3FFE];
	_ =	sdelay $0x1  }
0x8a: {  	s1 =	srdreg.scid  }
0x8b: {  	s0 =	sand.u32 $0x1, s1  }
0x8c: {  	s16 =	sshll.u32 s0, $0xA;
	s2 =	sadd.s32 s3, s2  }
0x8d: {  	s2 =	sadd.s32 s2, s16  }
0x8e: {  	[smem:$0x3FB4] =	sst s2  }
0x8f: {  	_ = 	snop  }
0x90: {  	(tm) =	ssettm $0x1  }
0x91: {  	s17 =	sld [smem:$0x3FFB];
	_ =	sdelay $0x3  }
0x92: {  	_ =	strace s17  }
0x93: {  	s2 =	sld [smem:$0x3FFC];
	_ =	sdelay $0x3  }
0x94: {  	_ =	strace s2  }
0x95: {  	s2 =	sld [smem:$0x3FFD];
	_ =	sdelay $0x3  }
0x96: {  	_ =	strace s2  }
0x97: {  	_ =	strace $0x8FFFFFFF  }
0x98: {  	s18 =	sld [smem:$0x3FDB];
	_ =	sdelay $0x1  }
0x99: {  	s19 =	simm.s32 $_scs_section_size  }
0x9a: {  	s4 =	simm.s32 $_size__tile_overlayer_lowered;
	s5 =	simm.s32 $_tile_overlayer_lowered  }
0x9b: {  	s22 =	simm.s32 $0x1BFF;
	s21 =	sshll.u32 s5, $0x1;
	s2 =	sadd.s32 s19, s18  }
0x9c: {  	s6 =	simm.s32 $0x0;
	s20 =	sshll.u32 s4, $0x1;
	s4 =	sadd.s32 s21, s2  }
0x9d: {  	[timem:s6], [sflag:s22] =	dma.local [hbm:s4], s20  }
0x9e: {  	_ =	swait.ge [sflag:s22], s20  }
0x9f: {  	s3 =	ssub.s32 $0x0, s20;
	[sflag:s22] =	ssyncset.done $0x0  }
0xa0: {  	[sflag:s22] =	ssyncadd.s32 s3;
	_ =	sdelay $0x1  }
0xa1: {  	s23 =	simm.s32 $0x1B8B  }
0xa2: {  	_ =	swait.ge [sflag:s23], $0x1  }
0xa3: {  	[sflag:s23] =	ssyncset.done $0x0  }
0xa4: {  	s25 =	simm.s32 $0x1B8E;
	s24 =	sld [smem:$0x3FFE];
	[sflag:s23] =	ssyncadd.s32 $0xFFFFFFFF  }
0xa5: {  	s26 =	simm.s32 $execute0_lowered;
	[smem:$0x3FD2] =	sst s25  }
0xa6: {  	s4 =	sshll.u32 s26, $0x1;
	_ =	strace $0x8000005B;
	[dreg:$0x1] =	wrdreg $0xFFFFFFFF  }
0xa7: {  	s28 =	simm.s32 $_size_execute0_lowered;
	s2 =	sadd.s32 s2, s4;
	[dreg:$0x0] =	wrdreg $0x0  }
0xa8: {  	s4 =	sshll.u32 s28, $0x1;
	[dreg:$0x2] =	wrdreg s2  }
0xa9: {  	[dreg:$0x3] =	wrdreg s4  }
0xaa: {  	[dreg:$0x4] =	wrdreg $0xC0  }
0xab: {  	_ =	task [dreg:s6], $0x5FFFF  }
0xac: {  	[dreg:$0x1] =	wrdreg $0xFFFFFFFF  }
0xad: {  	[dreg:$0x0] =	wrdreg $0x60  }
0xae: {  	[dreg:$0x2] =	wrdreg s24  }
0xaf: {  	[dreg:$0x3] =	wrdreg $0x40800  }
0xb0: {  	[dreg:$0x4] =	wrdreg $0x9  }
0xb1: {  	_ =	task.clear_ibuf [dreg:s6], $0x5FFFF;
	_ =	strace $0x9000005B  }
0xb2: {  	s29 =	simm.s32 $0x9;
	_ =	strace $0x8000005D  }
0xb3: {  	_ =	swait.ge [sflag:s29], $0x1  }
0xb4: {  	[sflag:s29] =	ssyncadd.s32 $0xFFFFFFFF  }
0xb5: {  	_ =	strace $0x9000005D  }
0xb6: {  	_ =	sfence  }
0xb7: {  	s30 =	sld [smem:$0x0];
	_ =	sdelay $0x2  }
0xb8: {  	s31 =	sshll.u32 s1, $0xD;
	s1 =	sshrl.u32 s1, $0x2  }
0xb9: {  	s3 =	sand.u32 $0x4000, s31;
	s1 =	sadd.s32 s1, s30  }
0xba: {  	s0 =	sor.u32 s3, s0;
	s1 =	sshll.u32 s1, $0x11  }
0xbb: {  	s0 =	sor.u32 s1, s0  }
0xbc: {  	s0 =	sadd.s32 $0x8F2B, s0  }
0xbd: {  	[sflag:s0] =	ssyncadd.remote.s32 $0x1  }
0xbe: {  	_ =	sfence.sel $0xFFFF  }
0xbf: {  	[dreg:$0x0] =	wrdreg $0xFFFFFFFF;
	(pc) =	sbr.abs _section_cstart, $3  }
0xc0: {  	[dreg:$0x1] =	wrdreg $0xFFFFFFFF  }
0xc1: {  	_ =	task.clear_ibuf [dreg:s6], $0x2FFFF;
	_ =	strace $0x9FFFFFFF  }
0xc2: {  	(tm) =	ssettm $0x7FFFFFFF  }
0xc3: {  	_ =	shalt  }
tec
execute0_lowered:
.L_overlay_start_1:
0x0: {  	(tag) =	ssettag $0x1  }
0x1: {  	s6 =	stileid.u32;
	s0 =	srdreg.scid  }
0x2: {  	s3 =	rddreg [dreg:$0x0];
	s5 =	smul.u32 $0x5100, s6  }
0x3: {  	s1 =	rddreg [dreg:$0x1];
	s4 =	sand.u32 $0x1, s0;
	s8 =	smul.u32 $0x51000, s6  }
0x4: {  	s2 =	simm.s32 $0x0;
	s0 =	rddreg [dreg:$0x2];
	s7 =	smul.u32 $0x2880, s4  }
0x5: {  	[smem:$0x7FF] =	sst s2;
	s29 =	smul.u32 $0x28000, s4  }
0x6: {  	p0 =	sne.s32 s6, $0x0;
	s30 =	ssub.s32 $0x2, s4;
	s11 =	smul.u32 $0x28800, s4  }
0x7: {  	_ =	strace $0x8000005C;
	s8 =	sadd.s32 s8, s3;
	s10 =	sshrl.u32 s30, $0x1  }
0x8: {  	s5 =	sadd.s32 s7, s5;
	s7 =	sadd.s32 s29, s3;
	s31 =	sadd.s32 s11, s8  }
0x9: {  	s8 =	sshrl.u32 @!p0 s1, $0x3;
	s11 =	simm.s32 $0x0;
	s5 =	sshrl.u32 s5, $0x3  }
0xa: {  	s4 =	sadd.s32 $0x42800, s7;
	s6 =	sadd.s32 $0xAB2800, s31;
	s9 =	sadd.s32 s5, s3  }
0xb: {  	s3 =	sadd.s32 $0x1A800, s3;
	s5 =	ssub.s32 s30, s10;
	s10 =	simm.s32 $0x80  }
0xc: {  	s5 =	smax.u32 s5, $0x1;
	s7 =	sadd.s32 $0x10600, s9;
	s9 =	simm.s32 $0x1  }
.LBB2_1:
0xd: {  	s12 =	simm.s32 @!p0 $0x1C01  }
0xe: {  	[spmem:s8], [sflag:s12] =	dma.local @!p0 [hbm:s3], $0x28000  }
0xf: {  	s12 =	simm.s32 @!p0 $0x1  }
0x10: {  	_ =	swait.ge @!p0 [sflag:s12], $0x28000  }
0x11: {  	[sflag:s12] =	ssyncset.done @!p0 $0x0  }
0x12: {  	[sflag:s12] =	ssyncadd.s32 @!p0 $0xFFFD8000  }
0x13: {  	s31 =	sadd.s32 $0x0, s7;
	[bflag:$0x0] =	sbarrier.arrive $0xFFFF  }
0x14: {  	[tilespmem:s2], [sflag:$0x1] =	stream.linear.gather [hbm4b:s31+s2], $0x80, $0x38;
	[tilespmem:$0x18080] =	vst v63  }
0x15: {  	_ =	swait.ge [sflag:s9], $0x80  }
0x16: {  	[sflag:s9] =	ssyncset.done $0x0  }
0x17: {  	[sflag:s9] =	ssyncadd.s32 $0xFFFFFF80  }
0x18: {  	[tilespmem:s10], [sflag:$0x1] =	stream.linear.gather [hbm4b:s6+s2], $0x4000, $0x38;
	[tilespmem:$0x18080] =	vst v63  }
0x19: {  	_ =	swait.ge [sflag:s9], $0x4000  }
0x1a: {  	[sflag:s9] =	ssyncset.done $0x0  }
0x1b: {  	[sflag:s9] =	ssyncadd.s32 $0xFFFFC000  }
0x1c: {  	[spmem:s1] =	stream.indirect.scatter.add.f32 [tilespmem:s10], [sflag:$0x1], $0x80, s2, s10, $0xb8;
	[tilespmem:$0x18080] =	vst v63  }
0x1d: {  	s13 =	simm.s32 $0x10;
	_ =	swait.ge [sflag:s9], $0x4000  }
0x1e: {  	s14 =	simm.s32 $0x20;
	s12 =	sadd.s32 $0x800, s6;
	[sflag:s9] =	ssyncset.done $0x0  }
.LBB2_2:
0x1f: {  	s15 =	sadd.s32 s13, s7  }
0x20: {  	[sflag:s9] =	ssyncadd.s32 $0xFFFFC000;
	s13 =	smov.u32 s14;
	s16 =	sadd.s32 $0x10, s14  }
0x21: {  	[tilespmem:s2], [sflag:$0x1] =	stream.linear.gather [hbm4b:s15+s2], $0x80, $0x38;
	[tilespmem:$0x18080] =	vst v63  }
0x22: {  	p1 =	sne.s32 s14, $0x500;
	_ =	swait.ge [sflag:s9], $0x80  }
0x23: {  	[sflag:s9] =	ssyncset.done $0x0  }
0x24: {  	[sflag:s9] =	ssyncadd.s32 $0xFFFFFF80  }
0x25: {  	[tilespmem:s10], [sflag:$0x1] =	stream.linear.gather [hbm4b:s12+s2], $0x4000, $0x38;
	[tilespmem:$0x18080] =	vst v63  }
0x26: {  	_ =	swait.ge [sflag:s9], $0x4000  }
.Ltmp0:
0x27: {  	[sflag:s9] =	ssyncset.done $0x0;
	(pc) =	sbr.rel @p1 .LBB2_2-.Ltmp0, $4  }
0x28: {  	[sflag:s9] =	ssyncadd.s32 $0xFFFFC000  }
0x29: {  	[spmem:s1] =	stream.indirect.scatter.add.f32 [tilespmem:s10], [sflag:$0x1], $0x80, s2, s10, $0xb8;
	[tilespmem:$0x18080] =	vst v63  }
0x2a: {  	_ =	swait.ge [sflag:s9], $0x4000  }
0x2b: {  	s14 =	smov.u32 s16;
	s12 =	sadd.s32 $0x800, s12;
	[sflag:s9] =	ssyncset.done $0x0  }
0x2c: {  	s13 =	sadd.s32 s13, s7;
	[sflag:s9] =	ssyncadd.s32 $0xFFFFC000  }
0x2d: {  	[tilespmem:s2], [sflag:$0x1] =	stream.linear.gather [hbm4b:s13+s2], $0x80, $0x38;
	[tilespmem:$0x18080] =	vst v63  }
0x2e: {  	_ =	swait.ge [sflag:s9], $0x80  }
0x2f: {  	[sflag:s9] =	ssyncset.done $0x0  }
0x30: {  	[sflag:s9] =	ssyncadd.s32 $0xFFFFFF80  }
0x31: {  	[tilespmem:s10], [sflag:$0x1] =	stream.linear.gather [hbm4b:s12+s2], $0x4000, $0x38;
	[tilespmem:$0x18080] =	vst v63  }
0x32: {  	_ =	swait.ge [sflag:s9], $0x4000  }
0x33: {  	[sflag:s9] =	ssyncset.done $0x0  }
0x34: {  	[sflag:s9] =	ssyncadd.s32 $0xFFFFC000  }
0x35: {  	[spmem:s1] =	stream.indirect.scatter.add.f32 [tilespmem:s10], [sflag:$0x1], $0x80, s2, s10, $0xb8;
	[tilespmem:$0x18080] =	vst v63  }
0x36: {  	_ =	swait.ge [sflag:s9], $0x4000  }
0x37: {  	[sflag:s9] =	ssyncset.done $0x0  }
0x38: {  	[sflag:s9] =	ssyncadd.s32 $0xFFFFC000  }
0x39: {  	s11 =	sadd.s32 $0x1, s11;
	s12 =	simm.s32 @!p0 $0x1C01;
	[bflag:$0x0] =	sbarrier.arrive $0xFFFF  }
0x3a: {  	[hbm:s4], [sflag:s12] =	dma.local @!p0 [spmem:s8], $0x28000  }
0x3b: {  	p1 =	sne.s32 s11, s5;
	s12 =	simm.s32 @!p0 $0x1  }
.Ltmp1:
0x3c: {  	_ =	swait.ge @!p0 [sflag:s12], $0x28000;
	(pc) =	sbr.rel @p1 .LBB2_1-.Ltmp1, $3  }
0x3d: {  	[sflag:s12] =	ssyncset.done @!p0 $0x0  }
0x3e: {  	[sflag:s12] =	ssyncadd.s32 @!p0 $0xFFFD8000  }
0x3f: {  	[bflag:$0x0] =	sbarrier.arrive $0xFFFF;
	_ =	sdelay $0x1  }
0x40: {  	_ =	sfence.sel $0x180000  }
0x41: {  	[bflag:$0x0] =	sbarrier.arrive $0xFFFF  }
0x42: {  	_ =	strace $0x9000005C  }
0x43: {  	s0 =	sadd.s32 @!p0 $0x100000, s0;
	[bflag:$0x2] =	sbarrier.arrive $0xFFFF  }
0x44: {  	[sflag:s0] =	ssyncadd.tile.s32 @!p0 $0x1;
	_ =	shalt  }
.Lfunc_end2:
_tile_overlayer_lowered:
.L_overlay_start_2:
0x45: {  	(tag) =	ssettag $0x2  }
0x46: {  	s0 =	rddreg [dreg:$0x0];
	s2 =	stileid.u32  }
0x47: {  	s1 =	rddreg [dreg:$0x1];
	p0 =	sne.s32 s2, $0x0  }
0x48: {  	s3 =	rddreg [dreg:$0x2];
	[bflag:$0x3] =	sbarrier.arrive $0xFFFF;
	s2 =	simm.s32 @!p0 $0x1C01  }
0x49: {  	[timem:s3], [sflag:s2] =	dma.local @!p0 [hbm:s0], s1  }
0x4a: {  	s0 =	simm.s32 @!p0 $0x1  }
0x4b: {  	_ =	swait.ge @!p0 [sflag:s0], s1  }
0x4c: {  	s1 =	ssub.s32 @!p0 $0x0, s1;
	[sflag:s0] =	ssyncset.done @!p0 $0x0  }
0x4d: {  	[sflag:s0] =	ssyncadd.s32 @!p0 s1  }
0x4e: {  	[bflag:$0x3] =	sbarrier.arrive $0xFFFF  }
0x4f: {  	_ =	shalt  }

// kernel: kernel.45.cloned.1.call-start
scs
__scs_entry_jumppad:
0x0: {  	(pc) =	sbr.rel $0x88, $3  }
0x1: {  	(tag) =	ssettag $0x0;
	lr =	simm.s32 $0x1  }
0x2: {  	[smem:$0x3F8D] =	sst lr;
	_ =	strace $0xD0000000  }
0x3: {  	_ = 	snop  }
0x4: {  	_ = 	snop  }
0x5: {  	_ = 	snop  }
0x6: {  	_ = 	snop  }
0x7: {  	_ = 	snop  }
__scs_overlays_trampoline_lowered:
0x8: {  	[smem:$0x3F9C] =	sst s0  }
0x9: {  	[smem:$0x3F9D] =	sst s1  }
0xa: {  	[smem:$0x3F9E] =	sst s2  }
0xb: {  	[smem:$0x3F9F] =	sst s3  }
0xc: {  	[smem:$0x3FA0] =	sst s4  }
0xd: {  	[smem:$0x3FA1] =	sst s5  }
0xe: {  	[smem:$0x3FA2] =	sst s6  }
0xf: {  	[smem:$0x3FA3] =	sst s7  }
0x10: {  	[smem:$0x3FA4] =	sst s8  }
0x11: {  	[smem:$0x3FA5] =	sst s9;
	s0 =	simm.s32 @!p0 $0x0  }
0x12: {  	s1 =	sld [smem:$0x3F8B];
	s0 =	simm.s32 @p0 $0x1  }
0x13: {  	[smem:$0x3FA6] =	sst s0;
	s0 =	simm.s32 @!p1 $0x0  }
0x14: {  	s2 =	sld [smem:$0x3F8A];
	s0 =	simm.s32 @p1 $0x1  }
0x15: {  	[smem:$0x3FA7] =	sst s0;
	s0 =	simm.s32 @!p2 $0x0  }
0x16: {  	s3 =	sld [smem:$0x3FDB];
	s0 =	simm.s32 @p2 $0x1  }
0x17: {  	s4 =	simm.s32 $0x1BF5;
	[smem:$0x3FA9] =	sst s0  }
0x18: {  	s0 =	sld [smem:$0x3F8C];
	_ =	swait.ge [sflag:s4], $0x0  }
0x19: {  	s7 =	sld [smem:$0x3F8D]  }
0x1a: {  	s8 =	sadd.s32 $0xFFFFE003, lr  }
0x1b: {  	s9 =	sadd.s32 $0xFFFFFEF7, lr;
	s5 =	simm.s32 $0xFFFFFFFF;
	p2 =	slt.u32 s8, $0xFFFFF086  }
0x1c: {  	p1 =	slt.u32 s9, $0xF7A;
	s5 =	simm.s32 @!p2 $0x0  }
0x1d: {  	s5 =	simm.s32 @p1 $0x1;
	p0 =	seq.s32 s7, s2  }
0x1e: {  	s7 =	smul.u32 @!p0 $0xF7A, s2;
	p2 =	seq.s32 @!p0 s5, $0x0  }
0x1f: {  	s9 =	smul.u32 $0xF7A, s1;
	s8 =	simm.s32 @!p0 $0x1BF5;
	p2 =	por !p2, p0  }
0x20: {  	[sflag:s8] =	ssyncset.s32 @!p0 $0xFFFFF086;
	s6 =	sadd.s32 @!p0 s3, s7;
	s7 =	simm.s32 @!p0 $0x108  }
0x21: {  	s3 =	sadd.s32 s3, s9;
	s6 =	sadd.s32 @!p0 $0x88, s6;
	s7 =	simm.s32 @p2 $0x1082  }
0x22: {  	[simem:s7], [sflag:s8] =	dma.local @!p0 [hbm:s6], $0xF7A  }
0x23: {  	s9 =	sor.u32 $0xD0000000, s2;
	s6 =	simm.s32 $0x108;
	_ =	swait.ge @!p0 [sflag:s8], $0x0  }
0x24: {  	s3 =	sadd.s32 $0x88, s3;
	s6 =	simm.s32 @!p1 $0x1082;
	[sflag:s4] =	ssyncset.s32 $0xFFFFF086  }
0x25: {  	[simem:s6], [sflag:s4] =	dma.local [hbm:s3], $0xF7A  }
0x26: {  	[smem:$0x3F8D] =	sst s1;
	(tag) =	ssettag s2;
	_ =	strace s9  }
0x27: {  	s1 =	sld [smem:$0x3F9D]  }
0x28: {  	s2 =	sld [smem:$0x3F9E]  }
0x29: {  	s4 =	sld [smem:$0x3FA0]  }
0x2a: {  	p0 =	seq.s32 s5, $0x0;
	s5 =	sld [smem:$0x3FA1]  }
0x2b: {  	s6 =	sld [smem:$0x3FA2]  }
0x2c: {  	s7 =	sld [smem:$0x3FA3]  }
0x2d: {  	s3 =	simm.s32 $0x108;
	s8 =	sld [smem:$0x3FA4]  }
0x2e: {  	s3 =	simm.s32 @!p0 $0x1082;
	s9 =	sld [smem:$0x3FA5]  }
0x2f: {  	lr =	sadd.s32 s0, s3;
	s0 =	sld [smem:$0x3F9C]  }
0x30: {  	s3 =	sld [smem:$0x3F9F]  }
0x31: {  	[smem:$0x3FA8] =	sst s10  }
0x32: {  	s10 =	sld [smem:$0x3FA6];
	_ =	sdelay $0x3  }
0x33: {  	p0 =	seq.s32 s10, $0x1;
	s10 =	sld [smem:$0x3FA8];
	_ =	sdelay $0x3  }
0x34: {  	[smem:$0x3FA8] =	sst s10  }
0x35: {  	s10 =	sld [smem:$0x3FA7];
	_ =	sdelay $0x3  }
0x36: {  	p1 =	seq.s32 s10, $0x1;
	s10 =	sld [smem:$0x3FA8];
	_ =	sdelay $0x3  }
0x37: {  	[smem:$0x3FA8] =	sst s10  }
0x38: {  	s10 =	sld [smem:$0x3FA9]  }
0x39: {  	_ = 	snop;
	(pc) =	sbr.ind lr, $3  }
0x3a: {  	_ = 	snop  }
0x3b: {  	_ = 	snop  }
0x3c: {  	p2 =	seq.s32 s10, $0x1;
	s10 =	sld [smem:$0x3FA8]  }
0x3d: {  	_ =	shalt  }
0x3e: {  	_ =	shalt  }
0x3f: {  	_ =	shalt  }
0x40: {  	_ =	shalt  }
0x41: {  	_ =	shalt  }
0x42: {  	_ =	shalt  }
0x43: {  	_ =	shalt  }
0x44: {  	_ =	shalt  }
0x45: {  	_ =	shalt  }
0x46: {  	_ =	shalt  }
0x47: {  	_ =	shalt  }
0x48: {  	_ =	shalt  }
0x49: {  	_ =	shalt  }
0x4a: {  	_ =	shalt  }
0x4b: {  	_ =	shalt  }
0x4c: {  	_ =	shalt  }
0x4d: {  	_ =	shalt  }
0x4e: {  	_ =	shalt  }
0x4f: {  	_ =	shalt  }
0x50: {  	_ =	shalt  }
0x51: {  	_ =	shalt  }
0x52: {  	_ =	shalt  }
0x53: {  	_ =	shalt  }
0x54: {  	_ =	shalt  }
0x55: {  	_ =	shalt  }
0x56: {  	_ =	shalt  }
0x57: {  	_ =	shalt  }
0x58: {  	_ =	shalt  }
0x59: {  	_ =	shalt  }
0x5a: {  	_ =	shalt  }
0x5b: {  	_ =	shalt  }
0x5c: {  	_ =	shalt  }
0x5d: {  	_ =	shalt  }
0x5e: {  	_ =	shalt  }
0x5f: {  	_ =	shalt  }
0x60: {  	_ =	shalt  }
0x61: {  	_ =	shalt  }
0x62: {  	_ =	shalt  }
0x63: {  	_ =	shalt  }
0x64: {  	_ =	shalt  }
0x65: {  	_ =	shalt  }
0x66: {  	_ =	shalt  }
0x67: {  	_ =	shalt  }
0x68: {  	_ =	shalt  }
0x69: {  	_ =	shalt  }
0x6a: {  	_ =	shalt  }
0x6b: {  	_ =	shalt  }
0x6c: {  	_ =	shalt  }
0x6d: {  	_ =	shalt  }
0x6e: {  	_ =	shalt  }
0x6f: {  	_ =	shalt  }
0x70: {  	_ =	shalt  }
0x71: {  	_ =	shalt  }
0x72: {  	_ =	shalt  }
0x73: {  	_ =	shalt  }
0x74: {  	_ =	shalt  }
0x75: {  	_ =	shalt  }
0x76: {  	_ =	shalt  }
0x77: {  	_ =	shalt  }
0x78: {  	_ =	shalt  }
0x79: {  	_ =	shalt  }
0x7a: {  	_ =	shalt  }
0x7b: {  	_ =	shalt  }
0x7c: {  	_ =	shalt  }
0x7d: {  	_ =	shalt  }
0x7e: {  	_ =	shalt  }
0x7f: {  	_ =	shalt  }
0x80: {  	_ =	shalt  }
0x81: {  	_ =	shalt  }
0x82: {  	_ =	shalt  }
0x83: {  	_ =	shalt  }
0x84: {  	_ =	shalt  }
0x85: {  	_ =	shalt  }
0x86: {  	_ =	shalt  }
0x87: {  	_ =	shalt  }
.Lfunc_end0:
.L_simem_size_0:
called_computation.8_lowered:
.L_overlay_start_0:
0x88: {  	s2 =	sld [smem:$0x3FD9]  }
0x89: {  	s3 =	sld [smem:$0x3FFE];
	_ =	sdelay $0x1  }
0x8a: {  	s1 =	srdreg.scid  }
0x8b: {  	s0 =	sand.u32 $0x1, s1  }
0x8c: {  	s16 =	sshll.u32 s0, $0xA;
	s2 =	sadd.s32 s3, s2  }
0x8d: {  	s2 =	sadd.s32 s2, s16  }
0x8e: {  	[smem:$0x3FB4] =	sst s2  }
0x8f: {  	_ = 	snop  }
0x90: {  	(tm) =	ssettm $0x1  }
0x91: {  	s17 =	sld [smem:$0x3FFB];
	_ =	sdelay $0x3  }
0x92: {  	_ =	strace s17  }
0x93: {  	s2 =	sld [smem:$0x3FFC];
	_ =	sdelay $0x3  }
0x94: {  	_ =	strace s2  }
0x95: {  	s2 =	sld [smem:$0x3FFD];
	_ =	sdelay $0x3  }
0x96: {  	_ =	strace s2  }
0x97: {  	_ =	strace $0x8FFFFFFF  }
0x98: {  	s18 =	sld [smem:$0x3FDB];
	_ =	sdelay $0x1  }
0x99: {  	s19 =	simm.s32 $_scs_section_size  }
0x9a: {  	s4 =	simm.s32 $_size__tile_overlayer_lowered;
	s5 =	simm.s32 $_tile_overlayer_lowered  }
0x9b: {  	s22 =	simm.s32 $0x1BFF;
	s21 =	sshll.u32 s5, $0x1;
	s2 =	sadd.s32 s19, s18  }
0x9c: {  	s6 =	simm.s32 $0x0;
	s20 =	sshll.u32 s4, $0x1;
	s4 =	sadd.s32 s21, s2  }
0x9d: {  	[timem:s6], [sflag:s22] =	dma.local [hbm:s4], s20  }
0x9e: {  	_ =	swait.ge [sflag:s22], s20  }
0x9f: {  	s3 =	ssub.s32 $0x0, s20;
	[sflag:s22] =	ssyncset.done $0x0  }
0xa0: {  	[sflag:s22] =	ssyncadd.s32 s3;
	_ =	sdelay $0x1  }
0xa1: {  	s23 =	simm.s32 $0x1B8B  }
0xa2: {  	_ =	swait.ge [sflag:s23], $0x1  }
0xa3: {  	[sflag:s23] =	ssyncset.done $0x0  }
0xa4: {  	s25 =	simm.s32 $0x1B8E;
	s24 =	sld [smem:$0x3FFE];
	[sflag:s23] =	ssyncadd.s32 $0xFFFFFFFF  }
0xa5: {  	s26 =	simm.s32 $execute0_lowered;
	[smem:$0x3FD2] =	sst s25  }
0xa6: {  	s4 =	sshll.u32 s26, $0x1;
	_ =	strace $0x8000005E;
	[dreg:$0x1] =	wrdreg $0xFFFFFFFF  }
0xa7: {  	s28 =	simm.s32 $_size_execute0_lowered;
	s2 =	sadd.s32 s2, s4;
	[dreg:$0x0] =	wrdreg $0x0  }
0xa8: {  	s4 =	sshll.u32 s28, $0x1;
	[dreg:$0x2] =	wrdreg s2  }
0xa9: {  	[dreg:$0x3] =	wrdreg s4  }
0xaa: {  	[dreg:$0x4] =	wrdreg $0xC0  }
0xab: {  	_ =	task [dreg:s6], $0x5FFFF  }
0xac: {  	[dreg:$0x1] =	wrdreg $0xFFFFFFFF  }
0xad: {  	[dreg:$0x0] =	wrdreg $0x60  }
0xae: {  	[dreg:$0x2] =	wrdreg s24  }
0xaf: {  	[dreg:$0x3] =	wrdreg $0x9  }
0xb0: {  	_ =	task.clear_ibuf [dreg:s6], $0x4FFFF;
	_ =	strace $0x9000005E  }
0xb1: {  	s29 =	simm.s32 $0x9;
	_ =	strace $0x80000060  }
0xb2: {  	_ =	swait.ge [sflag:s29], $0x1  }
0xb3: {  	[sflag:s29] =	ssyncadd.s32 $0xFFFFFFFF  }
0xb4: {  	_ =	strace $0x90000060  }
0xb5: {  	_ =	sfence  }
0xb6: {  	s30 =	sld [smem:$0x0];
	_ =	sdelay $0x2  }
0xb7: {  	s31 =	sshll.u32 s1, $0xD;
	s1 =	sshrl.u32 s1, $0x2  }
0xb8: {  	s3 =	sand.u32 $0x4000, s31;
	s1 =	sadd.s32 s1, s30  }
0xb9: {  	s0 =	sor.u32 s3, s0;
	s1 =	sshll.u32 s1, $0x11  }
0xba: {  	s0 =	sor.u32 s1, s0  }
0xbb: {  	s0 =	sadd.s32 $0x8F2B, s0  }
0xbc: {  	[sflag:s0] =	ssyncadd.remote.s32 $0x1  }
0xbd: {  	_ =	sfence.sel $0xFFFF  }
0xbe: {  	[dreg:$0x0] =	wrdreg $0xFFFFFFFF;
	(pc) =	sbr.abs _section_cstart, $3  }
0xbf: {  	[dreg:$0x1] =	wrdreg $0xFFFFFFFF  }
0xc0: {  	_ =	task.clear_ibuf [dreg:s6], $0x2FFFF;
	_ =	strace $0x9FFFFFFF  }
0xc1: {  	(tm) =	ssettm $0x7FFFFFFF  }
tec
execute0_lowered:
.L_overlay_start_1:
0x0: {  	(tag) =	ssettag $0x1  }
0x1: {  	s4 =	rddreg [dreg:$0x0]  }
0x2: {  	s0 =	rddreg [dreg:$0x1];
	s2 =	simm.s32 $0x0;
	s1 =	stileid.u32  }
0x3: {  	s3 =	srdreg.scid;
	s10 =	simm.s32 $0x0;
	s6 =	smul.u32 $0x5100, s1  }
0x4: {  	[smem:$0x7FF] =	sst s2;
	s5 =	sand.u32 $0x1, s3;
	s8 =	smul.u32 $0x51000, s1  }
0x5: {  	s3 =	sadd.s32 $0x42800, s4;
	s7 =	smul.u32 $0x2880, s5;
	s9 =	ssub.s32 $0x2, s5  }
0x6: {  	_ =	strace $0x8000005F;
	s5 =	smul.u32 $0x28800, s5;
	s31 =	sshrl.u32 s9, $0x1  }
0x7: {  	s8 =	sadd.s32 s8, s4;
	s6 =	sadd.s32 s7, s6;
	s7 =	ssub.s32 s9, s31  }
0x8: {  	s5 =	sadd.s32 s5, s8;
	s8 =	simm.s32 $0x80;
	s6 =	sshrl.u32 s6, $0x3  }
0x9: {  	s9 =	simm.s32 $0x1;
	s5 =	sadd.s32 $0x6A800, s5;
	s6 =	sadd.s32 s6, s4  }
0xa: {  	s4 =	smax.u32 s7, $0x1;
	s7 =	simm.s32 $0x2;
	s6 =	sadd.s32 $0x10600, s6  }
.LBB2_1:
0xb: {  	s11 =	sadd.s32 $0x0, s6  }
0xc: {  	[tilespmem:s2], [sflag:$0x2] =	stream.linear.gather [hbm4b:s11+s2], $0x80, $0x38;
	[tilespmem:$0x4080] =	vst v63  }
0xd: {  	_ =	swait.ge [sflag:s7], $0x80  }
0xe: {  	[sflag:s7] =	ssyncset.done $0x0  }
0xf: {  	[sflag:s7] =	ssyncadd.s32 $0xFFFFFF80  }
0x10: {  	[tilespmem:s8], [sflag:$0x1] =	stream.indirect.gather [hbm4b:s3+s8], $0x80, s2, s8, $0xb8;
	[tilespmem:$0x4080] =	vst v63  }
0x11: {  	_ =	swait.ge [sflag:s9], $0x4000  }
0x12: {  	[sflag:s9] =	ssyncset.done $0x0  }
0x13: {  	[sflag:s9] =	ssyncadd.s32 $0xFFFFC000  }
0x14: {  	[hbm4b:s5+s2] =	stream.linear.scatter [tilespmem:s8], [sflag:$0x2], $0x4000, $0x38;
	[tilespmem:$0x4080] =	vst v63  }
0x15: {  	s12 =	simm.s32 $0x10;
	_ =	swait.ge [sflag:s7], $0x4000  }
0x16: {  	s13 =	simm.s32 $0x20;
	s11 =	sadd.s32 $0x800, s5;
	[sflag:s7] =	ssyncset.done $0x0  }
.LBB2_2:
0x17: {  	s14 =	sadd.s32 s12, s6  }
0x18: {  	[sflag:s7] =	ssyncadd.s32 $0xFFFFC000;
	s12 =	smov.u32 s13;
	s15 =	sadd.s32 $0x10, s13  }
0x19: {  	[tilespmem:s2], [sflag:$0x2] =	stream.linear.gather [hbm4b:s14+s2], $0x80, $0x38;
	[tilespmem:$0x4080] =	vst v63  }
0x1a: {  	p0 =	sne.s32 s13, $0x500;
	_ =	swait.ge [sflag:s7], $0x80  }
0x1b: {  	[sflag:s7] =	ssyncset.done $0x0  }
0x1c: {  	[sflag:s7] =	ssyncadd.s32 $0xFFFFFF80  }
0x1d: {  	[tilespmem:s8], [sflag:$0x1] =	stream.indirect.gather [hbm4b:s3+s8], $0x80, s2, s8, $0xb8;
	[tilespmem:$0x4080] =	vst v63  }
0x1e: {  	_ =	swait.ge [sflag:s9], $0x4000  }
.Ltmp0:
0x1f: {  	[sflag:s9] =	ssyncset.done $0x0;
	(pc) =	sbr.rel @p0 .LBB2_2-.Ltmp0, $4  }
0x20: {  	[sflag:s9] =	ssyncadd.s32 $0xFFFFC000  }
0x21: {  	[hbm4b:s11+s2] =	stream.linear.scatter [tilespmem:s8], [sflag:$0x2], $0x4000, $0x38;
	[tilespmem:$0x4080] =	vst v63  }
0x22: {  	_ =	swait.ge [sflag:s7], $0x4000  }
0x23: {  	s13 =	smov.u32 s15;
	s11 =	sadd.s32 $0x800, s11;
	[sflag:s7] =	ssyncset.done $0x0  }
0x24: {  	s12 =	sadd.s32 s12, s6;
	[sflag:s7] =	ssyncadd.s32 $0xFFFFC000  }
0x25: {  	[tilespmem:s2], [sflag:$0x2] =	stream.linear.gather [hbm4b:s12+s2], $0x80, $0x38;
	[tilespmem:$0x4080] =	vst v63  }
0x26: {  	_ =	swait.ge [sflag:s7], $0x80  }
0x27: {  	[sflag:s7] =	ssyncset.done $0x0  }
0x28: {  	[sflag:s7] =	ssyncadd.s32 $0xFFFFFF80  }
0x29: {  	[tilespmem:s8], [sflag:$0x1] =	stream.indirect.gather [hbm4b:s3+s8], $0x80, s2, s8, $0xb8;
	[tilespmem:$0x4080] =	vst v63  }
0x2a: {  	s10 =	sadd.s32 $0x1, s10;
	_ =	swait.ge [sflag:s9], $0x4000  }
0x2b: {  	p0 =	sne.s32 s10, s4;
	[sflag:s9] =	ssyncset.done $0x0  }
.Ltmp1:
0x2c: {  	[sflag:s9] =	ssyncadd.s32 $0xFFFFC000;
	(pc) =	sbr.rel @p0 .LBB2_1-.Ltmp1, $4  }
0x2d: {  	[hbm4b:s11+s2] =	stream.linear.scatter [tilespmem:s8], [sflag:$0x2], $0x4000, $0x38;
	[tilespmem:$0x4080] =	vst v63  }
0x2e: {  	_ =	swait.ge [sflag:s7], $0x4000  }
0x2f: {  	[sflag:s7] =	ssyncset.done $0x0  }
0x30: {  	[sflag:s7] =	ssyncadd.s32 $0xFFFFC000  }
0x31: {  	_ =	sfence.sel $0x180000  }
0x32: {  	[bflag:$0x0] =	sbarrier.arrive $0xFFFF  }
0x33: {  	p0 =	sne.s32 s1, $0x0;
	_ =	strace $0x9000005F  }
0x34: {  	s0 =	sadd.s32 @!p0 $0x100000, s0;
	[bflag:$0x2] =	sbarrier.arrive $0xFFFF  }
0x35: {  	[sflag:s0] =	ssyncadd.tile.s32 @!p0 $0x1;
	_ =	shalt  }
.Lfunc_end2:
_tile_overlayer_lowered:
.L_overlay_start_2:
0x36: {  	(tag) =	ssettag $0x2  }
0x37: {  	s0 =	rddreg [dreg:$0x0];
	s2 =	stileid.u32  }
0x38: {  	s1 =	rddreg [dreg:$0x1];
	p0 =	sne.s32 s2, $0x0  }
0x39: {  	s3 =	rddreg [dreg:$0x2];
	[bflag:$0x3] =	sbarrier.arrive $0xFFFF;
	s2 =	simm.s32 @!p0 $0x1C02  }
0x3a: {  	[timem:s3], [sflag:s2] =	dma.local @!p0 [hbm:s0], s1  }
0x3b: {  	s0 =	simm.s32 @!p0 $0x2  }
0x3c: {  	_ =	swait.ge @!p0 [sflag:s0], s1  }
0x3d: {  	s1 =	ssub.s32 @!p0 $0x0, s1;
	[sflag:s0] =	ssyncset.done @!p0 $0x0  }
0x3e: {  	[sflag:s0] =	ssyncadd.s32 @!p0 s1  }
0x3f: {  	[bflag:$0x3] =	sbarrier.arrive $0xFFFF  }
0x40: {  	_ =	shalt  }

// kernel: kernel.48.cloned.1.call-start
scs
__scs_entry_jumppad:
0x0: {  	(pc) =	sbr.rel $0x88, $3  }
0x1: {  	(tag) =	ssettag $0x0;
	lr =	simm.s32 $0x1  }
0x2: {  	[smem:$0x3F8D] =	sst lr;
	_ =	strace $0xD0000000  }
0x3: {  	_ = 	snop  }
0x4: {  	_ = 	snop  }
0x5: {  	_ = 	snop  }
0x6: {  	_ = 	snop  }
0x7: {  	_ = 	snop  }
__scs_overlays_trampoline_lowered:
0x8: {  	[smem:$0x3F9C] =	sst s0  }
0x9: {  	[smem:$0x3F9D] =	sst s1  }
0xa: {  	[smem:$0x3F9E] =	sst s2  }
0xb: {  	[smem:$0x3F9F] =	sst s3  }
0xc: {  	[smem:$0x3FA0] =	sst s4  }
0xd: {  	[smem:$0x3FA1] =	sst s5  }
0xe: {  	[smem:$0x3FA2] =	sst s6  }
0xf: {  	[smem:$0x3FA3] =	sst s7  }
0x10: {  	[smem:$0x3FA4] =	sst s8  }
0x11: {  	[smem:$0x3FA5] =	sst s9;
	s0 =	simm.s32 @!p0 $0x0  }
0x12: {  	s1 =	sld [smem:$0x3F8B];
	s0 =	simm.s32 @p0 $0x1  }
0x13: {  	[smem:$0x3FA6] =	sst s0;
	s0 =	simm.s32 @!p1 $0x0  }
0x14: {  	s2 =	sld [smem:$0x3F8A];
	s0 =	simm.s32 @p1 $0x1  }
0x15: {  	[smem:$0x3FA7] =	sst s0;
	s0 =	simm.s32 @!p2 $0x0  }
0x16: {  	s3 =	sld [smem:$0x3FDB];
	s0 =	simm.s32 @p2 $0x1  }
0x17: {  	s4 =	simm.s32 $0x1BF5;
	[smem:$0x3FA9] =	sst s0  }
0x18: {  	s0 =	sld [smem:$0x3F8C];
	_ =	swait.ge [sflag:s4], $0x0  }
0x19: {  	s7 =	sld [smem:$0x3F8D]  }
0x1a: {  	s8 =	sadd.s32 $0xFFFFE003, lr  }
0x1b: {  	s9 =	sadd.s32 $0xFFFFFEF7, lr;
	s5 =	simm.s32 $0xFFFFFFFF;
	p2 =	slt.u32 s8, $0xFFFFF086  }
0x1c: {  	p1 =	slt.u32 s9, $0xF7A;
	s5 =	simm.s32 @!p2 $0x0  }
0x1d: {  	s5 =	simm.s32 @p1 $0x1;
	p0 =	seq.s32 s7, s2  }
0x1e: {  	s7 =	smul.u32 @!p0 $0xF7A, s2;
	p2 =	seq.s32 @!p0 s5, $0x0  }
0x1f: {  	s9 =	smul.u32 $0xF7A, s1;
	s8 =	simm.s32 @!p0 $0x1BF5;
	p2 =	por !p2, p0  }
0x20: {  	[sflag:s8] =	ssyncset.s32 @!p0 $0xFFFFF086;
	s6 =	sadd.s32 @!p0 s3, s7;
	s7 =	simm.s32 @!p0 $0x108  }
0x21: {  	s3 =	sadd.s32 s3, s9;
	s6 =	sadd.s32 @!p0 $0x88, s6;
	s7 =	simm.s32 @p2 $0x1082  }
0x22: {  	[simem:s7], [sflag:s8] =	dma.local @!p0 [hbm:s6], $0xF7A  }
0x23: {  	s9 =	sor.u32 $0xD0000000, s2;
	s6 =	simm.s32 $0x108;
	_ =	swait.ge @!p0 [sflag:s8], $0x0  }
0x24: {  	s3 =	sadd.s32 $0x88, s3;
	s6 =	simm.s32 @!p1 $0x1082;
	[sflag:s4] =	ssyncset.s32 $0xFFFFF086  }
0x25: {  	[simem:s6], [sflag:s4] =	dma.local [hbm:s3], $0xF7A  }
0x26: {  	[smem:$0x3F8D] =	sst s1;
	(tag) =	ssettag s2;
	_ =	strace s9  }
0x27: {  	s1 =	sld [smem:$0x3F9D]  }
0x28: {  	s2 =	sld [smem:$0x3F9E]  }
0x29: {  	s4 =	sld [smem:$0x3FA0]  }
0x2a: {  	p0 =	seq.s32 s5, $0x0;
	s5 =	sld [smem:$0x3FA1]  }
0x2b: {  	s6 =	sld [smem:$0x3FA2]  }
0x2c: {  	s7 =	sld [smem:$0x3FA3]  }
0x2d: {  	s3 =	simm.s32 $0x108;
	s8 =	sld [smem:$0x3FA4]  }
0x2e: {  	s3 =	simm.s32 @!p0 $0x1082;
	s9 =	sld [smem:$0x3FA5]  }
0x2f: {  	lr =	sadd.s32 s0, s3;
	s0 =	sld [smem:$0x3F9C]  }
0x30: {  	s3 =	sld [smem:$0x3F9F]  }
0x31: {  	[smem:$0x3FA8] =	sst s10  }
0x32: {  	s10 =	sld [smem:$0x3FA6];
	_ =	sdelay $0x3  }
0x33: {  	p0 =	seq.s32 s10, $0x1;
	s10 =	sld [smem:$0x3FA8];
	_ =	sdelay $0x3  }
0x34: {  	[smem:$0x3FA8] =	sst s10  }
0x35: {  	s10 =	sld [smem:$0x3FA7];
	_ =	sdelay $0x3  }
0x36: {  	p1 =	seq.s32 s10, $0x1;
	s10 =	sld [smem:$0x3FA8];
	_ =	sdelay $0x3  }
0x37: {  	[smem:$0x3FA8] =	sst s10  }
0x38: {  	s10 =	sld [smem:$0x3FA9]  }
0x39: {  	_ = 	snop;
	(pc) =	sbr.ind lr, $3  }
0x3a: {  	_ = 	snop  }
0x3b: {  	_ = 	snop  }
0x3c: {  	p2 =	seq.s32 s10, $0x1;
	s10 =	sld [smem:$0x3FA8]  }
0x3d: {  	_ =	shalt  }
0x3e: {  	_ =	shalt  }
0x3f: {  	_ =	shalt  }
0x40: {  	_ =	shalt  }
0x41: {  	_ =	shalt  }
0x42: {  	_ =	shalt  }
0x43: {  	_ =	shalt  }
0x44: {  	_ =	shalt  }
0x45: {  	_ =	shalt  }
0x46: {  	_ =	shalt  }
0x47: {  	_ =	shalt  }
0x48: {  	_ =	shalt  }
0x49: {  	_ =	shalt  }
0x4a: {  	_ =	shalt  }
0x4b: {  	_ =	shalt  }
0x4c: {  	_ =	shalt  }
0x4d: {  	_ =	shalt  }
0x4e: {  	_ =	shalt  }
0x4f: {  	_ =	shalt  }
0x50: {  	_ =	shalt  }
0x51: {  	_ =	shalt  }
0x52: {  	_ =	shalt  }
0x53: {  	_ =	shalt  }
0x54: {  	_ =	shalt  }
0x55: {  	_ =	shalt  }
0x56: {  	_ =	shalt  }
0x57: {  	_ =	shalt  }
0x58: {  	_ =	shalt  }
0x59: {  	_ =	shalt  }
0x5a: {  	_ =	shalt  }
0x5b: {  	_ =	shalt  }
0x5c: {  	_ =	shalt  }
0x5d: {  	_ =	shalt  }
0x5e: {  	_ =	shalt  }
0x5f: {  	_ =	shalt  }
0x60: {  	_ =	shalt  }
0x61: {  	_ =	shalt  }
0x62: {  	_ =	shalt  }
0x63: {  	_ =	shalt  }
0x64: {  	_ =	shalt  }
0x65: {  	_ =	shalt  }
0x66: {  	_ =	shalt  }
0x67: {  	_ =	shalt  }
0x68: {  	_ =	shalt  }
0x69: {  	_ =	shalt  }
0x6a: {  	_ =	shalt  }
0x6b: {  	_ =	shalt  }
0x6c: {  	_ =	shalt  }
0x6d: {  	_ =	shalt  }
0x6e: {  	_ =	shalt  }
0x6f: {  	_ =	shalt  }
0x70: {  	_ =	shalt  }
0x71: {  	_ =	shalt  }
0x72: {  	_ =	shalt  }
0x73: {  	_ =	shalt  }
0x74: {  	_ =	shalt  }
0x75: {  	_ =	shalt  }
0x76: {  	_ =	shalt  }
0x77: {  	_ =	shalt  }
0x78: {  	_ =	shalt  }
0x79: {  	_ =	shalt  }
0x7a: {  	_ =	shalt  }
0x7b: {  	_ =	shalt  }
0x7c: {  	_ =	shalt  }
0x7d: {  	_ =	shalt  }
0x7e: {  	_ =	shalt  }
0x7f: {  	_ =	shalt  }
0x80: {  	_ =	shalt  }
0x81: {  	_ =	shalt  }
0x82: {  	_ =	shalt  }
0x83: {  	_ =	shalt  }
0x84: {  	_ =	shalt  }
0x85: {  	_ =	shalt  }
0x86: {  	_ =	shalt  }
0x87: {  	_ =	shalt  }
.Lfunc_end0:
.L_simem_size_0:
called_computation.9_lowered:
.L_overlay_start_0:
0x88: {  	s2 =	sld [smem:$0x3FD9]  }
0x89: {  	s3 =	sld [smem:$0x3FFE];
	_ =	sdelay $0x1  }
0x8a: {  	s1 =	srdreg.scid  }
0x8b: {  	s0 =	sand.u32 $0x1, s1  }
0x8c: {  	s16 =	sshll.u32 s0, $0xA;
	s2 =	sadd.s32 s3, s2  }
0x8d: {  	s2 =	sadd.s32 s2, s16  }
0x8e: {  	[smem:$0x3FB4] =	sst s2  }
0x8f: {  	_ = 	snop  }
0x90: {  	(tm) =	ssettm $0x1  }
0x91: {  	s17 =	sld [smem:$0x3FFB];
	_ =	sdelay $0x3  }
0x92: {  	_ =	strace s17  }
0x93: {  	s2 =	sld [smem:$0x3FFC];
	_ =	sdelay $0x3  }
0x94: {  	_ =	strace s2  }
0x95: {  	s2 =	sld [smem:$0x3FFD];
	_ =	sdelay $0x3  }
0x96: {  	_ =	strace s2  }
0x97: {  	_ =	strace $0x8FFFFFFF  }
0x98: {  	s18 =	sld [smem:$0x3FDB];
	_ =	sdelay $0x1  }
0x99: {  	s19 =	simm.s32 $_scs_section_size  }
0x9a: {  	s4 =	simm.s32 $_size__tile_overlayer_lowered;
	s5 =	simm.s32 $_tile_overlayer_lowered  }
0x9b: {  	s22 =	simm.s32 $0x1BFF;
	s21 =	sshll.u32 s5, $0x1;
	s2 =	sadd.s32 s19, s18  }
0x9c: {  	s6 =	simm.s32 $0x0;
	s20 =	sshll.u32 s4, $0x1;
	s4 =	sadd.s32 s21, s2  }
0x9d: {  	[timem:s6], [sflag:s22] =	dma.local [hbm:s4], s20  }
0x9e: {  	_ =	swait.ge [sflag:s22], s20  }
0x9f: {  	s3 =	ssub.s32 $0x0, s20;
	[sflag:s22] =	ssyncset.done $0x0  }
0xa0: {  	[sflag:s22] =	ssyncadd.s32 s3;
	_ =	sdelay $0x1  }
0xa1: {  	s23 =	simm.s32 $0x1B8B  }
0xa2: {  	_ =	swait.ge [sflag:s23], $0x1  }
0xa3: {  	[sflag:s23] =	ssyncset.done $0x0  }
0xa4: {  	s25 =	simm.s32 $0x1B8E;
	s24 =	sld [smem:$0x3FFE];
	[sflag:s23] =	ssyncadd.s32 $0xFFFFFFFF  }
0xa5: {  	s26 =	simm.s32 $execute0_lowered;
	[smem:$0x3FD2] =	sst s25  }
0xa6: {  	s4 =	sshll.u32 s26, $0x1;
	_ =	strace $0x80000061;
	[dreg:$0x1] =	wrdreg $0xFFFFFFFF  }
0xa7: {  	s28 =	simm.s32 $_size_execute0_lowered;
	s2 =	sadd.s32 s2, s4;
	[dreg:$0x0] =	wrdreg $0x0  }
0xa8: {  	s4 =	sshll.u32 s28, $0x1;
	[dreg:$0x2] =	wrdreg s2  }
0xa9: {  	[dreg:$0x3] =	wrdreg s4  }
0xaa: {  	[dreg:$0x4] =	wrdreg $0xC0  }
0xab: {  	_ =	task [dreg:s6], $0x5FFFF  }
0xac: {  	[dreg:$0x1] =	wrdreg $0xFFFFFFFF  }
0xad: {  	[dreg:$0x0] =	wrdreg $0x60  }
0xae: {  	[dreg:$0x2] =	wrdreg s24  }
0xaf: {  	[dreg:$0x3] =	wrdreg $0x40800  }
0xb0: {  	[dreg:$0x4] =	wrdreg $0x9  }
0xb1: {  	_ =	task.clear_ibuf [dreg:s6], $0x5FFFF;
	_ =	strace $0x90000061  }
0xb2: {  	s29 =	simm.s32 $0x9;
	_ =	strace $0x80000063  }
0xb3: {  	_ =	swait.ge [sflag:s29], $0x1  }
0xb4: {  	[sflag:s29] =	ssyncadd.s32 $0xFFFFFFFF  }
0xb5: {  	_ =	strace $0x90000063  }
0xb6: {  	_ =	sfence  }
0xb7: {  	s30 =	sld [smem:$0x0];
	_ =	sdelay $0x2  }
0xb8: {  	s31 =	sshll.u32 s1, $0xD;
	s1 =	sshrl.u32 s1, $0x2  }
0xb9: {  	s3 =	sand.u32 $0x4000, s31;
	s1 =	sadd.s32 s1, s30  }
0xba: {  	s0 =	sor.u32 s3, s0;
	s1 =	sshll.u32 s1, $0x11  }
0xbb: {  	s0 =	sor.u32 s1, s0  }
0xbc: {  	s0 =	sadd.s32 $0x8F2B, s0  }
0xbd: {  	[sflag:s0] =	ssyncadd.remote.s32 $0x1  }
0xbe: {  	_ =	sfence.sel $0xFFFF  }
0xbf: {  	[dreg:$0x0] =	wrdreg $0xFFFFFFFF;
	(pc) =	sbr.abs _section_cstart, $3  }
0xc0: {  	[dreg:$0x1] =	wrdreg $0xFFFFFFFF  }
0xc1: {  	_ =	task.clear_ibuf [dreg:s6], $0x2FFFF;
	_ =	strace $0x9FFFFFFF  }
0xc2: {  	(tm) =	ssettm $0x7FFFFFFF  }
0xc3: {  	_ =	shalt  }
tec
execute0_lowered:
.L_overlay_start_1:
0x0: {  	(tag) =	ssettag $0x1  }
0x1: {  	s6 =	stileid.u32;
	s0 =	srdreg.scid  }
0x2: {  	s3 =	rddreg [dreg:$0x0];
	s5 =	smul.u32 $0x5100, s6  }
0x3: {  	s1 =	rddreg [dreg:$0x1];
	s4 =	sand.u32 $0x1, s0;
	s8 =	smul.u32 $0x51000, s6  }
0x4: {  	s2 =	simm.s32 $0x0;
	s0 =	rddreg [dreg:$0x2];
	s7 =	smul.u32 $0x2880, s4  }
0x5: {  	[smem:$0x7FF] =	sst s2;
	s29 =	smul.u32 $0x28000, s4  }
0x6: {  	p0 =	sne.s32 s6, $0x0;
	s30 =	ssub.s32 $0x2, s4;
	s11 =	smul.u32 $0x28800, s4  }
0x7: {  	_ =	strace $0x80000062;
	s8 =	sadd.s32 s8, s3;
	s10 =	sshrl.u32 s30, $0x1  }
0x8: {  	s5 =	sadd.s32 s7, s5;
	s7 =	sadd.s32 s29, s3;
	s31 =	sadd.s32 s11, s8  }
0x9: {  	s8 =	sshrl.u32 @!p0 s1, $0x3;
	s11 =	simm.s32 $0x0;
	s5 =	sshrl.u32 s5, $0x3  }
0xa: {  	s4 =	sadd.s32 $0x42800, s7;
	s6 =	sadd.s32 $0xFC2800, s31;
	s9 =	sadd.s32 s5, s3  }
0xb: {  	s3 =	sadd.s32 $0x1A800, s3;
	s5 =	ssub.s32 s30, s10;
	s10 =	simm.s32 $0x80  }
0xc: {  	s5 =	smax.u32 s5, $0x1;
	s7 =	sadd.s32 $0x10600, s9;
	s9 =	simm.s32 $0x1  }
.LBB2_1:
0xd: {  	s12 =	simm.s32 @!p0 $0x1C01  }
0xe: {  	[spmem:s8], [sflag:s12] =	dma.local @!p0 [hbm:s3], $0x28000  }
0xf: {  	s12 =	simm.s32 @!p0 $0x1  }
0x10: {  	_ =	swait.ge @!p0 [sflag:s12], $0x28000  }
0x11: {  	[sflag:s12] =	ssyncset.done @!p0 $0x0  }
0x12: {  	[sflag:s12] =	ssyncadd.s32 @!p0 $0xFFFD8000  }
0x13: {  	s31 =	sadd.s32 $0x0, s7;
	[bflag:$0x0] =	sbarrier.arrive $0xFFFF  }
0x14: {  	[tilespmem:s2], [sflag:$0x1] =	stream.linear.gather [hbm4b:s31+s2], $0x80, $0x38;
	[tilespmem:$0x18080] =	vst v63  }
0x15: {  	_ =	swait.ge [sflag:s9], $0x80  }
0x16: {  	[sflag:s9] =	ssyncset.done $0x0  }
0x17: {  	[sflag:s9] =	ssyncadd.s32 $0xFFFFFF80  }
0x18: {  	[tilespmem:s10], [sflag:$0x1] =	stream.linear.gather [hbm4b:s6+s2], $0x4000, $0x38;
	[tilespmem:$0x18080] =	vst v63  }
0x19: {  	_ =	swait.ge [sflag:s9], $0x4000  }
0x1a: {  	[sflag:s9] =	ssyncset.done $0x0  }
0x1b: {  	[sflag:s9] =	ssyncadd.s32 $0xFFFFC000  }
0x1c: {  	[spmem:s1] =	stream.indirect.scatter.add.f32 [tilespmem:s10], [sflag:$0x1], $0x80, s2, s10, $0xb8;
	[tilespmem:$0x18080] =	vst v63  }
0x1d: {  	s13 =	simm.s32 $0x10;
	_ =	swait.ge [sflag:s9], $0x4000  }
0x1e: {  	s14 =	simm.s32 $0x20;
	s12 =	sadd.s32 $0x800, s6;
	[sflag:s9] =	ssyncset.done $0x0  }
.LBB2_2:
0x1f: {  	s15 =	sadd.s32 s13, s7  }
0x20: {  	[sflag:s9] =	ssyncadd.s32 $0xFFFFC000;
	s13 =	smov.u32 s14;
	s16 =	sadd.s32 $0x10, s14  }
0x21: {  	[tilespmem:s2], [sflag:$0x1] =	stream.linear.gather [hbm4b:s15+s2], $0x80, $0x38;
	[tilespmem:$0x18080] =	vst v63  }
0x22: {  	p1 =	sne.s32 s14, $0x500;
	_ =	swait.ge [sflag:s9], $0x80  }
0x23: {  	[sflag:s9] =	ssyncset.done $0x0  }
0x24: {  	[sflag:s9] =	ssyncadd.s32 $0xFFFFFF80  }
0x25: {  	[tilespmem:s10], [sflag:$0x1] =	stream.linear.gather [hbm4b:s12+s2], $0x4000, $0x38;
	[tilespmem:$0x18080] =	vst v63  }
0x26: {  	_ =	swait.ge [sflag:s9], $0x4000  }
.Ltmp0:
0x27: {  	[sflag:s9] =	ssyncset.done $0x0;
	(pc) =	sbr.rel @p1 .LBB2_2-.Ltmp0, $4  }
0x28: {  	[sflag:s9] =	ssyncadd.s32 $0xFFFFC000  }
0x29: {  	[spmem:s1] =	stream.indirect.scatter.add.f32 [tilespmem:s10], [sflag:$0x1], $0x80, s2, s10, $0xb8;
	[tilespmem:$0x18080] =	vst v63  }
0x2a: {  	_ =	swait.ge [sflag:s9], $0x4000  }
0x2b: {  	s14 =	smov.u32 s16;
	s12 =	sadd.s32 $0x800, s12;
	[sflag:s9] =	ssyncset.done $0x0  }
0x2c: {  	s13 =	sadd.s32 s13, s7;
	[sflag:s9] =	ssyncadd.s32 $0xFFFFC000  }
0x2d: {  	[tilespmem:s2], [sflag:$0x1] =	stream.linear.gather [hbm4b:s13+s2], $0x80, $0x38;
	[tilespmem:$0x18080] =	vst v63  }
0x2e: {  	_ =	swait.ge [sflag:s9], $0x80  }
0x2f: {  	[sflag:s9] =	ssyncset.done $0x0  }
0x30: {  	[sflag:s9] =	ssyncadd.s32 $0xFFFFFF80  }
0x31: {  	[tilespmem:s10], [sflag:$0x1] =	stream.linear.gather [hbm4b:s12+s2], $0x4000, $0x38;
	[tilespmem:$0x18080] =	vst v63  }
0x32: {  	_ =	swait.ge [sflag:s9], $0x4000  }
0x33: {  	[sflag:s9] =	ssyncset.done $0x0  }
0x34: {  	[sflag:s9] =	ssyncadd.s32 $0xFFFFC000  }
0x35: {  	[spmem:s1] =	stream.indirect.scatter.add.f32 [tilespmem:s10], [sflag:$0x1], $0x80, s2, s10, $0xb8;
	[tilespmem:$0x18080] =	vst v63  }
0x36: {  	_ =	swait.ge [sflag:s9], $0x4000  }
0x37: {  	[sflag:s9] =	ssyncset.done $0x0  }
0x38: {  	[sflag:s9] =	ssyncadd.s32 $0xFFFFC000  }
0x39: {  	s11 =	sadd.s32 $0x1, s11;
	s12 =	simm.s32 @!p0 $0x1C01;
	[bflag:$0x0] =	sbarrier.arrive $0xFFFF  }
0x3a: {  	[hbm:s4], [sflag:s12] =	dma.local @!p0 [spmem:s8], $0x28000  }
0x3b: {  	p1 =	sne.s32 s11, s5;
	s12 =	simm.s32 @!p0 $0x1  }
.Ltmp1:
0x3c: {  	_ =	swait.ge @!p0 [sflag:s12], $0x28000;
	(pc) =	sbr.rel @p1 .LBB2_1-.Ltmp1, $3  }
0x3d: {  	[sflag:s12] =	ssyncset.done @!p0 $0x0  }
0x3e: {  	[sflag:s12] =	ssyncadd.s32 @!p0 $0xFFFD8000  }
0x3f: {  	[bflag:$0x0] =	sbarrier.arrive $0xFFFF;
	_ =	sdelay $0x1  }
0x40: {  	_ =	sfence.sel $0x180000  }
0x41: {  	[bflag:$0x0] =	sbarrier.arrive $0xFFFF  }
0x42: {  	_ =	strace $0x90000062  }
0x43: {  	s0 =	sadd.s32 @!p0 $0x100000, s0;
	[bflag:$0x2] =	sbarrier.arrive $0xFFFF  }
0x44: {  	[sflag:s0] =	ssyncadd.tile.s32 @!p0 $0x1;
	_ =	shalt  }
.Lfunc_end2:
_tile_overlayer_lowered:
.L_overlay_start_2:
0x45: {  	(tag) =	ssettag $0x2  }
0x46: {  	s0 =	rddreg [dreg:$0x0];
	s2 =	stileid.u32  }
0x47: {  	s1 =	rddreg [dreg:$0x1];
	p0 =	sne.s32 s2, $0x0  }
0x48: {  	s3 =	rddreg [dreg:$0x2];
	[bflag:$0x3] =	sbarrier.arrive $0xFFFF;
	s2 =	simm.s32 @!p0 $0x1C01  }
0x49: {  	[timem:s3], [sflag:s2] =	dma.local @!p0 [hbm:s0], s1  }
0x4a: {  	s0 =	simm.s32 @!p0 $0x1  }
0x4b: {  	_ =	swait.ge @!p0 [sflag:s0], s1  }
0x4c: {  	s1 =	ssub.s32 @!p0 $0x0, s1;
	[sflag:s0] =	ssyncset.done @!p0 $0x0  }
0x4d: {  	[sflag:s0] =	ssyncadd.s32 @!p0 s1  }
0x4e: {  	[bflag:$0x3] =	sbarrier.arrive $0xFFFF  }
0x4f: {  	_ =	shalt  }

</sc_bundles>
